<compile_context>
chip_gen: v7x
topology: tpu7x:2x2x1
jax: 0.10.2.dev20260603
libtpu: 0.0.44.dev20260713+nightly
codegen_flags: <defaults>
</compile_context>

<pallas_src>
import functools
import jax
import jax.numpy as jnp
from jax import lax
from jax.experimental import pallas as pl
from jax.experimental.pallas import tpu as pltpu
from jax.experimental.pallas import tpu_sc as plsc

_NC = 2
_NS = 16
_NW = _NC * _NS
_CHUNK = 200
_LANES = 16


def _make_sc_kernel(t, jn, d, max_len, ncv):
    n_chunks = jn // _CHUNK
    n_tasks = t * n_chunks
    k_max = (n_tasks + _NW - 1) // _NW
    gpc = _CHUNK // ncv
    half = max_len // 2
    nv = d // _LANES

    mesh = plsc.VectorSubcoreMesh(core_axis_name="c", subcore_axis_name="s")

    @functools.partial(
        pl.kernel,
        mesh=mesh,
        out_type=jax.ShapeDtypeStruct((t, jn, d), jnp.float32),
        scratch_types=[
            pltpu.VMEM((max_len, d), jnp.float32),
            pltpu.VMEM((_CHUNK, d), jnp.float32),
            pltpu.VMEM((_CHUNK, d), jnp.float32),
            pltpu.SemaphoreType.DMA,
            pltpu.SemaphoreType.DMA,
            pltpu.SemaphoreType.DMA,
            pltpu.SemaphoreType.DMA,
        ],
    )
    def sc_kernel(x_hbm, e_hbm, out_hbm, e_v, buf0, buf1,
                  lsem0, lsem1, ssem0, ssem1):
        wid = lax.axis_index("c") * _NS + lax.axis_index("s")
        pltpu.sync_copy(e_hbm, e_v)

        bufs = (buf0, buf1)
        lsems = (lsem0, lsem1)
        ssems = (ssem0, ssem1)

        def task(k):
            return wid + k * _NW

        def load(k, b):
            tsk = task(k)
            i = tsk // n_chunks
            j0 = (tsk % n_chunks) * _CHUNK
            pltpu.async_copy(x_hbm.at[i, pl.ds(j0, _CHUNK), :], bufs[b],
                             lsems[b])

        def store(k, b):
            tsk = task(k)
            i = tsk // n_chunks
            j0 = (tsk % n_chunks) * _CHUNK
            pltpu.async_copy(bufs[b], out_hbm.at[i, pl.ds(j0, _CHUNK), :],
                             ssems[b])

        def wait_load(b):
            pltpu.make_async_copy(x_hbm.at[0, pl.ds(0, _CHUNK), :], bufs[b],
                                  lsems[b]).wait()

        def wait_store(b):
            pltpu.make_async_copy(bufs[b], out_hbm.at[0, pl.ds(0, _CHUNK), :],
                                  ssems[b]).wait()

        def compute(k, b):
            tsk = task(k)
            i = tsk // n_chunks
            g0 = (tsk % n_chunks) * gpc
            buf = bufs[b]

            def group_body(g_off, carry):
                gidx = jnp.minimum(jnp.maximum(g0 + g_off - i + half, 0),
                                   max_len - 1)
                for j in range(ncv):
                    r = g_off * ncv + j
                    for v in range(nv):
                        sl = pl.ds(v * _LANES, _LANES)
                        buf[r, sl] = buf[r, sl] + e_v[gidx, sl]
                return carry

            lax.fori_loop(0, gpc, group_body, 0, unroll=False)

        load(0, 0)

        def ring_body(kk, carry):
            for b in (0, 1):
                k = kk * 2 + b
                valid = task(k) < n_tasks

                @pl.when(valid)
                def _():
                    @pl.when(task(k + 1) < n_tasks)
                    def _():
                        @pl.when(k >= 1)
                        def _():
                            wait_store(1 - b)

                        load(k + 1, 1 - b)

                    wait_load(b)
                    compute(k, b)
                    store(k, b)
            return carry

        lax.fori_loop(0, (k_max + 2) // 2, ring_body, 0, unroll=False)
        wait_store(0)
        wait_store(1)

    return sc_kernel


def kernel(x, embedding_weight):
    t = x.shape[0]
    jn = x.shape[1]
    d = x.shape[2]
    max_len = embedding_weight.shape[0]
    ncv = jn // t
    return _make_sc_kernel(t, jn, d, max_len, ncv)(x, embedding_weight)

# --- scband reference (transcript-rebuilt; emitter-appended) ---
"""Pipeline reference for scband-cross-attn-history-positional-encoding-5849745457797 (READ-ONLY COPY).

The authoritative reference and input builder live on the scoring server;
editing this copy changes nothing except your own understanding.
"""

import jax, jax.numpy as jnp
import numpy as np

POS_DIM = 128
MAX_SEQ_LEN = 200
NUM_CONTEXT_VECTORS = 10
T = 200


def setup_inputs(seed: int = 0) -> dict:
    key = jax.random.key(seed)
    k1, k2 = jax.random.split(key)
    x = jax.random.normal(k1, (T, T * NUM_CONTEXT_VECTORS, POS_DIM), dtype=jnp.float32)
    embedding_weight = jax.random.uniform(k2, (MAX_SEQ_LEN, POS_DIM), dtype=jnp.float32, minval=-0.1, maxval=0.1)
    return {"x": x, "embedding_weight": embedding_weight}


def reference(x, embedding_weight):
    halfpoint = MAX_SEQ_LEN // 2
    n = x.shape[0]
    pos_matrix = jnp.arange(0, n)[None, :] - jnp.arange(0, n)[:, None] + halfpoint
    pos_matrix = jnp.clip(pos_matrix, 0, MAX_SEQ_LEN - 1)
    pos_matrix = jnp.repeat(pos_matrix, NUM_CONTEXT_VECTORS, axis=1).astype(jnp.int32)
    pos_embs = jnp.take(embedding_weight, pos_matrix, axis=0)
    return x + pos_embs

if __name__ == "__main__":
    import jax
    _d = setup_inputs()
    print(jax.jit(kernel)(*tuple(_d.values())))

</pallas_src>

<mosaic_0001>
#map = affine_map<(d0, d1) -> (0, 0, 0)>
#map1 = affine_map<(d0, d1) -> (0, 0)>
module attributes {stable_mosaic.version = 14 : i64} {
  func.func @sc_kernel(%arg0: i32, %arg1: i32, %arg2: memref<200x2000x128xf32, #tpu.memory_space<hbm>>, %arg3: memref<200x128xf32, #tpu.memory_space<hbm>>, %arg4: memref<200x2000x128xf32, #tpu.memory_space<hbm>>, %arg5: memref<200x128xf32, #tpu.memory_space<vmem>>, %arg6: memref<200x128xf32, #tpu.memory_space<vmem>>, %arg7: memref<200x128xf32, #tpu.memory_space<vmem>>, %arg8: memref<!tpu.dma_semaphore, #tpu.memory_space<semaphore_mem>>, %arg9: memref<!tpu.dma_semaphore, #tpu.memory_space<semaphore_mem>>, %arg10: memref<!tpu.dma_semaphore, #tpu.memory_space<semaphore_mem>>, %arg11: memref<!tpu.dma_semaphore, #tpu.memory_space<semaphore_mem>>) attributes {dimension_semantics = [#tpu.dimension_semantics<core_parallel>, #tpu.dimension_semantics<subcore_parallel>], iteration_bounds = array<i64: 2, 16>, scalar_prefetch = 0 : i64, scratch_operands = 7 : i64, tpu.core_type = #tpu.core_type<sc_vector_subcore>, window_params = [{transform_indices = #map}, {transform_indices = #map1}, {transform_indices = #map}]} {
    %mul3A = arith.constant 16 : i32
    %mul3A_0 = arith.muli %arg0, %mul3A : i32
    %add3A = arith.addi %mul3A_0, %arg1 : i32
    "tpu.region"() ({
      %run_scoped3A = tpu.sem_alloc : memref<!tpu.dma_semaphore, #tpu.memory_space<semaphore_mem>>
      tpu.enqueue_dma source(%arg3 : memref<200x128xf32, #tpu.memory_space<hbm>>) target(%arg5 : memref<200x128xf32, #tpu.memory_space<vmem>>) target_semaphore(%run_scoped3A : memref<!tpu.dma_semaphore, #tpu.memory_space<semaphore_mem>>)
      tpu.wait_dma2 semaphore(%run_scoped3A : memref<!tpu.dma_semaphore, #tpu.memory_space<semaphore_mem>>) src(%arg3 : memref<200x128xf32, #tpu.memory_space<hbm>>) dst(%arg5 : memref<200x128xf32, #tpu.memory_space<vmem>>)
      tpu.yield
    }) : () -> ()
    %add3A_1 = arith.constant 0 : i32
    %add3A_2 = arith.addi %add3A, %add3A_1 : i32
    %jit3A = arith.constant 10 : i32
    %div3A = arith.divsi %add3A_2, %jit3A : i32
    %sign3A = arith.constant 0 : i32
    %sign3A_3 = arith.cmpi sgt, %add3A_2, %sign3A : i32
    %sign3A_4 = arith.extui %sign3A_3 : i1 to i32
    %sign3A_5 = arith.constant 0 : i32
    %sign3A_6 = arith.cmpi slt, %add3A_2, %sign3A_5 : i32
    %sign3A_7 = arith.extui %sign3A_6 : i1 to i32
    %sign3A_8 = arith.subi %sign3A_4, %sign3A_7 : i32
    %sign3A_9 = arith.constant 0 : i32
    %sign3A_10 = arith.cmpi sgt, %jit3A, %sign3A_9 : i32
    %sign3A_11 = arith.extui %sign3A_10 : i1 to i32
    %sign3A_12 = arith.constant 0 : i32
    %sign3A_13 = arith.cmpi slt, %jit3A, %sign3A_12 : i32
    %sign3A_14 = arith.extui %sign3A_13 : i1 to i32
    %sign3A_15 = arith.subi %sign3A_11, %sign3A_14 : i32
    %ne3A = arith.cmpi ne, %sign3A_8, %sign3A_15 : i32
    %rem3A = arith.remsi %add3A_2, %jit3A : i32
    %ne3A_16 = arith.constant 0 : i32
    %ne3A_17 = arith.cmpi ne, %rem3A, %ne3A_16 : i32
    %and3A = arith.andi %ne3A, %ne3A_17 : i1
    %sub3A = arith.constant 1 : i32
    %sub3A_18 = arith.subi %div3A, %sub3A : i32
    %select_n3A = arith.select %and3A, %sub3A_18, %div3A : i32
    %jit3A_19 = arith.constant 10 : i32
    %eq3A = arith.constant 0 : i32
    %eq3A_20 = arith.cmpi eq, %jit3A_19, %eq3A : i32
    %jit3A_21 = arith.constant 1 : i32
    %select_n3A_22 = arith.select %eq3A_20, %jit3A_21, %jit3A_19 : i32
    %rem3A_23 = arith.remsi %add3A_2, %select_n3A_22 : i32
    %ne3A_24 = arith.constant 0 : i32
    %ne3A_25 = arith.cmpi ne, %rem3A_23, %ne3A_24 : i32
    %lt3A = arith.constant 0 : i32
    %lt3A_26 = arith.cmpi slt, %rem3A_23, %lt3A : i32
    %lt3A_27 = arith.constant 0 : i32
    %lt3A_28 = arith.cmpi slt, %select_n3A_22, %lt3A_27 : i32
    %ne3A_29 = arith.xori %lt3A_26, %lt3A_28 : i1
    %and3A_30 = arith.andi %ne3A_29, %ne3A_25 : i1
    %add3A_31 = arith.addi %rem3A_23, %select_n3A_22 : i32
    %select_n3A_32 = arith.select %and3A_30, %add3A_31, %rem3A_23 : i32
    %mul3A_33 = arith.constant 200 : i32
    %mul3A_34 = arith.muli %select_n3A_32, %mul3A_33 : i32
    %dma_start3A = arith.constant 0 : i32
    %dma_start3A_35 = tpu.memref_slice %arg2[%select_n3A, %mul3A_34, %dma_start3A] : memref<200x2000x128xf32, #tpu.memory_space<hbm>> -> memref<1x200x128xf32, #tpu.memory_space<hbm>>
    %dma_start3A_36 = tpu.memref_squeeze %dma_start3A_35 : memref<1x200x128xf32, #tpu.memory_space<hbm>> -> memref<200x128xf32, #tpu.memory_space<hbm>>
    %dma_start3A_37 = arith.constant 0 : i32
    %dma_start3A_38 = tpu.memref_slice %arg2[%select_n3A, %mul3A_34, %dma_start3A_37] : memref<200x2000x128xf32, #tpu.memory_space<hbm>> -> memref<1x200x128xf32, #tpu.memory_space<hbm>>
    %dma_start3A_39 = tpu.memref_squeeze %dma_start3A_38 : memref<1x200x128xf32, #tpu.memory_space<hbm>> -> memref<200x128xf32, #tpu.memory_space<hbm>>
    tpu.enqueue_dma source(%dma_start3A_39 : memref<200x128xf32, #tpu.memory_space<hbm>>) target(%arg6 : memref<200x128xf32, #tpu.memory_space<vmem>>) target_semaphore(%arg8 : memref<!tpu.dma_semaphore, #tpu.memory_space<semaphore_mem>>)
    %scan3A = arith.constant 0 : i32
    %scan3A_40 = arith.constant 0 : i32
    %scan3A_41 = arith.constant 32 : i32
    %scan3A_42 = arith.addi %scan3A_40, %scan3A_41 : i32
    %scan3A_43 = arith.constant 1 : i32
    scf.for %scan3A_62 = %scan3A_40 to %scan3A_42 step %scan3A_43  : i32 {
      %mul3A_63 = arith.constant 2 : i32
      %mul3A_64 = arith.muli %scan3A_62, %mul3A_63 : i32
      %add3A_65 = arith.constant 0 : i32
      %add3A_66 = arith.addi %mul3A_64, %add3A_65 : i32
      %mul3A_67 = arith.constant 32 : i32
      %mul3A_68 = arith.muli %add3A_66, %mul3A_67 : i32
      %add3A_69 = arith.addi %add3A, %mul3A_68 : i32
      %lt3A_70 = arith.constant 2000 : i32
      %lt3A_71 = arith.cmpi slt, %add3A_69, %lt3A_70 : i32
      %convert_element_type3A = arith.extui %lt3A_71 : i1 to i32
      %cond3A = arith.constant 0 : i32
      %cond3A_72 = arith.cmpi ne, %convert_element_type3A, %cond3A : i32
      scf.if %cond3A_72 {
        %add3A_85 = arith.constant 1 : i32
        %add3A_86 = arith.addi %add3A_66, %add3A_85 : i32
        %mul3A_87 = arith.constant 32 : i32
        %mul3A_88 = arith.muli %add3A_86, %mul3A_87 : i32
        %add3A_89 = arith.addi %add3A, %mul3A_88 : i32
        %lt3A_90 = arith.constant 2000 : i32
        %lt3A_91 = arith.cmpi slt, %add3A_89, %lt3A_90 : i32
        %convert_element_type3A_92 = arith.extui %lt3A_91 : i1 to i32
        %cond3A_93 = arith.constant 0 : i32
        %cond3A_94 = arith.cmpi ne, %convert_element_type3A_92, %cond3A_93 : i32
        scf.if %cond3A_94 {
          %ge3A = arith.constant 1 : i32
          %ge3A_206 = arith.cmpi sge, %add3A_66, %ge3A : i32
          %convert_element_type3A_207 = arith.extui %ge3A_206 : i1 to i32
          %cond3A_208 = arith.constant 0 : i32
          %cond3A_209 = arith.cmpi ne, %convert_element_type3A_207, %cond3A_208 : i32
          scf.if %cond3A_209 {
            %dma_wait3A_263 = arith.constant 0 : i32
            %dma_wait3A_264 = arith.constant 0 : i32
            %dma_wait3A_265 = arith.constant 0 : i32
            %dma_wait3A_266 = tpu.memref_slice %arg4[%dma_wait3A_263, %dma_wait3A_264, %dma_wait3A_265] : memref<200x2000x128xf32, #tpu.memory_space<hbm>> -> memref<1x200x128xf32, #tpu.memory_space<hbm>>
            %dma_wait3A_267 = tpu.memref_squeeze %dma_wait3A_266 : memref<1x200x128xf32, #tpu.memory_space<hbm>> -> memref<200x128xf32, #tpu.memory_space<hbm>>
            %dma_wait3A_268 = arith.constant 0 : i32
            %dma_wait3A_269 = arith.constant 0 : i32
            %dma_wait3A_270 = tpu.memref_slice %arg4[%dma_wait3A_263, %dma_wait3A_268, %dma_wait3A_269] : memref<200x2000x128xf32, #tpu.memory_space<hbm>> -> memref<1x200x128xf32, #tpu.memory_space<hbm>>
            %dma_wait3A_271 = tpu.memref_squeeze %dma_wait3A_270 : memref<1x200x128xf32, #tpu.memory_space<hbm>> -> memref<200x128xf32, #tpu.memory_space<hbm>>
            tpu.wait_dma2 semaphore(%arg11 : memref<!tpu.dma_semaphore, #tpu.memory_space<semaphore_mem>>) src(%arg7 : memref<200x128xf32, #tpu.memory_space<vmem>>) dst(%dma_wait3A_271 : memref<200x128xf32, #tpu.memory_space<hbm>>)
          } else {
          }
          %add3A_210 = arith.constant 1 : i32
          %add3A_211 = arith.addi %add3A_66, %add3A_210 : i32
          %mul3A_212 = arith.constant 32 : i32
          %mul3A_213 = arith.muli %add3A_211, %mul3A_212 : i32
          %add3A_214 = arith.addi %add3A, %mul3A_213 : i32
          %jit3A_215 = arith.constant 10 : i32
          %div3A_216 = arith.divsi %add3A_214, %jit3A_215 : i32
          %sign3A_217 = arith.constant 0 : i32
          %sign3A_218 = arith.cmpi sgt, %add3A_214, %sign3A_217 : i32
          %sign3A_219 = arith.extui %sign3A_218 : i1 to i32
          %sign3A_220 = arith.constant 0 : i32
          %sign3A_221 = arith.cmpi slt, %add3A_214, %sign3A_220 : i32
          %sign3A_222 = arith.extui %sign3A_221 : i1 to i32
          %sign3A_223 = arith.subi %sign3A_219, %sign3A_222 : i32
          %sign3A_224 = arith.constant 0 : i32
          %sign3A_225 = arith.cmpi sgt, %jit3A_215, %sign3A_224 : i32
          %sign3A_226 = arith.extui %sign3A_225 : i1 to i32
          %sign3A_227 = arith.constant 0 : i32
          %sign3A_228 = arith.cmpi slt, %jit3A_215, %sign3A_227 : i32
          %sign3A_229 = arith.extui %sign3A_228 : i1 to i32
          %sign3A_230 = arith.subi %sign3A_226, %sign3A_229 : i32
          %ne3A_231 = arith.cmpi ne, %sign3A_223, %sign3A_230 : i32
          %rem3A_232 = arith.remsi %add3A_214, %jit3A_215 : i32
          %ne3A_233 = arith.constant 0 : i32
          %ne3A_234 = arith.cmpi ne, %rem3A_232, %ne3A_233 : i32
          %and3A_235 = arith.andi %ne3A_231, %ne3A_234 : i1
          %sub3A_236 = arith.constant 1 : i32
          %sub3A_237 = arith.subi %div3A_216, %sub3A_236 : i32
          %select_n3A_238 = arith.select %and3A_235, %sub3A_237, %div3A_216 : i32
          %jit3A_239 = arith.constant 10 : i32
          %eq3A_240 = arith.constant 0 : i32
          %eq3A_241 = arith.cmpi eq, %jit3A_239, %eq3A_240 : i32
          %jit3A_242 = arith.constant 1 : i32
          %select_n3A_243 = arith.select %eq3A_241, %jit3A_242, %jit3A_239 : i32
          %rem3A_244 = arith.remsi %add3A_214, %select_n3A_243 : i32
          %ne3A_245 = arith.constant 0 : i32
          %ne3A_246 = arith.cmpi ne, %rem3A_244, %ne3A_245 : i32
          %lt3A_247 = arith.constant 0 : i32
          %lt3A_248 = arith.cmpi slt, %rem3A_244, %lt3A_247 : i32
          %lt3A_249 = arith.constant 0 : i32
          %lt3A_250 = arith.cmpi slt, %select_n3A_243, %lt3A_249 : i32
          %ne3A_251 = arith.xori %lt3A_248, %lt3A_250 : i1
          %and3A_252 = arith.andi %ne3A_251, %ne3A_246 : i1
          %add3A_253 = arith.addi %rem3A_244, %select_n3A_243 : i32
          %select_n3A_254 = arith.select %and3A_252, %add3A_253, %rem3A_244 : i32
          %mul3A_255 = arith.constant 200 : i32
          %mul3A_256 = arith.muli %select_n3A_254, %mul3A_255 : i32
          %dma_start3A_257 = arith.constant 0 : i32
          %dma_start3A_258 = tpu.memref_slice %arg2[%select_n3A_238, %mul3A_256, %dma_start3A_257] : memref<200x2000x128xf32, #tpu.memory_space<hbm>> -> memref<1x200x128xf32, #tpu.memory_space<hbm>>
          %dma_start3A_259 = tpu.memref_squeeze %dma_start3A_258 : memref<1x200x128xf32, #tpu.memory_space<hbm>> -> memref<200x128xf32, #tpu.memory_space<hbm>>
          %dma_start3A_260 = arith.constant 0 : i32
          %dma_start3A_261 = tpu.memref_slice %arg2[%select_n3A_238, %mul3A_256, %dma_start3A_260] : memref<200x2000x128xf32, #tpu.memory_space<hbm>> -> memref<1x200x128xf32, #tpu.memory_space<hbm>>
          %dma_start3A_262 = tpu.memref_squeeze %dma_start3A_261 : memref<1x200x128xf32, #tpu.memory_space<hbm>> -> memref<200x128xf32, #tpu.memory_space<hbm>>
          tpu.enqueue_dma source(%dma_start3A_262 : memref<200x128xf32, #tpu.memory_space<hbm>>) target(%arg7 : memref<200x128xf32, #tpu.memory_space<vmem>>) target_semaphore(%arg9 : memref<!tpu.dma_semaphore, #tpu.memory_space<semaphore_mem>>)
        } else {
        }
        %dma_wait3A_95 = arith.constant 0 : i32
        %dma_wait3A_96 = arith.constant 0 : i32
        %dma_wait3A_97 = arith.constant 0 : i32
        %dma_wait3A_98 = tpu.memref_slice %arg2[%dma_wait3A_95, %dma_wait3A_96, %dma_wait3A_97] : memref<200x2000x128xf32, #tpu.memory_space<hbm>> -> memref<1x200x128xf32, #tpu.memory_space<hbm>>
        %dma_wait3A_99 = tpu.memref_squeeze %dma_wait3A_98 : memref<1x200x128xf32, #tpu.memory_space<hbm>> -> memref<200x128xf32, #tpu.memory_space<hbm>>
        %dma_wait3A_100 = arith.constant 0 : i32
        %dma_wait3A_101 = arith.constant 0 : i32
        %dma_wait3A_102 = tpu.memref_slice %arg2[%dma_wait3A_95, %dma_wait3A_100, %dma_wait3A_101] : memref<200x2000x128xf32, #tpu.memory_space<hbm>> -> memref<1x200x128xf32, #tpu.memory_space<hbm>>
        %dma_wait3A_103 = tpu.memref_squeeze %dma_wait3A_102 : memref<1x200x128xf32, #tpu.memory_space<hbm>> -> memref<200x128xf32, #tpu.memory_space<hbm>>
        tpu.wait_dma2 semaphore(%arg8 : memref<!tpu.dma_semaphore, #tpu.memory_space<semaphore_mem>>) src(%dma_wait3A_103 : memref<200x128xf32, #tpu.memory_space<hbm>>) dst(%arg6 : memref<200x128xf32, #tpu.memory_space<vmem>>)
        %mul3A_104 = arith.constant 32 : i32
        %mul3A_105 = arith.muli %add3A_66, %mul3A_104 : i32
        %add3A_106 = arith.addi %add3A, %mul3A_105 : i32
        %jit3A_107 = arith.constant 10 : i32
        %div3A_108 = arith.divsi %add3A_106, %jit3A_107 : i32
        %sign3A_109 = arith.constant 0 : i32
        %sign3A_110 = arith.cmpi sgt, %add3A_106, %sign3A_109 : i32
        %sign3A_111 = arith.extui %sign3A_110 : i1 to i32
        %sign3A_112 = arith.constant 0 : i32
        %sign3A_113 = arith.cmpi slt, %add3A_106, %sign3A_112 : i32
        %sign3A_114 = arith.extui %sign3A_113 : i1 to i32
        %sign3A_115 = arith.subi %sign3A_111, %sign3A_114 : i32
        %sign3A_116 = arith.constant 0 : i32
        %sign3A_117 = arith.cmpi sgt, %jit3A_107, %sign3A_116 : i32
        %sign3A_118 = arith.extui %sign3A_117 : i1 to i32
        %sign3A_119 = arith.constant 0 : i32
        %sign3A_120 = arith.cmpi slt, %jit3A_107, %sign3A_119 : i32
        %sign3A_121 = arith.extui %sign3A_120 : i1 to i32
        %sign3A_122 = arith.subi %sign3A_118, %sign3A_121 : i32
        %ne3A_123 = arith.cmpi ne, %sign3A_115, %sign3A_122 : i32
        %rem3A_124 = arith.remsi %add3A_106, %jit3A_107 : i32
        %ne3A_125 = arith.constant 0 : i32
        %ne3A_126 = arith.cmpi ne, %rem3A_124, %ne3A_125 : i32
        %and3A_127 = arith.andi %ne3A_123, %ne3A_126 : i1
        %sub3A_128 = arith.constant 1 : i32
        %sub3A_129 = arith.subi %div3A_108, %sub3A_128 : i32
        %select_n3A_130 = arith.select %and3A_127, %sub3A_129, %div3A_108 : i32
        %jit3A_131 = arith.constant 10 : i32
        %eq3A_132 = arith.constant 0 : i32
        %eq3A_133 = arith.cmpi eq, %jit3A_131, %eq3A_132 : i32
        %jit3A_134 = arith.constant 1 : i32
        %select_n3A_135 = arith.select %eq3A_133, %jit3A_134, %jit3A_131 : i32
        %rem3A_136 = arith.remsi %add3A_106, %select_n3A_135 : i32
        %ne3A_137 = arith.constant 0 : i32
        %ne3A_138 = arith.cmpi ne, %rem3A_136, %ne3A_137 : i32
        %lt3A_139 = arith.constant 0 : i32
        %lt3A_140 = arith.cmpi slt, %rem3A_136, %lt3A_139 : i32
        %lt3A_141 = arith.constant 0 : i32
        %lt3A_142 = arith.cmpi slt, %select_n3A_135, %lt3A_141 : i32
        %ne3A_143 = arith.xori %lt3A_140, %lt3A_142 : i1
        %and3A_144 = arith.andi %ne3A_143, %ne3A_138 : i1
        %add3A_145 = arith.addi %rem3A_136, %select_n3A_135 : i32
        %select_n3A_146 = arith.select %and3A_144, %add3A_145, %rem3A_136 : i32
        %mul3A_147 = arith.constant 20 : i32
        %mul3A_148 = arith.muli %select_n3A_146, %mul3A_147 : i32
        %scan3A_149 = arith.constant 0 : i32
        %scan3A_150 = arith.constant 0 : i32
        %scan3A_151 = arith.constant 20 : i32
        %scan3A_152 = arith.addi %scan3A_150, %scan3A_151 : i32
        %scan3A_153 = arith.constant 1 : i32
        scf.for %scan3A_206 = %scan3A_150 to %scan3A_152 step %scan3A_153  : i32 {
          %add3A_207 = arith.addi %mul3A_148, %scan3A_206 : i32
          %sub3A_208 = arith.subi %add3A_207, %select_n3A_130 : i32
          %add3A_209 = arith.constant 100 : i32
          %add3A_210 = arith.addi %sub3A_208, %add3A_209 : i32
          %max3A = arith.constant 0 : i32
          %max3A_211 = arith.maxsi %add3A_210, %max3A : i32
          %min3A = arith.constant 199 : i32
          %min3A_212 = arith.minsi %max3A_211, %min3A : i32
          %mul3A_213 = arith.constant 10 : i32
          %mul3A_214 = arith.muli %scan3A_206, %mul3A_213 : i32
          %add3A_215 = arith.constant 0 : i32
          %add3A_216 = arith.addi %mul3A_214, %add3A_215 : i32
          %get3A = arith.index_cast %add3A_216 : i32 to index
          %get3A_217 = arith.constant 0 : index
          %get3A_218 = tpu.vector_load %arg6[%get3A, %get3A_217] {strides = array<i32>} : memref<200x128xf32, #tpu.memory_space<vmem>>, vector<1x16xf32>,
          %get3A_219 = vector.shape_cast %get3A_218 : vector<1x16xf32> to vector<16xf32>
          %get3A_220 = arith.index_cast %min3A_212 : i32 to index
          %get3A_221 = arith.constant 0 : index
          %get3A_222 = tpu.vector_load %arg5[%get3A_220, %get3A_221] {strides = array<i32>} : memref<200x128xf32, #tpu.memory_space<vmem>>, vector<1x16xf32>,
          %get3A_223 = vector.shape_cast %get3A_222 : vector<1x16xf32> to vector<16xf32>
          %add3A_224 = arith.addf %get3A_219, %get3A_223 : vector<16xf32>
          %swap3A = arith.index_cast %add3A_216 : i32 to index
          %swap3A_225 = arith.constant 0 : index
          %swap3A_226 = tpu.vector_load %arg6[%swap3A, %swap3A_225] {strides = array<i32>} : memref<200x128xf32, #tpu.memory_space<vmem>>, vector<1x16xf32>,
          %swap3A_227 = vector.shape_cast %swap3A_226 : vector<1x16xf32> to vector<16xf32>
          %swap3A_228 = vector.shape_cast %add3A_224 : vector<16xf32> to vector<1x16xf32>
          tpu.vector_store %arg6[%swap3A, %swap3A_225], %swap3A_228 {strides = array<i32>} : memref<200x128xf32, #tpu.memory_space<vmem>>, vector<1x16xf32>,
          %get3A_229 = arith.index_cast %add3A_216 : i32 to index
          %get3A_230 = arith.constant 16 : index
          %get3A_231 = tpu.vector_load %arg6[%get3A_229, %get3A_230] {strides = array<i32>} : memref<200x128xf32, #tpu.memory_space<vmem>>, vector<1x16xf32>,
          %get3A_232 = vector.shape_cast %get3A_231 : vector<1x16xf32> to vector<16xf32>
          %get3A_233 = arith.index_cast %min3A_212 : i32 to index
          %get3A_234 = arith.constant 16 : index
          %get3A_235 = tpu.vector_load %arg5[%get3A_233, %get3A_234] {strides = array<i32>} : memref<200x128xf32, #tpu.memory_space<vmem>>, vector<1x16xf32>,
          %get3A_236 = vector.shape_cast %get3A_235 : vector<1x16xf32> to vector<16xf32>
          %add3A_237 = arith.addf %get3A_232, %get3A_236 : vector<16xf32>
          %swap3A_238 = arith.index_cast %add3A_216 : i32 to index
          %swap3A_239 = arith.constant 16 : index
          %swap3A_240 = tpu.vector_load %arg6[%swap3A_238, %swap3A_239] {strides = array<i32>} : memref<200x128xf32, #tpu.memory_space<vmem>>, vector<1x16xf32>,
          %swap3A_241 = vector.shape_cast %swap3A_240 : vector<1x16xf32> to vector<16xf32>
          %swap3A_242 = vector.shape_cast %add3A_237 : vector<16xf32> to vector<1x16xf32>
          tpu.vector_store %arg6[%swap3A_238, %swap3A_239], %swap3A_242 {strides = array<i32>} : memref<200x128xf32, #tpu.memory_space<vmem>>, vector<1x16xf32>,
          %get3A_243 = arith.index_cast %add3A_216 : i32 to index
          %get3A_244 = arith.constant 32 : index
          %get3A_245 = tpu.vector_load %arg6[%get3A_243, %get3A_244] {strides = array<i32>} : memref<200x128xf32, #tpu.memory_space<vmem>>, vector<1x16xf32>,
          %get3A_246 = vector.shape_cast %get3A_245 : vector<1x16xf32> to vector<16xf32>
          %get3A_247 = arith.index_cast %min3A_212 : i32 to index
          %get3A_248 = arith.constant 32 : index
          %get3A_249 = tpu.vector_load %arg5[%get3A_247, %get3A_248] {strides = array<i32>} : memref<200x128xf32, #tpu.memory_space<vmem>>, vector<1x16xf32>,
          %get3A_250 = vector.shape_cast %get3A_249 : vector<1x16xf32> to vector<16xf32>
          %add3A_251 = arith.addf %get3A_246, %get3A_250 : vector<16xf32>
          %swap3A_252 = arith.index_cast %add3A_216 : i32 to index
          %swap3A_253 = arith.constant 32 : index
          %swap3A_254 = tpu.vector_load %arg6[%swap3A_252, %swap3A_253] {strides = array<i32>} : memref<200x128xf32, #tpu.memory_space<vmem>>, vector<1x16xf32>,
          %swap3A_255 = vector.shape_cast %swap3A_254 : vector<1x16xf32> to vector<16xf32>
          %swap3A_256 = vector.shape_cast %add3A_251 : vector<16xf32> to vector<1x16xf32>
          tpu.vector_store %arg6[%swap3A_252, %swap3A_253], %swap3A_256 {strides = array<i32>} : memref<200x128xf32, #tpu.memory_space<vmem>>, vector<1x16xf32>,
          %get3A_257 = arith.index_cast %add3A_216 : i32 to index
          %get3A_258 = arith.constant 48 : index
          %get3A_259 = tpu.vector_load %arg6[%get3A_257, %get3A_258] {strides = array<i32>} : memref<200x128xf32, #tpu.memory_space<vmem>>, vector<1x16xf32>,
          %get3A_260 = vector.shape_cast %get3A_259 : vector<1x16xf32> to vector<16xf32>
          %get3A_261 = arith.index_cast %min3A_212 : i32 to index
          %get3A_262 = arith.constant 48 : index
          %get3A_263 = tpu.vector_load %arg5[%get3A_261, %get3A_262] {strides = array<i32>} : memref<200x128xf32, #tpu.memory_space<vmem>>, vector<1x16xf32>,
          %get3A_264 = vector.shape_cast %get3A_263 : vector<1x16xf32> to vector<16xf32>
          %add3A_265 = arith.addf %get3A_260, %get3A_264 : vector<16xf32>
          %swap3A_266 = arith.index_cast %add3A_216 : i32 to index
          %swap3A_267 = arith.constant 48 : index
          %swap3A_268 = tpu.vector_load %arg6[%swap3A_266, %swap3A_267] {strides = array<i32>} : memref<200x128xf32, #tpu.memory_space<vmem>>, vector<1x16xf32>,
          %swap3A_269 = vector.shape_cast %swap3A_268 : vector<1x16xf32> to vector<16xf32>
          %swap3A_270 = vector.shape_cast %add3A_265 : vector<16xf32> to vector<1x16xf32>
          tpu.vector_store %arg6[%swap3A_266, %swap3A_267], %swap3A_270 {strides = array<i32>} : memref<200x128xf32, #tpu.memory_space<vmem>>, vector<1x16xf32>,
          %get3A_271 = arith.index_cast %add3A_216 : i32 to index
          %get3A_272 = arith.constant 64 : index
          %get3A_273 = tpu.vector_load %arg6[%get3A_271, %get3A_272] {strides = array<i32>} : memref<200x128xf32, #tpu.memory_space<vmem>>, vector<1x16xf32>,
          %get3A_274 = vector.shape_cast %get3A_273 : vector<1x16xf32> to vector<16xf32>
          %get3A_275 = arith.index_cast %min3A_212 : i32 to index
          %get3A_276 = arith.constant 64 : index
          %get3A_277 = tpu.vector_load %arg5[%get3A_275, %get3A_276] {strides = array<i32>} : memref<200x128xf32, #tpu.memory_space<vmem>>, vector<1x16xf32>,
          %get3A_278 = vector.shape_cast %get3A_277 : vector<1x16xf32> to vector<16xf32>
          %add3A_279 = arith.addf %get3A_274, %get3A_278 : vector<16xf32>
          %swap3A_280 = arith.index_cast %add3A_216 : i32 to index
          %swap3A_281 = arith.constant 64 : index
          %swap3A_282 = tpu.vector_load %arg6[%swap3A_280, %swap3A_281] {strides = array<i32>} : memref<200x128xf32, #tpu.memory_space<vmem>>, vector<1x16xf32>,
          %swap3A_283 = vector.shape_cast %swap3A_282 : vector<1x16xf32> to vector<16xf32>
          %swap3A_284 = vector.shape_cast %add3A_279 : vector<16xf32> to vector<1x16xf32>
          tpu.vector_store %arg6[%swap3A_280, %swap3A_281], %swap3A_284 {strides = array<i32>} : memref<200x128xf32, #tpu.memory_space<vmem>>, vector<1x16xf32>,
          %get3A_285 = arith.index_cast %add3A_216 : i32 to index
          %get3A_286 = arith.constant 80 : index
          %get3A_287 = tpu.vector_load %arg6[%get3A_285, %get3A_286] {strides = array<i32>} : memref<200x128xf32, #tpu.memory_space<vmem>>, vector<1x16xf32>,
          %get3A_288 = vector.shape_cast %get3A_287 : vector<1x16xf32> to vector<16xf32>
          %get3A_289 = arith.index_cast %min3A_212 : i32 to index
          %get3A_290 = arith.constant 80 : index
          %get3A_291 = tpu.vector_load %arg5[%get3A_289, %get3A_290] {strides = array<i32>} : memref<200x128xf32, #tpu.memory_space<vmem>>, vector<1x16xf32>,
          %get3A_292 = vector.shape_cast %get3A_291 : vector<1x16xf32> to vector<16xf32>
          %add3A_293 = arith.addf %get3A_288, %get3A_292 : vector<16xf32>
          %swap3A_294 = arith.index_cast %add3A_216 : i32 to index
          %swap3A_295 = arith.constant 80 : index
          %swap3A_296 = tpu.vector_load %arg6[%swap3A_294, %swap3A_295] {strides = array<i32>} : memref<200x128xf32, #tpu.memory_space<vmem>>, vector<1x16xf32>,
          %swap3A_297 = vector.shape_cast %swap3A_296 : vector<1x16xf32> to vector<16xf32>
          %swap3A_298 = vector.shape_cast %add3A_293 : vector<16xf32> to vector<1x16xf32>
          tpu.vector_store %arg6[%swap3A_294, %swap3A_295], %swap3A_298 {strides = array<i32>} : memref<200x128xf32, #tpu.memory_space<vmem>>, vector<1x16xf32>,
          %get3A_299 = arith.index_cast %add3A_216 : i32 to index
          %get3A_300 = arith.constant 96 : index
          %get3A_301 = tpu.vector_load %arg6[%get3A_299, %get3A_300] {strides = array<i32>} : memref<200x128xf32, #tpu.memory_space<vmem>>, vector<1x16xf32>,
          %get3A_302 = vector.shape_cast %get3A_301 : vector<1x16xf32> to vector<16xf32>
          %get3A_303 = arith.index_cast %min3A_212 : i32 to index
          %get3A_304 = arith.constant 96 : index
          %get3A_305 = tpu.vector_load %arg5[%get3A_303, %get3A_304] {strides = array<i32>} : memref<200x128xf32, #tpu.memory_space<vmem>>, vector<1x16xf32>,
          %get3A_306 = vector.shape_cast %get3A_305 : vector<1x16xf32> to vector<16xf32>
          %add3A_307 = arith.addf %get3A_302, %get3A_306 : vector<16xf32>
          %swap3A_308 = arith.index_cast %add3A_216 : i32 to index
          %swap3A_309 = arith.constant 96 : index
          %swap3A_310 = tpu.vector_load %arg6[%swap3A_308, %swap3A_309] {strides = array<i32>} : memref<200x128xf32, #tpu.memory_space<vmem>>, vector<1x16xf32>,
          %swap3A_311 = vector.shape_cast %swap3A_310 : vector<1x16xf32> to vector<16xf32>
          %swap3A_312 = vector.shape_cast %add3A_307 : vector<16xf32> to vector<1x16xf32>
          tpu.vector_store %arg6[%swap3A_308, %swap3A_309], %swap3A_312 {strides = array<i32>} : memref<200x128xf32, #tpu.memory_space<vmem>>, vector<1x16xf32>,
          %get3A_313 = arith.index_cast %add3A_216 : i32 to index
          %get3A_314 = arith.constant 112 : index
          %get3A_315 = tpu.vector_load %arg6[%get3A_313, %get3A_314] {strides = array<i32>} : memref<200x128xf32, #tpu.memory_space<vmem>>, vector<1x16xf32>,
          %get3A_316 = vector.shape_cast %get3A_315 : vector<1x16xf32> to vector<16xf32>
          %get3A_317 = arith.index_cast %min3A_212 : i32 to index
          %get3A_318 = arith.constant 112 : index
          %get3A_319 = tpu.vector_load %arg5[%get3A_317, %get3A_318] {strides = array<i32>} : memref<200x128xf32, #tpu.memory_space<vmem>>, vector<1x16xf32>,
          %get3A_320 = vector.shape_cast %get3A_319 : vector<1x16xf32> to vector<16xf32>
          %add3A_321 = arith.addf %get3A_316, %get3A_320 : vector<16xf32>
          %swap3A_322 = arith.index_cast %add3A_216 : i32 to index
          %swap3A_323 = arith.constant 112 : index
          %swap3A_324 = tpu.vector_load %arg6[%swap3A_322, %swap3A_323] {strides = array<i32>} : memref<200x128xf32, #tpu.memory_space<vmem>>, vector<1x16xf32>,
          %swap3A_325 = vector.shape_cast %swap3A_324 : vector<1x16xf32> to vector<16xf32>
          %swap3A_326 = vector.shape_cast %add3A_321 : vector<16xf32> to vector<1x16xf32>
          tpu.vector_store %arg6[%swap3A_322, %swap3A_323], %swap3A_326 {strides = array<i32>} : memref<200x128xf32, #tpu.memory_space<vmem>>, vector<1x16xf32>,
          %mul3A_327 = arith.constant 10 : i32
          %mul3A_328 = arith.muli %scan3A_206, %mul3A_327 : i32
          %add3A_329 = arith.constant 1 : i32
          %add3A_330 = arith.addi %mul3A_328, %add3A_329 : i32
          %get3A_331 = arith.index_cast %add3A_330 : i32 to index
          %get3A_332 = arith.constant 0 : index
          %get3A_333 = tpu.vector_load %arg6[%get3A_331, %get3A_332] {strides = array<i32>} : memref<200x128xf32, #tpu.memory_space<vmem>>, vector<1x16xf32>,
          %get3A_334 = vector.shape_cast %get3A_333 : vector<1x16xf32> to vector<16xf32>
          %get3A_335 = arith.index_cast %min3A_212 : i32 to index
          %get3A_336 = arith.constant 0 : index
          %get3A_337 = tpu.vector_load %arg5[%get3A_335, %get3A_336] {strides = array<i32>} : memref<200x128xf32, #tpu.memory_space<vmem>>, vector<1x16xf32>,
          %get3A_338 = vector.shape_cast %get3A_337 : vector<1x16xf32> to vector<16xf32>
          %add3A_339 = arith.addf %get3A_334, %get3A_338 : vector<16xf32>
          %swap3A_340 = arith.index_cast %add3A_330 : i32 to index
          %swap3A_341 = arith.constant 0 : index
          %swap3A_342 = tpu.vector_load %arg6[%swap3A_340, %swap3A_341] {strides = array<i32>} : memref<200x128xf32, #tpu.memory_space<vmem>>, vector<1x16xf32>,
          %swap3A_343 = vector.shape_cast %swap3A_342 : vector<1x16xf32> to vector<16xf32>
          %swap3A_344 = vector.shape_cast %add3A_339 : vector<16xf32> to vector<1x16xf32>
          tpu.vector_store %arg6[%swap3A_340, %swap3A_341], %swap3A_344 {strides = array<i32>} : memref<200x128xf32, #tpu.memory_space<vmem>>, vector<1x16xf32>,
          %get3A_345 = arith.index_cast %add3A_330 : i32 to index
          %get3A_346 = arith.constant 16 : index
          %get3A_347 = tpu.vector_load %arg6[%get3A_345, %get3A_346] {strides = array<i32>} : memref<200x128xf32, #tpu.memory_space<vmem>>, vector<1x16xf32>,
          %get3A_348 = vector.shape_cast %get3A_347 : vector<1x16xf32> to vector<16xf32>
          %get3A_349 = arith.index_cast %min3A_212 : i32 to index
          %get3A_350 = arith.constant 16 : index
          %get3A_351 = tpu.vector_load %arg5[%get3A_349, %get3A_350] {strides = array<i32>} : memref<200x128xf32, #tpu.memory_space<vmem>>, vector<1x16xf32>,
          %get3A_352 = vector.shape_cast %get3A_351 : vector<1x16xf32> to vector<16xf32>
          %add3A_353 = arith.addf %get3A_348, %get3A_352 : vector<16xf32>
          %swap3A_354 = arith.index_cast %add3A_330 : i32 to index
          %swap3A_355 = arith.constant 16 : index
          %swap3A_356 = tpu.vector_load %arg6[%swap3A_354, %swap3A_355] {strides = array<i32>} : memref<200x128xf32, #tpu.memory_space<vmem>>, vector<1x16xf32>,
          %swap3A_357 = vector.shape_cast %swap3A_356 : vector<1x16xf32> to vector<16xf32>
          %swap3A_358 = vector.shape_cast %add3A_353 : vector<16xf32> to vector<1x16xf32>
          tpu.vector_store %arg6[%swap3A_354, %swap3A_355], %swap3A_358 {strides = array<i32>} : memref<200x128xf32, #tpu.memory_space<vmem>>, vector<1x16xf32>,
          %get3A_359 = arith.index_cast %add3A_330 : i32 to index
          %get3A_360 = arith.constant 32 : index
          %get3A_361 = tpu.vector_load %arg6[%get3A_359, %get3A_360] {strides = array<i32>} : memref<200x128xf32, #tpu.memory_space<vmem>>, vector<1x16xf32>,
          %get3A_362 = vector.shape_cast %get3A_361 : vector<1x16xf32> to vector<16xf32>
          %get3A_363 = arith.index_cast %min3A_212 : i32 to index
          %get3A_364 = arith.constant 32 : index
          %get3A_365 = tpu.vector_load %arg5[%get3A_363, %get3A_364] {strides = array<i32>} : memref<200x128xf32, #tpu.memory_space<vmem>>, vector<1x16xf32>,
          %get3A_366 = vector.shape_cast %get3A_365 : vector<1x16xf32> to vector<16xf32>
          %add3A_367 = arith.addf %get3A_362, %get3A_366 : vector<16xf32>
          %swap3A_368 = arith.index_cast %add3A_330 : i32 to index
          %swap3A_369 = arith.constant 32 : index
          %swap3A_370 = tpu.vector_load %arg6[%swap3A_368, %swap3A_369] {strides = array<i32>} : memref<200x128xf32, #tpu.memory_space<vmem>>, vector<1x16xf32>,
          %swap3A_371 = vector.shape_cast %swap3A_370 : vector<1x16xf32> to vector<16xf32>
          %swap3A_372 = vector.shape_cast %add3A_367 : vector<16xf32> to vector<1x16xf32>
          tpu.vector_store %arg6[%swap3A_368, %swap3A_369], %swap3A_372 {strides = array<i32>} : memref<200x128xf32, #tpu.memory_space<vmem>>, vector<1x16xf32>,
          %get3A_373 = arith.index_cast %add3A_330 : i32 to index
          %get3A_374 = arith.constant 48 : index
          %get3A_375 = tpu.vector_load %arg6[%get3A_373, %get3A_374] {strides = array<i32>} : memref<200x128xf32, #tpu.memory_space<vmem>>, vector<1x16xf32>,
          %get3A_376 = vector.shape_cast %get3A_375 : vector<1x16xf32> to vector<16xf32>
          %get3A_377 = arith.index_cast %min3A_212 : i32 to index
          %get3A_378 = arith.constant 48 : index
          %get3A_379 = tpu.vector_load %arg5[%get3A_377, %get3A_378] {strides = array<i32>} : memref<200x128xf32, #tpu.memory_space<vmem>>, vector<1x16xf32>,
          %get3A_380 = vector.shape_cast %get3A_379 : vector<1x16xf32> to vector<16xf32>
          %add3A_381 = arith.addf %get3A_376, %get3A_380 : vector<16xf32>
          %swap3A_382 = arith.index_cast %add3A_330 : i32 to index
          %swap3A_383 = arith.constant 48 : index
          %swap3A_384 = tpu.vector_load %arg6[%swap3A_382, %swap3A_383] {strides = array<i32>} : memref<200x128xf32, #tpu.memory_space<vmem>>, vector<1x16xf32>,
          %swap3A_385 = vector.shape_cast %swap3A_384 : vector<1x16xf32> to vector<16xf32>
          %swap3A_386 = vector.shape_cast %add3A_381 : vector<16xf32> to vector<1x16xf32>
          tpu.vector_store %arg6[%swap3A_382, %swap3A_383], %swap3A_386 {strides = array<i32>} : memref<200x128xf32, #tpu.memory_space<vmem>>, vector<1x16xf32>,
          %get3A_387 = arith.index_cast %add3A_330 : i32 to index
          %get3A_388 = arith.constant 64 : index
          %get3A_389 = tpu.vector_load %arg6[%get3A_387, %get3A_388] {strides = array<i32>} : memref<200x128xf32, #tpu.memory_space<vmem>>, vector<1x16xf32>,
          %get3A_390 = vector.shape_cast %get3A_389 : vector<1x16xf32> to vector<16xf32>
          %get3A_391 = arith.index_cast %min3A_212 : i32 to index
          %get3A_392 = arith.constant 64 : index
          %get3A_393 = tpu.vector_load %arg5[%get3A_391, %get3A_392] {strides = array<i32>} : memref<200x128xf32, #tpu.memory_space<vmem>>, vector<1x16xf32>,
          %get3A_394 = vector.shape_cast %get3A_393 : vector<1x16xf32> to vector<16xf32>
          %add3A_395 = arith.addf %get3A_390, %get3A_394 : vector<16xf32>
          %swap3A_396 = arith.index_cast %add3A_330 : i32 to index
          %swap3A_397 = arith.constant 64 : index
          %swap3A_398 = tpu.vector_load %arg6[%swap3A_396, %swap3A_397] {strides = array<i32>} : memref<200x128xf32, #tpu.memory_space<vmem>>, vector<1x16xf32>,
          %swap3A_399 = vector.shape_cast %swap3A_398 : vector<1x16xf32> to vector<16xf32>
          %swap3A_400 = vector.shape_cast %add3A_395 : vector<16xf32> to vector<1x16xf32>
          tpu.vector_store %arg6[%swap3A_396, %swap3A_397], %swap3A_400 {strides = array<i32>} : memref<200x128xf32, #tpu.memory_space<vmem>>, vector<1x16xf32>,
          %get3A_401 = arith.index_cast %add3A_330 : i32 to index
          %get3A_402 = arith.constant 80 : index
          %get3A_403 = tpu.vector_load %arg6[%get3A_401, %get3A_402] {strides = array<i32>} : memref<200x128xf32, #tpu.memory_space<vmem>>, vector<1x16xf32>,
          %get3A_404 = vector.shape_cast %get3A_403 : vector<1x16xf32> to vector<16xf32>
          %get3A_405 = arith.index_cast %min3A_212 : i32 to index
          %get3A_406 = arith.constant 80 : index
          %get3A_407 = tpu.vector_load %arg5[%get3A_405, %get3A_406] {strides = array<i32>} : memref<200x128xf32, #tpu.memory_space<vmem>>, vector<1x16xf32>,
          %get3A_408 = vector.shape_cast %get3A_407 : vector<1x16xf32> to vector<16xf32>
          %add3A_409 = arith.addf %get3A_404, %get3A_408 : vector<16xf32>
          %swap3A_410 = arith.index_cast %add3A_330 : i32 to index
          %swap3A_411 = arith.constant 80 : index
          %swap3A_412 = tpu.vector_load %arg6[%swap3A_410, %swap3A_411] {strides = array<i32>} : memref<200x128xf32, #tpu.memory_space<vmem>>, vector<1x16xf32>,
          %swap3A_413 = vector.shape_cast %swap3A_412 : vector<1x16xf32> to vector<16xf32>
          %swap3A_414 = vector.shape_cast %add3A_409 : vector<16xf32> to vector<1x16xf32>
          tpu.vector_store %arg6[%swap3A_410, %swap3A_411], %swap3A_414 {strides = array<i32>} : memref<200x128xf32, #tpu.memory_space<vmem>>, vector<1x16xf32>,
          %get3A_415 = arith.index_cast %add3A_330 : i32 to index
          %get3A_416 = arith.constant 96 : index
          %get3A_417 = tpu.vector_load %arg6[%get3A_415, %get3A_416] {strides = array<i32>} : memref<200x128xf32, #tpu.memory_space<vmem>>, vector<1x16xf32>,
          %get3A_418 = vector.shape_cast %get3A_417 : vector<1x16xf32> to vector<16xf32>
          %get3A_419 = arith.index_cast %min3A_212 : i32 to index
          %get3A_420 = arith.constant 96 : index
          %get3A_421 = tpu.vector_load %arg5[%get3A_419, %get3A_420] {strides = array<i32>} : memref<200x128xf32, #tpu.memory_space<vmem>>, vector<1x16xf32>,
          %get3A_422 = vector.shape_cast %get3A_421 : vector<1x16xf32> to vector<16xf32>
          %add3A_423 = arith.addf %get3A_418, %get3A_422 : vector<16xf32>
          %swap3A_424 = arith.index_cast %add3A_330 : i32 to index
          %swap3A_425 = arith.constant 96 : index
          %swap3A_426 = tpu.vector_load %arg6[%swap3A_424, %swap3A_425] {strides = array<i32>} : memref<200x128xf32, #tpu.memory_space<vmem>>, vector<1x16xf32>,
          %swap3A_427 = vector.shape_cast %swap3A_426 : vector<1x16xf32> to vector<16xf32>
          %swap3A_428 = vector.shape_cast %add3A_423 : vector<16xf32> to vector<1x16xf32>
          tpu.vector_store %arg6[%swap3A_424, %swap3A_425], %swap3A_428 {strides = array<i32>} : memref<200x128xf32, #tpu.memory_space<vmem>>, vector<1x16xf32>,
          %get3A_429 = arith.index_cast %add3A_330 : i32 to index
          %get3A_430 = arith.constant 112 : index
          %get3A_431 = tpu.vector_load %arg6[%get3A_429, %get3A_430] {strides = array<i32>} : memref<200x128xf32, #tpu.memory_space<vmem>>, vector<1x16xf32>,
          %get3A_432 = vector.shape_cast %get3A_431 : vector<1x16xf32> to vector<16xf32>
          %get3A_433 = arith.index_cast %min3A_212 : i32 to index
          %get3A_434 = arith.constant 112 : index
          %get3A_435 = tpu.vector_load %arg5[%get3A_433, %get3A_434] {strides = array<i32>} : memref<200x128xf32, #tpu.memory_space<vmem>>, vector<1x16xf32>,
          %get3A_436 = vector.shape_cast %get3A_435 : vector<1x16xf32> to vector<16xf32>
          %add3A_437 = arith.addf %get3A_432, %get3A_436 : vector<16xf32>
          %swap3A_438 = arith.index_cast %add3A_330 : i32 to index
          %swap3A_439 = arith.constant 112 : index
          %swap3A_440 = tpu.vector_load %arg6[%swap3A_438, %swap3A_439] {strides = array<i32>} : memref<200x128xf32, #tpu.memory_space<vmem>>, vector<1x16xf32>,
          %swap3A_441 = vector.shape_cast %swap3A_440 : vector<1x16xf32> to vector<16xf32>
          %swap3A_442 = vector.shape_cast %add3A_437 : vector<16xf32> to vector<1x16xf32>
          tpu.vector_store %arg6[%swap3A_438, %swap3A_439], %swap3A_442 {strides = array<i32>} : memref<200x128xf32, #tpu.memory_space<vmem>>, vector<1x16xf32>,
          %mul3A_443 = arith.constant 10 : i32
          %mul3A_444 = arith.muli %scan3A_206, %mul3A_443 : i32
          %add3A_445 = arith.constant 2 : i32
          %add3A_446 = arith.addi %mul3A_444, %add3A_445 : i32
          %get3A_447 = arith.index_cast %add3A_446 : i32 to index
          %get3A_448 = arith.constant 0 : index
          %get3A_449 = tpu.vector_load %arg6[%get3A_447, %get3A_448] {strides = array<i32>} : memref<200x128xf32, #tpu.memory_space<vmem>>, vector<1x16xf32>,
          %get3A_450 = vector.shape_cast %get3A_449 : vector<1x16xf32> to vector<16xf32>
          %get3A_451 = arith.index_cast %min3A_212 : i32 to index
          %get3A_452 = arith.constant 0 : index
          %get3A_453 = tpu.vector_load %arg5[%get3A_451, %get3A_452] {strides = array<i32>} : memref<200x128xf32, #tpu.memory_space<vmem>>, vector<1x16xf32>,
          %get3A_454 = vector.shape_cast %get3A_453 : vector<1x16xf32> to vector<16xf32>
          %add3A_455 = arith.addf %get3A_450, %get3A_454 : vector<16xf32>
          %swap3A_456 = arith.index_cast %add3A_446 : i32 to index
          %swap3A_457 = arith.constant 0 : index
          %swap3A_458 = tpu.vector_load %arg6[%swap3A_456, %swap3A_457] {strides = array<i32>} : memref<200x128xf32, #tpu.memory_space<vmem>>, vector<1x16xf32>,
          %swap3A_459 = vector.shape_cast %swap3A_458 : vector<1x16xf32> to vector<16xf32>
          %swap3A_460 = vector.shape_cast %add3A_455 : vector<16xf32> to vector<1x16xf32>
          tpu.vector_store %arg6[%swap3A_456, %swap3A_457], %swap3A_460 {strides = array<i32>} : memref<200x128xf32, #tpu.memory_space<vmem>>, vector<1x16xf32>,
          %get3A_461 = arith.index_cast %add3A_446 : i32 to index
          %get3A_462 = arith.constant 16 : index
          %get3A_463 = tpu.vector_load %arg6[%get3A_461, %get3A_462] {strides = array<i32>} : memref<200x128xf32, #tpu.memory_space<vmem>>, vector<1x16xf32>,
          %get3A_464 = vector.shape_cast %get3A_463 : vector<1x16xf32> to vector<16xf32>
          %get3A_465 = arith.index_cast %min3A_212 : i32 to index
          %get3A_466 = arith.constant 16 : index
          %get3A_467 = tpu.vector_load %arg5[%get3A_465, %get3A_466] {strides = array<i32>} : memref<200x128xf32, #tpu.memory_space<vmem>>, vector<1x16xf32>,
          %get3A_468 = vector.shape_cast %get3A_467 : vector<1x16xf32> to vector<16xf32>
          %add3A_469 = arith.addf %get3A_464, %get3A_468 : vector<16xf32>
          %swap3A_470 = arith.index_cast %add3A_446 : i32 to index
          %swap3A_471 = arith.constant 16 : index
          %swap3A_472 = tpu.vector_load %arg6[%swap3A_470, %swap3A_471] {strides = array<i32>} : memref<200x128xf32, #tpu.memory_space<vmem>>, vector<1x16xf32>,
          %swap3A_473 = vector.shape_cast %swap3A_472 : vector<1x16xf32> to vector<16xf32>
          %swap3A_474 = vector.shape_cast %add3A_469 : vector<16xf32> to vector<1x16xf32>
          tpu.vector_store %arg6[%swap3A_470, %swap3A_471], %swap3A_474 {strides = array<i32>} : memref<200x128xf32, #tpu.memory_space<vmem>>, vector<1x16xf32>,
          %get3A_475 = arith.index_cast %add3A_446 : i32 to index
          %get3A_476 = arith.constant 32 : index
          %get3A_477 = tpu.vector_load %arg6[%get3A_475, %get3A_476] {strides = array<i32>} : memref<200x128xf32, #tpu.memory_space<vmem>>, vector<1x16xf32>,
          %get3A_478 = vector.shape_cast %get3A_477 : vector<1x16xf32> to vector<16xf32>
          %get3A_479 = arith.index_cast %min3A_212 : i32 to index
          %get3A_480 = arith.constant 32 : index
          %get3A_481 = tpu.vector_load %arg5[%get3A_479, %get3A_480] {strides = array<i32>} : memref<200x128xf32, #tpu.memory_space<vmem>>, vector<1x16xf32>,
          %get3A_482 = vector.shape_cast %get3A_481 : vector<1x16xf32> to vector<16xf32>
          %add3A_483 = arith.addf %get3A_478, %get3A_482 : vector<16xf32>
          %swap3A_484 = arith.index_cast %add3A_446 : i32 to index
          %swap3A_485 = arith.constant 32 : index
          %swap3A_486 = tpu.vector_load %arg6[%swap3A_484, %swap3A_485] {strides = array<i32>} : memref<200x128xf32, #tpu.memory_space<vmem>>, vector<1x16xf32>,
          %swap3A_487 = vector.shape_cast %swap3A_486 : vector<1x16xf32> to vector<16xf32>
          %swap3A_488 = vector.shape_cast %add3A_483 : vector<16xf32> to vector<1x16xf32>
          tpu.vector_store %arg6[%swap3A_484, %swap3A_485], %swap3A_488 {strides = array<i32>} : memref<200x128xf32, #tpu.memory_space<vmem>>, vector<1x16xf32>,
          %get3A_489 = arith.index_cast %add3A_446 : i32 to index
          %get3A_490 = arith.constant 48 : index
          %get3A_491 = tpu.vector_load %arg6[%get3A_489, %get3A_490] {strides = array<i32>} : memref<200x128xf32, #tpu.memory_space<vmem>>, vector<1x16xf32>,
          %get3A_492 = vector.shape_cast %get3A_491 : vector<1x16xf32> to vector<16xf32>
          %get3A_493 = arith.index_cast %min3A_212 : i32 to index
          %get3A_494 = arith.constant 48 : index
          %get3A_495 = tpu.vector_load %arg5[%get3A_493, %get3A_494] {strides = array<i32>} : memref<200x128xf32, #tpu.memory_space<vmem>>, vector<1x16xf32>,
          %get3A_496 = vector.shape_cast %get3A_495 : vector<1x16xf32> to vector<16xf32>
          %add3A_497 = arith.addf %get3A_492, %get3A_496 : vector<16xf32>
          %swap3A_498 = arith.index_cast %add3A_446 : i32 to index
          %swap3A_499 = arith.constant 48 : index
          %swap3A_500 = tpu.vector_load %arg6[%swap3A_498, %swap3A_499] {strides = array<i32>} : memref<200x128xf32, #tpu.memory_space<vmem>>, vector<1x16xf32>,
          %swap3A_501 = vector.shape_cast %swap3A_500 : vector<1x16xf32> to vector<16xf32>
          %swap3A_502 = vector.shape_cast %add3A_497 : vector<16xf32> to vector<1x16xf32>
          tpu.vector_store %arg6[%swap3A_498, %swap3A_499], %swap3A_502 {strides = array<i32>} : memref<200x128xf32, #tpu.memory_space<vmem>>, vector<1x16xf32>,
          %get3A_503 = arith.index_cast %add3A_446 : i32 to index
          %get3A_504 = arith.constant 64 : index
          %get3A_505 = tpu.vector_load %arg6[%get3A_503, %get3A_504] {strides = array<i32>} : memref<200x128xf32, #tpu.memory_space<vmem>>, vector<1x16xf32>,
          %get3A_506 = vector.shape_cast %get3A_505 : vector<1x16xf32> to vector<16xf32>
          %get3A_507 = arith.index_cast %min3A_212 : i32 to index
          %get3A_508 = arith.constant 64 : index
          %get3A_509 = tpu.vector_load %arg5[%get3A_507, %get3A_508] {strides = array<i32>} : memref<200x128xf32, #tpu.memory_space<vmem>>, vector<1x16xf32>,
          %get3A_510 = vector.shape_cast %get3A_509 : vector<1x16xf32> to vector<16xf32>
          %add3A_511 = arith.addf %get3A_506, %get3A_510 : vector<16xf32>
          %swap3A_512 = arith.index_cast %add3A_446 : i32 to index
          %swap3A_513 = arith.constant 64 : index
          %swap3A_514 = tpu.vector_load %arg6[%swap3A_512, %swap3A_513] {strides = array<i32>} : memref<200x128xf32, #tpu.memory_space<vmem>>, vector<1x16xf32>,
          %swap3A_515 = vector.shape_cast %swap3A_514 : vector<1x16xf32> to vector<16xf32>
          %swap3A_516 = vector.shape_cast %add3A_511 : vector<16xf32> to vector<1x16xf32>
          tpu.vector_store %arg6[%swap3A_512, %swap3A_513], %swap3A_516 {strides = array<i32>} : memref<200x128xf32, #tpu.memory_space<vmem>>, vector<1x16xf32>,
          %get3A_517 = arith.index_cast %add3A_446 : i32 to index
          %get3A_518 = arith.constant 80 : index
          %get3A_519 = tpu.vector_load %arg6[%get3A_517, %get3A_518] {strides = array<i32>} : memref<200x128xf32, #tpu.memory_space<vmem>>, vector<1x16xf32>,
          %get3A_520 = vector.shape_cast %get3A_519 : vector<1x16xf32> to vector<16xf32>
          %get3A_521 = arith.index_cast %min3A_212 : i32 to index
          %get3A_522 = arith.constant 80 : index
          %get3A_523 = tpu.vector_load %arg5[%get3A_521, %get3A_522] {strides = array<i32>} : memref<200x128xf32, #tpu.memory_space<vmem>>, vector<1x16xf32>,
          %get3A_524 = vector.shape_cast %get3A_523 : vector<1x16xf32> to vector<16xf32>
          %add3A_525 = arith.addf %get3A_520, %get3A_524 : vector<16xf32>
          %swap3A_526 = arith.index_cast %add3A_446 : i32 to index
          %swap3A_527 = arith.constant 80 : index
          %swap3A_528 = tpu.vector_load %arg6[%swap3A_526, %swap3A_527] {strides = array<i32>} : memref<200x128xf32, #tpu.memory_space<vmem>>, vector<1x16xf32>,
          %swap3A_529 = vector.shape_cast %swap3A_528 : vector<1x16xf32> to vector<16xf32>
          %swap3A_530 = vector.shape_cast %add3A_525 : vector<16xf32> to vector<1x16xf32>
          tpu.vector_store %arg6[%swap3A_526, %swap3A_527], %swap3A_530 {strides = array<i32>} : memref<200x128xf32, #tpu.memory_space<vmem>>, vector<1x16xf32>,
          %get3A_531 = arith.index_cast %add3A_446 : i32 to index
          %get3A_532 = arith.constant 96 : index
          %get3A_533 = tpu.vector_load %arg6[%get3A_531, %get3A_532] {strides = array<i32>} : memref<200x128xf32, #tpu.memory_space<vmem>>, vector<1x16xf32>,
          %get3A_534 = vector.shape_cast %get3A_533 : vector<1x16xf32> to vector<16xf32>
          %get3A_535 = arith.index_cast %min3A_212 : i32 to index
          %get3A_536 = arith.constant 96 : index
          %get3A_537 = tpu.vector_load %arg5[%get3A_535, %get3A_536] {strides = array<i32>} : memref<200x128xf32, #tpu.memory_space<vmem>>, vector<1x16xf32>,
          %get3A_538 = vector.shape_cast %get3A_537 : vector<1x16xf32> to vector<16xf32>
          %add3A_539 = arith.addf %get3A_534, %get3A_538 : vector<16xf32>
          %swap3A_540 = arith.index_cast %add3A_446 : i32 to index
          %swap3A_541 = arith.constant 96 : index
          %swap3A_542 = tpu.vector_load %arg6[%swap3A_540, %swap3A_541] {strides = array<i32>} : memref<200x128xf32, #tpu.memory_space<vmem>>, vector<1x16xf32>,
          %swap3A_543 = vector.shape_cast %swap3A_542 : vector<1x16xf32> to vector<16xf32>
          %swap3A_544 = vector.shape_cast %add3A_539 : vector<16xf32> to vector<1x16xf32>
          tpu.vector_store %arg6[%swap3A_540, %swap3A_541], %swap3A_544 {strides = array<i32>} : memref<200x128xf32, #tpu.memory_space<vmem>>, vector<1x16xf32>,
          %get3A_545 = arith.index_cast %add3A_446 : i32 to index
          %get3A_546 = arith.constant 112 : index
          %get3A_547 = tpu.vector_load %arg6[%get3A_545, %get3A_546] {strides = array<i32>} : memref<200x128xf32, #tpu.memory_space<vmem>>, vector<1x16xf32>,
          %get3A_548 = vector.shape_cast %get3A_547 : vector<1x16xf32> to vector<16xf32>
          %get3A_549 = arith.index_cast %min3A_212 : i32 to index
          %get3A_550 = arith.constant 112 : index
          %get3A_551 = tpu.vector_load %arg5[%get3A_549, %get3A_550] {strides = array<i32>} : memref<200x128xf32, #tpu.memory_space<vmem>>, vector<1x16xf32>,
          %get3A_552 = vector.shape_cast %get3A_551 : vector<1x16xf32> to vector<16xf32>
          %add3A_553 = arith.addf %get3A_548, %get3A_552 : vector<16xf32>
          %swap3A_554 = arith.index_cast %add3A_446 : i32 to index
          %swap3A_555 = arith.constant 112 : index
          %swap3A_556 = tpu.vector_load %arg6[%swap3A_554, %swap3A_555] {strides = array<i32>} : memref<200x128xf32, #tpu.memory_space<vmem>>, vector<1x16xf32>,
          %swap3A_557 = vector.shape_cast %swap3A_556 : vector<1x16xf32> to vector<16xf32>
          %swap3A_558 = vector.shape_cast %add3A_553 : vector<16xf32> to vector<1x16xf32>
          tpu.vector_store %arg6[%swap3A_554, %swap3A_555], %swap3A_558 {strides = array<i32>} : memref<200x128xf32, #tpu.memory_space<vmem>>, vector<1x16xf32>,
          %mul3A_559 = arith.constant 10 : i32
          %mul3A_560 = arith.muli %scan3A_206, %mul3A_559 : i32
          %add3A_561 = arith.constant 3 : i32
          %add3A_562 = arith.addi %mul3A_560, %add3A_561 : i32
          %get3A_563 = arith.index_cast %add3A_562 : i32 to index
          %get3A_564 = arith.constant 0 : index
          %get3A_565 = tpu.vector_load %arg6[%get3A_563, %get3A_564] {strides = array<i32>} : memref<200x128xf32, #tpu.memory_space<vmem>>, vector<1x16xf32>,
          %get3A_566 = vector.shape_cast %get3A_565 : vector<1x16xf32> to vector<16xf32>
          %get3A_567 = arith.index_cast %min3A_212 : i32 to index
          %get3A_568 = arith.constant 0 : index
          %get3A_569 = tpu.vector_load %arg5[%get3A_567, %get3A_568] {strides = array<i32>} : memref<200x128xf32, #tpu.memory_space<vmem>>, vector<1x16xf32>,
          %get3A_570 = vector.shape_cast %get3A_569 : vector<1x16xf32> to vector<16xf32>
          %add3A_571 = arith.addf %get3A_566, %get3A_570 : vector<16xf32>
          %swap3A_572 = arith.index_cast %add3A_562 : i32 to index
          %swap3A_573 = arith.constant 0 : index
          %swap3A_574 = tpu.vector_load %arg6[%swap3A_572, %swap3A_573] {strides = array<i32>} : memref<200x128xf32, #tpu.memory_space<vmem>>, vector<1x16xf32>,
          %swap3A_575 = vector.shape_cast %swap3A_574 : vector<1x16xf32> to vector<16xf32>
          %swap3A_576 = vector.shape_cast %add3A_571 : vector<16xf32> to vector<1x16xf32>
          tpu.vector_store %arg6[%swap3A_572, %swap3A_573], %swap3A_576 {strides = array<i32>} : memref<200x128xf32, #tpu.memory_space<vmem>>, vector<1x16xf32>,
          %get3A_577 = arith.index_cast %add3A_562 : i32 to index
          %get3A_578 = arith.constant 16 : index
          %get3A_579 = tpu.vector_load %arg6[%get3A_577, %get3A_578] {strides = array<i32>} : memref<200x128xf32, #tpu.memory_space<vmem>>, vector<1x16xf32>,
          %get3A_580 = vector.shape_cast %get3A_579 : vector<1x16xf32> to vector<16xf32>
          %get3A_581 = arith.index_cast %min3A_212 : i32 to index
          %get3A_582 = arith.constant 16 : index
          %get3A_583 = tpu.vector_load %arg5[%get3A_581, %get3A_582] {strides = array<i32>} : memref<200x128xf32, #tpu.memory_space<vmem>>, vector<1x16xf32>,
          %get3A_584 = vector.shape_cast %get3A_583 : vector<1x16xf32> to vector<16xf32>
          %add3A_585 = arith.addf %get3A_580, %get3A_584 : vector<16xf32>
          %swap3A_586 = arith.index_cast %add3A_562 : i32 to index
          %swap3A_587 = arith.constant 16 : index
          %swap3A_588 = tpu.vector_load %arg6[%swap3A_586, %swap3A_587] {strides = array<i32>} : memref<200x128xf32, #tpu.memory_space<vmem>>, vector<1x16xf32>,
          %swap3A_589 = vector.shape_cast %swap3A_588 : vector<1x16xf32> to vector<16xf32>
          %swap3A_590 = vector.shape_cast %add3A_585 : vector<16xf32> to vector<1x16xf32>
          tpu.vector_store %arg6[%swap3A_586, %swap3A_587], %swap3A_590 {strides = array<i32>} : memref<200x128xf32, #tpu.memory_space<vmem>>, vector<1x16xf32>,
          %get3A_591 = arith.index_cast %add3A_562 : i32 to index
          %get3A_592 = arith.constant 32 : index
          %get3A_593 = tpu.vector_load %arg6[%get3A_591, %get3A_592] {strides = array<i32>} : memref<200x128xf32, #tpu.memory_space<vmem>>, vector<1x16xf32>,
          %get3A_594 = vector.shape_cast %get3A_593 : vector<1x16xf32> to vector<16xf32>
          %get3A_595 = arith.index_cast %min3A_212 : i32 to index
          %get3A_596 = arith.constant 32 : index
          %get3A_597 = tpu.vector_load %arg5[%get3A_595, %get3A_596] {strides = array<i32>} : memref<200x128xf32, #tpu.memory_space<vmem>>, vector<1x16xf32>,
          %get3A_598 = vector.shape_cast %get3A_597 : vector<1x16xf32> to vector<16xf32>
          %add3A_599 = arith.addf %get3A_594, %get3A_598 : vector<16xf32>
          %swap3A_600 = arith.index_cast %add3A_562 : i32 to index
          %swap3A_601 = arith.constant 32 : index
          %swap3A_602 = tpu.vector_load %arg6[%swap3A_600, %swap3A_601] {strides = array<i32>} : memref<200x128xf32, #tpu.memory_space<vmem>>, vector<1x16xf32>,
          %swap3A_603 = vector.shape_cast %swap3A_602 : vector<1x16xf32> to vector<16xf32>
          %swap3A_604 = vector.shape_cast %add3A_599 : vector<16xf32> to vector<1x16xf32>
          tpu.vector_store %arg6[%swap3A_600, %swap3A_601], %swap3A_604 {strides = array<i32>} : memref<200x128xf32, #tpu.memory_space<vmem>>, vector<1x16xf32>,
          %get3A_605 = arith.index_cast %add3A_562 : i32 to index
          %get3A_606 = arith.constant 48 : index
          %get3A_607 = tpu.vector_load %arg6[%get3A_605, %get3A_606] {strides = array<i32>} : memref<200x128xf32, #tpu.memory_space<vmem>>, vector<1x16xf32>,
          %get3A_608 = vector.shape_cast %get3A_607 : vector<1x16xf32> to vector<16xf32>
          %get3A_609 = arith.index_cast %min3A_212 : i32 to index
          %get3A_610 = arith.constant 48 : index
          %get3A_611 = tpu.vector_load %arg5[%get3A_609, %get3A_610] {strides = array<i32>} : memref<200x128xf32, #tpu.memory_space<vmem>>, vector<1x16xf32>,
          %get3A_612 = vector.shape_cast %get3A_611 : vector<1x16xf32> to vector<16xf32>
          %add3A_613 = arith.addf %get3A_608, %get3A_612 : vector<16xf32>
          %swap3A_614 = arith.index_cast %add3A_562 : i32 to index
          %swap3A_615 = arith.constant 48 : index
          %swap3A_616 = tpu.vector_load %arg6[%swap3A_614, %swap3A_615] {strides = array<i32>} : memref<200x128xf32, #tpu.memory_space<vmem>>, vector<1x16xf32>,
          %swap3A_617 = vector.shape_cast %swap3A_616 : vector<1x16xf32> to vector<16xf32>
          %swap3A_618 = vector.shape_cast %add3A_613 : vector<16xf32> to vector<1x16xf32>
          tpu.vector_store %arg6[%swap3A_614, %swap3A_615], %swap3A_618 {strides = array<i32>} : memref<200x128xf32, #tpu.memory_space<vmem>>, vector<1x16xf32>,
          %get3A_619 = arith.index_cast %add3A_562 : i32 to index
          %get3A_620 = arith.constant 64 : index
          %get3A_621 = tpu.vector_load %arg6[%get3A_619, %get3A_620] {strides = array<i32>} : memref<200x128xf32, #tpu.memory_space<vmem>>, vector<1x16xf32>,
          %get3A_622 = vector.shape_cast %get3A_621 : vector<1x16xf32> to vector<16xf32>
          %get3A_623 = arith.index_cast %min3A_212 : i32 to index
          %get3A_624 = arith.constant 64 : index
          %get3A_625 = tpu.vector_load %arg5[%get3A_623, %get3A_624] {strides = array<i32>} : memref<200x128xf32, #tpu.memory_space<vmem>>, vector<1x16xf32>,
          %get3A_626 = vector.shape_cast %get3A_625 : vector<1x16xf32> to vector<16xf32>
          %add3A_627 = arith.addf %get3A_622, %get3A_626 : vector<16xf32>
          %swap3A_628 = arith.index_cast %add3A_562 : i32 to index
          %swap3A_629 = arith.constant 64 : index
          %swap3A_630 = tpu.vector_load %arg6[%swap3A_628, %swap3A_629] {strides = array<i32>} : memref<200x128xf32, #tpu.memory_space<vmem>>, vector<1x16xf32>,
          %swap3A_631 = vector.shape_cast %swap3A_630 : vector<1x16xf32> to vector<16xf32>
          %swap3A_632 = vector.shape_cast %add3A_627 : vector<16xf32> to vector<1x16xf32>
          tpu.vector_store %arg6[%swap3A_628, %swap3A_629], %swap3A_632 {strides = array<i32>} : memref<200x128xf32, #tpu.memory_space<vmem>>, vector<1x16xf32>,
          %get3A_633 = arith.index_cast %add3A_562 : i32 to index
          %get3A_634 = arith.constant 80 : index
          %get3A_635 = tpu.vector_load %arg6[%get3A_633, %get3A_634] {strides = array<i32>} : memref<200x128xf32, #tpu.memory_space<vmem>>, vector<1x16xf32>,
          %get3A_636 = vector.shape_cast %get3A_635 : vector<1x16xf32> to vector<16xf32>
          %get3A_637 = arith.index_cast %min3A_212 : i32 to index
          %get3A_638 = arith.constant 80 : index
          %get3A_639 = tpu.vector_load %arg5[%get3A_637, %get3A_638] {strides = array<i32>} : memref<200x128xf32, #tpu.memory_space<vmem>>, vector<1x16xf32>,
          %get3A_640 = vector.shape_cast %get3A_639 : vector<1x16xf32> to vector<16xf32>
          %add3A_641 = arith.addf %get3A_636, %get3A_640 : vector<16xf32>
          %swap3A_642 = arith.index_cast %add3A_562 : i32 to index
          %swap3A_643 = arith.constant 80 : index
          %swap3A_644 = tpu.vector_load %arg6[%swap3A_642, %swap3A_643] {strides = array<i32>} : memref<200x128xf32, #tpu.memory_space<vmem>>, vector<1x16xf32>,
          %swap3A_645 = vector.shape_cast %swap3A_644 : vector<1x16xf32> to vector<16xf32>
          %swap3A_646 = vector.shape_cast %add3A_641 : vector<16xf32> to vector<1x16xf32>
          tpu.vector_store %arg6[%swap3A_642, %swap3A_643], %swap3A_646 {strides = array<i32>} : memref<200x128xf32, #tpu.memory_space<vmem>>, vector<1x16xf32>,
          %get3A_647 = arith.index_cast %add3A_562 : i32 to index
          %get3A_648 = arith.constant 96 : index
          %get3A_649 = tpu.vector_load %arg6[%get3A_647, %get3A_648] {strides = array<i32>} : memref<200x128xf32, #tpu.memory_space<vmem>>, vector<1x16xf32>,
          %get3A_650 = vector.shape_cast %get3A_649 : vector<1x16xf32> to vector<16xf32>
          %get3A_651 = arith.index_cast %min3A_212 : i32 to index
          %get3A_652 = arith.constant 96 : index
          %get3A_653 = tpu.vector_load %arg5[%get3A_651, %get3A_652] {strides = array<i32>} : memref<200x128xf32, #tpu.memory_space<vmem>>, vector<1x16xf32>,
          %get3A_654 = vector.shape_cast %get3A_653 : vector<1x16xf32> to vector<16xf32>
          %add3A_655 = arith.addf %get3A_650, %get3A_654 : vector<16xf32>
          %swap3A_656 = arith.index_cast %add3A_562 : i32 to index
          %swap3A_657 = arith.constant 96 : index
          %swap3A_658 = tpu.vector_load %arg6[%swap3A_656, %swap3A_657] {strides = array<i32>} : memref<200x128xf32, #tpu.memory_space<vmem>>, vector<1x16xf32>,
          %swap3A_659 = vector.shape_cast %swap3A_658 : vector<1x16xf32> to vector<16xf32>
          %swap3A_660 = vector.shape_cast %add3A_655 : vector<16xf32> to vector<1x16xf32>
          tpu.vector_store %arg6[%swap3A_656, %swap3A_657], %swap3A_660 {strides = array<i32>} : memref<200x128xf32, #tpu.memory_space<vmem>>, vector<1x16xf32>,
          %get3A_661 = arith.index_cast %add3A_562 : i32 to index
          %get3A_662 = arith.constant 112 : index
          %get3A_663 = tpu.vector_load %arg6[%get3A_661, %get3A_662] {strides = array<i32>} : memref<200x128xf32, #tpu.memory_space<vmem>>, vector<1x16xf32>,
          %get3A_664 = vector.shape_cast %get3A_663 : vector<1x16xf32> to vector<16xf32>
          %get3A_665 = arith.index_cast %min3A_212 : i32 to index
          %get3A_666 = arith.constant 112 : index
          %get3A_667 = tpu.vector_load %arg5[%get3A_665, %get3A_666] {strides = array<i32>} : memref<200x128xf32, #tpu.memory_space<vmem>>, vector<1x16xf32>,
          %get3A_668 = vector.shape_cast %get3A_667 : vector<1x16xf32> to vector<16xf32>
          %add3A_669 = arith.addf %get3A_664, %get3A_668 : vector<16xf32>
          %swap3A_670 = arith.index_cast %add3A_562 : i32 to index
          %swap3A_671 = arith.constant 112 : index
          %swap3A_672 = tpu.vector_load %arg6[%swap3A_670, %swap3A_671] {strides = array<i32>} : memref<200x128xf32, #tpu.memory_space<vmem>>, vector<1x16xf32>,
          %swap3A_673 = vector.shape_cast %swap3A_672 : vector<1x16xf32> to vector<16xf32>
          %swap3A_674 = vector.shape_cast %add3A_669 : vector<16xf32> to vector<1x16xf32>
          tpu.vector_store %arg6[%swap3A_670, %swap3A_671], %swap3A_674 {strides = array<i32>} : memref<200x128xf32, #tpu.memory_space<vmem>>, vector<1x16xf32>,
          %mul3A_675 = arith.constant 10 : i32
          %mul3A_676 = arith.muli %scan3A_206, %mul3A_675 : i32
          %add3A_677 = arith.constant 4 : i32
          %add3A_678 = arith.addi %mul3A_676, %add3A_677 : i32
          %get3A_679 = arith.index_cast %add3A_678 : i32 to index
          %get3A_680 = arith.constant 0 : index
          %get3A_681 = tpu.vector_load %arg6[%get3A_679, %get3A_680] {strides = array<i32>} : memref<200x128xf32, #tpu.memory_space<vmem>>, vector<1x16xf32>,
          %get3A_682 = vector.shape_cast %get3A_681 : vector<1x16xf32> to vector<16xf32>
          %get3A_683 = arith.index_cast %min3A_212 : i32 to index
          %get3A_684 = arith.constant 0 : index
          %get3A_685 = tpu.vector_load %arg5[%get3A_683, %get3A_684] {strides = array<i32>} : memref<200x128xf32, #tpu.memory_space<vmem>>, vector<1x16xf32>,
          %get3A_686 = vector.shape_cast %get3A_685 : vector<1x16xf32> to vector<16xf32>
          %add3A_687 = arith.addf %get3A_682, %get3A_686 : vector<16xf32>
          %swap3A_688 = arith.index_cast %add3A_678 : i32 to index
          %swap3A_689 = arith.constant 0 : index
          %swap3A_690 = tpu.vector_load %arg6[%swap3A_688, %swap3A_689] {strides = array<i32>} : memref<200x128xf32, #tpu.memory_space<vmem>>, vector<1x16xf32>,
          %swap3A_691 = vector.shape_cast %swap3A_690 : vector<1x16xf32> to vector<16xf32>
          %swap3A_692 = vector.shape_cast %add3A_687 : vector<16xf32> to vector<1x16xf32>
          tpu.vector_store %arg6[%swap3A_688, %swap3A_689], %swap3A_692 {strides = array<i32>} : memref<200x128xf32, #tpu.memory_space<vmem>>, vector<1x16xf32>,
          %get3A_693 = arith.index_cast %add3A_678 : i32 to index
          %get3A_694 = arith.constant 16 : index
          %get3A_695 = tpu.vector_load %arg6[%get3A_693, %get3A_694] {strides = array<i32>} : memref<200x128xf32, #tpu.memory_space<vmem>>, vector<1x16xf32>,
          %get3A_696 = vector.shape_cast %get3A_695 : vector<1x16xf32> to vector<16xf32>
          %get3A_697 = arith.index_cast %min3A_212 : i32 to index
          %get3A_698 = arith.constant 16 : index
          %get3A_699 = tpu.vector_load %arg5[%get3A_697, %get3A_698] {strides = array<i32>} : memref<200x128xf32, #tpu.memory_space<vmem>>, vector<1x16xf32>,
          %get3A_700 = vector.shape_cast %get3A_699 : vector<1x16xf32> to vector<16xf32>
          %add3A_701 = arith.addf %get3A_696, %get3A_700 : vector<16xf32>
          %swap3A_702 = arith.index_cast %add3A_678 : i32 to index
          %swap3A_703 = arith.constant 16 : index
          %swap3A_704 = tpu.vector_load %arg6[%swap3A_702, %swap3A_703] {strides = array<i32>} : memref<200x128xf32, #tpu.memory_space<vmem>>, vector<1x16xf32>,
          %swap3A_705 = vector.shape_cast %swap3A_704 : vector<1x16xf32> to vector<16xf32>
          %swap3A_706 = vector.shape_cast %add3A_701 : vector<16xf32> to vector<1x16xf32>
          tpu.vector_store %arg6[%swap3A_702, %swap3A_703], %swap3A_706 {strides = array<i32>} : memref<200x128xf32, #tpu.memory_space<vmem>>, vector<1x16xf32>,
          %get3A_707 = arith.index_cast %add3A_678 : i32 to index
          %get3A_708 = arith.constant 32 : index
          %get3A_709 = tpu.vector_load %arg6[%get3A_707, %get3A_708] {strides = array<i32>} : memref<200x128xf32, #tpu.memory_space<vmem>>, vector<1x16xf32>,
          %get3A_710 = vector.shape_cast %get3A_709 : vector<1x16xf32> to vector<16xf32>
          %get3A_711 = arith.index_cast %min3A_212 : i32 to index
          %get3A_712 = arith.constant 32 : index
          %get3A_713 = tpu.vector_load %arg5[%get3A_711, %get3A_712] {strides = array<i32>} : memref<200x128xf32, #tpu.memory_space<vmem>>, vector<1x16xf32>,
          %get3A_714 = vector.shape_cast %get3A_713 : vector<1x16xf32> to vector<16xf32>
          %add3A_715 = arith.addf %get3A_710, %get3A_714 : vector<16xf32>
          %swap3A_716 = arith.index_cast %add3A_678 : i32 to index
          %swap3A_717 = arith.constant 32 : index
          %swap3A_718 = tpu.vector_load %arg6[%swap3A_716, %swap3A_717] {strides = array<i32>} : memref<200x128xf32, #tpu.memory_space<vmem>>, vector<1x16xf32>,
          %swap3A_719 = vector.shape_cast %swap3A_718 : vector<1x16xf32> to vector<16xf32>
          %swap3A_720 = vector.shape_cast %add3A_715 : vector<16xf32> to vector<1x16xf32>
          tpu.vector_store %arg6[%swap3A_716, %swap3A_717], %swap3A_720 {strides = array<i32>} : memref<200x128xf32, #tpu.memory_space<vmem>>, vector<1x16xf32>,
          %get3A_721 = arith.index_cast %add3A_678 : i32 to index
          %get3A_722 = arith.constant 48 : index
          %get3A_723 = tpu.vector_load %arg6[%get3A_721, %get3A_722] {strides = array<i32>} : memref<200x128xf32, #tpu.memory_space<vmem>>, vector<1x16xf32>,
          %get3A_724 = vector.shape_cast %get3A_723 : vector<1x16xf32> to vector<16xf32>
          %get3A_725 = arith.index_cast %min3A_212 : i32 to index
          %get3A_726 = arith.constant 48 : index
          %get3A_727 = tpu.vector_load %arg5[%get3A_725, %get3A_726] {strides = array<i32>} : memref<200x128xf32, #tpu.memory_space<vmem>>, vector<1x16xf32>,
          %get3A_728 = vector.shape_cast %get3A_727 : vector<1x16xf32> to vector<16xf32>
          %add3A_729 = arith.addf %get3A_724, %get3A_728 : vector<16xf32>
          %swap3A_730 = arith.index_cast %add3A_678 : i32 to index
          %swap3A_731 = arith.constant 48 : index
          %swap3A_732 = tpu.vector_load %arg6[%swap3A_730, %swap3A_731] {strides = array<i32>} : memref<200x128xf32, #tpu.memory_space<vmem>>, vector<1x16xf32>,
          %swap3A_733 = vector.shape_cast %swap3A_732 : vector<1x16xf32> to vector<16xf32>
          %swap3A_734 = vector.shape_cast %add3A_729 : vector<16xf32> to vector<1x16xf32>
          tpu.vector_store %arg6[%swap3A_730, %swap3A_731], %swap3A_734 {strides = array<i32>} : memref<200x128xf32, #tpu.memory_space<vmem>>, vector<1x16xf32>,
          %get3A_735 = arith.index_cast %add3A_678 : i32 to index
          %get3A_736 = arith.constant 64 : index
          %get3A_737 = tpu.vector_load %arg6[%get3A_735, %get3A_736] {strides = array<i32>} : memref<200x128xf32, #tpu.memory_space<vmem>>, vector<1x16xf32>,
          %get3A_738 = vector.shape_cast %get3A_737 : vector<1x16xf32> to vector<16xf32>
          %get3A_739 = arith.index_cast %min3A_212 : i32 to index
          %get3A_740 = arith.constant 64 : index
          %get3A_741 = tpu.vector_load %arg5[%get3A_739, %get3A_740] {strides = array<i32>} : memref<200x128xf32, #tpu.memory_space<vmem>>, vector<1x16xf32>,
          %get3A_742 = vector.shape_cast %get3A_741 : vector<1x16xf32> to vector<16xf32>
          %add3A_743 = arith.addf %get3A_738, %get3A_742 : vector<16xf32>
          %swap3A_744 = arith.index_cast %add3A_678 : i32 to index
          %swap3A_745 = arith.constant 64 : index
          %swap3A_746 = tpu.vector_load %arg6[%swap3A_744, %swap3A_745] {strides = array<i32>} : memref<200x128xf32, #tpu.memory_space<vmem>>, vector<1x16xf32>,
          %swap3A_747 = vector.shape_cast %swap3A_746 : vector<1x16xf32> to vector<16xf32>
          %swap3A_748 = vector.shape_cast %add3A_743 : vector<16xf32> to vector<1x16xf32>
          tpu.vector_store %arg6[%swap3A_744, %swap3A_745], %swap3A_748 {strides = array<i32>} : memref<200x128xf32, #tpu.memory_space<vmem>>, vector<1x16xf32>,
          %get3A_749 = arith.index_cast %add3A_678 : i32 to index
          %get3A_750 = arith.constant 80 : index
          %get3A_751 = tpu.vector_load %arg6[%get3A_749, %get3A_750] {strides = array<i32>} : memref<200x128xf32, #tpu.memory_space<vmem>>, vector<1x16xf32>,
          %get3A_752 = vector.shape_cast %get3A_751 : vector<1x16xf32> to vector<16xf32>
          %get3A_753 = arith.index_cast %min3A_212 : i32 to index
          %get3A_754 = arith.constant 80 : index
          %get3A_755 = tpu.vector_load %arg5[%get3A_753, %get3A_754] {strides = array<i32>} : memref<200x128xf32, #tpu.memory_space<vmem>>, vector<1x16xf32>,
          %get3A_756 = vector.shape_cast %get3A_755 : vector<1x16xf32> to vector<16xf32>
          %add3A_757 = arith.addf %get3A_752, %get3A_756 : vector<16xf32>
          %swap3A_758 = arith.index_cast %add3A_678 : i32 to index
          %swap3A_759 = arith.constant 80 : index
          %swap3A_760 = tpu.vector_load %arg6[%swap3A_758, %swap3A_759] {strides = array<i32>} : memref<200x128xf32, #tpu.memory_space<vmem>>, vector<1x16xf32>,
          %swap3A_761 = vector.shape_cast %swap3A_760 : vector<1x16xf32> to vector<16xf32>
          %swap3A_762 = vector.shape_cast %add3A_757 : vector<16xf32> to vector<1x16xf32>
          tpu.vector_store %arg6[%swap3A_758, %swap3A_759], %swap3A_762 {strides = array<i32>} : memref<200x128xf32, #tpu.memory_space<vmem>>, vector<1x16xf32>,
          %get3A_763 = arith.index_cast %add3A_678 : i32 to index
          %get3A_764 = arith.constant 96 : index
          %get3A_765 = tpu.vector_load %arg6[%get3A_763, %get3A_764] {strides = array<i32>} : memref<200x128xf32, #tpu.memory_space<vmem>>, vector<1x16xf32>,
          %get3A_766 = vector.shape_cast %get3A_765 : vector<1x16xf32> to vector<16xf32>
          %get3A_767 = arith.index_cast %min3A_212 : i32 to index
          %get3A_768 = arith.constant 96 : index
          %get3A_769 = tpu.vector_load %arg5[%get3A_767, %get3A_768] {strides = array<i32>} : memref<200x128xf32, #tpu.memory_space<vmem>>, vector<1x16xf32>,
          %get3A_770 = vector.shape_cast %get3A_769 : vector<1x16xf32> to vector<16xf32>
          %add3A_771 = arith.addf %get3A_766, %get3A_770 : vector<16xf32>
          %swap3A_772 = arith.index_cast %add3A_678 : i32 to index
          %swap3A_773 = arith.constant 96 : index
          %swap3A_774 = tpu.vector_load %arg6[%swap3A_772, %swap3A_773] {strides = array<i32>} : memref<200x128xf32, #tpu.memory_space<vmem>>, vector<1x16xf32>,
          %swap3A_775 = vector.shape_cast %swap3A_774 : vector<1x16xf32> to vector<16xf32>
          %swap3A_776 = vector.shape_cast %add3A_771 : vector<16xf32> to vector<1x16xf32>
          tpu.vector_store %arg6[%swap3A_772, %swap3A_773], %swap3A_776 {strides = array<i32>} : memref<200x128xf32, #tpu.memory_space<vmem>>, vector<1x16xf32>,
          %get3A_777 = arith.index_cast %add3A_678 : i32 to index
          %get3A_778 = arith.constant 112 : index
          %get3A_779 = tpu.vector_load %arg6[%get3A_777, %get3A_778] {strides = array<i32>} : memref<200x128xf32, #tpu.memory_space<vmem>>, vector<1x16xf32>,
          %get3A_780 = vector.shape_cast %get3A_779 : vector<1x16xf32> to vector<16xf32>
          %get3A_781 = arith.index_cast %min3A_212 : i32 to index
          %get3A_782 = arith.constant 112 : index
          %get3A_783 = tpu.vector_load %arg5[%get3A_781, %get3A_782] {strides = array<i32>} : memref<200x128xf32, #tpu.memory_space<vmem>>, vector<1x16xf32>,
          %get3A_784 = vector.shape_cast %get3A_783 : vector<1x16xf32> to vector<16xf32>
          %add3A_785 = arith.addf %get3A_780, %get3A_784 : vector<16xf32>
          %swap3A_786 = arith.index_cast %add3A_678 : i32 to index
          %swap3A_787 = arith.constant 112 : index
          %swap3A_788 = tpu.vector_load %arg6[%swap3A_786, %swap3A_787] {strides = array<i32>} : memref<200x128xf32, #tpu.memory_space<vmem>>, vector<1x16xf32>,
          %swap3A_789 = vector.shape_cast %swap3A_788 : vector<1x16xf32> to vector<16xf32>
          %swap3A_790 = vector.shape_cast %add3A_785 : vector<16xf32> to vector<1x16xf32>
          tpu.vector_store %arg6[%swap3A_786, %swap3A_787], %swap3A_790 {strides = array<i32>} : memref<200x128xf32, #tpu.memory_space<vmem>>, vector<1x16xf32>,
          %mul3A_791 = arith.constant 10 : i32
          %mul3A_792 = arith.muli %scan3A_206, %mul3A_791 : i32
          %add3A_793 = arith.constant 5 : i32
          %add3A_794 = arith.addi %mul3A_792, %add3A_793 : i32
          %get3A_795 = arith.index_cast %add3A_794 : i32 to index
          %get3A_796 = arith.constant 0 : index
          %get3A_797 = tpu.vector_load %arg6[%get3A_795, %get3A_796] {strides = array<i32>} : memref<200x128xf32, #tpu.memory_space<vmem>>, vector<1x16xf32>,
          %get3A_798 = vector.shape_cast %get3A_797 : vector<1x16xf32> to vector<16xf32>
          %get3A_799 = arith.index_cast %min3A_212 : i32 to index
          %get3A_800 = arith.constant 0 : index
          %get3A_801 = tpu.vector_load %arg5[%get3A_799, %get3A_800] {strides = array<i32>} : memref<200x128xf32, #tpu.memory_space<vmem>>, vector<1x16xf32>,
          %get3A_802 = vector.shape_cast %get3A_801 : vector<1x16xf32> to vector<16xf32>
          %add3A_803 = arith.addf %get3A_798, %get3A_802 : vector<16xf32>
          %swap3A_804 = arith.index_cast %add3A_794 : i32 to index
          %swap3A_805 = arith.constant 0 : index
          %swap3A_806 = tpu.vector_load %arg6[%swap3A_804, %swap3A_805] {strides = array<i32>} : memref<200x128xf32, #tpu.memory_space<vmem>>, vector<1x16xf32>,
          %swap3A_807 = vector.shape_cast %swap3A_806 : vector<1x16xf32> to vector<16xf32>
          %swap3A_808 = vector.shape_cast %add3A_803 : vector<16xf32> to vector<1x16xf32>
          tpu.vector_store %arg6[%swap3A_804, %swap3A_805], %swap3A_808 {strides = array<i32>} : memref<200x128xf32, #tpu.memory_space<vmem>>, vector<1x16xf32>,
          %get3A_809 = arith.index_cast %add3A_794 : i32 to index
          %get3A_810 = arith.constant 16 : index
          %get3A_811 = tpu.vector_load %arg6[%get3A_809, %get3A_810] {strides = array<i32>} : memref<200x128xf32, #tpu.memory_space<vmem>>, vector<1x16xf32>,
          %get3A_812 = vector.shape_cast %get3A_811 : vector<1x16xf32> to vector<16xf32>
          %get3A_813 = arith.index_cast %min3A_212 : i32 to index
          %get3A_814 = arith.constant 16 : index
          %get3A_815 = tpu.vector_load %arg5[%get3A_813, %get3A_814] {strides = array<i32>} : memref<200x128xf32, #tpu.memory_space<vmem>>, vector<1x16xf32>,
          %get3A_816 = vector.shape_cast %get3A_815 : vector<1x16xf32> to vector<16xf32>
          %add3A_817 = arith.addf %get3A_812, %get3A_816 : vector<16xf32>
          %swap3A_818 = arith.index_cast %add3A_794 : i32 to index
          %swap3A_819 = arith.constant 16 : index
          %swap3A_820 = tpu.vector_load %arg6[%swap3A_818, %swap3A_819] {strides = array<i32>} : memref<200x128xf32, #tpu.memory_space<vmem>>, vector<1x16xf32>,
          %swap3A_821 = vector.shape_cast %swap3A_820 : vector<1x16xf32> to vector<16xf32>
          %swap3A_822 = vector.shape_cast %add3A_817 : vector<16xf32> to vector<1x16xf32>
          tpu.vector_store %arg6[%swap3A_818, %swap3A_819], %swap3A_822 {strides = array<i32>} : memref<200x128xf32, #tpu.memory_space<vmem>>, vector<1x16xf32>,
          %get3A_823 = arith.index_cast %add3A_794 : i32 to index
          %get3A_824 = arith.constant 32 : index
          %get3A_825 = tpu.vector_load %arg6[%get3A_823, %get3A_824] {strides = array<i32>} : memref<200x128xf32, #tpu.memory_space<vmem>>, vector<1x16xf32>,
          %get3A_826 = vector.shape_cast %get3A_825 : vector<1x16xf32> to vector<16xf32>
          %get3A_827 = arith.index_cast %min3A_212 : i32 to index
          %get3A_828 = arith.constant 32 : index
          %get3A_829 = tpu.vector_load %arg5[%get3A_827, %get3A_828] {strides = array<i32>} : memref<200x128xf32, #tpu.memory_space<vmem>>, vector<1x16xf32>,
          %get3A_830 = vector.shape_cast %get3A_829 : vector<1x16xf32> to vector<16xf32>
          %add3A_831 = arith.addf %get3A_826, %get3A_830 : vector<16xf32>
          %swap3A_832 = arith.index_cast %add3A_794 : i32 to index
          %swap3A_833 = arith.constant 32 : index
          %swap3A_834 = tpu.vector_load %arg6[%swap3A_832, %swap3A_833] {strides = array<i32>} : memref<200x128xf32, #tpu.memory_space<vmem>>, vector<1x16xf32>,
          %swap3A_835 = vector.shape_cast %swap3A_834 : vector<1x16xf32> to vector<16xf32>
          %swap3A_836 = vector.shape_cast %add3A_831 : vector<16xf32> to vector<1x16xf32>
          tpu.vector_store %arg6[%swap3A_832, %swap3A_833], %swap3A_836 {strides = array<i32>} : memref<200x128xf32, #tpu.memory_space<vmem>>, vector<1x16xf32>,
          %get3A_837 = arith.index_cast %add3A_794 : i32 to index
          %get3A_838 = arith.constant 48 : index
          %get3A_839 = tpu.vector_load %arg6[%get3A_837, %get3A_838] {strides = array<i32>} : memref<200x128xf32, #tpu.memory_space<vmem>>, vector<1x16xf32>,
          %get3A_840 = vector.shape_cast %get3A_839 : vector<1x16xf32> to vector<16xf32>
          %get3A_841 = arith.index_cast %min3A_212 : i32 to index
          %get3A_842 = arith.constant 48 : index
          %get3A_843 = tpu.vector_load %arg5[%get3A_841, %get3A_842] {strides = array<i32>} : memref<200x128xf32, #tpu.memory_space<vmem>>, vector<1x16xf32>,
          %get3A_844 = vector.shape_cast %get3A_843 : vector<1x16xf32> to vector<16xf32>
          %add3A_845 = arith.addf %get3A_840, %get3A_844 : vector<16xf32>
          %swap3A_846 = arith.index_cast %add3A_794 : i32 to index
          %swap3A_847 = arith.constant 48 : index
          %swap3A_848 = tpu.vector_load %arg6[%swap3A_846, %swap3A_847] {strides = array<i32>} : memref<200x128xf32, #tpu.memory_space<vmem>>, vector<1x16xf32>,
          %swap3A_849 = vector.shape_cast %swap3A_848 : vector<1x16xf32> to vector<16xf32>
          %swap3A_850 = vector.shape_cast %add3A_845 : vector<16xf32> to vector<1x16xf32>
          tpu.vector_store %arg6[%swap3A_846, %swap3A_847], %swap3A_850 {strides = array<i32>} : memref<200x128xf32, #tpu.memory_space<vmem>>, vector<1x16xf32>,
          %get3A_851 = arith.index_cast %add3A_794 : i32 to index
          %get3A_852 = arith.constant 64 : index
          %get3A_853 = tpu.vector_load %arg6[%get3A_851, %get3A_852] {strides = array<i32>} : memref<200x128xf32, #tpu.memory_space<vmem>>, vector<1x16xf32>,
          %get3A_854 = vector.shape_cast %get3A_853 : vector<1x16xf32> to vector<16xf32>
          %get3A_855 = arith.index_cast %min3A_212 : i32 to index
          %get3A_856 = arith.constant 64 : index
          %get3A_857 = tpu.vector_load %arg5[%get3A_855, %get3A_856] {strides = array<i32>} : memref<200x128xf32, #tpu.memory_space<vmem>>, vector<1x16xf32>,
          %get3A_858 = vector.shape_cast %get3A_857 : vector<1x16xf32> to vector<16xf32>
          %add3A_859 = arith.addf %get3A_854, %get3A_858 : vector<16xf32>
          %swap3A_860 = arith.index_cast %add3A_794 : i32 to index
          %swap3A_861 = arith.constant 64 : index
          %swap3A_862 = tpu.vector_load %arg6[%swap3A_860, %swap3A_861] {strides = array<i32>} : memref<200x128xf32, #tpu.memory_space<vmem>>, vector<1x16xf32>,
          %swap3A_863 = vector.shape_cast %swap3A_862 : vector<1x16xf32> to vector<16xf32>
          %swap3A_864 = vector.shape_cast %add3A_859 : vector<16xf32> to vector<1x16xf32>
          tpu.vector_store %arg6[%swap3A_860, %swap3A_861], %swap3A_864 {strides = array<i32>} : memref<200x128xf32, #tpu.memory_space<vmem>>, vector<1x16xf32>,
          %get3A_865 = arith.index_cast %add3A_794 : i32 to index
          %get3A_866 = arith.constant 80 : index
          %get3A_867 = tpu.vector_load %arg6[%get3A_865, %get3A_866] {strides = array<i32>} : memref<200x128xf32, #tpu.memory_space<vmem>>, vector<1x16xf32>,
          %get3A_868 = vector.shape_cast %get3A_867 : vector<1x16xf32> to vector<16xf32>
          %get3A_869 = arith.index_cast %min3A_212 : i32 to index
          %get3A_870 = arith.constant 80 : index
          %get3A_871 = tpu.vector_load %arg5[%get3A_869, %get3A_870] {strides = array<i32>} : memref<200x128xf32, #tpu.memory_space<vmem>>, vector<1x16xf32>,
          %get3A_872 = vector.shape_cast %get3A_871 : vector<1x16xf32> to vector<16xf32>
          %add3A_873 = arith.addf %get3A_868, %get3A_872 : vector<16xf32>
          %swap3A_874 = arith.index_cast %add3A_794 : i32 to index
          %swap3A_875 = arith.constant 80 : index
          %swap3A_876 = tpu.vector_load %arg6[%swap3A_874, %swap3A_875] {strides = array<i32>} : memref<200x128xf32, #tpu.memory_space<vmem>>, vector<1x16xf32>,
          %swap3A_877 = vector.shape_cast %swap3A_876 : vector<1x16xf32> to vector<16xf32>
          %swap3A_878 = vector.shape_cast %add3A_873 : vector<16xf32> to vector<1x16xf32>
          tpu.vector_store %arg6[%swap3A_874, %swap3A_875], %swap3A_878 {strides = array<i32>} : memref<200x128xf32, #tpu.memory_space<vmem>>, vector<1x16xf32>,
          %get3A_879 = arith.index_cast %add3A_794 : i32 to index
          %get3A_880 = arith.constant 96 : index
          %get3A_881 = tpu.vector_load %arg6[%get3A_879, %get3A_880] {strides = array<i32>} : memref<200x128xf32, #tpu.memory_space<vmem>>, vector<1x16xf32>,
          %get3A_882 = vector.shape_cast %get3A_881 : vector<1x16xf32> to vector<16xf32>
          %get3A_883 = arith.index_cast %min3A_212 : i32 to index
          %get3A_884 = arith.constant 96 : index
          %get3A_885 = tpu.vector_load %arg5[%get3A_883, %get3A_884] {strides = array<i32>} : memref<200x128xf32, #tpu.memory_space<vmem>>, vector<1x16xf32>,
          %get3A_886 = vector.shape_cast %get3A_885 : vector<1x16xf32> to vector<16xf32>
          %add3A_887 = arith.addf %get3A_882, %get3A_886 : vector<16xf32>
          %swap3A_888 = arith.index_cast %add3A_794 : i32 to index
          %swap3A_889 = arith.constant 96 : index
          %swap3A_890 = tpu.vector_load %arg6[%swap3A_888, %swap3A_889] {strides = array<i32>} : memref<200x128xf32, #tpu.memory_space<vmem>>, vector<1x16xf32>,
          %swap3A_891 = vector.shape_cast %swap3A_890 : vector<1x16xf32> to vector<16xf32>
          %swap3A_892 = vector.shape_cast %add3A_887 : vector<16xf32> to vector<1x16xf32>
          tpu.vector_store %arg6[%swap3A_888, %swap3A_889], %swap3A_892 {strides = array<i32>} : memref<200x128xf32, #tpu.memory_space<vmem>>, vector<1x16xf32>,
          %get3A_893 = arith.index_cast %add3A_794 : i32 to index
          %get3A_894 = arith.constant 112 : index
          %get3A_895 = tpu.vector_load %arg6[%get3A_893, %get3A_894] {strides = array<i32>} : memref<200x128xf32, #tpu.memory_space<vmem>>, vector<1x16xf32>,
          %get3A_896 = vector.shape_cast %get3A_895 : vector<1x16xf32> to vector<16xf32>
          %get3A_897 = arith.index_cast %min3A_212 : i32 to index
          %get3A_898 = arith.constant 112 : index
          %get3A_899 = tpu.vector_load %arg5[%get3A_897, %get3A_898] {strides = array<i32>} : memref<200x128xf32, #tpu.memory_space<vmem>>, vector<1x16xf32>,
          %get3A_900 = vector.shape_cast %get3A_899 : vector<1x16xf32> to vector<16xf32>
          %add3A_901 = arith.addf %get3A_896, %get3A_900 : vector<16xf32>
          %swap3A_902 = arith.index_cast %add3A_794 : i32 to index
          %swap3A_903 = arith.constant 112 : index
          %swap3A_904 = tpu.vector_load %arg6[%swap3A_902, %swap3A_903] {strides = array<i32>} : memref<200x128xf32, #tpu.memory_space<vmem>>, vector<1x16xf32>,
          %swap3A_905 = vector.shape_cast %swap3A_904 : vector<1x16xf32> to vector<16xf32>
          %swap3A_906 = vector.shape_cast %add3A_901 : vector<16xf32> to vector<1x16xf32>
          tpu.vector_store %arg6[%swap3A_902, %swap3A_903], %swap3A_906 {strides = array<i32>} : memref<200x128xf32, #tpu.memory_space<vmem>>, vector<1x16xf32>,
          %mul3A_907 = arith.constant 10 : i32
          %mul3A_908 = arith.muli %scan3A_206, %mul3A_907 : i32
          %add3A_909 = arith.constant 6 : i32
          %add3A_910 = arith.addi %mul3A_908, %add3A_909 : i32
          %get3A_911 = arith.index_cast %add3A_910 : i32 to index
          %get3A_912 = arith.constant 0 : index
          %get3A_913 = tpu.vector_load %arg6[%get3A_911, %get3A_912] {strides = array<i32>} : memref<200x128xf32, #tpu.memory_space<vmem>>, vector<1x16xf32>,
          %get3A_914 = vector.shape_cast %get3A_913 : vector<1x16xf32> to vector<16xf32>
          %get3A_915 = arith.index_cast %min3A_212 : i32 to index
          %get3A_916 = arith.constant 0 : index
          %get3A_917 = tpu.vector_load %arg5[%get3A_915, %get3A_916] {strides = array<i32>} : memref<200x128xf32, #tpu.memory_space<vmem>>, vector<1x16xf32>,
          %get3A_918 = vector.shape_cast %get3A_917 : vector<1x16xf32> to vector<16xf32>
          %add3A_919 = arith.addf %get3A_914, %get3A_918 : vector<16xf32>
          %swap3A_920 = arith.index_cast %add3A_910 : i32 to index
          %swap3A_921 = arith.constant 0 : index
          %swap3A_922 = tpu.vector_load %arg6[%swap3A_920, %swap3A_921] {strides = array<i32>} : memref<200x128xf32, #tpu.memory_space<vmem>>, vector<1x16xf32>,
          %swap3A_923 = vector.shape_cast %swap3A_922 : vector<1x16xf32> to vector<16xf32>
          %swap3A_924 = vector.shape_cast %add3A_919 : vector<16xf32> to vector<1x16xf32>
          tpu.vector_store %arg6[%swap3A_920, %swap3A_921], %swap3A_924 {strides = array<i32>} : memref<200x128xf32, #tpu.memory_space<vmem>>, vector<1x16xf32>,
          %get3A_925 = arith.index_cast %add3A_910 : i32 to index
          %get3A_926 = arith.constant 16 : index
          %get3A_927 = tpu.vector_load %arg6[%get3A_925, %get3A_926] {strides = array<i32>} : memref<200x128xf32, #tpu.memory_space<vmem>>, vector<1x16xf32>,
          %get3A_928 = vector.shape_cast %get3A_927 : vector<1x16xf32> to vector<16xf32>
          %get3A_929 = arith.index_cast %min3A_212 : i32 to index
          %get3A_930 = arith.constant 16 : index
          %get3A_931 = tpu.vector_load %arg5[%get3A_929, %get3A_930] {strides = array<i32>} : memref<200x128xf32, #tpu.memory_space<vmem>>, vector<1x16xf32>,
          %get3A_932 = vector.shape_cast %get3A_931 : vector<1x16xf32> to vector<16xf32>
          %add3A_933 = arith.addf %get3A_928, %get3A_932 : vector<16xf32>
          %swap3A_934 = arith.index_cast %add3A_910 : i32 to index
          %swap3A_935 = arith.constant 16 : index
          %swap3A_936 = tpu.vector_load %arg6[%swap3A_934, %swap3A_935] {strides = array<i32>} : memref<200x128xf32, #tpu.memory_space<vmem>>, vector<1x16xf32>,
          %swap3A_937 = vector.shape_cast %swap3A_936 : vector<1x16xf32> to vector<16xf32>
          %swap3A_938 = vector.shape_cast %add3A_933 : vector<16xf32> to vector<1x16xf32>
          tpu.vector_store %arg6[%swap3A_934, %swap3A_935], %swap3A_938 {strides = array<i32>} : memref<200x128xf32, #tpu.memory_space<vmem>>, vector<1x16xf32>,
          %get3A_939 = arith.index_cast %add3A_910 : i32 to index
          %get3A_940 = arith.constant 32 : index
          %get3A_941 = tpu.vector_load %arg6[%get3A_939, %get3A_940] {strides = array<i32>} : memref<200x128xf32, #tpu.memory_space<vmem>>, vector<1x16xf32>,
          %get3A_942 = vector.shape_cast %get3A_941 : vector<1x16xf32> to vector<16xf32>
          %get3A_943 = arith.index_cast %min3A_212 : i32 to index
          %get3A_944 = arith.constant 32 : index
          %get3A_945 = tpu.vector_load %arg5[%get3A_943, %get3A_944] {strides = array<i32>} : memref<200x128xf32, #tpu.memory_space<vmem>>, vector<1x16xf32>,
          %get3A_946 = vector.shape_cast %get3A_945 : vector<1x16xf32> to vector<16xf32>
          %add3A_947 = arith.addf %get3A_942, %get3A_946 : vector<16xf32>
          %swap3A_948 = arith.index_cast %add3A_910 : i32 to index
          %swap3A_949 = arith.constant 32 : index
          %swap3A_950 = tpu.vector_load %arg6[%swap3A_948, %swap3A_949] {strides = array<i32>} : memref<200x128xf32, #tpu.memory_space<vmem>>, vector<1x16xf32>,
          %swap3A_951 = vector.shape_cast %swap3A_950 : vector<1x16xf32> to vector<16xf32>
          %swap3A_952 = vector.shape_cast %add3A_947 : vector<16xf32> to vector<1x16xf32>
          tpu.vector_store %arg6[%swap3A_948, %swap3A_949], %swap3A_952 {strides = array<i32>} : memref<200x128xf32, #tpu.memory_space<vmem>>, vector<1x16xf32>,
          %get3A_953 = arith.index_cast %add3A_910 : i32 to index
          %get3A_954 = arith.constant 48 : index
          %get3A_955 = tpu.vector_load %arg6[%get3A_953, %get3A_954] {strides = array<i32>} : memref<200x128xf32, #tpu.memory_space<vmem>>, vector<1x16xf32>,
          %get3A_956 = vector.shape_cast %get3A_955 : vector<1x16xf32> to vector<16xf32>
          %get3A_957 = arith.index_cast %min3A_212 : i32 to index
          %get3A_958 = arith.constant 48 : index
          %get3A_959 = tpu.vector_load %arg5[%get3A_957, %get3A_958] {strides = array<i32>} : memref<200x128xf32, #tpu.memory_space<vmem>>, vector<1x16xf32>,
          %get3A_960 = vector.shape_cast %get3A_959 : vector<1x16xf32> to vector<16xf32>
          %add3A_961 = arith.addf %get3A_956, %get3A_960 : vector<16xf32>
          %swap3A_962 = arith.index_cast %add3A_910 : i32 to index
          %swap3A_963 = arith.constant 48 : index
          %swap3A_964 = tpu.vector_load %arg6[%swap3A_962, %swap3A_963] {strides = array<i32>} : memref<200x128xf32, #tpu.memory_space<vmem>>, vector<1x16xf32>,
          %swap3A_965 = vector.shape_cast %swap3A_964 : vector<1x16xf32> to vector<16xf32>
          %swap3A_966 = vector.shape_cast %add3A_961 : vector<16xf32> to vector<1x16xf32>
          tpu.vector_store %arg6[%swap3A_962, %swap3A_963], %swap3A_966 {strides = array<i32>} : memref<200x128xf32, #tpu.memory_space<vmem>>, vector<1x16xf32>,
          %get3A_967 = arith.index_cast %add3A_910 : i32 to index
          %get3A_968 = arith.constant 64 : index
          %get3A_969 = tpu.vector_load %arg6[%get3A_967, %get3A_968] {strides = array<i32>} : memref<200x128xf32, #tpu.memory_space<vmem>>, vector<1x16xf32>,
          %get3A_970 = vector.shape_cast %get3A_969 : vector<1x16xf32> to vector<16xf32>
          %get3A_971 = arith.index_cast %min3A_212 : i32 to index
          %get3A_972 = arith.constant 64 : index
          %get3A_973 = tpu.vector_load %arg5[%get3A_971, %get3A_972] {strides = array<i32>} : memref<200x128xf32, #tpu.memory_space<vmem>>, vector<1x16xf32>,
          %get3A_974 = vector.shape_cast %get3A_973 : vector<1x16xf32> to vector<16xf32>
          %add3A_975 = arith.addf %get3A_970, %get3A_974 : vector<16xf32>
          %swap3A_976 = arith.index_cast %add3A_910 : i32 to index
          %swap3A_977 = arith.constant 64 : index
          %swap3A_978 = tpu.vector_load %arg6[%swap3A_976, %swap3A_977] {strides = array<i32>} : memref<200x128xf32, #tpu.memory_space<vmem>>, vector<1x16xf32>,
          %swap3A_979 = vector.shape_cast %swap3A_978 : vector<1x16xf32> to vector<16xf32>
          %swap3A_980 = vector.shape_cast %add3A_975 : vector<16xf32> to vector<1x16xf32>
          tpu.vector_store %arg6[%swap3A_976, %swap3A_977], %swap3A_980 {strides = array<i32>} : memref<200x128xf32, #tpu.memory_space<vmem>>, vector<1x16xf32>,
          %get3A_981 = arith.index_cast %add3A_910 : i32 to index
          %get3A_982 = arith.constant 80 : index
          %get3A_983 = tpu.vector_load %arg6[%get3A_981, %get3A_982] {strides = array<i32>} : memref<200x128xf32, #tpu.memory_space<vmem>>, vector<1x16xf32>,
          %get3A_984 = vector.shape_cast %get3A_983 : vector<1x16xf32> to vector<16xf32>
          %get3A_985 = arith.index_cast %min3A_212 : i32 to index
          %get3A_986 = arith.constant 80 : index
          %get3A_987 = tpu.vector_load %arg5[%get3A_985, %get3A_986] {strides = array<i32>} : memref<200x128xf32, #tpu.memory_space<vmem>>, vector<1x16xf32>,
          %get3A_988 = vector.shape_cast %get3A_987 : vector<1x16xf32> to vector<16xf32>
          %add3A_989 = arith.addf %get3A_984, %get3A_988 : vector<16xf32>
          %swap3A_990 = arith.index_cast %add3A_910 : i32 to index
          %swap3A_991 = arith.constant 80 : index
          %swap3A_992 = tpu.vector_load %arg6[%swap3A_990, %swap3A_991] {strides = array<i32>} : memref<200x128xf32, #tpu.memory_space<vmem>>, vector<1x16xf32>,
          %swap3A_993 = vector.shape_cast %swap3A_992 : vector<1x16xf32> to vector<16xf32>
          %swap3A_994 = vector.shape_cast %add3A_989 : vector<16xf32> to vector<1x16xf32>
          tpu.vector_store %arg6[%swap3A_990, %swap3A_991], %swap3A_994 {strides = array<i32>} : memref<200x128xf32, #tpu.memory_space<vmem>>, vector<1x16xf32>,
          %get3A_995 = arith.index_cast %add3A_910 : i32 to index
          %get3A_996 = arith.constant 96 : index
          %get3A_997 = tpu.vector_load %arg6[%get3A_995, %get3A_996] {strides = array<i32>} : memref<200x128xf32, #tpu.memory_space<vmem>>, vector<1x16xf32>,
          %get3A_998 = vector.shape_cast %get3A_997 : vector<1x16xf32> to vector<16xf32>
          %get3A_999 = arith.index_cast %min3A_212 : i32 to index
          %get3A_1000 = arith.constant 96 : index
          %get3A_1001 = tpu.vector_load %arg5[%get3A_999, %get3A_1000] {strides = array<i32>} : memref<200x128xf32, #tpu.memory_space<vmem>>, vector<1x16xf32>,
          %get3A_1002 = vector.shape_cast %get3A_1001 : vector<1x16xf32> to vector<16xf32>
          %add3A_1003 = arith.addf %get3A_998, %get3A_1002 : vector<16xf32>
          %swap3A_1004 = arith.index_cast %add3A_910 : i32 to index
          %swap3A_1005 = arith.constant 96 : index
          %swap3A_1006 = tpu.vector_load %arg6[%swap3A_1004, %swap3A_1005] {strides = array<i32>} : memref<200x128xf32, #tpu.memory_space<vmem>>, vector<1x16xf32>,
          %swap3A_1007 = vector.shape_cast %swap3A_1006 : vector<1x16xf32> to vector<16xf32>
          %swap3A_1008 = vector.shape_cast %add3A_1003 : vector<16xf32> to vector<1x16xf32>
          tpu.vector_store %arg6[%swap3A_1004, %swap3A_1005], %swap3A_1008 {strides = array<i32>} : memref<200x128xf32, #tpu.memory_space<vmem>>, vector<1x16xf32>,
          %get3A_1009 = arith.index_cast %add3A_910 : i32 to index
          %get3A_1010 = arith.constant 112 : index
          %get3A_1011 = tpu.vector_load %arg6[%get3A_1009, %get3A_1010] {strides = array<i32>} : memref<200x128xf32, #tpu.memory_space<vmem>>, vector<1x16xf32>,
          %get3A_1012 = vector.shape_cast %get3A_1011 : vector<1x16xf32> to vector<16xf32>
          %get3A_1013 = arith.index_cast %min3A_212 : i32 to index
          %get3A_1014 = arith.constant 112 : index
          %get3A_1015 = tpu.vector_load %arg5[%get3A_1013, %get3A_1014] {strides = array<i32>} : memref<200x128xf32, #tpu.memory_space<vmem>>, vector<1x16xf32>,
          %get3A_1016 = vector.shape_cast %get3A_1015 : vector<1x16xf32> to vector<16xf32>
          %add3A_1017 = arith.addf %get3A_1012, %get3A_1016 : vector<16xf32>
          %swap3A_1018 = arith.index_cast %add3A_910 : i32 to index
          %swap3A_1019 = arith.constant 112 : index
          %swap3A_1020 = tpu.vector_load %arg6[%swap3A_1018, %swap3A_1019] {strides = array<i32>} : memref<200x128xf32, #tpu.memory_space<vmem>>, vector<1x16xf32>,
          %swap3A_1021 = vector.shape_cast %swap3A_1020 : vector<1x16xf32> to vector<16xf32>
          %swap3A_1022 = vector.shape_cast %add3A_1017 : vector<16xf32> to vector<1x16xf32>
          tpu.vector_store %arg6[%swap3A_1018, %swap3A_1019], %swap3A_1022 {strides = array<i32>} : memref<200x128xf32, #tpu.memory_space<vmem>>, vector<1x16xf32>,
          %mul3A_1023 = arith.constant 10 : i32
          %mul3A_1024 = arith.muli %scan3A_206, %mul3A_1023 : i32
          %add3A_1025 = arith.constant 7 : i32
          %add3A_1026 = arith.addi %mul3A_1024, %add3A_1025 : i32
          %get3A_1027 = arith.index_cast %add3A_1026 : i32 to index
          %get3A_1028 = arith.constant 0 : index
          %get3A_1029 = tpu.vector_load %arg6[%get3A_1027, %get3A_1028] {strides = array<i32>} : memref<200x128xf32, #tpu.memory_space<vmem>>, vector<1x16xf32>,
          %get3A_1030 = vector.shape_cast %get3A_1029 : vector<1x16xf32> to vector<16xf32>
          %get3A_1031 = arith.index_cast %min3A_212 : i32 to index
          %get3A_1032 = arith.constant 0 : index
          %get3A_1033 = tpu.vector_load %arg5[%get3A_1031, %get3A_1032] {strides = array<i32>} : memref<200x128xf32, #tpu.memory_space<vmem>>, vector<1x16xf32>,
          %get3A_1034 = vector.shape_cast %get3A_1033 : vector<1x16xf32> to vector<16xf32>
          %add3A_1035 = arith.addf %get3A_1030, %get3A_1034 : vector<16xf32>
          %swap3A_1036 = arith.index_cast %add3A_1026 : i32 to index
          %swap3A_1037 = arith.constant 0 : index
          %swap3A_1038 = tpu.vector_load %arg6[%swap3A_1036, %swap3A_1037] {strides = array<i32>} : memref<200x128xf32, #tpu.memory_space<vmem>>, vector<1x16xf32>,
          %swap3A_1039 = vector.shape_cast %swap3A_1038 : vector<1x16xf32> to vector<16xf32>
          %swap3A_1040 = vector.shape_cast %add3A_1035 : vector<16xf32> to vector<1x16xf32>
          tpu.vector_store %arg6[%swap3A_1036, %swap3A_1037], %swap3A_1040 {strides = array<i32>} : memref<200x128xf32, #tpu.memory_space<vmem>>, vector<1x16xf32>,
          %get3A_1041 = arith.index_cast %add3A_1026 : i32 to index
          %get3A_1042 = arith.constant 16 : index
          %get3A_1043 = tpu.vector_load %arg6[%get3A_1041, %get3A_1042] {strides = array<i32>} : memref<200x128xf32, #tpu.memory_space<vmem>>, vector<1x16xf32>,
          %get3A_1044 = vector.shape_cast %get3A_1043 : vector<1x16xf32> to vector<16xf32>
          %get3A_1045 = arith.index_cast %min3A_212 : i32 to index
          %get3A_1046 = arith.constant 16 : index
          %get3A_1047 = tpu.vector_load %arg5[%get3A_1045, %get3A_1046] {strides = array<i32>} : memref<200x128xf32, #tpu.memory_space<vmem>>, vector<1x16xf32>,
          %get3A_1048 = vector.shape_cast %get3A_1047 : vector<1x16xf32> to vector<16xf32>
          %add3A_1049 = arith.addf %get3A_1044, %get3A_1048 : vector<16xf32>
          %swap3A_1050 = arith.index_cast %add3A_1026 : i32 to index
          %swap3A_1051 = arith.constant 16 : index
          %swap3A_1052 = tpu.vector_load %arg6[%swap3A_1050, %swap3A_1051] {strides = array<i32>} : memref<200x128xf32, #tpu.memory_space<vmem>>, vector<1x16xf32>,
          %swap3A_1053 = vector.shape_cast %swap3A_1052 : vector<1x16xf32> to vector<16xf32>
          %swap3A_1054 = vector.shape_cast %add3A_1049 : vector<16xf32> to vector<1x16xf32>
          tpu.vector_store %arg6[%swap3A_1050, %swap3A_1051], %swap3A_1054 {strides = array<i32>} : memref<200x128xf32, #tpu.memory_space<vmem>>, vector<1x16xf32>,
          %get3A_1055 = arith.index_cast %add3A_1026 : i32 to index
          %get3A_1056 = arith.constant 32 : index
          %get3A_1057 = tpu.vector_load %arg6[%get3A_1055, %get3A_1056] {strides = array<i32>} : memref<200x128xf32, #tpu.memory_space<vmem>>, vector<1x16xf32>,
          %get3A_1058 = vector.shape_cast %get3A_1057 : vector<1x16xf32> to vector<16xf32>
          %get3A_1059 = arith.index_cast %min3A_212 : i32 to index
          %get3A_1060 = arith.constant 32 : index
          %get3A_1061 = tpu.vector_load %arg5[%get3A_1059, %get3A_1060] {strides = array<i32>} : memref<200x128xf32, #tpu.memory_space<vmem>>, vector<1x16xf32>,
          %get3A_1062 = vector.shape_cast %get3A_1061 : vector<1x16xf32> to vector<16xf32>
          %add3A_1063 = arith.addf %get3A_1058, %get3A_1062 : vector<16xf32>
          %swap3A_1064 = arith.index_cast %add3A_1026 : i32 to index
          %swap3A_1065 = arith.constant 32 : index
          %swap3A_1066 = tpu.vector_load %arg6[%swap3A_1064, %swap3A_1065] {strides = array<i32>} : memref<200x128xf32, #tpu.memory_space<vmem>>, vector<1x16xf32>,
          %swap3A_1067 = vector.shape_cast %swap3A_1066 : vector<1x16xf32> to vector<16xf32>
          %swap3A_1068 = vector.shape_cast %add3A_1063 : vector<16xf32> to vector<1x16xf32>
          tpu.vector_store %arg6[%swap3A_1064, %swap3A_1065], %swap3A_1068 {strides = array<i32>} : memref<200x128xf32, #tpu.memory_space<vmem>>, vector<1x16xf32>,
          %get3A_1069 = arith.index_cast %add3A_1026 : i32 to index
          %get3A_1070 = arith.constant 48 : index
          %get3A_1071 = tpu.vector_load %arg6[%get3A_1069, %get3A_1070] {strides = array<i32>} : memref<200x128xf32, #tpu.memory_space<vmem>>, vector<1x16xf32>,
          %get3A_1072 = vector.shape_cast %get3A_1071 : vector<1x16xf32> to vector<16xf32>
          %get3A_1073 = arith.index_cast %min3A_212 : i32 to index
          %get3A_1074 = arith.constant 48 : index
          %get3A_1075 = tpu.vector_load %arg5[%get3A_1073, %get3A_1074] {strides = array<i32>} : memref<200x128xf32, #tpu.memory_space<vmem>>, vector<1x16xf32>,
          %get3A_1076 = vector.shape_cast %get3A_1075 : vector<1x16xf32> to vector<16xf32>
          %add3A_1077 = arith.addf %get3A_1072, %get3A_1076 : vector<16xf32>
          %swap3A_1078 = arith.index_cast %add3A_1026 : i32 to index
          %swap3A_1079 = arith.constant 48 : index
          %swap3A_1080 = tpu.vector_load %arg6[%swap3A_1078, %swap3A_1079] {strides = array<i32>} : memref<200x128xf32, #tpu.memory_space<vmem>>, vector<1x16xf32>,
          %swap3A_1081 = vector.shape_cast %swap3A_1080 : vector<1x16xf32> to vector<16xf32>
          %swap3A_1082 = vector.shape_cast %add3A_1077 : vector<16xf32> to vector<1x16xf32>
          tpu.vector_store %arg6[%swap3A_1078, %swap3A_1079], %swap3A_1082 {strides = array<i32>} : memref<200x128xf32, #tpu.memory_space<vmem>>, vector<1x16xf32>,
          %get3A_1083 = arith.index_cast %add3A_1026 : i32 to index
          %get3A_1084 = arith.constant 64 : index
          %get3A_1085 = tpu.vector_load %arg6[%get3A_1083, %get3A_1084] {strides = array<i32>} : memref<200x128xf32, #tpu.memory_space<vmem>>, vector<1x16xf32>,
          %get3A_1086 = vector.shape_cast %get3A_1085 : vector<1x16xf32> to vector<16xf32>
          %get3A_1087 = arith.index_cast %min3A_212 : i32 to index
          %get3A_1088 = arith.constant 64 : index
          %get3A_1089 = tpu.vector_load %arg5[%get3A_1087, %get3A_1088] {strides = array<i32>} : memref<200x128xf32, #tpu.memory_space<vmem>>, vector<1x16xf32>,
          %get3A_1090 = vector.shape_cast %get3A_1089 : vector<1x16xf32> to vector<16xf32>
          %add3A_1091 = arith.addf %get3A_1086, %get3A_1090 : vector<16xf32>
          %swap3A_1092 = arith.index_cast %add3A_1026 : i32 to index
          %swap3A_1093 = arith.constant 64 : index
          %swap3A_1094 = tpu.vector_load %arg6[%swap3A_1092, %swap3A_1093] {strides = array<i32>} : memref<200x128xf32, #tpu.memory_space<vmem>>, vector<1x16xf32>,
          %swap3A_1095 = vector.shape_cast %swap3A_1094 : vector<1x16xf32> to vector<16xf32>
          %swap3A_1096 = vector.shape_cast %add3A_1091 : vector<16xf32> to vector<1x16xf32>
          tpu.vector_store %arg6[%swap3A_1092, %swap3A_1093], %swap3A_1096 {strides = array<i32>} : memref<200x128xf32, #tpu.memory_space<vmem>>, vector<1x16xf32>,
          %get3A_1097 = arith.index_cast %add3A_1026 : i32 to index
          %get3A_1098 = arith.constant 80 : index
          %get3A_1099 = tpu.vector_load %arg6[%get3A_1097, %get3A_1098] {strides = array<i32>} : memref<200x128xf32, #tpu.memory_space<vmem>>, vector<1x16xf32>,
          %get3A_1100 = vector.shape_cast %get3A_1099 : vector<1x16xf32> to vector<16xf32>
          %get3A_1101 = arith.index_cast %min3A_212 : i32 to index
          %get3A_1102 = arith.constant 80 : index
          %get3A_1103 = tpu.vector_load %arg5[%get3A_1101, %get3A_1102] {strides = array<i32>} : memref<200x128xf32, #tpu.memory_space<vmem>>, vector<1x16xf32>,
          %get3A_1104 = vector.shape_cast %get3A_1103 : vector<1x16xf32> to vector<16xf32>
          %add3A_1105 = arith.addf %get3A_1100, %get3A_1104 : vector<16xf32>
          %swap3A_1106 = arith.index_cast %add3A_1026 : i32 to index
          %swap3A_1107 = arith.constant 80 : index
          %swap3A_1108 = tpu.vector_load %arg6[%swap3A_1106, %swap3A_1107] {strides = array<i32>} : memref<200x128xf32, #tpu.memory_space<vmem>>, vector<1x16xf32>,
          %swap3A_1109 = vector.shape_cast %swap3A_1108 : vector<1x16xf32> to vector<16xf32>
          %swap3A_1110 = vector.shape_cast %add3A_1105 : vector<16xf32> to vector<1x16xf32>
          tpu.vector_store %arg6[%swap3A_1106, %swap3A_1107], %swap3A_1110 {strides = array<i32>} : memref<200x128xf32, #tpu.memory_space<vmem>>, vector<1x16xf32>,
          %get3A_1111 = arith.index_cast %add3A_1026 : i32 to index
          %get3A_1112 = arith.constant 96 : index
          %get3A_1113 = tpu.vector_load %arg6[%get3A_1111, %get3A_1112] {strides = array<i32>} : memref<200x128xf32, #tpu.memory_space<vmem>>, vector<1x16xf32>,
          %get3A_1114 = vector.shape_cast %get3A_1113 : vector<1x16xf32> to vector<16xf32>
          %get3A_1115 = arith.index_cast %min3A_212 : i32 to index
          %get3A_1116 = arith.constant 96 : index
          %get3A_1117 = tpu.vector_load %arg5[%get3A_1115, %get3A_1116] {strides = array<i32>} : memref<200x128xf32, #tpu.memory_space<vmem>>, vector<1x16xf32>,
          %get3A_1118 = vector.shape_cast %get3A_1117 : vector<1x16xf32> to vector<16xf32>
          %add3A_1119 = arith.addf %get3A_1114, %get3A_1118 : vector<16xf32>
          %swap3A_1120 = arith.index_cast %add3A_1026 : i32 to index
          %swap3A_1121 = arith.constant 96 : index
          %swap3A_1122 = tpu.vector_load %arg6[%swap3A_1120, %swap3A_1121] {strides = array<i32>} : memref<200x128xf32, #tpu.memory_space<vmem>>, vector<1x16xf32>,
          %swap3A_1123 = vector.shape_cast %swap3A_1122 : vector<1x16xf32> to vector<16xf32>
          %swap3A_1124 = vector.shape_cast %add3A_1119 : vector<16xf32> to vector<1x16xf32>
          tpu.vector_store %arg6[%swap3A_1120, %swap3A_1121], %swap3A_1124 {strides = array<i32>} : memref<200x128xf32, #tpu.memory_space<vmem>>, vector<1x16xf32>,
          %get3A_1125 = arith.index_cast %add3A_1026 : i32 to index
          %get3A_1126 = arith.constant 112 : index
          %get3A_1127 = tpu.vector_load %arg6[%get3A_1125, %get3A_1126] {strides = array<i32>} : memref<200x128xf32, #tpu.memory_space<vmem>>, vector<1x16xf32>,
          %get3A_1128 = vector.shape_cast %get3A_1127 : vector<1x16xf32> to vector<16xf32>
          %get3A_1129 = arith.index_cast %min3A_212 : i32 to index
          %get3A_1130 = arith.constant 112 : index
          %get3A_1131 = tpu.vector_load %arg5[%get3A_1129, %get3A_1130] {strides = array<i32>} : memref<200x128xf32, #tpu.memory_space<vmem>>, vector<1x16xf32>,
          %get3A_1132 = vector.shape_cast %get3A_1131 : vector<1x16xf32> to vector<16xf32>
          %add3A_1133 = arith.addf %get3A_1128, %get3A_1132 : vector<16xf32>
          %swap3A_1134 = arith.index_cast %add3A_1026 : i32 to index
          %swap3A_1135 = arith.constant 112 : index
          %swap3A_1136 = tpu.vector_load %arg6[%swap3A_1134, %swap3A_1135] {strides = array<i32>} : memref<200x128xf32, #tpu.memory_space<vmem>>, vector<1x16xf32>,
          %swap3A_1137 = vector.shape_cast %swap3A_1136 : vector<1x16xf32> to vector<16xf32>
          %swap3A_1138 = vector.shape_cast %add3A_1133 : vector<16xf32> to vector<1x16xf32>
          tpu.vector_store %arg6[%swap3A_1134, %swap3A_1135], %swap3A_1138 {strides = array<i32>} : memref<200x128xf32, #tpu.memory_space<vmem>>, vector<1x16xf32>,
          %mul3A_1139 = arith.constant 10 : i32
          %mul3A_1140 = arith.muli %scan3A_206, %mul3A_1139 : i32
          %add3A_1141 = arith.constant 8 : i32
          %add3A_1142 = arith.addi %mul3A_1140, %add3A_1141 : i32
          %get3A_1143 = arith.index_cast %add3A_1142 : i32 to index
          %get3A_1144 = arith.constant 0 : index
          %get3A_1145 = tpu.vector_load %arg6[%get3A_1143, %get3A_1144] {strides = array<i32>} : memref<200x128xf32, #tpu.memory_space<vmem>>, vector<1x16xf32>,
          %get3A_1146 = vector.shape_cast %get3A_1145 : vector<1x16xf32> to vector<16xf32>
          %get3A_1147 = arith.index_cast %min3A_212 : i32 to index
          %get3A_1148 = arith.constant 0 : index
          %get3A_1149 = tpu.vector_load %arg5[%get3A_1147, %get3A_1148] {strides = array<i32>} : memref<200x128xf32, #tpu.memory_space<vmem>>, vector<1x16xf32>,
          %get3A_1150 = vector.shape_cast %get3A_1149 : vector<1x16xf32> to vector<16xf32>
          %add3A_1151 = arith.addf %get3A_1146, %get3A_1150 : vector<16xf32>
          %swap3A_1152 = arith.index_cast %add3A_1142 : i32 to index
          %swap3A_1153 = arith.constant 0 : index
          %swap3A_1154 = tpu.vector_load %arg6[%swap3A_1152, %swap3A_1153] {strides = array<i32>} : memref<200x128xf32, #tpu.memory_space<vmem>>, vector<1x16xf32>,
          %swap3A_1155 = vector.shape_cast %swap3A_1154 : vector<1x16xf32> to vector<16xf32>
          %swap3A_1156 = vector.shape_cast %add3A_1151 : vector<16xf32> to vector<1x16xf32>
          tpu.vector_store %arg6[%swap3A_1152, %swap3A_1153], %swap3A_1156 {strides = array<i32>} : memref<200x128xf32, #tpu.memory_space<vmem>>, vector<1x16xf32>,
          %get3A_1157 = arith.index_cast %add3A_1142 : i32 to index
          %get3A_1158 = arith.constant 16 : index
          %get3A_1159 = tpu.vector_load %arg6[%get3A_1157, %get3A_1158] {strides = array<i32>} : memref<200x128xf32, #tpu.memory_space<vmem>>, vector<1x16xf32>,
          %get3A_1160 = vector.shape_cast %get3A_1159 : vector<1x16xf32> to vector<16xf32>
          %get3A_1161 = arith.index_cast %min3A_212 : i32 to index
          %get3A_1162 = arith.constant 16 : index
          %get3A_1163 = tpu.vector_load %arg5[%get3A_1161, %get3A_1162] {strides = array<i32>} : memref<200x128xf32, #tpu.memory_space<vmem>>, vector<1x16xf32>,
          %get3A_1164 = vector.shape_cast %get3A_1163 : vector<1x16xf32> to vector<16xf32>
          %add3A_1165 = arith.addf %get3A_1160, %get3A_1164 : vector<16xf32>
          %swap3A_1166 = arith.index_cast %add3A_1142 : i32 to index
          %swap3A_1167 = arith.constant 16 : index
          %swap3A_1168 = tpu.vector_load %arg6[%swap3A_1166, %swap3A_1167] {strides = array<i32>} : memref<200x128xf32, #tpu.memory_space<vmem>>, vector<1x16xf32>,
          %swap3A_1169 = vector.shape_cast %swap3A_1168 : vector<1x16xf32> to vector<16xf32>
          %swap3A_1170 = vector.shape_cast %add3A_1165 : vector<16xf32> to vector<1x16xf32>
          tpu.vector_store %arg6[%swap3A_1166, %swap3A_1167], %swap3A_1170 {strides = array<i32>} : memref<200x128xf32, #tpu.memory_space<vmem>>, vector<1x16xf32>,
          %get3A_1171 = arith.index_cast %add3A_1142 : i32 to index
          %get3A_1172 = arith.constant 32 : index
          %get3A_1173 = tpu.vector_load %arg6[%get3A_1171, %get3A_1172] {strides = array<i32>} : memref<200x128xf32, #tpu.memory_space<vmem>>, vector<1x16xf32>,
          %get3A_1174 = vector.shape_cast %get3A_1173 : vector<1x16xf32> to vector<16xf32>
          %get3A_1175 = arith.index_cast %min3A_212 : i32 to index
          %get3A_1176 = arith.constant 32 : index
          %get3A_1177 = tpu.vector_load %arg5[%get3A_1175, %get3A_1176] {strides = array<i32>} : memref<200x128xf32, #tpu.memory_space<vmem>>, vector<1x16xf32>,
          %get3A_1178 = vector.shape_cast %get3A_1177 : vector<1x16xf32> to vector<16xf32>
          %add3A_1179 = arith.addf %get3A_1174, %get3A_1178 : vector<16xf32>
          %swap3A_1180 = arith.index_cast %add3A_1142 : i32 to index
          %swap3A_1181 = arith.constant 32 : index
          %swap3A_1182 = tpu.vector_load %arg6[%swap3A_1180, %swap3A_1181] {strides = array<i32>} : memref<200x128xf32, #tpu.memory_space<vmem>>, vector<1x16xf32>,
          %swap3A_1183 = vector.shape_cast %swap3A_1182 : vector<1x16xf32> to vector<16xf32>
          %swap3A_1184 = vector.shape_cast %add3A_1179 : vector<16xf32> to vector<1x16xf32>
          tpu.vector_store %arg6[%swap3A_1180, %swap3A_1181], %swap3A_1184 {strides = array<i32>} : memref<200x128xf32, #tpu.memory_space<vmem>>, vector<1x16xf32>,
          %get3A_1185 = arith.index_cast %add3A_1142 : i32 to index
          %get3A_1186 = arith.constant 48 : index
          %get3A_1187 = tpu.vector_load %arg6[%get3A_1185, %get3A_1186] {strides = array<i32>} : memref<200x128xf32, #tpu.memory_space<vmem>>, vector<1x16xf32>,
          %get3A_1188 = vector.shape_cast %get3A_1187 : vector<1x16xf32> to vector<16xf32>
          %get3A_1189 = arith.index_cast %min3A_212 : i32 to index
          %get3A_1190 = arith.constant 48 : index
          %get3A_1191 = tpu.vector_load %arg5[%get3A_1189, %get3A_1190] {strides = array<i32>} : memref<200x128xf32, #tpu.memory_space<vmem>>, vector<1x16xf32>,
          %get3A_1192 = vector.shape_cast %get3A_1191 : vector<1x16xf32> to vector<16xf32>
          %add3A_1193 = arith.addf %get3A_1188, %get3A_1192 : vector<16xf32>
          %swap3A_1194 = arith.index_cast %add3A_1142 : i32 to index
          %swap3A_1195 = arith.constant 48 : index
          %swap3A_1196 = tpu.vector_load %arg6[%swap3A_1194, %swap3A_1195] {strides = array<i32>} : memref<200x128xf32, #tpu.memory_space<vmem>>, vector<1x16xf32>,
          %swap3A_1197 = vector.shape_cast %swap3A_1196 : vector<1x16xf32> to vector<16xf32>
          %swap3A_1198 = vector.shape_cast %add3A_1193 : vector<16xf32> to vector<1x16xf32>
          tpu.vector_store %arg6[%swap3A_1194, %swap3A_1195], %swap3A_1198 {strides = array<i32>} : memref<200x128xf32, #tpu.memory_space<vmem>>, vector<1x16xf32>,
          %get3A_1199 = arith.index_cast %add3A_1142 : i32 to index
          %get3A_1200 = arith.constant 64 : index
          %get3A_1201 = tpu.vector_load %arg6[%get3A_1199, %get3A_1200] {strides = array<i32>} : memref<200x128xf32, #tpu.memory_space<vmem>>, vector<1x16xf32>,
          %get3A_1202 = vector.shape_cast %get3A_1201 : vector<1x16xf32> to vector<16xf32>
          %get3A_1203 = arith.index_cast %min3A_212 : i32 to index
          %get3A_1204 = arith.constant 64 : index
          %get3A_1205 = tpu.vector_load %arg5[%get3A_1203, %get3A_1204] {strides = array<i32>} : memref<200x128xf32, #tpu.memory_space<vmem>>, vector<1x16xf32>,
          %get3A_1206 = vector.shape_cast %get3A_1205 : vector<1x16xf32> to vector<16xf32>
          %add3A_1207 = arith.addf %get3A_1202, %get3A_1206 : vector<16xf32>
          %swap3A_1208 = arith.index_cast %add3A_1142 : i32 to index
          %swap3A_1209 = arith.constant 64 : index
          %swap3A_1210 = tpu.vector_load %arg6[%swap3A_1208, %swap3A_1209] {strides = array<i32>} : memref<200x128xf32, #tpu.memory_space<vmem>>, vector<1x16xf32>,
          %swap3A_1211 = vector.shape_cast %swap3A_1210 : vector<1x16xf32> to vector<16xf32>
          %swap3A_1212 = vector.shape_cast %add3A_1207 : vector<16xf32> to vector<1x16xf32>
          tpu.vector_store %arg6[%swap3A_1208, %swap3A_1209], %swap3A_1212 {strides = array<i32>} : memref<200x128xf32, #tpu.memory_space<vmem>>, vector<1x16xf32>,
          %get3A_1213 = arith.index_cast %add3A_1142 : i32 to index
          %get3A_1214 = arith.constant 80 : index
          %get3A_1215 = tpu.vector_load %arg6[%get3A_1213, %get3A_1214] {strides = array<i32>} : memref<200x128xf32, #tpu.memory_space<vmem>>, vector<1x16xf32>,
          %get3A_1216 = vector.shape_cast %get3A_1215 : vector<1x16xf32> to vector<16xf32>
          %get3A_1217 = arith.index_cast %min3A_212 : i32 to index
          %get3A_1218 = arith.constant 80 : index
          %get3A_1219 = tpu.vector_load %arg5[%get3A_1217, %get3A_1218] {strides = array<i32>} : memref<200x128xf32, #tpu.memory_space<vmem>>, vector<1x16xf32>,
          %get3A_1220 = vector.shape_cast %get3A_1219 : vector<1x16xf32> to vector<16xf32>
          %add3A_1221 = arith.addf %get3A_1216, %get3A_1220 : vector<16xf32>
          %swap3A_1222 = arith.index_cast %add3A_1142 : i32 to index
          %swap3A_1223 = arith.constant 80 : index
          %swap3A_1224 = tpu.vector_load %arg6[%swap3A_1222, %swap3A_1223] {strides = array<i32>} : memref<200x128xf32, #tpu.memory_space<vmem>>, vector<1x16xf32>,
          %swap3A_1225 = vector.shape_cast %swap3A_1224 : vector<1x16xf32> to vector<16xf32>
          %swap3A_1226 = vector.shape_cast %add3A_1221 : vector<16xf32> to vector<1x16xf32>
          tpu.vector_store %arg6[%swap3A_1222, %swap3A_1223], %swap3A_1226 {strides = array<i32>} : memref<200x128xf32, #tpu.memory_space<vmem>>, vector<1x16xf32>,
          %get3A_1227 = arith.index_cast %add3A_1142 : i32 to index
          %get3A_1228 = arith.constant 96 : index
          %get3A_1229 = tpu.vector_load %arg6[%get3A_1227, %get3A_1228] {strides = array<i32>} : memref<200x128xf32, #tpu.memory_space<vmem>>, vector<1x16xf32>,
          %get3A_1230 = vector.shape_cast %get3A_1229 : vector<1x16xf32> to vector<16xf32>
          %get3A_1231 = arith.index_cast %min3A_212 : i32 to index
          %get3A_1232 = arith.constant 96 : index
          %get3A_1233 = tpu.vector_load %arg5[%get3A_1231, %get3A_1232] {strides = array<i32>} : memref<200x128xf32, #tpu.memory_space<vmem>>, vector<1x16xf32>,
          %get3A_1234 = vector.shape_cast %get3A_1233 : vector<1x16xf32> to vector<16xf32>
          %add3A_1235 = arith.addf %get3A_1230, %get3A_1234 : vector<16xf32>
          %swap3A_1236 = arith.index_cast %add3A_1142 : i32 to index
          %swap3A_1237 = arith.constant 96 : index
          %swap3A_1238 = tpu.vector_load %arg6[%swap3A_1236, %swap3A_1237] {strides = array<i32>} : memref<200x128xf32, #tpu.memory_space<vmem>>, vector<1x16xf32>,
          %swap3A_1239 = vector.shape_cast %swap3A_1238 : vector<1x16xf32> to vector<16xf32>
          %swap3A_1240 = vector.shape_cast %add3A_1235 : vector<16xf32> to vector<1x16xf32>
          tpu.vector_store %arg6[%swap3A_1236, %swap3A_1237], %swap3A_1240 {strides = array<i32>} : memref<200x128xf32, #tpu.memory_space<vmem>>, vector<1x16xf32>,
          %get3A_1241 = arith.index_cast %add3A_1142 : i32 to index
          %get3A_1242 = arith.constant 112 : index
          %get3A_1243 = tpu.vector_load %arg6[%get3A_1241, %get3A_1242] {strides = array<i32>} : memref<200x128xf32, #tpu.memory_space<vmem>>, vector<1x16xf32>,
          %get3A_1244 = vector.shape_cast %get3A_1243 : vector<1x16xf32> to vector<16xf32>
          %get3A_1245 = arith.index_cast %min3A_212 : i32 to index
          %get3A_1246 = arith.constant 112 : index
          %get3A_1247 = tpu.vector_load %arg5[%get3A_1245, %get3A_1246] {strides = array<i32>} : memref<200x128xf32, #tpu.memory_space<vmem>>, vector<1x16xf32>,
          %get3A_1248 = vector.shape_cast %get3A_1247 : vector<1x16xf32> to vector<16xf32>
          %add3A_1249 = arith.addf %get3A_1244, %get3A_1248 : vector<16xf32>
          %swap3A_1250 = arith.index_cast %add3A_1142 : i32 to index
          %swap3A_1251 = arith.constant 112 : index
          %swap3A_1252 = tpu.vector_load %arg6[%swap3A_1250, %swap3A_1251] {strides = array<i32>} : memref<200x128xf32, #tpu.memory_space<vmem>>, vector<1x16xf32>,
          %swap3A_1253 = vector.shape_cast %swap3A_1252 : vector<1x16xf32> to vector<16xf32>
          %swap3A_1254 = vector.shape_cast %add3A_1249 : vector<16xf32> to vector<1x16xf32>
          tpu.vector_store %arg6[%swap3A_1250, %swap3A_1251], %swap3A_1254 {strides = array<i32>} : memref<200x128xf32, #tpu.memory_space<vmem>>, vector<1x16xf32>,
          %mul3A_1255 = arith.constant 10 : i32
          %mul3A_1256 = arith.muli %scan3A_206, %mul3A_1255 : i32
          %add3A_1257 = arith.constant 9 : i32
          %add3A_1258 = arith.addi %mul3A_1256, %add3A_1257 : i32
          %get3A_1259 = arith.index_cast %add3A_1258 : i32 to index
          %get3A_1260 = arith.constant 0 : index
          %get3A_1261 = tpu.vector_load %arg6[%get3A_1259, %get3A_1260] {strides = array<i32>} : memref<200x128xf32, #tpu.memory_space<vmem>>, vector<1x16xf32>,
          %get3A_1262 = vector.shape_cast %get3A_1261 : vector<1x16xf32> to vector<16xf32>
          %get3A_1263 = arith.index_cast %min3A_212 : i32 to index
          %get3A_1264 = arith.constant 0 : index
          %get3A_1265 = tpu.vector_load %arg5[%get3A_1263, %get3A_1264] {strides = array<i32>} : memref<200x128xf32, #tpu.memory_space<vmem>>, vector<1x16xf32>,
          %get3A_1266 = vector.shape_cast %get3A_1265 : vector<1x16xf32> to vector<16xf32>
          %add3A_1267 = arith.addf %get3A_1262, %get3A_1266 : vector<16xf32>
          %swap3A_1268 = arith.index_cast %add3A_1258 : i32 to index
          %swap3A_1269 = arith.constant 0 : index
          %swap3A_1270 = tpu.vector_load %arg6[%swap3A_1268, %swap3A_1269] {strides = array<i32>} : memref<200x128xf32, #tpu.memory_space<vmem>>, vector<1x16xf32>,
          %swap3A_1271 = vector.shape_cast %swap3A_1270 : vector<1x16xf32> to vector<16xf32>
          %swap3A_1272 = vector.shape_cast %add3A_1267 : vector<16xf32> to vector<1x16xf32>
          tpu.vector_store %arg6[%swap3A_1268, %swap3A_1269], %swap3A_1272 {strides = array<i32>} : memref<200x128xf32, #tpu.memory_space<vmem>>, vector<1x16xf32>,
          %get3A_1273 = arith.index_cast %add3A_1258 : i32 to index
          %get3A_1274 = arith.constant 16 : index
          %get3A_1275 = tpu.vector_load %arg6[%get3A_1273, %get3A_1274] {strides = array<i32>} : memref<200x128xf32, #tpu.memory_space<vmem>>, vector<1x16xf32>,
          %get3A_1276 = vector.shape_cast %get3A_1275 : vector<1x16xf32> to vector<16xf32>
          %get3A_1277 = arith.index_cast %min3A_212 : i32 to index
          %get3A_1278 = arith.constant 16 : index
          %get3A_1279 = tpu.vector_load %arg5[%get3A_1277, %get3A_1278] {strides = array<i32>} : memref<200x128xf32, #tpu.memory_space<vmem>>, vector<1x16xf32>,
          %get3A_1280 = vector.shape_cast %get3A_1279 : vector<1x16xf32> to vector<16xf32>
          %add3A_1281 = arith.addf %get3A_1276, %get3A_1280 : vector<16xf32>
          %swap3A_1282 = arith.index_cast %add3A_1258 : i32 to index
          %swap3A_1283 = arith.constant 16 : index
          %swap3A_1284 = tpu.vector_load %arg6[%swap3A_1282, %swap3A_1283] {strides = array<i32>} : memref<200x128xf32, #tpu.memory_space<vmem>>, vector<1x16xf32>,
          %swap3A_1285 = vector.shape_cast %swap3A_1284 : vector<1x16xf32> to vector<16xf32>
          %swap3A_1286 = vector.shape_cast %add3A_1281 : vector<16xf32> to vector<1x16xf32>
          tpu.vector_store %arg6[%swap3A_1282, %swap3A_1283], %swap3A_1286 {strides = array<i32>} : memref<200x128xf32, #tpu.memory_space<vmem>>, vector<1x16xf32>,
          %get3A_1287 = arith.index_cast %add3A_1258 : i32 to index
          %get3A_1288 = arith.constant 32 : index
          %get3A_1289 = tpu.vector_load %arg6[%get3A_1287, %get3A_1288] {strides = array<i32>} : memref<200x128xf32, #tpu.memory_space<vmem>>, vector<1x16xf32>,
          %get3A_1290 = vector.shape_cast %get3A_1289 : vector<1x16xf32> to vector<16xf32>
          %get3A_1291 = arith.index_cast %min3A_212 : i32 to index
          %get3A_1292 = arith.constant 32 : index
          %get3A_1293 = tpu.vector_load %arg5[%get3A_1291, %get3A_1292] {strides = array<i32>} : memref<200x128xf32, #tpu.memory_space<vmem>>, vector<1x16xf32>,
          %get3A_1294 = vector.shape_cast %get3A_1293 : vector<1x16xf32> to vector<16xf32>
          %add3A_1295 = arith.addf %get3A_1290, %get3A_1294 : vector<16xf32>
          %swap3A_1296 = arith.index_cast %add3A_1258 : i32 to index
          %swap3A_1297 = arith.constant 32 : index
          %swap3A_1298 = tpu.vector_load %arg6[%swap3A_1296, %swap3A_1297] {strides = array<i32>} : memref<200x128xf32, #tpu.memory_space<vmem>>, vector<1x16xf32>,
          %swap3A_1299 = vector.shape_cast %swap3A_1298 : vector<1x16xf32> to vector<16xf32>
          %swap3A_1300 = vector.shape_cast %add3A_1295 : vector<16xf32> to vector<1x16xf32>
          tpu.vector_store %arg6[%swap3A_1296, %swap3A_1297], %swap3A_1300 {strides = array<i32>} : memref<200x128xf32, #tpu.memory_space<vmem>>, vector<1x16xf32>,
          %get3A_1301 = arith.index_cast %add3A_1258 : i32 to index
          %get3A_1302 = arith.constant 48 : index
          %get3A_1303 = tpu.vector_load %arg6[%get3A_1301, %get3A_1302] {strides = array<i32>} : memref<200x128xf32, #tpu.memory_space<vmem>>, vector<1x16xf32>,
          %get3A_1304 = vector.shape_cast %get3A_1303 : vector<1x16xf32> to vector<16xf32>
          %get3A_1305 = arith.index_cast %min3A_212 : i32 to index
          %get3A_1306 = arith.constant 48 : index
          %get3A_1307 = tpu.vector_load %arg5[%get3A_1305, %get3A_1306] {strides = array<i32>} : memref<200x128xf32, #tpu.memory_space<vmem>>, vector<1x16xf32>,
          %get3A_1308 = vector.shape_cast %get3A_1307 : vector<1x16xf32> to vector<16xf32>
          %add3A_1309 = arith.addf %get3A_1304, %get3A_1308 : vector<16xf32>
          %swap3A_1310 = arith.index_cast %add3A_1258 : i32 to index
          %swap3A_1311 = arith.constant 48 : index
          %swap3A_1312 = tpu.vector_load %arg6[%swap3A_1310, %swap3A_1311] {strides = array<i32>} : memref<200x128xf32, #tpu.memory_space<vmem>>, vector<1x16xf32>,
          %swap3A_1313 = vector.shape_cast %swap3A_1312 : vector<1x16xf32> to vector<16xf32>
          %swap3A_1314 = vector.shape_cast %add3A_1309 : vector<16xf32> to vector<1x16xf32>
          tpu.vector_store %arg6[%swap3A_1310, %swap3A_1311], %swap3A_1314 {strides = array<i32>} : memref<200x128xf32, #tpu.memory_space<vmem>>, vector<1x16xf32>,
          %get3A_1315 = arith.index_cast %add3A_1258 : i32 to index
          %get3A_1316 = arith.constant 64 : index
          %get3A_1317 = tpu.vector_load %arg6[%get3A_1315, %get3A_1316] {strides = array<i32>} : memref<200x128xf32, #tpu.memory_space<vmem>>, vector<1x16xf32>,
          %get3A_1318 = vector.shape_cast %get3A_1317 : vector<1x16xf32> to vector<16xf32>
          %get3A_1319 = arith.index_cast %min3A_212 : i32 to index
          %get3A_1320 = arith.constant 64 : index
          %get3A_1321 = tpu.vector_load %arg5[%get3A_1319, %get3A_1320] {strides = array<i32>} : memref<200x128xf32, #tpu.memory_space<vmem>>, vector<1x16xf32>,
          %get3A_1322 = vector.shape_cast %get3A_1321 : vector<1x16xf32> to vector<16xf32>
          %add3A_1323 = arith.addf %get3A_1318, %get3A_1322 : vector<16xf32>
          %swap3A_1324 = arith.index_cast %add3A_1258 : i32 to index
          %swap3A_1325 = arith.constant 64 : index
          %swap3A_1326 = tpu.vector_load %arg6[%swap3A_1324, %swap3A_1325] {strides = array<i32>} : memref<200x128xf32, #tpu.memory_space<vmem>>, vector<1x16xf32>,
          %swap3A_1327 = vector.shape_cast %swap3A_1326 : vector<1x16xf32> to vector<16xf32>
          %swap3A_1328 = vector.shape_cast %add3A_1323 : vector<16xf32> to vector<1x16xf32>
          tpu.vector_store %arg6[%swap3A_1324, %swap3A_1325], %swap3A_1328 {strides = array<i32>} : memref<200x128xf32, #tpu.memory_space<vmem>>, vector<1x16xf32>,
          %get3A_1329 = arith.index_cast %add3A_1258 : i32 to index
          %get3A_1330 = arith.constant 80 : index
          %get3A_1331 = tpu.vector_load %arg6[%get3A_1329, %get3A_1330] {strides = array<i32>} : memref<200x128xf32, #tpu.memory_space<vmem>>, vector<1x16xf32>,
          %get3A_1332 = vector.shape_cast %get3A_1331 : vector<1x16xf32> to vector<16xf32>
          %get3A_1333 = arith.index_cast %min3A_212 : i32 to index
          %get3A_1334 = arith.constant 80 : index
          %get3A_1335 = tpu.vector_load %arg5[%get3A_1333, %get3A_1334] {strides = array<i32>} : memref<200x128xf32, #tpu.memory_space<vmem>>, vector<1x16xf32>,
          %get3A_1336 = vector.shape_cast %get3A_1335 : vector<1x16xf32> to vector<16xf32>
          %add3A_1337 = arith.addf %get3A_1332, %get3A_1336 : vector<16xf32>
          %swap3A_1338 = arith.index_cast %add3A_1258 : i32 to index
          %swap3A_1339 = arith.constant 80 : index
          %swap3A_1340 = tpu.vector_load %arg6[%swap3A_1338, %swap3A_1339] {strides = array<i32>} : memref<200x128xf32, #tpu.memory_space<vmem>>, vector<1x16xf32>,
          %swap3A_1341 = vector.shape_cast %swap3A_1340 : vector<1x16xf32> to vector<16xf32>
          %swap3A_1342 = vector.shape_cast %add3A_1337 : vector<16xf32> to vector<1x16xf32>
          tpu.vector_store %arg6[%swap3A_1338, %swap3A_1339], %swap3A_1342 {strides = array<i32>} : memref<200x128xf32, #tpu.memory_space<vmem>>, vector<1x16xf32>,
          %get3A_1343 = arith.index_cast %add3A_1258 : i32 to index
          %get3A_1344 = arith.constant 96 : index
          %get3A_1345 = tpu.vector_load %arg6[%get3A_1343, %get3A_1344] {strides = array<i32>} : memref<200x128xf32, #tpu.memory_space<vmem>>, vector<1x16xf32>,
          %get3A_1346 = vector.shape_cast %get3A_1345 : vector<1x16xf32> to vector<16xf32>
          %get3A_1347 = arith.index_cast %min3A_212 : i32 to index
          %get3A_1348 = arith.constant 96 : index
          %get3A_1349 = tpu.vector_load %arg5[%get3A_1347, %get3A_1348] {strides = array<i32>} : memref<200x128xf32, #tpu.memory_space<vmem>>, vector<1x16xf32>,
          %get3A_1350 = vector.shape_cast %get3A_1349 : vector<1x16xf32> to vector<16xf32>
          %add3A_1351 = arith.addf %get3A_1346, %get3A_1350 : vector<16xf32>
          %swap3A_1352 = arith.index_cast %add3A_1258 : i32 to index
          %swap3A_1353 = arith.constant 96 : index
          %swap3A_1354 = tpu.vector_load %arg6[%swap3A_1352, %swap3A_1353] {strides = array<i32>} : memref<200x128xf32, #tpu.memory_space<vmem>>, vector<1x16xf32>,
          %swap3A_1355 = vector.shape_cast %swap3A_1354 : vector<1x16xf32> to vector<16xf32>
          %swap3A_1356 = vector.shape_cast %add3A_1351 : vector<16xf32> to vector<1x16xf32>
          tpu.vector_store %arg6[%swap3A_1352, %swap3A_1353], %swap3A_1356 {strides = array<i32>} : memref<200x128xf32, #tpu.memory_space<vmem>>, vector<1x16xf32>,
          %get3A_1357 = arith.index_cast %add3A_1258 : i32 to index
          %get3A_1358 = arith.constant 112 : index
          %get3A_1359 = tpu.vector_load %arg6[%get3A_1357, %get3A_1358] {strides = array<i32>} : memref<200x128xf32, #tpu.memory_space<vmem>>, vector<1x16xf32>,
          %get3A_1360 = vector.shape_cast %get3A_1359 : vector<1x16xf32> to vector<16xf32>
          %get3A_1361 = arith.index_cast %min3A_212 : i32 to index
          %get3A_1362 = arith.constant 112 : index
          %get3A_1363 = tpu.vector_load %arg5[%get3A_1361, %get3A_1362] {strides = array<i32>} : memref<200x128xf32, #tpu.memory_space<vmem>>, vector<1x16xf32>,
          %get3A_1364 = vector.shape_cast %get3A_1363 : vector<1x16xf32> to vector<16xf32>
          %add3A_1365 = arith.addf %get3A_1360, %get3A_1364 : vector<16xf32>
          %swap3A_1366 = arith.index_cast %add3A_1258 : i32 to index
          %swap3A_1367 = arith.constant 112 : index
          %swap3A_1368 = tpu.vector_load %arg6[%swap3A_1366, %swap3A_1367] {strides = array<i32>} : memref<200x128xf32, #tpu.memory_space<vmem>>, vector<1x16xf32>,
          %swap3A_1369 = vector.shape_cast %swap3A_1368 : vector<1x16xf32> to vector<16xf32>
          %swap3A_1370 = vector.shape_cast %add3A_1365 : vector<16xf32> to vector<1x16xf32>
          tpu.vector_store %arg6[%swap3A_1366, %swap3A_1367], %swap3A_1370 {strides = array<i32>} : memref<200x128xf32, #tpu.memory_space<vmem>>, vector<1x16xf32>,
        }
        %scan3A_154 = arith.constant 20 : i32
        %mul3A_155 = arith.constant 32 : i32
        %mul3A_156 = arith.muli %add3A_66, %mul3A_155 : i32
        %add3A_157 = arith.addi %add3A, %mul3A_156 : i32
        %jit3A_158 = arith.constant 10 : i32
        %div3A_159 = arith.divsi %add3A_157, %jit3A_158 : i32
        %sign3A_160 = arith.constant 0 : i32
        %sign3A_161 = arith.cmpi sgt, %add3A_157, %sign3A_160 : i32
        %sign3A_162 = arith.extui %sign3A_161 : i1 to i32
        %sign3A_163 = arith.constant 0 : i32
        %sign3A_164 = arith.cmpi slt, %add3A_157, %sign3A_163 : i32
        %sign3A_165 = arith.extui %sign3A_164 : i1 to i32
        %sign3A_166 = arith.subi %sign3A_162, %sign3A_165 : i32
        %sign3A_167 = arith.constant 0 : i32
        %sign3A_168 = arith.cmpi sgt, %jit3A_158, %sign3A_167 : i32
        %sign3A_169 = arith.extui %sign3A_168 : i1 to i32
        %sign3A_170 = arith.constant 0 : i32
        %sign3A_171 = arith.cmpi slt, %jit3A_158, %sign3A_170 : i32
        %sign3A_172 = arith.extui %sign3A_171 : i1 to i32
        %sign3A_173 = arith.subi %sign3A_169, %sign3A_172 : i32
        %ne3A_174 = arith.cmpi ne, %sign3A_166, %sign3A_173 : i32
        %rem3A_175 = arith.remsi %add3A_157, %jit3A_158 : i32
        %ne3A_176 = arith.constant 0 : i32
        %ne3A_177 = arith.cmpi ne, %rem3A_175, %ne3A_176 : i32
        %and3A_178 = arith.andi %ne3A_174, %ne3A_177 : i1
        %sub3A_179 = arith.constant 1 : i32
        %sub3A_180 = arith.subi %div3A_159, %sub3A_179 : i32
        %select_n3A_181 = arith.select %and3A_178, %sub3A_180, %div3A_159 : i32
        %jit3A_182 = arith.constant 10 : i32
        %eq3A_183 = arith.constant 0 : i32
        %eq3A_184 = arith.cmpi eq, %jit3A_182, %eq3A_183 : i32
        %jit3A_185 = arith.constant 1 : i32
        %select_n3A_186 = arith.select %eq3A_184, %jit3A_185, %jit3A_182 : i32
        %rem3A_187 = arith.remsi %add3A_157, %select_n3A_186 : i32
        %ne3A_188 = arith.constant 0 : i32
        %ne3A_189 = arith.cmpi ne, %rem3A_187, %ne3A_188 : i32
        %lt3A_190 = arith.constant 0 : i32
        %lt3A_191 = arith.cmpi slt, %rem3A_187, %lt3A_190 : i32
        %lt3A_192 = arith.constant 0 : i32
        %lt3A_193 = arith.cmpi slt, %select_n3A_186, %lt3A_192 : i32
        %ne3A_194 = arith.xori %lt3A_191, %lt3A_193 : i1
        %and3A_195 = arith.andi %ne3A_194, %ne3A_189 : i1
        %add3A_196 = arith.addi %rem3A_187, %select_n3A_186 : i32
        %select_n3A_197 = arith.select %and3A_195, %add3A_196, %rem3A_187 : i32
        %mul3A_198 = arith.constant 200 : i32
        %mul3A_199 = arith.muli %select_n3A_197, %mul3A_198 : i32
        %dma_start3A_200 = arith.constant 0 : i32
        %dma_start3A_201 = tpu.memref_slice %arg4[%select_n3A_181, %mul3A_199, %dma_start3A_200] : memref<200x2000x128xf32, #tpu.memory_space<hbm>> -> memref<1x200x128xf32, #tpu.memory_space<hbm>>
        %dma_start3A_202 = tpu.memref_squeeze %dma_start3A_201 : memref<1x200x128xf32, #tpu.memory_space<hbm>> -> memref<200x128xf32, #tpu.memory_space<hbm>>
        %dma_start3A_203 = arith.constant 0 : i32
        %dma_start3A_204 = tpu.memref_slice %arg4[%select_n3A_181, %mul3A_199, %dma_start3A_203] : memref<200x2000x128xf32, #tpu.memory_space<hbm>> -> memref<1x200x128xf32, #tpu.memory_space<hbm>>
        %dma_start3A_205 = tpu.memref_squeeze %dma_start3A_204 : memref<1x200x128xf32, #tpu.memory_space<hbm>> -> memref<200x128xf32, #tpu.memory_space<hbm>>
        tpu.enqueue_dma source(%arg6 : memref<200x128xf32, #tpu.memory_space<vmem>>) target(%dma_start3A_205 : memref<200x128xf32, #tpu.memory_space<hbm>>) target_semaphore(%arg10 : memref<!tpu.dma_semaphore, #tpu.memory_space<semaphore_mem>>)
      } else {
      }
      %mul3A_73 = arith.constant 2 : i32
      %mul3A_74 = arith.muli %scan3A_62, %mul3A_73 : i32
      %add3A_75 = arith.constant 1 : i32
      %add3A_76 = arith.addi %mul3A_74, %add3A_75 : i32
      %mul3A_77 = arith.constant 32 : i32
      %mul3A_78 = arith.muli %add3A_76, %mul3A_77 : i32
      %add3A_79 = arith.addi %add3A, %mul3A_78 : i32
      %lt3A_80 = arith.constant 2000 : i32
      %lt3A_81 = arith.cmpi slt, %add3A_79, %lt3A_80 : i32
      %convert_element_type3A_82 = arith.extui %lt3A_81 : i1 to i32
      %cond3A_83 = arith.constant 0 : i32
      %cond3A_84 = arith.cmpi ne, %convert_element_type3A_82, %cond3A_83 : i32
      scf.if %cond3A_84 {
        %add3A_85 = arith.constant 1 : i32
        %add3A_86 = arith.addi %add3A_76, %add3A_85 : i32
        %mul3A_87 = arith.constant 32 : i32
        %mul3A_88 = arith.muli %add3A_86, %mul3A_87 : i32
        %add3A_89 = arith.addi %add3A, %mul3A_88 : i32
        %lt3A_90 = arith.constant 2000 : i32
        %lt3A_91 = arith.cmpi slt, %add3A_89, %lt3A_90 : i32
        %convert_element_type3A_92 = arith.extui %lt3A_91 : i1 to i32
        %cond3A_93 = arith.constant 0 : i32
        %cond3A_94 = arith.cmpi ne, %convert_element_type3A_92, %cond3A_93 : i32
        scf.if %cond3A_94 {
          %ge3A = arith.constant 1 : i32
          %ge3A_206 = arith.cmpi sge, %add3A_76, %ge3A : i32
          %convert_element_type3A_207 = arith.extui %ge3A_206 : i1 to i32
          %cond3A_208 = arith.constant 0 : i32
          %cond3A_209 = arith.cmpi ne, %convert_element_type3A_207, %cond3A_208 : i32
          scf.if %cond3A_209 {
            %dma_wait3A_263 = arith.constant 0 : i32
            %dma_wait3A_264 = arith.constant 0 : i32
            %dma_wait3A_265 = arith.constant 0 : i32
            %dma_wait3A_266 = tpu.memref_slice %arg4[%dma_wait3A_263, %dma_wait3A_264, %dma_wait3A_265] : memref<200x2000x128xf32, #tpu.memory_space<hbm>> -> memref<1x200x128xf32, #tpu.memory_space<hbm>>
            %dma_wait3A_267 = tpu.memref_squeeze %dma_wait3A_266 : memref<1x200x128xf32, #tpu.memory_space<hbm>> -> memref<200x128xf32, #tpu.memory_space<hbm>>
            %dma_wait3A_268 = arith.constant 0 : i32
            %dma_wait3A_269 = arith.constant 0 : i32
            %dma_wait3A_270 = tpu.memref_slice %arg4[%dma_wait3A_263, %dma_wait3A_268, %dma_wait3A_269] : memref<200x2000x128xf32, #tpu.memory_space<hbm>> -> memref<1x200x128xf32, #tpu.memory_space<hbm>>
            %dma_wait3A_271 = tpu.memref_squeeze %dma_wait3A_270 : memref<1x200x128xf32, #tpu.memory_space<hbm>> -> memref<200x128xf32, #tpu.memory_space<hbm>>
            tpu.wait_dma2 semaphore(%arg10 : memref<!tpu.dma_semaphore, #tpu.memory_space<semaphore_mem>>) src(%arg6 : memref<200x128xf32, #tpu.memory_space<vmem>>) dst(%dma_wait3A_271 : memref<200x128xf32, #tpu.memory_space<hbm>>)
          } else {
          }
          %add3A_210 = arith.constant 1 : i32
          %add3A_211 = arith.addi %add3A_76, %add3A_210 : i32
          %mul3A_212 = arith.constant 32 : i32
          %mul3A_213 = arith.muli %add3A_211, %mul3A_212 : i32
          %add3A_214 = arith.addi %add3A, %mul3A_213 : i32
          %jit3A_215 = arith.constant 10 : i32
          %div3A_216 = arith.divsi %add3A_214, %jit3A_215 : i32
          %sign3A_217 = arith.constant 0 : i32
          %sign3A_218 = arith.cmpi sgt, %add3A_214, %sign3A_217 : i32
          %sign3A_219 = arith.extui %sign3A_218 : i1 to i32
          %sign3A_220 = arith.constant 0 : i32
          %sign3A_221 = arith.cmpi slt, %add3A_214, %sign3A_220 : i32
          %sign3A_222 = arith.extui %sign3A_221 : i1 to i32
          %sign3A_223 = arith.subi %sign3A_219, %sign3A_222 : i32
          %sign3A_224 = arith.constant 0 : i32
          %sign3A_225 = arith.cmpi sgt, %jit3A_215, %sign3A_224 : i32
          %sign3A_226 = arith.extui %sign3A_225 : i1 to i32
          %sign3A_227 = arith.constant 0 : i32
          %sign3A_228 = arith.cmpi slt, %jit3A_215, %sign3A_227 : i32
          %sign3A_229 = arith.extui %sign3A_228 : i1 to i32
          %sign3A_230 = arith.subi %sign3A_226, %sign3A_229 : i32
          %ne3A_231 = arith.cmpi ne, %sign3A_223, %sign3A_230 : i32
          %rem3A_232 = arith.remsi %add3A_214, %jit3A_215 : i32
          %ne3A_233 = arith.constant 0 : i32
          %ne3A_234 = arith.cmpi ne, %rem3A_232, %ne3A_233 : i32
          %and3A_235 = arith.andi %ne3A_231, %ne3A_234 : i1
          %sub3A_236 = arith.constant 1 : i32
          %sub3A_237 = arith.subi %div3A_216, %sub3A_236 : i32
          %select_n3A_238 = arith.select %and3A_235, %sub3A_237, %div3A_216 : i32
          %jit3A_239 = arith.constant 10 : i32
          %eq3A_240 = arith.constant 0 : i32
          %eq3A_241 = arith.cmpi eq, %jit3A_239, %eq3A_240 : i32
          %jit3A_242 = arith.constant 1 : i32
          %select_n3A_243 = arith.select %eq3A_241, %jit3A_242, %jit3A_239 : i32
          %rem3A_244 = arith.remsi %add3A_214, %select_n3A_243 : i32
          %ne3A_245 = arith.constant 0 : i32
          %ne3A_246 = arith.cmpi ne, %rem3A_244, %ne3A_245 : i32
          %lt3A_247 = arith.constant 0 : i32
          %lt3A_248 = arith.cmpi slt, %rem3A_244, %lt3A_247 : i32
          %lt3A_249 = arith.constant 0 : i32
          %lt3A_250 = arith.cmpi slt, %select_n3A_243, %lt3A_249 : i32
          %ne3A_251 = arith.xori %lt3A_248, %lt3A_250 : i1
          %and3A_252 = arith.andi %ne3A_251, %ne3A_246 : i1
          %add3A_253 = arith.addi %rem3A_244, %select_n3A_243 : i32
          %select_n3A_254 = arith.select %and3A_252, %add3A_253, %rem3A_244 : i32
          %mul3A_255 = arith.constant 200 : i32
          %mul3A_256 = arith.muli %select_n3A_254, %mul3A_255 : i32
          %dma_start3A_257 = arith.constant 0 : i32
          %dma_start3A_258 = tpu.memref_slice %arg2[%select_n3A_238, %mul3A_256, %dma_start3A_257] : memref<200x2000x128xf32, #tpu.memory_space<hbm>> -> memref<1x200x128xf32, #tpu.memory_space<hbm>>
          %dma_start3A_259 = tpu.memref_squeeze %dma_start3A_258 : memref<1x200x128xf32, #tpu.memory_space<hbm>> -> memref<200x128xf32, #tpu.memory_space<hbm>>
          %dma_start3A_260 = arith.constant 0 : i32
          %dma_start3A_261 = tpu.memref_slice %arg2[%select_n3A_238, %mul3A_256, %dma_start3A_260] : memref<200x2000x128xf32, #tpu.memory_space<hbm>> -> memref<1x200x128xf32, #tpu.memory_space<hbm>>
          %dma_start3A_262 = tpu.memref_squeeze %dma_start3A_261 : memref<1x200x128xf32, #tpu.memory_space<hbm>> -> memref<200x128xf32, #tpu.memory_space<hbm>>
          tpu.enqueue_dma source(%dma_start3A_262 : memref<200x128xf32, #tpu.memory_space<hbm>>) target(%arg6 : memref<200x128xf32, #tpu.memory_space<vmem>>) target_semaphore(%arg8 : memref<!tpu.dma_semaphore, #tpu.memory_space<semaphore_mem>>)
        } else {
        }
        %dma_wait3A_95 = arith.constant 0 : i32
        %dma_wait3A_96 = arith.constant 0 : i32
        %dma_wait3A_97 = arith.constant 0 : i32
        %dma_wait3A_98 = tpu.memref_slice %arg2[%dma_wait3A_95, %dma_wait3A_96, %dma_wait3A_97] : memref<200x2000x128xf32, #tpu.memory_space<hbm>> -> memref<1x200x128xf32, #tpu.memory_space<hbm>>
        %dma_wait3A_99 = tpu.memref_squeeze %dma_wait3A_98 : memref<1x200x128xf32, #tpu.memory_space<hbm>> -> memref<200x128xf32, #tpu.memory_space<hbm>>
        %dma_wait3A_100 = arith.constant 0 : i32
        %dma_wait3A_101 = arith.constant 0 : i32
        %dma_wait3A_102 = tpu.memref_slice %arg2[%dma_wait3A_95, %dma_wait3A_100, %dma_wait3A_101] : memref<200x2000x128xf32, #tpu.memory_space<hbm>> -> memref<1x200x128xf32, #tpu.memory_space<hbm>>
        %dma_wait3A_103 = tpu.memref_squeeze %dma_wait3A_102 : memref<1x200x128xf32, #tpu.memory_space<hbm>> -> memref<200x128xf32, #tpu.memory_space<hbm>>
        tpu.wait_dma2 semaphore(%arg9 : memref<!tpu.dma_semaphore, #tpu.memory_space<semaphore_mem>>) src(%dma_wait3A_103 : memref<200x128xf32, #tpu.memory_space<hbm>>) dst(%arg7 : memref<200x128xf32, #tpu.memory_space<vmem>>)
        %mul3A_104 = arith.constant 32 : i32
        %mul3A_105 = arith.muli %add3A_76, %mul3A_104 : i32
        %add3A_106 = arith.addi %add3A, %mul3A_105 : i32
        %jit3A_107 = arith.constant 10 : i32
        %div3A_108 = arith.divsi %add3A_106, %jit3A_107 : i32
        %sign3A_109 = arith.constant 0 : i32
        %sign3A_110 = arith.cmpi sgt, %add3A_106, %sign3A_109 : i32
        %sign3A_111 = arith.extui %sign3A_110 : i1 to i32
        %sign3A_112 = arith.constant 0 : i32
        %sign3A_113 = arith.cmpi slt, %add3A_106, %sign3A_112 : i32
        %sign3A_114 = arith.extui %sign3A_113 : i1 to i32
        %sign3A_115 = arith.subi %sign3A_111, %sign3A_114 : i32
        %sign3A_116 = arith.constant 0 : i32
        %sign3A_117 = arith.cmpi sgt, %jit3A_107, %sign3A_116 : i32
        %sign3A_118 = arith.extui %sign3A_117 : i1 to i32
        %sign3A_119 = arith.constant 0 : i32
        %sign3A_120 = arith.cmpi slt, %jit3A_107, %sign3A_119 : i32
        %sign3A_121 = arith.extui %sign3A_120 : i1 to i32
        %sign3A_122 = arith.subi %sign3A_118, %sign3A_121 : i32
        %ne3A_123 = arith.cmpi ne, %sign3A_115, %sign3A_122 : i32
        %rem3A_124 = arith.remsi %add3A_106, %jit3A_107 : i32
        %ne3A_125 = arith.constant 0 : i32
        %ne3A_126 = arith.cmpi ne, %rem3A_124, %ne3A_125 : i32
        %and3A_127 = arith.andi %ne3A_123, %ne3A_126 : i1
        %sub3A_128 = arith.constant 1 : i32
        %sub3A_129 = arith.subi %div3A_108, %sub3A_128 : i32
        %select_n3A_130 = arith.select %and3A_127, %sub3A_129, %div3A_108 : i32
        %jit3A_131 = arith.constant 10 : i32
        %eq3A_132 = arith.constant 0 : i32
        %eq3A_133 = arith.cmpi eq, %jit3A_131, %eq3A_132 : i32
        %jit3A_134 = arith.constant 1 : i32
        %select_n3A_135 = arith.select %eq3A_133, %jit3A_134, %jit3A_131 : i32
        %rem3A_136 = arith.remsi %add3A_106, %select_n3A_135 : i32
        %ne3A_137 = arith.constant 0 : i32
        %ne3A_138 = arith.cmpi ne, %rem3A_136, %ne3A_137 : i32
        %lt3A_139 = arith.constant 0 : i32
        %lt3A_140 = arith.cmpi slt, %rem3A_136, %lt3A_139 : i32
        %lt3A_141 = arith.constant 0 : i32
        %lt3A_142 = arith.cmpi slt, %select_n3A_135, %lt3A_141 : i32
        %ne3A_143 = arith.xori %lt3A_140, %lt3A_142 : i1
        %and3A_144 = arith.andi %ne3A_143, %ne3A_138 : i1
        %add3A_145 = arith.addi %rem3A_136, %select_n3A_135 : i32
        %select_n3A_146 = arith.select %and3A_144, %add3A_145, %rem3A_136 : i32
        %mul3A_147 = arith.constant 20 : i32
        %mul3A_148 = arith.muli %select_n3A_146, %mul3A_147 : i32
        %scan3A_149 = arith.constant 0 : i32
        %scan3A_150 = arith.constant 0 : i32
        %scan3A_151 = arith.constant 20 : i32
        %scan3A_152 = arith.addi %scan3A_150, %scan3A_151 : i32
        %scan3A_153 = arith.constant 1 : i32
        scf.for %scan3A_206 = %scan3A_150 to %scan3A_152 step %scan3A_153  : i32 {
          %add3A_207 = arith.addi %mul3A_148, %scan3A_206 : i32
          %sub3A_208 = arith.subi %add3A_207, %select_n3A_130 : i32
          %add3A_209 = arith.constant 100 : i32
          %add3A_210 = arith.addi %sub3A_208, %add3A_209 : i32
          %max3A = arith.constant 0 : i32
          %max3A_211 = arith.maxsi %add3A_210, %max3A : i32
          %min3A = arith.constant 199 : i32
          %min3A_212 = arith.minsi %max3A_211, %min3A : i32
          %mul3A_213 = arith.constant 10 : i32
          %mul3A_214 = arith.muli %scan3A_206, %mul3A_213 : i32
          %add3A_215 = arith.constant 0 : i32
          %add3A_216 = arith.addi %mul3A_214, %add3A_215 : i32
          %get3A = arith.index_cast %add3A_216 : i32 to index
          %get3A_217 = arith.constant 0 : index
          %get3A_218 = tpu.vector_load %arg7[%get3A, %get3A_217] {strides = array<i32>} : memref<200x128xf32, #tpu.memory_space<vmem>>, vector<1x16xf32>,
          %get3A_219 = vector.shape_cast %get3A_218 : vector<1x16xf32> to vector<16xf32>
          %get3A_220 = arith.index_cast %min3A_212 : i32 to index
          %get3A_221 = arith.constant 0 : index
          %get3A_222 = tpu.vector_load %arg5[%get3A_220, %get3A_221] {strides = array<i32>} : memref<200x128xf32, #tpu.memory_space<vmem>>, vector<1x16xf32>,
          %get3A_223 = vector.shape_cast %get3A_222 : vector<1x16xf32> to vector<16xf32>
          %add3A_224 = arith.addf %get3A_219, %get3A_223 : vector<16xf32>
          %swap3A = arith.index_cast %add3A_216 : i32 to index
          %swap3A_225 = arith.constant 0 : index
          %swap3A_226 = tpu.vector_load %arg7[%swap3A, %swap3A_225] {strides = array<i32>} : memref<200x128xf32, #tpu.memory_space<vmem>>, vector<1x16xf32>,
          %swap3A_227 = vector.shape_cast %swap3A_226 : vector<1x16xf32> to vector<16xf32>
          %swap3A_228 = vector.shape_cast %add3A_224 : vector<16xf32> to vector<1x16xf32>
          tpu.vector_store %arg7[%swap3A, %swap3A_225], %swap3A_228 {strides = array<i32>} : memref<200x128xf32, #tpu.memory_space<vmem>>, vector<1x16xf32>,
          %get3A_229 = arith.index_cast %add3A_216 : i32 to index
          %get3A_230 = arith.constant 16 : index
          %get3A_231 = tpu.vector_load %arg7[%get3A_229, %get3A_230] {strides = array<i32>} : memref<200x128xf32, #tpu.memory_space<vmem>>, vector<1x16xf32>,
          %get3A_232 = vector.shape_cast %get3A_231 : vector<1x16xf32> to vector<16xf32>
          %get3A_233 = arith.index_cast %min3A_212 : i32 to index
          %get3A_234 = arith.constant 16 : index
          %get3A_235 = tpu.vector_load %arg5[%get3A_233, %get3A_234] {strides = array<i32>} : memref<200x128xf32, #tpu.memory_space<vmem>>, vector<1x16xf32>,
          %get3A_236 = vector.shape_cast %get3A_235 : vector<1x16xf32> to vector<16xf32>
          %add3A_237 = arith.addf %get3A_232, %get3A_236 : vector<16xf32>
          %swap3A_238 = arith.index_cast %add3A_216 : i32 to index
          %swap3A_239 = arith.constant 16 : index
          %swap3A_240 = tpu.vector_load %arg7[%swap3A_238, %swap3A_239] {strides = array<i32>} : memref<200x128xf32, #tpu.memory_space<vmem>>, vector<1x16xf32>,
          %swap3A_241 = vector.shape_cast %swap3A_240 : vector<1x16xf32> to vector<16xf32>
          %swap3A_242 = vector.shape_cast %add3A_237 : vector<16xf32> to vector<1x16xf32>
          tpu.vector_store %arg7[%swap3A_238, %swap3A_239], %swap3A_242 {strides = array<i32>} : memref<200x128xf32, #tpu.memory_space<vmem>>, vector<1x16xf32>,
          %get3A_243 = arith.index_cast %add3A_216 : i32 to index
          %get3A_244 = arith.constant 32 : index
          %get3A_245 = tpu.vector_load %arg7[%get3A_243, %get3A_244] {strides = array<i32>} : memref<200x128xf32, #tpu.memory_space<vmem>>, vector<1x16xf32>,
          %get3A_246 = vector.shape_cast %get3A_245 : vector<1x16xf32> to vector<16xf32>
          %get3A_247 = arith.index_cast %min3A_212 : i32 to index
          %get3A_248 = arith.constant 32 : index
          %get3A_249 = tpu.vector_load %arg5[%get3A_247, %get3A_248] {strides = array<i32>} : memref<200x128xf32, #tpu.memory_space<vmem>>, vector<1x16xf32>,
          %get3A_250 = vector.shape_cast %get3A_249 : vector<1x16xf32> to vector<16xf32>
          %add3A_251 = arith.addf %get3A_246, %get3A_250 : vector<16xf32>
          %swap3A_252 = arith.index_cast %add3A_216 : i32 to index
          %swap3A_253 = arith.constant 32 : index
          %swap3A_254 = tpu.vector_load %arg7[%swap3A_252, %swap3A_253] {strides = array<i32>} : memref<200x128xf32, #tpu.memory_space<vmem>>, vector<1x16xf32>,
          %swap3A_255 = vector.shape_cast %swap3A_254 : vector<1x16xf32> to vector<16xf32>
          %swap3A_256 = vector.shape_cast %add3A_251 : vector<16xf32> to vector<1x16xf32>
          tpu.vector_store %arg7[%swap3A_252, %swap3A_253], %swap3A_256 {strides = array<i32>} : memref<200x128xf32, #tpu.memory_space<vmem>>, vector<1x16xf32>,
          %get3A_257 = arith.index_cast %add3A_216 : i32 to index
          %get3A_258 = arith.constant 48 : index
          %get3A_259 = tpu.vector_load %arg7[%get3A_257, %get3A_258] {strides = array<i32>} : memref<200x128xf32, #tpu.memory_space<vmem>>, vector<1x16xf32>,
          %get3A_260 = vector.shape_cast %get3A_259 : vector<1x16xf32> to vector<16xf32>
          %get3A_261 = arith.index_cast %min3A_212 : i32 to index
          %get3A_262 = arith.constant 48 : index
          %get3A_263 = tpu.vector_load %arg5[%get3A_261, %get3A_262] {strides = array<i32>} : memref<200x128xf32, #tpu.memory_space<vmem>>, vector<1x16xf32>,
          %get3A_264 = vector.shape_cast %get3A_263 : vector<1x16xf32> to vector<16xf32>
          %add3A_265 = arith.addf %get3A_260, %get3A_264 : vector<16xf32>
          %swap3A_266 = arith.index_cast %add3A_216 : i32 to index
          %swap3A_267 = arith.constant 48 : index
          %swap3A_268 = tpu.vector_load %arg7[%swap3A_266, %swap3A_267] {strides = array<i32>} : memref<200x128xf32, #tpu.memory_space<vmem>>, vector<1x16xf32>,
          %swap3A_269 = vector.shape_cast %swap3A_268 : vector<1x16xf32> to vector<16xf32>
          %swap3A_270 = vector.shape_cast %add3A_265 : vector<16xf32> to vector<1x16xf32>
          tpu.vector_store %arg7[%swap3A_266, %swap3A_267], %swap3A_270 {strides = array<i32>} : memref<200x128xf32, #tpu.memory_space<vmem>>, vector<1x16xf32>,
          %get3A_271 = arith.index_cast %add3A_216 : i32 to index
          %get3A_272 = arith.constant 64 : index
          %get3A_273 = tpu.vector_load %arg7[%get3A_271, %get3A_272] {strides = array<i32>} : memref<200x128xf32, #tpu.memory_space<vmem>>, vector<1x16xf32>,
          %get3A_274 = vector.shape_cast %get3A_273 : vector<1x16xf32> to vector<16xf32>
          %get3A_275 = arith.index_cast %min3A_212 : i32 to index
          %get3A_276 = arith.constant 64 : index
          %get3A_277 = tpu.vector_load %arg5[%get3A_275, %get3A_276] {strides = array<i32>} : memref<200x128xf32, #tpu.memory_space<vmem>>, vector<1x16xf32>,
          %get3A_278 = vector.shape_cast %get3A_277 : vector<1x16xf32> to vector<16xf32>
          %add3A_279 = arith.addf %get3A_274, %get3A_278 : vector<16xf32>
          %swap3A_280 = arith.index_cast %add3A_216 : i32 to index
          %swap3A_281 = arith.constant 64 : index
          %swap3A_282 = tpu.vector_load %arg7[%swap3A_280, %swap3A_281] {strides = array<i32>} : memref<200x128xf32, #tpu.memory_space<vmem>>, vector<1x16xf32>,
          %swap3A_283 = vector.shape_cast %swap3A_282 : vector<1x16xf32> to vector<16xf32>
          %swap3A_284 = vector.shape_cast %add3A_279 : vector<16xf32> to vector<1x16xf32>
          tpu.vector_store %arg7[%swap3A_280, %swap3A_281], %swap3A_284 {strides = array<i32>} : memref<200x128xf32, #tpu.memory_space<vmem>>, vector<1x16xf32>,
          %get3A_285 = arith.index_cast %add3A_216 : i32 to index
          %get3A_286 = arith.constant 80 : index
          %get3A_287 = tpu.vector_load %arg7[%get3A_285, %get3A_286] {strides = array<i32>} : memref<200x128xf32, #tpu.memory_space<vmem>>, vector<1x16xf32>,
          %get3A_288 = vector.shape_cast %get3A_287 : vector<1x16xf32> to vector<16xf32>
          %get3A_289 = arith.index_cast %min3A_212 : i32 to index
          %get3A_290 = arith.constant 80 : index
          %get3A_291 = tpu.vector_load %arg5[%get3A_289, %get3A_290] {strides = array<i32>} : memref<200x128xf32, #tpu.memory_space<vmem>>, vector<1x16xf32>,
          %get3A_292 = vector.shape_cast %get3A_291 : vector<1x16xf32> to vector<16xf32>
          %add3A_293 = arith.addf %get3A_288, %get3A_292 : vector<16xf32>
          %swap3A_294 = arith.index_cast %add3A_216 : i32 to index
          %swap3A_295 = arith.constant 80 : index
          %swap3A_296 = tpu.vector_load %arg7[%swap3A_294, %swap3A_295] {strides = array<i32>} : memref<200x128xf32, #tpu.memory_space<vmem>>, vector<1x16xf32>,
          %swap3A_297 = vector.shape_cast %swap3A_296 : vector<1x16xf32> to vector<16xf32>
          %swap3A_298 = vector.shape_cast %add3A_293 : vector<16xf32> to vector<1x16xf32>
          tpu.vector_store %arg7[%swap3A_294, %swap3A_295], %swap3A_298 {strides = array<i32>} : memref<200x128xf32, #tpu.memory_space<vmem>>, vector<1x16xf32>,
          %get3A_299 = arith.index_cast %add3A_216 : i32 to index
          %get3A_300 = arith.constant 96 : index
          %get3A_301 = tpu.vector_load %arg7[%get3A_299, %get3A_300] {strides = array<i32>} : memref<200x128xf32, #tpu.memory_space<vmem>>, vector<1x16xf32>,
          %get3A_302 = vector.shape_cast %get3A_301 : vector<1x16xf32> to vector<16xf32>
          %get3A_303 = arith.index_cast %min3A_212 : i32 to index
          %get3A_304 = arith.constant 96 : index
          %get3A_305 = tpu.vector_load %arg5[%get3A_303, %get3A_304] {strides = array<i32>} : memref<200x128xf32, #tpu.memory_space<vmem>>, vector<1x16xf32>,
          %get3A_306 = vector.shape_cast %get3A_305 : vector<1x16xf32> to vector<16xf32>
          %add3A_307 = arith.addf %get3A_302, %get3A_306 : vector<16xf32>
          %swap3A_308 = arith.index_cast %add3A_216 : i32 to index
          %swap3A_309 = arith.constant 96 : index
          %swap3A_310 = tpu.vector_load %arg7[%swap3A_308, %swap3A_309] {strides = array<i32>} : memref<200x128xf32, #tpu.memory_space<vmem>>, vector<1x16xf32>,
          %swap3A_311 = vector.shape_cast %swap3A_310 : vector<1x16xf32> to vector<16xf32>
          %swap3A_312 = vector.shape_cast %add3A_307 : vector<16xf32> to vector<1x16xf32>
          tpu.vector_store %arg7[%swap3A_308, %swap3A_309], %swap3A_312 {strides = array<i32>} : memref<200x128xf32, #tpu.memory_space<vmem>>, vector<1x16xf32>,
          %get3A_313 = arith.index_cast %add3A_216 : i32 to index
          %get3A_314 = arith.constant 112 : index
          %get3A_315 = tpu.vector_load %arg7[%get3A_313, %get3A_314] {strides = array<i32>} : memref<200x128xf32, #tpu.memory_space<vmem>>, vector<1x16xf32>,
          %get3A_316 = vector.shape_cast %get3A_315 : vector<1x16xf32> to vector<16xf32>
          %get3A_317 = arith.index_cast %min3A_212 : i32 to index
          %get3A_318 = arith.constant 112 : index
          %get3A_319 = tpu.vector_load %arg5[%get3A_317, %get3A_318] {strides = array<i32>} : memref<200x128xf32, #tpu.memory_space<vmem>>, vector<1x16xf32>,
          %get3A_320 = vector.shape_cast %get3A_319 : vector<1x16xf32> to vector<16xf32>
          %add3A_321 = arith.addf %get3A_316, %get3A_320 : vector<16xf32>
          %swap3A_322 = arith.index_cast %add3A_216 : i32 to index
          %swap3A_323 = arith.constant 112 : index
          %swap3A_324 = tpu.vector_load %arg7[%swap3A_322, %swap3A_323] {strides = array<i32>} : memref<200x128xf32, #tpu.memory_space<vmem>>, vector<1x16xf32>,
          %swap3A_325 = vector.shape_cast %swap3A_324 : vector<1x16xf32> to vector<16xf32>
          %swap3A_326 = vector.shape_cast %add3A_321 : vector<16xf32> to vector<1x16xf32>
          tpu.vector_store %arg7[%swap3A_322, %swap3A_323], %swap3A_326 {strides = array<i32>} : memref<200x128xf32, #tpu.memory_space<vmem>>, vector<1x16xf32>,
          %mul3A_327 = arith.constant 10 : i32
          %mul3A_328 = arith.muli %scan3A_206, %mul3A_327 : i32
          %add3A_329 = arith.constant 1 : i32
          %add3A_330 = arith.addi %mul3A_328, %add3A_329 : i32
          %get3A_331 = arith.index_cast %add3A_330 : i32 to index
          %get3A_332 = arith.constant 0 : index
          %get3A_333 = tpu.vector_load %arg7[%get3A_331, %get3A_332] {strides = array<i32>} : memref<200x128xf32, #tpu.memory_space<vmem>>, vector<1x16xf32>,
          %get3A_334 = vector.shape_cast %get3A_333 : vector<1x16xf32> to vector<16xf32>
          %get3A_335 = arith.index_cast %min3A_212 : i32 to index
          %get3A_336 = arith.constant 0 : index
          %get3A_337 = tpu.vector_load %arg5[%get3A_335, %get3A_336] {strides = array<i32>} : memref<200x128xf32, #tpu.memory_space<vmem>>, vector<1x16xf32>,
          %get3A_338 = vector.shape_cast %get3A_337 : vector<1x16xf32> to vector<16xf32>
          %add3A_339 = arith.addf %get3A_334, %get3A_338 : vector<16xf32>
          %swap3A_340 = arith.index_cast %add3A_330 : i32 to index
          %swap3A_341 = arith.constant 0 : index
          %swap3A_342 = tpu.vector_load %arg7[%swap3A_340, %swap3A_341] {strides = array<i32>} : memref<200x128xf32, #tpu.memory_space<vmem>>, vector<1x16xf32>,
          %swap3A_343 = vector.shape_cast %swap3A_342 : vector<1x16xf32> to vector<16xf32>
          %swap3A_344 = vector.shape_cast %add3A_339 : vector<16xf32> to vector<1x16xf32>
          tpu.vector_store %arg7[%swap3A_340, %swap3A_341], %swap3A_344 {strides = array<i32>} : memref<200x128xf32, #tpu.memory_space<vmem>>, vector<1x16xf32>,
          %get3A_345 = arith.index_cast %add3A_330 : i32 to index
          %get3A_346 = arith.constant 16 : index
          %get3A_347 = tpu.vector_load %arg7[%get3A_345, %get3A_346] {strides = array<i32>} : memref<200x128xf32, #tpu.memory_space<vmem>>, vector<1x16xf32>,
          %get3A_348 = vector.shape_cast %get3A_347 : vector<1x16xf32> to vector<16xf32>
          %get3A_349 = arith.index_cast %min3A_212 : i32 to index
          %get3A_350 = arith.constant 16 : index
          %get3A_351 = tpu.vector_load %arg5[%get3A_349, %get3A_350] {strides = array<i32>} : memref<200x128xf32, #tpu.memory_space<vmem>>, vector<1x16xf32>,
          %get3A_352 = vector.shape_cast %get3A_351 : vector<1x16xf32> to vector<16xf32>
          %add3A_353 = arith.addf %get3A_348, %get3A_352 : vector<16xf32>
          %swap3A_354 = arith.index_cast %add3A_330 : i32 to index
          %swap3A_355 = arith.constant 16 : index
          %swap3A_356 = tpu.vector_load %arg7[%swap3A_354, %swap3A_355] {strides = array<i32>} : memref<200x128xf32, #tpu.memory_space<vmem>>, vector<1x16xf32>,
          %swap3A_357 = vector.shape_cast %swap3A_356 : vector<1x16xf32> to vector<16xf32>
          %swap3A_358 = vector.shape_cast %add3A_353 : vector<16xf32> to vector<1x16xf32>
          tpu.vector_store %arg7[%swap3A_354, %swap3A_355], %swap3A_358 {strides = array<i32>} : memref<200x128xf32, #tpu.memory_space<vmem>>, vector<1x16xf32>,
          %get3A_359 = arith.index_cast %add3A_330 : i32 to index
          %get3A_360 = arith.constant 32 : index
          %get3A_361 = tpu.vector_load %arg7[%get3A_359, %get3A_360] {strides = array<i32>} : memref<200x128xf32, #tpu.memory_space<vmem>>, vector<1x16xf32>,
          %get3A_362 = vector.shape_cast %get3A_361 : vector<1x16xf32> to vector<16xf32>
          %get3A_363 = arith.index_cast %min3A_212 : i32 to index
          %get3A_364 = arith.constant 32 : index
          %get3A_365 = tpu.vector_load %arg5[%get3A_363, %get3A_364] {strides = array<i32>} : memref<200x128xf32, #tpu.memory_space<vmem>>, vector<1x16xf32>,
          %get3A_366 = vector.shape_cast %get3A_365 : vector<1x16xf32> to vector<16xf32>
          %add3A_367 = arith.addf %get3A_362, %get3A_366 : vector<16xf32>
          %swap3A_368 = arith.index_cast %add3A_330 : i32 to index
          %swap3A_369 = arith.constant 32 : index
          %swap3A_370 = tpu.vector_load %arg7[%swap3A_368, %swap3A_369] {strides = array<i32>} : memref<200x128xf32, #tpu.memory_space<vmem>>, vector<1x16xf32>,
          %swap3A_371 = vector.shape_cast %swap3A_370 : vector<1x16xf32> to vector<16xf32>
          %swap3A_372 = vector.shape_cast %add3A_367 : vector<16xf32> to vector<1x16xf32>
          tpu.vector_store %arg7[%swap3A_368, %swap3A_369], %swap3A_372 {strides = array<i32>} : memref<200x128xf32, #tpu.memory_space<vmem>>, vector<1x16xf32>,
          %get3A_373 = arith.index_cast %add3A_330 : i32 to index
          %get3A_374 = arith.constant 48 : index
          %get3A_375 = tpu.vector_load %arg7[%get3A_373, %get3A_374] {strides = array<i32>} : memref<200x128xf32, #tpu.memory_space<vmem>>, vector<1x16xf32>,
          %get3A_376 = vector.shape_cast %get3A_375 : vector<1x16xf32> to vector<16xf32>
          %get3A_377 = arith.index_cast %min3A_212 : i32 to index
          %get3A_378 = arith.constant 48 : index
          %get3A_379 = tpu.vector_load %arg5[%get3A_377, %get3A_378] {strides = array<i32>} : memref<200x128xf32, #tpu.memory_space<vmem>>, vector<1x16xf32>,
          %get3A_380 = vector.shape_cast %get3A_379 : vector<1x16xf32> to vector<16xf32>
          %add3A_381 = arith.addf %get3A_376, %get3A_380 : vector<16xf32>
          %swap3A_382 = arith.index_cast %add3A_330 : i32 to index
          %swap3A_383 = arith.constant 48 : index
          %swap3A_384 = tpu.vector_load %arg7[%swap3A_382, %swap3A_383] {strides = array<i32>} : memref<200x128xf32, #tpu.memory_space<vmem>>, vector<1x16xf32>,
          %swap3A_385 = vector.shape_cast %swap3A_384 : vector<1x16xf32> to vector<16xf32>
          %swap3A_386 = vector.shape_cast %add3A_381 : vector<16xf32> to vector<1x16xf32>
          tpu.vector_store %arg7[%swap3A_382, %swap3A_383], %swap3A_386 {strides = array<i32>} : memref<200x128xf32, #tpu.memory_space<vmem>>, vector<1x16xf32>,
          %get3A_387 = arith.index_cast %add3A_330 : i32 to index
          %get3A_388 = arith.constant 64 : index
          %get3A_389 = tpu.vector_load %arg7[%get3A_387, %get3A_388] {strides = array<i32>} : memref<200x128xf32, #tpu.memory_space<vmem>>, vector<1x16xf32>,
          %get3A_390 = vector.shape_cast %get3A_389 : vector<1x16xf32> to vector<16xf32>
          %get3A_391 = arith.index_cast %min3A_212 : i32 to index
          %get3A_392 = arith.constant 64 : index
          %get3A_393 = tpu.vector_load %arg5[%get3A_391, %get3A_392] {strides = array<i32>} : memref<200x128xf32, #tpu.memory_space<vmem>>, vector<1x16xf32>,
          %get3A_394 = vector.shape_cast %get3A_393 : vector<1x16xf32> to vector<16xf32>
          %add3A_395 = arith.addf %get3A_390, %get3A_394 : vector<16xf32>
          %swap3A_396 = arith.index_cast %add3A_330 : i32 to index
          %swap3A_397 = arith.constant 64 : index
          %swap3A_398 = tpu.vector_load %arg7[%swap3A_396, %swap3A_397] {strides = array<i32>} : memref<200x128xf32, #tpu.memory_space<vmem>>, vector<1x16xf32>,
          %swap3A_399 = vector.shape_cast %swap3A_398 : vector<1x16xf32> to vector<16xf32>
          %swap3A_400 = vector.shape_cast %add3A_395 : vector<16xf32> to vector<1x16xf32>
          tpu.vector_store %arg7[%swap3A_396, %swap3A_397], %swap3A_400 {strides = array<i32>} : memref<200x128xf32, #tpu.memory_space<vmem>>, vector<1x16xf32>,
          %get3A_401 = arith.index_cast %add3A_330 : i32 to index
          %get3A_402 = arith.constant 80 : index
          %get3A_403 = tpu.vector_load %arg7[%get3A_401, %get3A_402] {strides = array<i32>} : memref<200x128xf32, #tpu.memory_space<vmem>>, vector<1x16xf32>,
          %get3A_404 = vector.shape_cast %get3A_403 : vector<1x16xf32> to vector<16xf32>
          %get3A_405 = arith.index_cast %min3A_212 : i32 to index
          %get3A_406 = arith.constant 80 : index
          %get3A_407 = tpu.vector_load %arg5[%get3A_405, %get3A_406] {strides = array<i32>} : memref<200x128xf32, #tpu.memory_space<vmem>>, vector<1x16xf32>,
          %get3A_408 = vector.shape_cast %get3A_407 : vector<1x16xf32> to vector<16xf32>
          %add3A_409 = arith.addf %get3A_404, %get3A_408 : vector<16xf32>
          %swap3A_410 = arith.index_cast %add3A_330 : i32 to index
          %swap3A_411 = arith.constant 80 : index
          %swap3A_412 = tpu.vector_load %arg7[%swap3A_410, %swap3A_411] {strides = array<i32>} : memref<200x128xf32, #tpu.memory_space<vmem>>, vector<1x16xf32>,
          %swap3A_413 = vector.shape_cast %swap3A_412 : vector<1x16xf32> to vector<16xf32>
          %swap3A_414 = vector.shape_cast %add3A_409 : vector<16xf32> to vector<1x16xf32>
          tpu.vector_store %arg7[%swap3A_410, %swap3A_411], %swap3A_414 {strides = array<i32>} : memref<200x128xf32, #tpu.memory_space<vmem>>, vector<1x16xf32>,
          %get3A_415 = arith.index_cast %add3A_330 : i32 to index
          %get3A_416 = arith.constant 96 : index
          %get3A_417 = tpu.vector_load %arg7[%get3A_415, %get3A_416] {strides = array<i32>} : memref<200x128xf32, #tpu.memory_space<vmem>>, vector<1x16xf32>,
          %get3A_418 = vector.shape_cast %get3A_417 : vector<1x16xf32> to vector<16xf32>
          %get3A_419 = arith.index_cast %min3A_212 : i32 to index
          %get3A_420 = arith.constant 96 : index
          %get3A_421 = tpu.vector_load %arg5[%get3A_419, %get3A_420] {strides = array<i32>} : memref<200x128xf32, #tpu.memory_space<vmem>>, vector<1x16xf32>,
          %get3A_422 = vector.shape_cast %get3A_421 : vector<1x16xf32> to vector<16xf32>
          %add3A_423 = arith.addf %get3A_418, %get3A_422 : vector<16xf32>
          %swap3A_424 = arith.index_cast %add3A_330 : i32 to index
          %swap3A_425 = arith.constant 96 : index
          %swap3A_426 = tpu.vector_load %arg7[%swap3A_424, %swap3A_425] {strides = array<i32>} : memref<200x128xf32, #tpu.memory_space<vmem>>, vector<1x16xf32>,
          %swap3A_427 = vector.shape_cast %swap3A_426 : vector<1x16xf32> to vector<16xf32>
          %swap3A_428 = vector.shape_cast %add3A_423 : vector<16xf32> to vector<1x16xf32>
          tpu.vector_store %arg7[%swap3A_424, %swap3A_425], %swap3A_428 {strides = array<i32>} : memref<200x128xf32, #tpu.memory_space<vmem>>, vector<1x16xf32>,
          %get3A_429 = arith.index_cast %add3A_330 : i32 to index
          %get3A_430 = arith.constant 112 : index
          %get3A_431 = tpu.vector_load %arg7[%get3A_429, %get3A_430] {strides = array<i32>} : memref<200x128xf32, #tpu.memory_space<vmem>>, vector<1x16xf32>,
          %get3A_432 = vector.shape_cast %get3A_431 : vector<1x16xf32> to vector<16xf32>
          %get3A_433 = arith.index_cast %min3A_212 : i32 to index
          %get3A_434 = arith.constant 112 : index
          %get3A_435 = tpu.vector_load %arg5[%get3A_433, %get3A_434] {strides = array<i32>} : memref<200x128xf32, #tpu.memory_space<vmem>>, vector<1x16xf32>,
          %get3A_436 = vector.shape_cast %get3A_435 : vector<1x16xf32> to vector<16xf32>
          %add3A_437 = arith.addf %get3A_432, %get3A_436 : vector<16xf32>
          %swap3A_438 = arith.index_cast %add3A_330 : i32 to index
          %swap3A_439 = arith.constant 112 : index
          %swap3A_440 = tpu.vector_load %arg7[%swap3A_438, %swap3A_439] {strides = array<i32>} : memref<200x128xf32, #tpu.memory_space<vmem>>, vector<1x16xf32>,
          %swap3A_441 = vector.shape_cast %swap3A_440 : vector<1x16xf32> to vector<16xf32>
          %swap3A_442 = vector.shape_cast %add3A_437 : vector<16xf32> to vector<1x16xf32>
          tpu.vector_store %arg7[%swap3A_438, %swap3A_439], %swap3A_442 {strides = array<i32>} : memref<200x128xf32, #tpu.memory_space<vmem>>, vector<1x16xf32>,
          %mul3A_443 = arith.constant 10 : i32
          %mul3A_444 = arith.muli %scan3A_206, %mul3A_443 : i32
          %add3A_445 = arith.constant 2 : i32
          %add3A_446 = arith.addi %mul3A_444, %add3A_445 : i32
          %get3A_447 = arith.index_cast %add3A_446 : i32 to index
          %get3A_448 = arith.constant 0 : index
          %get3A_449 = tpu.vector_load %arg7[%get3A_447, %get3A_448] {strides = array<i32>} : memref<200x128xf32, #tpu.memory_space<vmem>>, vector<1x16xf32>,
          %get3A_450 = vector.shape_cast %get3A_449 : vector<1x16xf32> to vector<16xf32>
          %get3A_451 = arith.index_cast %min3A_212 : i32 to index
          %get3A_452 = arith.constant 0 : index
          %get3A_453 = tpu.vector_load %arg5[%get3A_451, %get3A_452] {strides = array<i32>} : memref<200x128xf32, #tpu.memory_space<vmem>>, vector<1x16xf32>,
          %get3A_454 = vector.shape_cast %get3A_453 : vector<1x16xf32> to vector<16xf32>
          %add3A_455 = arith.addf %get3A_450, %get3A_454 : vector<16xf32>
          %swap3A_456 = arith.index_cast %add3A_446 : i32 to index
          %swap3A_457 = arith.constant 0 : index
          %swap3A_458 = tpu.vector_load %arg7[%swap3A_456, %swap3A_457] {strides = array<i32>} : memref<200x128xf32, #tpu.memory_space<vmem>>, vector<1x16xf32>,
          %swap3A_459 = vector.shape_cast %swap3A_458 : vector<1x16xf32> to vector<16xf32>
          %swap3A_460 = vector.shape_cast %add3A_455 : vector<16xf32> to vector<1x16xf32>
          tpu.vector_store %arg7[%swap3A_456, %swap3A_457], %swap3A_460 {strides = array<i32>} : memref<200x128xf32, #tpu.memory_space<vmem>>, vector<1x16xf32>,
          %get3A_461 = arith.index_cast %add3A_446 : i32 to index
          %get3A_462 = arith.constant 16 : index
          %get3A_463 = tpu.vector_load %arg7[%get3A_461, %get3A_462] {strides = array<i32>} : memref<200x128xf32, #tpu.memory_space<vmem>>, vector<1x16xf32>,
          %get3A_464 = vector.shape_cast %get3A_463 : vector<1x16xf32> to vector<16xf32>
          %get3A_465 = arith.index_cast %min3A_212 : i32 to index
          %get3A_466 = arith.constant 16 : index
          %get3A_467 = tpu.vector_load %arg5[%get3A_465, %get3A_466] {strides = array<i32>} : memref<200x128xf32, #tpu.memory_space<vmem>>, vector<1x16xf32>,
          %get3A_468 = vector.shape_cast %get3A_467 : vector<1x16xf32> to vector<16xf32>
          %add3A_469 = arith.addf %get3A_464, %get3A_468 : vector<16xf32>
          %swap3A_470 = arith.index_cast %add3A_446 : i32 to index
          %swap3A_471 = arith.constant 16 : index
          %swap3A_472 = tpu.vector_load %arg7[%swap3A_470, %swap3A_471] {strides = array<i32>} : memref<200x128xf32, #tpu.memory_space<vmem>>, vector<1x16xf32>,
          %swap3A_473 = vector.shape_cast %swap3A_472 : vector<1x16xf32> to vector<16xf32>
          %swap3A_474 = vector.shape_cast %add3A_469 : vector<16xf32> to vector<1x16xf32>
          tpu.vector_store %arg7[%swap3A_470, %swap3A_471], %swap3A_474 {strides = array<i32>} : memref<200x128xf32, #tpu.memory_space<vmem>>, vector<1x16xf32>,
          %get3A_475 = arith.index_cast %add3A_446 : i32 to index
          %get3A_476 = arith.constant 32 : index
          %get3A_477 = tpu.vector_load %arg7[%get3A_475, %get3A_476] {strides = array<i32>} : memref<200x128xf32, #tpu.memory_space<vmem>>, vector<1x16xf32>,
          %get3A_478 = vector.shape_cast %get3A_477 : vector<1x16xf32> to vector<16xf32>
          %get3A_479 = arith.index_cast %min3A_212 : i32 to index
          %get3A_480 = arith.constant 32 : index
          %get3A_481 = tpu.vector_load %arg5[%get3A_479, %get3A_480] {strides = array<i32>} : memref<200x128xf32, #tpu.memory_space<vmem>>, vector<1x16xf32>,
          %get3A_482 = vector.shape_cast %get3A_481 : vector<1x16xf32> to vector<16xf32>
          %add3A_483 = arith.addf %get3A_478, %get3A_482 : vector<16xf32>
          %swap3A_484 = arith.index_cast %add3A_446 : i32 to index
          %swap3A_485 = arith.constant 32 : index
          %swap3A_486 = tpu.vector_load %arg7[%swap3A_484, %swap3A_485] {strides = array<i32>} : memref<200x128xf32, #tpu.memory_space<vmem>>, vector<1x16xf32>,
          %swap3A_487 = vector.shape_cast %swap3A_486 : vector<1x16xf32> to vector<16xf32>
          %swap3A_488 = vector.shape_cast %add3A_483 : vector<16xf32> to vector<1x16xf32>
          tpu.vector_store %arg7[%swap3A_484, %swap3A_485], %swap3A_488 {strides = array<i32>} : memref<200x128xf32, #tpu.memory_space<vmem>>, vector<1x16xf32>,
          %get3A_489 = arith.index_cast %add3A_446 : i32 to index
          %get3A_490 = arith.constant 48 : index
          %get3A_491 = tpu.vector_load %arg7[%get3A_489, %get3A_490] {strides = array<i32>} : memref<200x128xf32, #tpu.memory_space<vmem>>, vector<1x16xf32>,
          %get3A_492 = vector.shape_cast %get3A_491 : vector<1x16xf32> to vector<16xf32>
          %get3A_493 = arith.index_cast %min3A_212 : i32 to index
          %get3A_494 = arith.constant 48 : index
          %get3A_495 = tpu.vector_load %arg5[%get3A_493, %get3A_494] {strides = array<i32>} : memref<200x128xf32, #tpu.memory_space<vmem>>, vector<1x16xf32>,
          %get3A_496 = vector.shape_cast %get3A_495 : vector<1x16xf32> to vector<16xf32>
          %add3A_497 = arith.addf %get3A_492, %get3A_496 : vector<16xf32>
          %swap3A_498 = arith.index_cast %add3A_446 : i32 to index
          %swap3A_499 = arith.constant 48 : index
          %swap3A_500 = tpu.vector_load %arg7[%swap3A_498, %swap3A_499] {strides = array<i32>} : memref<200x128xf32, #tpu.memory_space<vmem>>, vector<1x16xf32>,
          %swap3A_501 = vector.shape_cast %swap3A_500 : vector<1x16xf32> to vector<16xf32>
          %swap3A_502 = vector.shape_cast %add3A_497 : vector<16xf32> to vector<1x16xf32>
          tpu.vector_store %arg7[%swap3A_498, %swap3A_499], %swap3A_502 {strides = array<i32>} : memref<200x128xf32, #tpu.memory_space<vmem>>, vector<1x16xf32>,
          %get3A_503 = arith.index_cast %add3A_446 : i32 to index
          %get3A_504 = arith.constant 64 : index
          %get3A_505 = tpu.vector_load %arg7[%get3A_503, %get3A_504] {strides = array<i32>} : memref<200x128xf32, #tpu.memory_space<vmem>>, vector<1x16xf32>,
          %get3A_506 = vector.shape_cast %get3A_505 : vector<1x16xf32> to vector<16xf32>
          %get3A_507 = arith.index_cast %min3A_212 : i32 to index
          %get3A_508 = arith.constant 64 : index
          %get3A_509 = tpu.vector_load %arg5[%get3A_507, %get3A_508] {strides = array<i32>} : memref<200x128xf32, #tpu.memory_space<vmem>>, vector<1x16xf32>,
          %get3A_510 = vector.shape_cast %get3A_509 : vector<1x16xf32> to vector<16xf32>
          %add3A_511 = arith.addf %get3A_506, %get3A_510 : vector<16xf32>
          %swap3A_512 = arith.index_cast %add3A_446 : i32 to index
          %swap3A_513 = arith.constant 64 : index
          %swap3A_514 = tpu.vector_load %arg7[%swap3A_512, %swap3A_513] {strides = array<i32>} : memref<200x128xf32, #tpu.memory_space<vmem>>, vector<1x16xf32>,
          %swap3A_515 = vector.shape_cast %swap3A_514 : vector<1x16xf32> to vector<16xf32>
          %swap3A_516 = vector.shape_cast %add3A_511 : vector<16xf32> to vector<1x16xf32>
          tpu.vector_store %arg7[%swap3A_512, %swap3A_513], %swap3A_516 {strides = array<i32>} : memref<200x128xf32, #tpu.memory_space<vmem>>, vector<1x16xf32>,
          %get3A_517 = arith.index_cast %add3A_446 : i32 to index
          %get3A_518 = arith.constant 80 : index
          %get3A_519 = tpu.vector_load %arg7[%get3A_517, %get3A_518] {strides = array<i32>} : memref<200x128xf32, #tpu.memory_space<vmem>>, vector<1x16xf32>,
          %get3A_520 = vector.shape_cast %get3A_519 : vector<1x16xf32> to vector<16xf32>
          %get3A_521 = arith.index_cast %min3A_212 : i32 to index
          %get3A_522 = arith.constant 80 : index
          %get3A_523 = tpu.vector_load %arg5[%get3A_521, %get3A_522] {strides = array<i32>} : memref<200x128xf32, #tpu.memory_space<vmem>>, vector<1x16xf32>,
          %get3A_524 = vector.shape_cast %get3A_523 : vector<1x16xf32> to vector<16xf32>
          %add3A_525 = arith.addf %get3A_520, %get3A_524 : vector<16xf32>
          %swap3A_526 = arith.index_cast %add3A_446 : i32 to index
          %swap3A_527 = arith.constant 80 : index
          %swap3A_528 = tpu.vector_load %arg7[%swap3A_526, %swap3A_527] {strides = array<i32>} : memref<200x128xf32, #tpu.memory_space<vmem>>, vector<1x16xf32>,
          %swap3A_529 = vector.shape_cast %swap3A_528 : vector<1x16xf32> to vector<16xf32>
          %swap3A_530 = vector.shape_cast %add3A_525 : vector<16xf32> to vector<1x16xf32>
          tpu.vector_store %arg7[%swap3A_526, %swap3A_527], %swap3A_530 {strides = array<i32>} : memref<200x128xf32, #tpu.memory_space<vmem>>, vector<1x16xf32>,
          %get3A_531 = arith.index_cast %add3A_446 : i32 to index
          %get3A_532 = arith.constant 96 : index
          %get3A_533 = tpu.vector_load %arg7[%get3A_531, %get3A_532] {strides = array<i32>} : memref<200x128xf32, #tpu.memory_space<vmem>>, vector<1x16xf32>,
          %get3A_534 = vector.shape_cast %get3A_533 : vector<1x16xf32> to vector<16xf32>
          %get3A_535 = arith.index_cast %min3A_212 : i32 to index
          %get3A_536 = arith.constant 96 : index
          %get3A_537 = tpu.vector_load %arg5[%get3A_535, %get3A_536] {strides = array<i32>} : memref<200x128xf32, #tpu.memory_space<vmem>>, vector<1x16xf32>,
          %get3A_538 = vector.shape_cast %get3A_537 : vector<1x16xf32> to vector<16xf32>
          %add3A_539 = arith.addf %get3A_534, %get3A_538 : vector<16xf32>
          %swap3A_540 = arith.index_cast %add3A_446 : i32 to index
          %swap3A_541 = arith.constant 96 : index
          %swap3A_542 = tpu.vector_load %arg7[%swap3A_540, %swap3A_541] {strides = array<i32>} : memref<200x128xf32, #tpu.memory_space<vmem>>, vector<1x16xf32>,
          %swap3A_543 = vector.shape_cast %swap3A_542 : vector<1x16xf32> to vector<16xf32>
          %swap3A_544 = vector.shape_cast %add3A_539 : vector<16xf32> to vector<1x16xf32>
          tpu.vector_store %arg7[%swap3A_540, %swap3A_541], %swap3A_544 {strides = array<i32>} : memref<200x128xf32, #tpu.memory_space<vmem>>, vector<1x16xf32>,
          %get3A_545 = arith.index_cast %add3A_446 : i32 to index
          %get3A_546 = arith.constant 112 : index
          %get3A_547 = tpu.vector_load %arg7[%get3A_545, %get3A_546] {strides = array<i32>} : memref<200x128xf32, #tpu.memory_space<vmem>>, vector<1x16xf32>,
          %get3A_548 = vector.shape_cast %get3A_547 : vector<1x16xf32> to vector<16xf32>
          %get3A_549 = arith.index_cast %min3A_212 : i32 to index
          %get3A_550 = arith.constant 112 : index
          %get3A_551 = tpu.vector_load %arg5[%get3A_549, %get3A_550] {strides = array<i32>} : memref<200x128xf32, #tpu.memory_space<vmem>>, vector<1x16xf32>,
          %get3A_552 = vector.shape_cast %get3A_551 : vector<1x16xf32> to vector<16xf32>
          %add3A_553 = arith.addf %get3A_548, %get3A_552 : vector<16xf32>
          %swap3A_554 = arith.index_cast %add3A_446 : i32 to index
          %swap3A_555 = arith.constant 112 : index
          %swap3A_556 = tpu.vector_load %arg7[%swap3A_554, %swap3A_555] {strides = array<i32>} : memref<200x128xf32, #tpu.memory_space<vmem>>, vector<1x16xf32>,
          %swap3A_557 = vector.shape_cast %swap3A_556 : vector<1x16xf32> to vector<16xf32>
          %swap3A_558 = vector.shape_cast %add3A_553 : vector<16xf32> to vector<1x16xf32>
          tpu.vector_store %arg7[%swap3A_554, %swap3A_555], %swap3A_558 {strides = array<i32>} : memref<200x128xf32, #tpu.memory_space<vmem>>, vector<1x16xf32>,
          %mul3A_559 = arith.constant 10 : i32
          %mul3A_560 = arith.muli %scan3A_206, %mul3A_559 : i32
          %add3A_561 = arith.constant 3 : i32
          %add3A_562 = arith.addi %mul3A_560, %add3A_561 : i32
          %get3A_563 = arith.index_cast %add3A_562 : i32 to index
          %get3A_564 = arith.constant 0 : index
          %get3A_565 = tpu.vector_load %arg7[%get3A_563, %get3A_564] {strides = array<i32>} : memref<200x128xf32, #tpu.memory_space<vmem>>, vector<1x16xf32>,
          %get3A_566 = vector.shape_cast %get3A_565 : vector<1x16xf32> to vector<16xf32>
          %get3A_567 = arith.index_cast %min3A_212 : i32 to index
          %get3A_568 = arith.constant 0 : index
          %get3A_569 = tpu.vector_load %arg5[%get3A_567, %get3A_568] {strides = array<i32>} : memref<200x128xf32, #tpu.memory_space<vmem>>, vector<1x16xf32>,
          %get3A_570 = vector.shape_cast %get3A_569 : vector<1x16xf32> to vector<16xf32>
          %add3A_571 = arith.addf %get3A_566, %get3A_570 : vector<16xf32>
          %swap3A_572 = arith.index_cast %add3A_562 : i32 to index
          %swap3A_573 = arith.constant 0 : index
          %swap3A_574 = tpu.vector_load %arg7[%swap3A_572, %swap3A_573] {strides = array<i32>} : memref<200x128xf32, #tpu.memory_space<vmem>>, vector<1x16xf32>,
          %swap3A_575 = vector.shape_cast %swap3A_574 : vector<1x16xf32> to vector<16xf32>
          %swap3A_576 = vector.shape_cast %add3A_571 : vector<16xf32> to vector<1x16xf32>
          tpu.vector_store %arg7[%swap3A_572, %swap3A_573], %swap3A_576 {strides = array<i32>} : memref<200x128xf32, #tpu.memory_space<vmem>>, vector<1x16xf32>,
          %get3A_577 = arith.index_cast %add3A_562 : i32 to index
          %get3A_578 = arith.constant 16 : index
          %get3A_579 = tpu.vector_load %arg7[%get3A_577, %get3A_578] {strides = array<i32>} : memref<200x128xf32, #tpu.memory_space<vmem>>, vector<1x16xf32>,
          %get3A_580 = vector.shape_cast %get3A_579 : vector<1x16xf32> to vector<16xf32>
          %get3A_581 = arith.index_cast %min3A_212 : i32 to index
          %get3A_582 = arith.constant 16 : index
          %get3A_583 = tpu.vector_load %arg5[%get3A_581, %get3A_582] {strides = array<i32>} : memref<200x128xf32, #tpu.memory_space<vmem>>, vector<1x16xf32>,
          %get3A_584 = vector.shape_cast %get3A_583 : vector<1x16xf32> to vector<16xf32>
          %add3A_585 = arith.addf %get3A_580, %get3A_584 : vector<16xf32>
          %swap3A_586 = arith.index_cast %add3A_562 : i32 to index
          %swap3A_587 = arith.constant 16 : index
          %swap3A_588 = tpu.vector_load %arg7[%swap3A_586, %swap3A_587] {strides = array<i32>} : memref<200x128xf32, #tpu.memory_space<vmem>>, vector<1x16xf32>,
          %swap3A_589 = vector.shape_cast %swap3A_588 : vector<1x16xf32> to vector<16xf32>
          %swap3A_590 = vector.shape_cast %add3A_585 : vector<16xf32> to vector<1x16xf32>
          tpu.vector_store %arg7[%swap3A_586, %swap3A_587], %swap3A_590 {strides = array<i32>} : memref<200x128xf32, #tpu.memory_space<vmem>>, vector<1x16xf32>,
          %get3A_591 = arith.index_cast %add3A_562 : i32 to index
          %get3A_592 = arith.constant 32 : index
          %get3A_593 = tpu.vector_load %arg7[%get3A_591, %get3A_592] {strides = array<i32>} : memref<200x128xf32, #tpu.memory_space<vmem>>, vector<1x16xf32>,
          %get3A_594 = vector.shape_cast %get3A_593 : vector<1x16xf32> to vector<16xf32>
          %get3A_595 = arith.index_cast %min3A_212 : i32 to index
          %get3A_596 = arith.constant 32 : index
          %get3A_597 = tpu.vector_load %arg5[%get3A_595, %get3A_596] {strides = array<i32>} : memref<200x128xf32, #tpu.memory_space<vmem>>, vector<1x16xf32>,
          %get3A_598 = vector.shape_cast %get3A_597 : vector<1x16xf32> to vector<16xf32>
          %add3A_599 = arith.addf %get3A_594, %get3A_598 : vector<16xf32>
          %swap3A_600 = arith.index_cast %add3A_562 : i32 to index
          %swap3A_601 = arith.constant 32 : index
          %swap3A_602 = tpu.vector_load %arg7[%swap3A_600, %swap3A_601] {strides = array<i32>} : memref<200x128xf32, #tpu.memory_space<vmem>>, vector<1x16xf32>,
          %swap3A_603 = vector.shape_cast %swap3A_602 : vector<1x16xf32> to vector<16xf32>
          %swap3A_604 = vector.shape_cast %add3A_599 : vector<16xf32> to vector<1x16xf32>
          tpu.vector_store %arg7[%swap3A_600, %swap3A_601], %swap3A_604 {strides = array<i32>} : memref<200x128xf32, #tpu.memory_space<vmem>>, vector<1x16xf32>,
          %get3A_605 = arith.index_cast %add3A_562 : i32 to index
          %get3A_606 = arith.constant 48 : index
          %get3A_607 = tpu.vector_load %arg7[%get3A_605, %get3A_606] {strides = array<i32>} : memref<200x128xf32, #tpu.memory_space<vmem>>, vector<1x16xf32>,
          %get3A_608 = vector.shape_cast %get3A_607 : vector<1x16xf32> to vector<16xf32>
          %get3A_609 = arith.index_cast %min3A_212 : i32 to index
          %get3A_610 = arith.constant 48 : index
          %get3A_611 = tpu.vector_load %arg5[%get3A_609, %get3A_610] {strides = array<i32>} : memref<200x128xf32, #tpu.memory_space<vmem>>, vector<1x16xf32>,
          %get3A_612 = vector.shape_cast %get3A_611 : vector<1x16xf32> to vector<16xf32>
          %add3A_613 = arith.addf %get3A_608, %get3A_612 : vector<16xf32>
          %swap3A_614 = arith.index_cast %add3A_562 : i32 to index
          %swap3A_615 = arith.constant 48 : index
          %swap3A_616 = tpu.vector_load %arg7[%swap3A_614, %swap3A_615] {strides = array<i32>} : memref<200x128xf32, #tpu.memory_space<vmem>>, vector<1x16xf32>,
          %swap3A_617 = vector.shape_cast %swap3A_616 : vector<1x16xf32> to vector<16xf32>
          %swap3A_618 = vector.shape_cast %add3A_613 : vector<16xf32> to vector<1x16xf32>
          tpu.vector_store %arg7[%swap3A_614, %swap3A_615], %swap3A_618 {strides = array<i32>} : memref<200x128xf32, #tpu.memory_space<vmem>>, vector<1x16xf32>,
          %get3A_619 = arith.index_cast %add3A_562 : i32 to index
          %get3A_620 = arith.constant 64 : index
          %get3A_621 = tpu.vector_load %arg7[%get3A_619, %get3A_620] {strides = array<i32>} : memref<200x128xf32, #tpu.memory_space<vmem>>, vector<1x16xf32>,
          %get3A_622 = vector.shape_cast %get3A_621 : vector<1x16xf32> to vector<16xf32>
          %get3A_623 = arith.index_cast %min3A_212 : i32 to index
          %get3A_624 = arith.constant 64 : index
          %get3A_625 = tpu.vector_load %arg5[%get3A_623, %get3A_624] {strides = array<i32>} : memref<200x128xf32, #tpu.memory_space<vmem>>, vector<1x16xf32>,
          %get3A_626 = vector.shape_cast %get3A_625 : vector<1x16xf32> to vector<16xf32>
          %add3A_627 = arith.addf %get3A_622, %get3A_626 : vector<16xf32>
          %swap3A_628 = arith.index_cast %add3A_562 : i32 to index
          %swap3A_629 = arith.constant 64 : index
          %swap3A_630 = tpu.vector_load %arg7[%swap3A_628, %swap3A_629] {strides = array<i32>} : memref<200x128xf32, #tpu.memory_space<vmem>>, vector<1x16xf32>,
          %swap3A_631 = vector.shape_cast %swap3A_630 : vector<1x16xf32> to vector<16xf32>
          %swap3A_632 = vector.shape_cast %add3A_627 : vector<16xf32> to vector<1x16xf32>
          tpu.vector_store %arg7[%swap3A_628, %swap3A_629], %swap3A_632 {strides = array<i32>} : memref<200x128xf32, #tpu.memory_space<vmem>>, vector<1x16xf32>,
          %get3A_633 = arith.index_cast %add3A_562 : i32 to index
          %get3A_634 = arith.constant 80 : index
          %get3A_635 = tpu.vector_load %arg7[%get3A_633, %get3A_634] {strides = array<i32>} : memref<200x128xf32, #tpu.memory_space<vmem>>, vector<1x16xf32>,
          %get3A_636 = vector.shape_cast %get3A_635 : vector<1x16xf32> to vector<16xf32>
          %get3A_637 = arith.index_cast %min3A_212 : i32 to index
          %get3A_638 = arith.constant 80 : index
          %get3A_639 = tpu.vector_load %arg5[%get3A_637, %get3A_638] {strides = array<i32>} : memref<200x128xf32, #tpu.memory_space<vmem>>, vector<1x16xf32>,
          %get3A_640 = vector.shape_cast %get3A_639 : vector<1x16xf32> to vector<16xf32>
          %add3A_641 = arith.addf %get3A_636, %get3A_640 : vector<16xf32>
          %swap3A_642 = arith.index_cast %add3A_562 : i32 to index
          %swap3A_643 = arith.constant 80 : index
          %swap3A_644 = tpu.vector_load %arg7[%swap3A_642, %swap3A_643] {strides = array<i32>} : memref<200x128xf32, #tpu.memory_space<vmem>>, vector<1x16xf32>,
          %swap3A_645 = vector.shape_cast %swap3A_644 : vector<1x16xf32> to vector<16xf32>
          %swap3A_646 = vector.shape_cast %add3A_641 : vector<16xf32> to vector<1x16xf32>
          tpu.vector_store %arg7[%swap3A_642, %swap3A_643], %swap3A_646 {strides = array<i32>} : memref<200x128xf32, #tpu.memory_space<vmem>>, vector<1x16xf32>,
          %get3A_647 = arith.index_cast %add3A_562 : i32 to index
          %get3A_648 = arith.constant 96 : index
          %get3A_649 = tpu.vector_load %arg7[%get3A_647, %get3A_648] {strides = array<i32>} : memref<200x128xf32, #tpu.memory_space<vmem>>, vector<1x16xf32>,
          %get3A_650 = vector.shape_cast %get3A_649 : vector<1x16xf32> to vector<16xf32>
          %get3A_651 = arith.index_cast %min3A_212 : i32 to index
          %get3A_652 = arith.constant 96 : index
          %get3A_653 = tpu.vector_load %arg5[%get3A_651, %get3A_652] {strides = array<i32>} : memref<200x128xf32, #tpu.memory_space<vmem>>, vector<1x16xf32>,
          %get3A_654 = vector.shape_cast %get3A_653 : vector<1x16xf32> to vector<16xf32>
          %add3A_655 = arith.addf %get3A_650, %get3A_654 : vector<16xf32>
          %swap3A_656 = arith.index_cast %add3A_562 : i32 to index
          %swap3A_657 = arith.constant 96 : index
          %swap3A_658 = tpu.vector_load %arg7[%swap3A_656, %swap3A_657] {strides = array<i32>} : memref<200x128xf32, #tpu.memory_space<vmem>>, vector<1x16xf32>,
          %swap3A_659 = vector.shape_cast %swap3A_658 : vector<1x16xf32> to vector<16xf32>
          %swap3A_660 = vector.shape_cast %add3A_655 : vector<16xf32> to vector<1x16xf32>
          tpu.vector_store %arg7[%swap3A_656, %swap3A_657], %swap3A_660 {strides = array<i32>} : memref<200x128xf32, #tpu.memory_space<vmem>>, vector<1x16xf32>,
          %get3A_661 = arith.index_cast %add3A_562 : i32 to index
          %get3A_662 = arith.constant 112 : index
          %get3A_663 = tpu.vector_load %arg7[%get3A_661, %get3A_662] {strides = array<i32>} : memref<200x128xf32, #tpu.memory_space<vmem>>, vector<1x16xf32>,
          %get3A_664 = vector.shape_cast %get3A_663 : vector<1x16xf32> to vector<16xf32>
          %get3A_665 = arith.index_cast %min3A_212 : i32 to index
          %get3A_666 = arith.constant 112 : index
          %get3A_667 = tpu.vector_load %arg5[%get3A_665, %get3A_666] {strides = array<i32>} : memref<200x128xf32, #tpu.memory_space<vmem>>, vector<1x16xf32>,
          %get3A_668 = vector.shape_cast %get3A_667 : vector<1x16xf32> to vector<16xf32>
          %add3A_669 = arith.addf %get3A_664, %get3A_668 : vector<16xf32>
          %swap3A_670 = arith.index_cast %add3A_562 : i32 to index
          %swap3A_671 = arith.constant 112 : index
          %swap3A_672 = tpu.vector_load %arg7[%swap3A_670, %swap3A_671] {strides = array<i32>} : memref<200x128xf32, #tpu.memory_space<vmem>>, vector<1x16xf32>,
          %swap3A_673 = vector.shape_cast %swap3A_672 : vector<1x16xf32> to vector<16xf32>
          %swap3A_674 = vector.shape_cast %add3A_669 : vector<16xf32> to vector<1x16xf32>
          tpu.vector_store %arg7[%swap3A_670, %swap3A_671], %swap3A_674 {strides = array<i32>} : memref<200x128xf32, #tpu.memory_space<vmem>>, vector<1x16xf32>,
          %mul3A_675 = arith.constant 10 : i32
          %mul3A_676 = arith.muli %scan3A_206, %mul3A_675 : i32
          %add3A_677 = arith.constant 4 : i32
          %add3A_678 = arith.addi %mul3A_676, %add3A_677 : i32
          %get3A_679 = arith.index_cast %add3A_678 : i32 to index
          %get3A_680 = arith.constant 0 : index
          %get3A_681 = tpu.vector_load %arg7[%get3A_679, %get3A_680] {strides = array<i32>} : memref<200x128xf32, #tpu.memory_space<vmem>>, vector<1x16xf32>,
          %get3A_682 = vector.shape_cast %get3A_681 : vector<1x16xf32> to vector<16xf32>
          %get3A_683 = arith.index_cast %min3A_212 : i32 to index
          %get3A_684 = arith.constant 0 : index
          %get3A_685 = tpu.vector_load %arg5[%get3A_683, %get3A_684] {strides = array<i32>} : memref<200x128xf32, #tpu.memory_space<vmem>>, vector<1x16xf32>,
          %get3A_686 = vector.shape_cast %get3A_685 : vector<1x16xf32> to vector<16xf32>
          %add3A_687 = arith.addf %get3A_682, %get3A_686 : vector<16xf32>
          %swap3A_688 = arith.index_cast %add3A_678 : i32 to index
          %swap3A_689 = arith.constant 0 : index
          %swap3A_690 = tpu.vector_load %arg7[%swap3A_688, %swap3A_689] {strides = array<i32>} : memref<200x128xf32, #tpu.memory_space<vmem>>, vector<1x16xf32>,
          %swap3A_691 = vector.shape_cast %swap3A_690 : vector<1x16xf32> to vector<16xf32>
          %swap3A_692 = vector.shape_cast %add3A_687 : vector<16xf32> to vector<1x16xf32>
          tpu.vector_store %arg7[%swap3A_688, %swap3A_689], %swap3A_692 {strides = array<i32>} : memref<200x128xf32, #tpu.memory_space<vmem>>, vector<1x16xf32>,
          %get3A_693 = arith.index_cast %add3A_678 : i32 to index
          %get3A_694 = arith.constant 16 : index
          %get3A_695 = tpu.vector_load %arg7[%get3A_693, %get3A_694] {strides = array<i32>} : memref<200x128xf32, #tpu.memory_space<vmem>>, vector<1x16xf32>,
          %get3A_696 = vector.shape_cast %get3A_695 : vector<1x16xf32> to vector<16xf32>
          %get3A_697 = arith.index_cast %min3A_212 : i32 to index
          %get3A_698 = arith.constant 16 : index
          %get3A_699 = tpu.vector_load %arg5[%get3A_697, %get3A_698] {strides = array<i32>} : memref<200x128xf32, #tpu.memory_space<vmem>>, vector<1x16xf32>,
          %get3A_700 = vector.shape_cast %get3A_699 : vector<1x16xf32> to vector<16xf32>
          %add3A_701 = arith.addf %get3A_696, %get3A_700 : vector<16xf32>
          %swap3A_702 = arith.index_cast %add3A_678 : i32 to index
          %swap3A_703 = arith.constant 16 : index
          %swap3A_704 = tpu.vector_load %arg7[%swap3A_702, %swap3A_703] {strides = array<i32>} : memref<200x128xf32, #tpu.memory_space<vmem>>, vector<1x16xf32>,
          %swap3A_705 = vector.shape_cast %swap3A_704 : vector<1x16xf32> to vector<16xf32>
          %swap3A_706 = vector.shape_cast %add3A_701 : vector<16xf32> to vector<1x16xf32>
          tpu.vector_store %arg7[%swap3A_702, %swap3A_703], %swap3A_706 {strides = array<i32>} : memref<200x128xf32, #tpu.memory_space<vmem>>, vector<1x16xf32>,
          %get3A_707 = arith.index_cast %add3A_678 : i32 to index
          %get3A_708 = arith.constant 32 : index
          %get3A_709 = tpu.vector_load %arg7[%get3A_707, %get3A_708] {strides = array<i32>} : memref<200x128xf32, #tpu.memory_space<vmem>>, vector<1x16xf32>,
          %get3A_710 = vector.shape_cast %get3A_709 : vector<1x16xf32> to vector<16xf32>
          %get3A_711 = arith.index_cast %min3A_212 : i32 to index
          %get3A_712 = arith.constant 32 : index
          %get3A_713 = tpu.vector_load %arg5[%get3A_711, %get3A_712] {strides = array<i32>} : memref<200x128xf32, #tpu.memory_space<vmem>>, vector<1x16xf32>,
          %get3A_714 = vector.shape_cast %get3A_713 : vector<1x16xf32> to vector<16xf32>
          %add3A_715 = arith.addf %get3A_710, %get3A_714 : vector<16xf32>
          %swap3A_716 = arith.index_cast %add3A_678 : i32 to index
          %swap3A_717 = arith.constant 32 : index
          %swap3A_718 = tpu.vector_load %arg7[%swap3A_716, %swap3A_717] {strides = array<i32>} : memref<200x128xf32, #tpu.memory_space<vmem>>, vector<1x16xf32>,
          %swap3A_719 = vector.shape_cast %swap3A_718 : vector<1x16xf32> to vector<16xf32>
          %swap3A_720 = vector.shape_cast %add3A_715 : vector<16xf32> to vector<1x16xf32>
          tpu.vector_store %arg7[%swap3A_716, %swap3A_717], %swap3A_720 {strides = array<i32>} : memref<200x128xf32, #tpu.memory_space<vmem>>, vector<1x16xf32>,
          %get3A_721 = arith.index_cast %add3A_678 : i32 to index
          %get3A_722 = arith.constant 48 : index
          %get3A_723 = tpu.vector_load %arg7[%get3A_721, %get3A_722] {strides = array<i32>} : memref<200x128xf32, #tpu.memory_space<vmem>>, vector<1x16xf32>,
          %get3A_724 = vector.shape_cast %get3A_723 : vector<1x16xf32> to vector<16xf32>
          %get3A_725 = arith.index_cast %min3A_212 : i32 to index
          %get3A_726 = arith.constant 48 : index
          %get3A_727 = tpu.vector_load %arg5[%get3A_725, %get3A_726] {strides = array<i32>} : memref<200x128xf32, #tpu.memory_space<vmem>>, vector<1x16xf32>,
          %get3A_728 = vector.shape_cast %get3A_727 : vector<1x16xf32> to vector<16xf32>
          %add3A_729 = arith.addf %get3A_724, %get3A_728 : vector<16xf32>
          %swap3A_730 = arith.index_cast %add3A_678 : i32 to index
          %swap3A_731 = arith.constant 48 : index
          %swap3A_732 = tpu.vector_load %arg7[%swap3A_730, %swap3A_731] {strides = array<i32>} : memref<200x128xf32, #tpu.memory_space<vmem>>, vector<1x16xf32>,
          %swap3A_733 = vector.shape_cast %swap3A_732 : vector<1x16xf32> to vector<16xf32>
          %swap3A_734 = vector.shape_cast %add3A_729 : vector<16xf32> to vector<1x16xf32>
          tpu.vector_store %arg7[%swap3A_730, %swap3A_731], %swap3A_734 {strides = array<i32>} : memref<200x128xf32, #tpu.memory_space<vmem>>, vector<1x16xf32>,
          %get3A_735 = arith.index_cast %add3A_678 : i32 to index
          %get3A_736 = arith.constant 64 : index
          %get3A_737 = tpu.vector_load %arg7[%get3A_735, %get3A_736] {strides = array<i32>} : memref<200x128xf32, #tpu.memory_space<vmem>>, vector<1x16xf32>,
          %get3A_738 = vector.shape_cast %get3A_737 : vector<1x16xf32> to vector<16xf32>
          %get3A_739 = arith.index_cast %min3A_212 : i32 to index
          %get3A_740 = arith.constant 64 : index
          %get3A_741 = tpu.vector_load %arg5[%get3A_739, %get3A_740] {strides = array<i32>} : memref<200x128xf32, #tpu.memory_space<vmem>>, vector<1x16xf32>,
          %get3A_742 = vector.shape_cast %get3A_741 : vector<1x16xf32> to vector<16xf32>
          %add3A_743 = arith.addf %get3A_738, %get3A_742 : vector<16xf32>
          %swap3A_744 = arith.index_cast %add3A_678 : i32 to index
          %swap3A_745 = arith.constant 64 : index
          %swap3A_746 = tpu.vector_load %arg7[%swap3A_744, %swap3A_745] {strides = array<i32>} : memref<200x128xf32, #tpu.memory_space<vmem>>, vector<1x16xf32>,
          %swap3A_747 = vector.shape_cast %swap3A_746 : vector<1x16xf32> to vector<16xf32>
          %swap3A_748 = vector.shape_cast %add3A_743 : vector<16xf32> to vector<1x16xf32>
          tpu.vector_store %arg7[%swap3A_744, %swap3A_745], %swap3A_748 {strides = array<i32>} : memref<200x128xf32, #tpu.memory_space<vmem>>, vector<1x16xf32>,
          %get3A_749 = arith.index_cast %add3A_678 : i32 to index
          %get3A_750 = arith.constant 80 : index
          %get3A_751 = tpu.vector_load %arg7[%get3A_749, %get3A_750] {strides = array<i32>} : memref<200x128xf32, #tpu.memory_space<vmem>>, vector<1x16xf32>,
          %get3A_752 = vector.shape_cast %get3A_751 : vector<1x16xf32> to vector<16xf32>
          %get3A_753 = arith.index_cast %min3A_212 : i32 to index
          %get3A_754 = arith.constant 80 : index
          %get3A_755 = tpu.vector_load %arg5[%get3A_753, %get3A_754] {strides = array<i32>} : memref<200x128xf32, #tpu.memory_space<vmem>>, vector<1x16xf32>,
          %get3A_756 = vector.shape_cast %get3A_755 : vector<1x16xf32> to vector<16xf32>
          %add3A_757 = arith.addf %get3A_752, %get3A_756 : vector<16xf32>
          %swap3A_758 = arith.index_cast %add3A_678 : i32 to index
          %swap3A_759 = arith.constant 80 : index
          %swap3A_760 = tpu.vector_load %arg7[%swap3A_758, %swap3A_759] {strides = array<i32>} : memref<200x128xf32, #tpu.memory_space<vmem>>, vector<1x16xf32>,
          %swap3A_761 = vector.shape_cast %swap3A_760 : vector<1x16xf32> to vector<16xf32>
          %swap3A_762 = vector.shape_cast %add3A_757 : vector<16xf32> to vector<1x16xf32>
          tpu.vector_store %arg7[%swap3A_758, %swap3A_759], %swap3A_762 {strides = array<i32>} : memref<200x128xf32, #tpu.memory_space<vmem>>, vector<1x16xf32>,
          %get3A_763 = arith.index_cast %add3A_678 : i32 to index
          %get3A_764 = arith.constant 96 : index
          %get3A_765 = tpu.vector_load %arg7[%get3A_763, %get3A_764] {strides = array<i32>} : memref<200x128xf32, #tpu.memory_space<vmem>>, vector<1x16xf32>,
          %get3A_766 = vector.shape_cast %get3A_765 : vector<1x16xf32> to vector<16xf32>
          %get3A_767 = arith.index_cast %min3A_212 : i32 to index
          %get3A_768 = arith.constant 96 : index
          %get3A_769 = tpu.vector_load %arg5[%get3A_767, %get3A_768] {strides = array<i32>} : memref<200x128xf32, #tpu.memory_space<vmem>>, vector<1x16xf32>,
          %get3A_770 = vector.shape_cast %get3A_769 : vector<1x16xf32> to vector<16xf32>
          %add3A_771 = arith.addf %get3A_766, %get3A_770 : vector<16xf32>
          %swap3A_772 = arith.index_cast %add3A_678 : i32 to index
          %swap3A_773 = arith.constant 96 : index
          %swap3A_774 = tpu.vector_load %arg7[%swap3A_772, %swap3A_773] {strides = array<i32>} : memref<200x128xf32, #tpu.memory_space<vmem>>, vector<1x16xf32>,
          %swap3A_775 = vector.shape_cast %swap3A_774 : vector<1x16xf32> to vector<16xf32>
          %swap3A_776 = vector.shape_cast %add3A_771 : vector<16xf32> to vector<1x16xf32>
          tpu.vector_store %arg7[%swap3A_772, %swap3A_773], %swap3A_776 {strides = array<i32>} : memref<200x128xf32, #tpu.memory_space<vmem>>, vector<1x16xf32>,
          %get3A_777 = arith.index_cast %add3A_678 : i32 to index
          %get3A_778 = arith.constant 112 : index
          %get3A_779 = tpu.vector_load %arg7[%get3A_777, %get3A_778] {strides = array<i32>} : memref<200x128xf32, #tpu.memory_space<vmem>>, vector<1x16xf32>,
          %get3A_780 = vector.shape_cast %get3A_779 : vector<1x16xf32> to vector<16xf32>
          %get3A_781 = arith.index_cast %min3A_212 : i32 to index
          %get3A_782 = arith.constant 112 : index
          %get3A_783 = tpu.vector_load %arg5[%get3A_781, %get3A_782] {strides = array<i32>} : memref<200x128xf32, #tpu.memory_space<vmem>>, vector<1x16xf32>,
          %get3A_784 = vector.shape_cast %get3A_783 : vector<1x16xf32> to vector<16xf32>
          %add3A_785 = arith.addf %get3A_780, %get3A_784 : vector<16xf32>
          %swap3A_786 = arith.index_cast %add3A_678 : i32 to index
          %swap3A_787 = arith.constant 112 : index
          %swap3A_788 = tpu.vector_load %arg7[%swap3A_786, %swap3A_787] {strides = array<i32>} : memref<200x128xf32, #tpu.memory_space<vmem>>, vector<1x16xf32>,
          %swap3A_789 = vector.shape_cast %swap3A_788 : vector<1x16xf32> to vector<16xf32>
          %swap3A_790 = vector.shape_cast %add3A_785 : vector<16xf32> to vector<1x16xf32>
          tpu.vector_store %arg7[%swap3A_786, %swap3A_787], %swap3A_790 {strides = array<i32>} : memref<200x128xf32, #tpu.memory_space<vmem>>, vector<1x16xf32>,
          %mul3A_791 = arith.constant 10 : i32
          %mul3A_792 = arith.muli %scan3A_206, %mul3A_791 : i32
          %add3A_793 = arith.constant 5 : i32
          %add3A_794 = arith.addi %mul3A_792, %add3A_793 : i32
          %get3A_795 = arith.index_cast %add3A_794 : i32 to index
          %get3A_796 = arith.constant 0 : index
          %get3A_797 = tpu.vector_load %arg7[%get3A_795, %get3A_796] {strides = array<i32>} : memref<200x128xf32, #tpu.memory_space<vmem>>, vector<1x16xf32>,
          %get3A_798 = vector.shape_cast %get3A_797 : vector<1x16xf32> to vector<16xf32>
          %get3A_799 = arith.index_cast %min3A_212 : i32 to index
          %get3A_800 = arith.constant 0 : index
          %get3A_801 = tpu.vector_load %arg5[%get3A_799, %get3A_800] {strides = array<i32>} : memref<200x128xf32, #tpu.memory_space<vmem>>, vector<1x16xf32>,
          %get3A_802 = vector.shape_cast %get3A_801 : vector<1x16xf32> to vector<16xf32>
          %add3A_803 = arith.addf %get3A_798, %get3A_802 : vector<16xf32>
          %swap3A_804 = arith.index_cast %add3A_794 : i32 to index
          %swap3A_805 = arith.constant 0 : index
          %swap3A_806 = tpu.vector_load %arg7[%swap3A_804, %swap3A_805] {strides = array<i32>} : memref<200x128xf32, #tpu.memory_space<vmem>>, vector<1x16xf32>,
          %swap3A_807 = vector.shape_cast %swap3A_806 : vector<1x16xf32> to vector<16xf32>
          %swap3A_808 = vector.shape_cast %add3A_803 : vector<16xf32> to vector<1x16xf32>
          tpu.vector_store %arg7[%swap3A_804, %swap3A_805], %swap3A_808 {strides = array<i32>} : memref<200x128xf32, #tpu.memory_space<vmem>>, vector<1x16xf32>,
          %get3A_809 = arith.index_cast %add3A_794 : i32 to index
          %get3A_810 = arith.constant 16 : index
          %get3A_811 = tpu.vector_load %arg7[%get3A_809, %get3A_810] {strides = array<i32>} : memref<200x128xf32, #tpu.memory_space<vmem>>, vector<1x16xf32>,
          %get3A_812 = vector.shape_cast %get3A_811 : vector<1x16xf32> to vector<16xf32>
          %get3A_813 = arith.index_cast %min3A_212 : i32 to index
          %get3A_814 = arith.constant 16 : index
          %get3A_815 = tpu.vector_load %arg5[%get3A_813, %get3A_814] {strides = array<i32>} : memref<200x128xf32, #tpu.memory_space<vmem>>, vector<1x16xf32>,
          %get3A_816 = vector.shape_cast %get3A_815 : vector<1x16xf32> to vector<16xf32>
          %add3A_817 = arith.addf %get3A_812, %get3A_816 : vector<16xf32>
          %swap3A_818 = arith.index_cast %add3A_794 : i32 to index
          %swap3A_819 = arith.constant 16 : index
          %swap3A_820 = tpu.vector_load %arg7[%swap3A_818, %swap3A_819] {strides = array<i32>} : memref<200x128xf32, #tpu.memory_space<vmem>>, vector<1x16xf32>,
          %swap3A_821 = vector.shape_cast %swap3A_820 : vector<1x16xf32> to vector<16xf32>
          %swap3A_822 = vector.shape_cast %add3A_817 : vector<16xf32> to vector<1x16xf32>
          tpu.vector_store %arg7[%swap3A_818, %swap3A_819], %swap3A_822 {strides = array<i32>} : memref<200x128xf32, #tpu.memory_space<vmem>>, vector<1x16xf32>,
          %get3A_823 = arith.index_cast %add3A_794 : i32 to index
          %get3A_824 = arith.constant 32 : index
          %get3A_825 = tpu.vector_load %arg7[%get3A_823, %get3A_824] {strides = array<i32>} : memref<200x128xf32, #tpu.memory_space<vmem>>, vector<1x16xf32>,
          %get3A_826 = vector.shape_cast %get3A_825 : vector<1x16xf32> to vector<16xf32>
          %get3A_827 = arith.index_cast %min3A_212 : i32 to index
          %get3A_828 = arith.constant 32 : index
          %get3A_829 = tpu.vector_load %arg5[%get3A_827, %get3A_828] {strides = array<i32>} : memref<200x128xf32, #tpu.memory_space<vmem>>, vector<1x16xf32>,
          %get3A_830 = vector.shape_cast %get3A_829 : vector<1x16xf32> to vector<16xf32>
          %add3A_831 = arith.addf %get3A_826, %get3A_830 : vector<16xf32>
          %swap3A_832 = arith.index_cast %add3A_794 : i32 to index
          %swap3A_833 = arith.constant 32 : index
          %swap3A_834 = tpu.vector_load %arg7[%swap3A_832, %swap3A_833] {strides = array<i32>} : memref<200x128xf32, #tpu.memory_space<vmem>>, vector<1x16xf32>,
          %swap3A_835 = vector.shape_cast %swap3A_834 : vector<1x16xf32> to vector<16xf32>
          %swap3A_836 = vector.shape_cast %add3A_831 : vector<16xf32> to vector<1x16xf32>
          tpu.vector_store %arg7[%swap3A_832, %swap3A_833], %swap3A_836 {strides = array<i32>} : memref<200x128xf32, #tpu.memory_space<vmem>>, vector<1x16xf32>,
          %get3A_837 = arith.index_cast %add3A_794 : i32 to index
          %get3A_838 = arith.constant 48 : index
          %get3A_839 = tpu.vector_load %arg7[%get3A_837, %get3A_838] {strides = array<i32>} : memref<200x128xf32, #tpu.memory_space<vmem>>, vector<1x16xf32>,
          %get3A_840 = vector.shape_cast %get3A_839 : vector<1x16xf32> to vector<16xf32>
          %get3A_841 = arith.index_cast %min3A_212 : i32 to index
          %get3A_842 = arith.constant 48 : index
          %get3A_843 = tpu.vector_load %arg5[%get3A_841, %get3A_842] {strides = array<i32>} : memref<200x128xf32, #tpu.memory_space<vmem>>, vector<1x16xf32>,
          %get3A_844 = vector.shape_cast %get3A_843 : vector<1x16xf32> to vector<16xf32>
          %add3A_845 = arith.addf %get3A_840, %get3A_844 : vector<16xf32>
          %swap3A_846 = arith.index_cast %add3A_794 : i32 to index
          %swap3A_847 = arith.constant 48 : index
          %swap3A_848 = tpu.vector_load %arg7[%swap3A_846, %swap3A_847] {strides = array<i32>} : memref<200x128xf32, #tpu.memory_space<vmem>>, vector<1x16xf32>,
          %swap3A_849 = vector.shape_cast %swap3A_848 : vector<1x16xf32> to vector<16xf32>
          %swap3A_850 = vector.shape_cast %add3A_845 : vector<16xf32> to vector<1x16xf32>
          tpu.vector_store %arg7[%swap3A_846, %swap3A_847], %swap3A_850 {strides = array<i32>} : memref<200x128xf32, #tpu.memory_space<vmem>>, vector<1x16xf32>,
          %get3A_851 = arith.index_cast %add3A_794 : i32 to index
          %get3A_852 = arith.constant 64 : index
          %get3A_853 = tpu.vector_load %arg7[%get3A_851, %get3A_852] {strides = array<i32>} : memref<200x128xf32, #tpu.memory_space<vmem>>, vector<1x16xf32>,
          %get3A_854 = vector.shape_cast %get3A_853 : vector<1x16xf32> to vector<16xf32>
          %get3A_855 = arith.index_cast %min3A_212 : i32 to index
          %get3A_856 = arith.constant 64 : index
          %get3A_857 = tpu.vector_load %arg5[%get3A_855, %get3A_856] {strides = array<i32>} : memref<200x128xf32, #tpu.memory_space<vmem>>, vector<1x16xf32>,
          %get3A_858 = vector.shape_cast %get3A_857 : vector<1x16xf32> to vector<16xf32>
          %add3A_859 = arith.addf %get3A_854, %get3A_858 : vector<16xf32>
          %swap3A_860 = arith.index_cast %add3A_794 : i32 to index
          %swap3A_861 = arith.constant 64 : index
          %swap3A_862 = tpu.vector_load %arg7[%swap3A_860, %swap3A_861] {strides = array<i32>} : memref<200x128xf32, #tpu.memory_space<vmem>>, vector<1x16xf32>,
          %swap3A_863 = vector.shape_cast %swap3A_862 : vector<1x16xf32> to vector<16xf32>
          %swap3A_864 = vector.shape_cast %add3A_859 : vector<16xf32> to vector<1x16xf32>
          tpu.vector_store %arg7[%swap3A_860, %swap3A_861], %swap3A_864 {strides = array<i32>} : memref<200x128xf32, #tpu.memory_space<vmem>>, vector<1x16xf32>,
          %get3A_865 = arith.index_cast %add3A_794 : i32 to index
          %get3A_866 = arith.constant 80 : index
          %get3A_867 = tpu.vector_load %arg7[%get3A_865, %get3A_866] {strides = array<i32>} : memref<200x128xf32, #tpu.memory_space<vmem>>, vector<1x16xf32>,
          %get3A_868 = vector.shape_cast %get3A_867 : vector<1x16xf32> to vector<16xf32>
          %get3A_869 = arith.index_cast %min3A_212 : i32 to index
          %get3A_870 = arith.constant 80 : index
          %get3A_871 = tpu.vector_load %arg5[%get3A_869, %get3A_870] {strides = array<i32>} : memref<200x128xf32, #tpu.memory_space<vmem>>, vector<1x16xf32>,
          %get3A_872 = vector.shape_cast %get3A_871 : vector<1x16xf32> to vector<16xf32>
          %add3A_873 = arith.addf %get3A_868, %get3A_872 : vector<16xf32>
          %swap3A_874 = arith.index_cast %add3A_794 : i32 to index
          %swap3A_875 = arith.constant 80 : index
          %swap3A_876 = tpu.vector_load %arg7[%swap3A_874, %swap3A_875] {strides = array<i32>} : memref<200x128xf32, #tpu.memory_space<vmem>>, vector<1x16xf32>,
          %swap3A_877 = vector.shape_cast %swap3A_876 : vector<1x16xf32> to vector<16xf32>
          %swap3A_878 = vector.shape_cast %add3A_873 : vector<16xf32> to vector<1x16xf32>
          tpu.vector_store %arg7[%swap3A_874, %swap3A_875], %swap3A_878 {strides = array<i32>} : memref<200x128xf32, #tpu.memory_space<vmem>>, vector<1x16xf32>,
          %get3A_879 = arith.index_cast %add3A_794 : i32 to index
          %get3A_880 = arith.constant 96 : index
          %get3A_881 = tpu.vector_load %arg7[%get3A_879, %get3A_880] {strides = array<i32>} : memref<200x128xf32, #tpu.memory_space<vmem>>, vector<1x16xf32>,
          %get3A_882 = vector.shape_cast %get3A_881 : vector<1x16xf32> to vector<16xf32>
          %get3A_883 = arith.index_cast %min3A_212 : i32 to index
          %get3A_884 = arith.constant 96 : index
          %get3A_885 = tpu.vector_load %arg5[%get3A_883, %get3A_884] {strides = array<i32>} : memref<200x128xf32, #tpu.memory_space<vmem>>, vector<1x16xf32>,
          %get3A_886 = vector.shape_cast %get3A_885 : vector<1x16xf32> to vector<16xf32>
          %add3A_887 = arith.addf %get3A_882, %get3A_886 : vector<16xf32>
          %swap3A_888 = arith.index_cast %add3A_794 : i32 to index
          %swap3A_889 = arith.constant 96 : index
          %swap3A_890 = tpu.vector_load %arg7[%swap3A_888, %swap3A_889] {strides = array<i32>} : memref<200x128xf32, #tpu.memory_space<vmem>>, vector<1x16xf32>,
          %swap3A_891 = vector.shape_cast %swap3A_890 : vector<1x16xf32> to vector<16xf32>
          %swap3A_892 = vector.shape_cast %add3A_887 : vector<16xf32> to vector<1x16xf32>
          tpu.vector_store %arg7[%swap3A_888, %swap3A_889], %swap3A_892 {strides = array<i32>} : memref<200x128xf32, #tpu.memory_space<vmem>>, vector<1x16xf32>,
          %get3A_893 = arith.index_cast %add3A_794 : i32 to index
          %get3A_894 = arith.constant 112 : index
          %get3A_895 = tpu.vector_load %arg7[%get3A_893, %get3A_894] {strides = array<i32>} : memref<200x128xf32, #tpu.memory_space<vmem>>, vector<1x16xf32>,
          %get3A_896 = vector.shape_cast %get3A_895 : vector<1x16xf32> to vector<16xf32>
          %get3A_897 = arith.index_cast %min3A_212 : i32 to index
          %get3A_898 = arith.constant 112 : index
          %get3A_899 = tpu.vector_load %arg5[%get3A_897, %get3A_898] {strides = array<i32>} : memref<200x128xf32, #tpu.memory_space<vmem>>, vector<1x16xf32>,
          %get3A_900 = vector.shape_cast %get3A_899 : vector<1x16xf32> to vector<16xf32>
          %add3A_901 = arith.addf %get3A_896, %get3A_900 : vector<16xf32>
          %swap3A_902 = arith.index_cast %add3A_794 : i32 to index
          %swap3A_903 = arith.constant 112 : index
          %swap3A_904 = tpu.vector_load %arg7[%swap3A_902, %swap3A_903] {strides = array<i32>} : memref<200x128xf32, #tpu.memory_space<vmem>>, vector<1x16xf32>,
          %swap3A_905 = vector.shape_cast %swap3A_904 : vector<1x16xf32> to vector<16xf32>
          %swap3A_906 = vector.shape_cast %add3A_901 : vector<16xf32> to vector<1x16xf32>
          tpu.vector_store %arg7[%swap3A_902, %swap3A_903], %swap3A_906 {strides = array<i32>} : memref<200x128xf32, #tpu.memory_space<vmem>>, vector<1x16xf32>,
          %mul3A_907 = arith.constant 10 : i32
          %mul3A_908 = arith.muli %scan3A_206, %mul3A_907 : i32
          %add3A_909 = arith.constant 6 : i32
          %add3A_910 = arith.addi %mul3A_908, %add3A_909 : i32
          %get3A_911 = arith.index_cast %add3A_910 : i32 to index
          %get3A_912 = arith.constant 0 : index
          %get3A_913 = tpu.vector_load %arg7[%get3A_911, %get3A_912] {strides = array<i32>} : memref<200x128xf32, #tpu.memory_space<vmem>>, vector<1x16xf32>,
          %get3A_914 = vector.shape_cast %get3A_913 : vector<1x16xf32> to vector<16xf32>
          %get3A_915 = arith.index_cast %min3A_212 : i32 to index
          %get3A_916 = arith.constant 0 : index
          %get3A_917 = tpu.vector_load %arg5[%get3A_915, %get3A_916] {strides = array<i32>} : memref<200x128xf32, #tpu.memory_space<vmem>>, vector<1x16xf32>,
          %get3A_918 = vector.shape_cast %get3A_917 : vector<1x16xf32> to vector<16xf32>
          %add3A_919 = arith.addf %get3A_914, %get3A_918 : vector<16xf32>
          %swap3A_920 = arith.index_cast %add3A_910 : i32 to index
          %swap3A_921 = arith.constant 0 : index
          %swap3A_922 = tpu.vector_load %arg7[%swap3A_920, %swap3A_921] {strides = array<i32>} : memref<200x128xf32, #tpu.memory_space<vmem>>, vector<1x16xf32>,
          %swap3A_923 = vector.shape_cast %swap3A_922 : vector<1x16xf32> to vector<16xf32>
          %swap3A_924 = vector.shape_cast %add3A_919 : vector<16xf32> to vector<1x16xf32>
          tpu.vector_store %arg7[%swap3A_920, %swap3A_921], %swap3A_924 {strides = array<i32>} : memref<200x128xf32, #tpu.memory_space<vmem>>, vector<1x16xf32>,
          %get3A_925 = arith.index_cast %add3A_910 : i32 to index
          %get3A_926 = arith.constant 16 : index
          %get3A_927 = tpu.vector_load %arg7[%get3A_925, %get3A_926] {strides = array<i32>} : memref<200x128xf32, #tpu.memory_space<vmem>>, vector<1x16xf32>,
          %get3A_928 = vector.shape_cast %get3A_927 : vector<1x16xf32> to vector<16xf32>
          %get3A_929 = arith.index_cast %min3A_212 : i32 to index
          %get3A_930 = arith.constant 16 : index
          %get3A_931 = tpu.vector_load %arg5[%get3A_929, %get3A_930] {strides = array<i32>} : memref<200x128xf32, #tpu.memory_space<vmem>>, vector<1x16xf32>,
          %get3A_932 = vector.shape_cast %get3A_931 : vector<1x16xf32> to vector<16xf32>
          %add3A_933 = arith.addf %get3A_928, %get3A_932 : vector<16xf32>
          %swap3A_934 = arith.index_cast %add3A_910 : i32 to index
          %swap3A_935 = arith.constant 16 : index
          %swap3A_936 = tpu.vector_load %arg7[%swap3A_934, %swap3A_935] {strides = array<i32>} : memref<200x128xf32, #tpu.memory_space<vmem>>, vector<1x16xf32>,
          %swap3A_937 = vector.shape_cast %swap3A_936 : vector<1x16xf32> to vector<16xf32>
          %swap3A_938 = vector.shape_cast %add3A_933 : vector<16xf32> to vector<1x16xf32>
          tpu.vector_store %arg7[%swap3A_934, %swap3A_935], %swap3A_938 {strides = array<i32>} : memref<200x128xf32, #tpu.memory_space<vmem>>, vector<1x16xf32>,
          %get3A_939 = arith.index_cast %add3A_910 : i32 to index
          %get3A_940 = arith.constant 32 : index
          %get3A_941 = tpu.vector_load %arg7[%get3A_939, %get3A_940] {strides = array<i32>} : memref<200x128xf32, #tpu.memory_space<vmem>>, vector<1x16xf32>,
          %get3A_942 = vector.shape_cast %get3A_941 : vector<1x16xf32> to vector<16xf32>
          %get3A_943 = arith.index_cast %min3A_212 : i32 to index
          %get3A_944 = arith.constant 32 : index
          %get3A_945 = tpu.vector_load %arg5[%get3A_943, %get3A_944] {strides = array<i32>} : memref<200x128xf32, #tpu.memory_space<vmem>>, vector<1x16xf32>,
          %get3A_946 = vector.shape_cast %get3A_945 : vector<1x16xf32> to vector<16xf32>
          %add3A_947 = arith.addf %get3A_942, %get3A_946 : vector<16xf32>
          %swap3A_948 = arith.index_cast %add3A_910 : i32 to index
          %swap3A_949 = arith.constant 32 : index
          %swap3A_950 = tpu.vector_load %arg7[%swap3A_948, %swap3A_949] {strides = array<i32>} : memref<200x128xf32, #tpu.memory_space<vmem>>, vector<1x16xf32>,
          %swap3A_951 = vector.shape_cast %swap3A_950 : vector<1x16xf32> to vector<16xf32>
          %swap3A_952 = vector.shape_cast %add3A_947 : vector<16xf32> to vector<1x16xf32>
          tpu.vector_store %arg7[%swap3A_948, %swap3A_949], %swap3A_952 {strides = array<i32>} : memref<200x128xf32, #tpu.memory_space<vmem>>, vector<1x16xf32>,
          %get3A_953 = arith.index_cast %add3A_910 : i32 to index
          %get3A_954 = arith.constant 48 : index
          %get3A_955 = tpu.vector_load %arg7[%get3A_953, %get3A_954] {strides = array<i32>} : memref<200x128xf32, #tpu.memory_space<vmem>>, vector<1x16xf32>,
          %get3A_956 = vector.shape_cast %get3A_955 : vector<1x16xf32> to vector<16xf32>
          %get3A_957 = arith.index_cast %min3A_212 : i32 to index
          %get3A_958 = arith.constant 48 : index
          %get3A_959 = tpu.vector_load %arg5[%get3A_957, %get3A_958] {strides = array<i32>} : memref<200x128xf32, #tpu.memory_space<vmem>>, vector<1x16xf32>,
          %get3A_960 = vector.shape_cast %get3A_959 : vector<1x16xf32> to vector<16xf32>
          %add3A_961 = arith.addf %get3A_956, %get3A_960 : vector<16xf32>
          %swap3A_962 = arith.index_cast %add3A_910 : i32 to index
          %swap3A_963 = arith.constant 48 : index
          %swap3A_964 = tpu.vector_load %arg7[%swap3A_962, %swap3A_963] {strides = array<i32>} : memref<200x128xf32, #tpu.memory_space<vmem>>, vector<1x16xf32>,
          %swap3A_965 = vector.shape_cast %swap3A_964 : vector<1x16xf32> to vector<16xf32>
          %swap3A_966 = vector.shape_cast %add3A_961 : vector<16xf32> to vector<1x16xf32>
          tpu.vector_store %arg7[%swap3A_962, %swap3A_963], %swap3A_966 {strides = array<i32>} : memref<200x128xf32, #tpu.memory_space<vmem>>, vector<1x16xf32>,
          %get3A_967 = arith.index_cast %add3A_910 : i32 to index
          %get3A_968 = arith.constant 64 : index
          %get3A_969 = tpu.vector_load %arg7[%get3A_967, %get3A_968] {strides = array<i32>} : memref<200x128xf32, #tpu.memory_space<vmem>>, vector<1x16xf32>,
          %get3A_970 = vector.shape_cast %get3A_969 : vector<1x16xf32> to vector<16xf32>
          %get3A_971 = arith.index_cast %min3A_212 : i32 to index
          %get3A_972 = arith.constant 64 : index
          %get3A_973 = tpu.vector_load %arg5[%get3A_971, %get3A_972] {strides = array<i32>} : memref<200x128xf32, #tpu.memory_space<vmem>>, vector<1x16xf32>,
          %get3A_974 = vector.shape_cast %get3A_973 : vector<1x16xf32> to vector<16xf32>
          %add3A_975 = arith.addf %get3A_970, %get3A_974 : vector<16xf32>
          %swap3A_976 = arith.index_cast %add3A_910 : i32 to index
          %swap3A_977 = arith.constant 64 : index
          %swap3A_978 = tpu.vector_load %arg7[%swap3A_976, %swap3A_977] {strides = array<i32>} : memref<200x128xf32, #tpu.memory_space<vmem>>, vector<1x16xf32>,
          %swap3A_979 = vector.shape_cast %swap3A_978 : vector<1x16xf32> to vector<16xf32>
          %swap3A_980 = vector.shape_cast %add3A_975 : vector<16xf32> to vector<1x16xf32>
          tpu.vector_store %arg7[%swap3A_976, %swap3A_977], %swap3A_980 {strides = array<i32>} : memref<200x128xf32, #tpu.memory_space<vmem>>, vector<1x16xf32>,
          %get3A_981 = arith.index_cast %add3A_910 : i32 to index
          %get3A_982 = arith.constant 80 : index
          %get3A_983 = tpu.vector_load %arg7[%get3A_981, %get3A_982] {strides = array<i32>} : memref<200x128xf32, #tpu.memory_space<vmem>>, vector<1x16xf32>,
          %get3A_984 = vector.shape_cast %get3A_983 : vector<1x16xf32> to vector<16xf32>
          %get3A_985 = arith.index_cast %min3A_212 : i32 to index
          %get3A_986 = arith.constant 80 : index
          %get3A_987 = tpu.vector_load %arg5[%get3A_985, %get3A_986] {strides = array<i32>} : memref<200x128xf32, #tpu.memory_space<vmem>>, vector<1x16xf32>,
          %get3A_988 = vector.shape_cast %get3A_987 : vector<1x16xf32> to vector<16xf32>
          %add3A_989 = arith.addf %get3A_984, %get3A_988 : vector<16xf32>
          %swap3A_990 = arith.index_cast %add3A_910 : i32 to index
          %swap3A_991 = arith.constant 80 : index
          %swap3A_992 = tpu.vector_load %arg7[%swap3A_990, %swap3A_991] {strides = array<i32>} : memref<200x128xf32, #tpu.memory_space<vmem>>, vector<1x16xf32>,
          %swap3A_993 = vector.shape_cast %swap3A_992 : vector<1x16xf32> to vector<16xf32>
          %swap3A_994 = vector.shape_cast %add3A_989 : vector<16xf32> to vector<1x16xf32>
          tpu.vector_store %arg7[%swap3A_990, %swap3A_991], %swap3A_994 {strides = array<i32>} : memref<200x128xf32, #tpu.memory_space<vmem>>, vector<1x16xf32>,
          %get3A_995 = arith.index_cast %add3A_910 : i32 to index
          %get3A_996 = arith.constant 96 : index
          %get3A_997 = tpu.vector_load %arg7[%get3A_995, %get3A_996] {strides = array<i32>} : memref<200x128xf32, #tpu.memory_space<vmem>>, vector<1x16xf32>,
          %get3A_998 = vector.shape_cast %get3A_997 : vector<1x16xf32> to vector<16xf32>
          %get3A_999 = arith.index_cast %min3A_212 : i32 to index
          %get3A_1000 = arith.constant 96 : index
          %get3A_1001 = tpu.vector_load %arg5[%get3A_999, %get3A_1000] {strides = array<i32>} : memref<200x128xf32, #tpu.memory_space<vmem>>, vector<1x16xf32>,
          %get3A_1002 = vector.shape_cast %get3A_1001 : vector<1x16xf32> to vector<16xf32>
          %add3A_1003 = arith.addf %get3A_998, %get3A_1002 : vector<16xf32>
          %swap3A_1004 = arith.index_cast %add3A_910 : i32 to index
          %swap3A_1005 = arith.constant 96 : index
          %swap3A_1006 = tpu.vector_load %arg7[%swap3A_1004, %swap3A_1005] {strides = array<i32>} : memref<200x128xf32, #tpu.memory_space<vmem>>, vector<1x16xf32>,
          %swap3A_1007 = vector.shape_cast %swap3A_1006 : vector<1x16xf32> to vector<16xf32>
          %swap3A_1008 = vector.shape_cast %add3A_1003 : vector<16xf32> to vector<1x16xf32>
          tpu.vector_store %arg7[%swap3A_1004, %swap3A_1005], %swap3A_1008 {strides = array<i32>} : memref<200x128xf32, #tpu.memory_space<vmem>>, vector<1x16xf32>,
          %get3A_1009 = arith.index_cast %add3A_910 : i32 to index
          %get3A_1010 = arith.constant 112 : index
          %get3A_1011 = tpu.vector_load %arg7[%get3A_1009, %get3A_1010] {strides = array<i32>} : memref<200x128xf32, #tpu.memory_space<vmem>>, vector<1x16xf32>,
          %get3A_1012 = vector.shape_cast %get3A_1011 : vector<1x16xf32> to vector<16xf32>
          %get3A_1013 = arith.index_cast %min3A_212 : i32 to index
          %get3A_1014 = arith.constant 112 : index
          %get3A_1015 = tpu.vector_load %arg5[%get3A_1013, %get3A_1014] {strides = array<i32>} : memref<200x128xf32, #tpu.memory_space<vmem>>, vector<1x16xf32>,
          %get3A_1016 = vector.shape_cast %get3A_1015 : vector<1x16xf32> to vector<16xf32>
          %add3A_1017 = arith.addf %get3A_1012, %get3A_1016 : vector<16xf32>
          %swap3A_1018 = arith.index_cast %add3A_910 : i32 to index
          %swap3A_1019 = arith.constant 112 : index
          %swap3A_1020 = tpu.vector_load %arg7[%swap3A_1018, %swap3A_1019] {strides = array<i32>} : memref<200x128xf32, #tpu.memory_space<vmem>>, vector<1x16xf32>,
          %swap3A_1021 = vector.shape_cast %swap3A_1020 : vector<1x16xf32> to vector<16xf32>
          %swap3A_1022 = vector.shape_cast %add3A_1017 : vector<16xf32> to vector<1x16xf32>
          tpu.vector_store %arg7[%swap3A_1018, %swap3A_1019], %swap3A_1022 {strides = array<i32>} : memref<200x128xf32, #tpu.memory_space<vmem>>, vector<1x16xf32>,
          %mul3A_1023 = arith.constant 10 : i32
          %mul3A_1024 = arith.muli %scan3A_206, %mul3A_1023 : i32
          %add3A_1025 = arith.constant 7 : i32
          %add3A_1026 = arith.addi %mul3A_1024, %add3A_1025 : i32
          %get3A_1027 = arith.index_cast %add3A_1026 : i32 to index
          %get3A_1028 = arith.constant 0 : index
          %get3A_1029 = tpu.vector_load %arg7[%get3A_1027, %get3A_1028] {strides = array<i32>} : memref<200x128xf32, #tpu.memory_space<vmem>>, vector<1x16xf32>,
          %get3A_1030 = vector.shape_cast %get3A_1029 : vector<1x16xf32> to vector<16xf32>
          %get3A_1031 = arith.index_cast %min3A_212 : i32 to index
          %get3A_1032 = arith.constant 0 : index
          %get3A_1033 = tpu.vector_load %arg5[%get3A_1031, %get3A_1032] {strides = array<i32>} : memref<200x128xf32, #tpu.memory_space<vmem>>, vector<1x16xf32>,
          %get3A_1034 = vector.shape_cast %get3A_1033 : vector<1x16xf32> to vector<16xf32>
          %add3A_1035 = arith.addf %get3A_1030, %get3A_1034 : vector<16xf32>
          %swap3A_1036 = arith.index_cast %add3A_1026 : i32 to index
          %swap3A_1037 = arith.constant 0 : index
          %swap3A_1038 = tpu.vector_load %arg7[%swap3A_1036, %swap3A_1037] {strides = array<i32>} : memref<200x128xf32, #tpu.memory_space<vmem>>, vector<1x16xf32>,
          %swap3A_1039 = vector.shape_cast %swap3A_1038 : vector<1x16xf32> to vector<16xf32>
          %swap3A_1040 = vector.shape_cast %add3A_1035 : vector<16xf32> to vector<1x16xf32>
          tpu.vector_store %arg7[%swap3A_1036, %swap3A_1037], %swap3A_1040 {strides = array<i32>} : memref<200x128xf32, #tpu.memory_space<vmem>>, vector<1x16xf32>,
          %get3A_1041 = arith.index_cast %add3A_1026 : i32 to index
          %get3A_1042 = arith.constant 16 : index
          %get3A_1043 = tpu.vector_load %arg7[%get3A_1041, %get3A_1042] {strides = array<i32>} : memref<200x128xf32, #tpu.memory_space<vmem>>, vector<1x16xf32>,
          %get3A_1044 = vector.shape_cast %get3A_1043 : vector<1x16xf32> to vector<16xf32>
          %get3A_1045 = arith.index_cast %min3A_212 : i32 to index
          %get3A_1046 = arith.constant 16 : index
          %get3A_1047 = tpu.vector_load %arg5[%get3A_1045, %get3A_1046] {strides = array<i32>} : memref<200x128xf32, #tpu.memory_space<vmem>>, vector<1x16xf32>,
          %get3A_1048 = vector.shape_cast %get3A_1047 : vector<1x16xf32> to vector<16xf32>
          %add3A_1049 = arith.addf %get3A_1044, %get3A_1048 : vector<16xf32>
          %swap3A_1050 = arith.index_cast %add3A_1026 : i32 to index
          %swap3A_1051 = arith.constant 16 : index
          %swap3A_1052 = tpu.vector_load %arg7[%swap3A_1050, %swap3A_1051] {strides = array<i32>} : memref<200x128xf32, #tpu.memory_space<vmem>>, vector<1x16xf32>,
          %swap3A_1053 = vector.shape_cast %swap3A_1052 : vector<1x16xf32> to vector<16xf32>
          %swap3A_1054 = vector.shape_cast %add3A_1049 : vector<16xf32> to vector<1x16xf32>
          tpu.vector_store %arg7[%swap3A_1050, %swap3A_1051], %swap3A_1054 {strides = array<i32>} : memref<200x128xf32, #tpu.memory_space<vmem>>, vector<1x16xf32>,
          %get3A_1055 = arith.index_cast %add3A_1026 : i32 to index
          %get3A_1056 = arith.constant 32 : index
          %get3A_1057 = tpu.vector_load %arg7[%get3A_1055, %get3A_1056] {strides = array<i32>} : memref<200x128xf32, #tpu.memory_space<vmem>>, vector<1x16xf32>,
          %get3A_1058 = vector.shape_cast %get3A_1057 : vector<1x16xf32> to vector<16xf32>
          %get3A_1059 = arith.index_cast %min3A_212 : i32 to index
          %get3A_1060 = arith.constant 32 : index
          %get3A_1061 = tpu.vector_load %arg5[%get3A_1059, %get3A_1060] {strides = array<i32>} : memref<200x128xf32, #tpu.memory_space<vmem>>, vector<1x16xf32>,
          %get3A_1062 = vector.shape_cast %get3A_1061 : vector<1x16xf32> to vector<16xf32>
          %add3A_1063 = arith.addf %get3A_1058, %get3A_1062 : vector<16xf32>
          %swap3A_1064 = arith.index_cast %add3A_1026 : i32 to index
          %swap3A_1065 = arith.constant 32 : index
          %swap3A_1066 = tpu.vector_load %arg7[%swap3A_1064, %swap3A_1065] {strides = array<i32>} : memref<200x128xf32, #tpu.memory_space<vmem>>, vector<1x16xf32>,
          %swap3A_1067 = vector.shape_cast %swap3A_1066 : vector<1x16xf32> to vector<16xf32>
          %swap3A_1068 = vector.shape_cast %add3A_1063 : vector<16xf32> to vector<1x16xf32>
          tpu.vector_store %arg7[%swap3A_1064, %swap3A_1065], %swap3A_1068 {strides = array<i32>} : memref<200x128xf32, #tpu.memory_space<vmem>>, vector<1x16xf32>,
          %get3A_1069 = arith.index_cast %add3A_1026 : i32 to index
          %get3A_1070 = arith.constant 48 : index
          %get3A_1071 = tpu.vector_load %arg7[%get3A_1069, %get3A_1070] {strides = array<i32>} : memref<200x128xf32, #tpu.memory_space<vmem>>, vector<1x16xf32>,
          %get3A_1072 = vector.shape_cast %get3A_1071 : vector<1x16xf32> to vector<16xf32>
          %get3A_1073 = arith.index_cast %min3A_212 : i32 to index
          %get3A_1074 = arith.constant 48 : index
          %get3A_1075 = tpu.vector_load %arg5[%get3A_1073, %get3A_1074] {strides = array<i32>} : memref<200x128xf32, #tpu.memory_space<vmem>>, vector<1x16xf32>,
          %get3A_1076 = vector.shape_cast %get3A_1075 : vector<1x16xf32> to vector<16xf32>
          %add3A_1077 = arith.addf %get3A_1072, %get3A_1076 : vector<16xf32>
          %swap3A_1078 = arith.index_cast %add3A_1026 : i32 to index
          %swap3A_1079 = arith.constant 48 : index
          %swap3A_1080 = tpu.vector_load %arg7[%swap3A_1078, %swap3A_1079] {strides = array<i32>} : memref<200x128xf32, #tpu.memory_space<vmem>>, vector<1x16xf32>,
          %swap3A_1081 = vector.shape_cast %swap3A_1080 : vector<1x16xf32> to vector<16xf32>
          %swap3A_1082 = vector.shape_cast %add3A_1077 : vector<16xf32> to vector<1x16xf32>
          tpu.vector_store %arg7[%swap3A_1078, %swap3A_1079], %swap3A_1082 {strides = array<i32>} : memref<200x128xf32, #tpu.memory_space<vmem>>, vector<1x16xf32>,
          %get3A_1083 = arith.index_cast %add3A_1026 : i32 to index
          %get3A_1084 = arith.constant 64 : index
          %get3A_1085 = tpu.vector_load %arg7[%get3A_1083, %get3A_1084] {strides = array<i32>} : memref<200x128xf32, #tpu.memory_space<vmem>>, vector<1x16xf32>,
          %get3A_1086 = vector.shape_cast %get3A_1085 : vector<1x16xf32> to vector<16xf32>
          %get3A_1087 = arith.index_cast %min3A_212 : i32 to index
          %get3A_1088 = arith.constant 64 : index
          %get3A_1089 = tpu.vector_load %arg5[%get3A_1087, %get3A_1088] {strides = array<i32>} : memref<200x128xf32, #tpu.memory_space<vmem>>, vector<1x16xf32>,
          %get3A_1090 = vector.shape_cast %get3A_1089 : vector<1x16xf32> to vector<16xf32>
          %add3A_1091 = arith.addf %get3A_1086, %get3A_1090 : vector<16xf32>
          %swap3A_1092 = arith.index_cast %add3A_1026 : i32 to index
          %swap3A_1093 = arith.constant 64 : index
          %swap3A_1094 = tpu.vector_load %arg7[%swap3A_1092, %swap3A_1093] {strides = array<i32>} : memref<200x128xf32, #tpu.memory_space<vmem>>, vector<1x16xf32>,
          %swap3A_1095 = vector.shape_cast %swap3A_1094 : vector<1x16xf32> to vector<16xf32>
          %swap3A_1096 = vector.shape_cast %add3A_1091 : vector<16xf32> to vector<1x16xf32>
          tpu.vector_store %arg7[%swap3A_1092, %swap3A_1093], %swap3A_1096 {strides = array<i32>} : memref<200x128xf32, #tpu.memory_space<vmem>>, vector<1x16xf32>,
          %get3A_1097 = arith.index_cast %add3A_1026 : i32 to index
          %get3A_1098 = arith.constant 80 : index
          %get3A_1099 = tpu.vector_load %arg7[%get3A_1097, %get3A_1098] {strides = array<i32>} : memref<200x128xf32, #tpu.memory_space<vmem>>, vector<1x16xf32>,
          %get3A_1100 = vector.shape_cast %get3A_1099 : vector<1x16xf32> to vector<16xf32>
          %get3A_1101 = arith.index_cast %min3A_212 : i32 to index
          %get3A_1102 = arith.constant 80 : index
          %get3A_1103 = tpu.vector_load %arg5[%get3A_1101, %get3A_1102] {strides = array<i32>} : memref<200x128xf32, #tpu.memory_space<vmem>>, vector<1x16xf32>,
          %get3A_1104 = vector.shape_cast %get3A_1103 : vector<1x16xf32> to vector<16xf32>
          %add3A_1105 = arith.addf %get3A_1100, %get3A_1104 : vector<16xf32>
          %swap3A_1106 = arith.index_cast %add3A_1026 : i32 to index
          %swap3A_1107 = arith.constant 80 : index
          %swap3A_1108 = tpu.vector_load %arg7[%swap3A_1106, %swap3A_1107] {strides = array<i32>} : memref<200x128xf32, #tpu.memory_space<vmem>>, vector<1x16xf32>,
          %swap3A_1109 = vector.shape_cast %swap3A_1108 : vector<1x16xf32> to vector<16xf32>
          %swap3A_1110 = vector.shape_cast %add3A_1105 : vector<16xf32> to vector<1x16xf32>
          tpu.vector_store %arg7[%swap3A_1106, %swap3A_1107], %swap3A_1110 {strides = array<i32>} : memref<200x128xf32, #tpu.memory_space<vmem>>, vector<1x16xf32>,
          %get3A_1111 = arith.index_cast %add3A_1026 : i32 to index
          %get3A_1112 = arith.constant 96 : index
          %get3A_1113 = tpu.vector_load %arg7[%get3A_1111, %get3A_1112] {strides = array<i32>} : memref<200x128xf32, #tpu.memory_space<vmem>>, vector<1x16xf32>,
          %get3A_1114 = vector.shape_cast %get3A_1113 : vector<1x16xf32> to vector<16xf32>
          %get3A_1115 = arith.index_cast %min3A_212 : i32 to index
          %get3A_1116 = arith.constant 96 : index
          %get3A_1117 = tpu.vector_load %arg5[%get3A_1115, %get3A_1116] {strides = array<i32>} : memref<200x128xf32, #tpu.memory_space<vmem>>, vector<1x16xf32>,
          %get3A_1118 = vector.shape_cast %get3A_1117 : vector<1x16xf32> to vector<16xf32>
          %add3A_1119 = arith.addf %get3A_1114, %get3A_1118 : vector<16xf32>
          %swap3A_1120 = arith.index_cast %add3A_1026 : i32 to index
          %swap3A_1121 = arith.constant 96 : index
          %swap3A_1122 = tpu.vector_load %arg7[%swap3A_1120, %swap3A_1121] {strides = array<i32>} : memref<200x128xf32, #tpu.memory_space<vmem>>, vector<1x16xf32>,
          %swap3A_1123 = vector.shape_cast %swap3A_1122 : vector<1x16xf32> to vector<16xf32>
          %swap3A_1124 = vector.shape_cast %add3A_1119 : vector<16xf32> to vector<1x16xf32>
          tpu.vector_store %arg7[%swap3A_1120, %swap3A_1121], %swap3A_1124 {strides = array<i32>} : memref<200x128xf32, #tpu.memory_space<vmem>>, vector<1x16xf32>,
          %get3A_1125 = arith.index_cast %add3A_1026 : i32 to index
          %get3A_1126 = arith.constant 112 : index
          %get3A_1127 = tpu.vector_load %arg7[%get3A_1125, %get3A_1126] {strides = array<i32>} : memref<200x128xf32, #tpu.memory_space<vmem>>, vector<1x16xf32>,
          %get3A_1128 = vector.shape_cast %get3A_1127 : vector<1x16xf32> to vector<16xf32>
          %get3A_1129 = arith.index_cast %min3A_212 : i32 to index
          %get3A_1130 = arith.constant 112 : index
          %get3A_1131 = tpu.vector_load %arg5[%get3A_1129, %get3A_1130] {strides = array<i32>} : memref<200x128xf32, #tpu.memory_space<vmem>>, vector<1x16xf32>,
          %get3A_1132 = vector.shape_cast %get3A_1131 : vector<1x16xf32> to vector<16xf32>
          %add3A_1133 = arith.addf %get3A_1128, %get3A_1132 : vector<16xf32>
          %swap3A_1134 = arith.index_cast %add3A_1026 : i32 to index
          %swap3A_1135 = arith.constant 112 : index
          %swap3A_1136 = tpu.vector_load %arg7[%swap3A_1134, %swap3A_1135] {strides = array<i32>} : memref<200x128xf32, #tpu.memory_space<vmem>>, vector<1x16xf32>,
          %swap3A_1137 = vector.shape_cast %swap3A_1136 : vector<1x16xf32> to vector<16xf32>
          %swap3A_1138 = vector.shape_cast %add3A_1133 : vector<16xf32> to vector<1x16xf32>
          tpu.vector_store %arg7[%swap3A_1134, %swap3A_1135], %swap3A_1138 {strides = array<i32>} : memref<200x128xf32, #tpu.memory_space<vmem>>, vector<1x16xf32>,
          %mul3A_1139 = arith.constant 10 : i32
          %mul3A_1140 = arith.muli %scan3A_206, %mul3A_1139 : i32
          %add3A_1141 = arith.constant 8 : i32
          %add3A_1142 = arith.addi %mul3A_1140, %add3A_1141 : i32
          %get3A_1143 = arith.index_cast %add3A_1142 : i32 to index
          %get3A_1144 = arith.constant 0 : index
          %get3A_1145 = tpu.vector_load %arg7[%get3A_1143, %get3A_1144] {strides = array<i32>} : memref<200x128xf32, #tpu.memory_space<vmem>>, vector<1x16xf32>,
          %get3A_1146 = vector.shape_cast %get3A_1145 : vector<1x16xf32> to vector<16xf32>
          %get3A_1147 = arith.index_cast %min3A_212 : i32 to index
          %get3A_1148 = arith.constant 0 : index
          %get3A_1149 = tpu.vector_load %arg5[%get3A_1147, %get3A_1148] {strides = array<i32>} : memref<200x128xf32, #tpu.memory_space<vmem>>, vector<1x16xf32>,
          %get3A_1150 = vector.shape_cast %get3A_1149 : vector<1x16xf32> to vector<16xf32>
          %add3A_1151 = arith.addf %get3A_1146, %get3A_1150 : vector<16xf32>
          %swap3A_1152 = arith.index_cast %add3A_1142 : i32 to index
          %swap3A_1153 = arith.constant 0 : index
          %swap3A_1154 = tpu.vector_load %arg7[%swap3A_1152, %swap3A_1153] {strides = array<i32>} : memref<200x128xf32, #tpu.memory_space<vmem>>, vector<1x16xf32>,
          %swap3A_1155 = vector.shape_cast %swap3A_1154 : vector<1x16xf32> to vector<16xf32>
          %swap3A_1156 = vector.shape_cast %add3A_1151 : vector<16xf32> to vector<1x16xf32>
          tpu.vector_store %arg7[%swap3A_1152, %swap3A_1153], %swap3A_1156 {strides = array<i32>} : memref<200x128xf32, #tpu.memory_space<vmem>>, vector<1x16xf32>,
          %get3A_1157 = arith.index_cast %add3A_1142 : i32 to index
          %get3A_1158 = arith.constant 16 : index
          %get3A_1159 = tpu.vector_load %arg7[%get3A_1157, %get3A_1158] {strides = array<i32>} : memref<200x128xf32, #tpu.memory_space<vmem>>, vector<1x16xf32>,
          %get3A_1160 = vector.shape_cast %get3A_1159 : vector<1x16xf32> to vector<16xf32>
          %get3A_1161 = arith.index_cast %min3A_212 : i32 to index
          %get3A_1162 = arith.constant 16 : index
          %get3A_1163 = tpu.vector_load %arg5[%get3A_1161, %get3A_1162] {strides = array<i32>} : memref<200x128xf32, #tpu.memory_space<vmem>>, vector<1x16xf32>,
          %get3A_1164 = vector.shape_cast %get3A_1163 : vector<1x16xf32> to vector<16xf32>
          %add3A_1165 = arith.addf %get3A_1160, %get3A_1164 : vector<16xf32>
          %swap3A_1166 = arith.index_cast %add3A_1142 : i32 to index
          %swap3A_1167 = arith.constant 16 : index
          %swap3A_1168 = tpu.vector_load %arg7[%swap3A_1166, %swap3A_1167] {strides = array<i32>} : memref<200x128xf32, #tpu.memory_space<vmem>>, vector<1x16xf32>,
          %swap3A_1169 = vector.shape_cast %swap3A_1168 : vector<1x16xf32> to vector<16xf32>
          %swap3A_1170 = vector.shape_cast %add3A_1165 : vector<16xf32> to vector<1x16xf32>
          tpu.vector_store %arg7[%swap3A_1166, %swap3A_1167], %swap3A_1170 {strides = array<i32>} : memref<200x128xf32, #tpu.memory_space<vmem>>, vector<1x16xf32>,
          %get3A_1171 = arith.index_cast %add3A_1142 : i32 to index
          %get3A_1172 = arith.constant 32 : index
          %get3A_1173 = tpu.vector_load %arg7[%get3A_1171, %get3A_1172] {strides = array<i32>} : memref<200x128xf32, #tpu.memory_space<vmem>>, vector<1x16xf32>,
          %get3A_1174 = vector.shape_cast %get3A_1173 : vector<1x16xf32> to vector<16xf32>
          %get3A_1175 = arith.index_cast %min3A_212 : i32 to index
          %get3A_1176 = arith.constant 32 : index
          %get3A_1177 = tpu.vector_load %arg5[%get3A_1175, %get3A_1176] {strides = array<i32>} : memref<200x128xf32, #tpu.memory_space<vmem>>, vector<1x16xf32>,
          %get3A_1178 = vector.shape_cast %get3A_1177 : vector<1x16xf32> to vector<16xf32>
          %add3A_1179 = arith.addf %get3A_1174, %get3A_1178 : vector<16xf32>
          %swap3A_1180 = arith.index_cast %add3A_1142 : i32 to index
          %swap3A_1181 = arith.constant 32 : index
          %swap3A_1182 = tpu.vector_load %arg7[%swap3A_1180, %swap3A_1181] {strides = array<i32>} : memref<200x128xf32, #tpu.memory_space<vmem>>, vector<1x16xf32>,
          %swap3A_1183 = vector.shape_cast %swap3A_1182 : vector<1x16xf32> to vector<16xf32>
          %swap3A_1184 = vector.shape_cast %add3A_1179 : vector<16xf32> to vector<1x16xf32>
          tpu.vector_store %arg7[%swap3A_1180, %swap3A_1181], %swap3A_1184 {strides = array<i32>} : memref<200x128xf32, #tpu.memory_space<vmem>>, vector<1x16xf32>,
          %get3A_1185 = arith.index_cast %add3A_1142 : i32 to index
          %get3A_1186 = arith.constant 48 : index
          %get3A_1187 = tpu.vector_load %arg7[%get3A_1185, %get3A_1186] {strides = array<i32>} : memref<200x128xf32, #tpu.memory_space<vmem>>, vector<1x16xf32>,
          %get3A_1188 = vector.shape_cast %get3A_1187 : vector<1x16xf32> to vector<16xf32>
          %get3A_1189 = arith.index_cast %min3A_212 : i32 to index
          %get3A_1190 = arith.constant 48 : index
          %get3A_1191 = tpu.vector_load %arg5[%get3A_1189, %get3A_1190] {strides = array<i32>} : memref<200x128xf32, #tpu.memory_space<vmem>>, vector<1x16xf32>,
          %get3A_1192 = vector.shape_cast %get3A_1191 : vector<1x16xf32> to vector<16xf32>
          %add3A_1193 = arith.addf %get3A_1188, %get3A_1192 : vector<16xf32>
          %swap3A_1194 = arith.index_cast %add3A_1142 : i32 to index
          %swap3A_1195 = arith.constant 48 : index
          %swap3A_1196 = tpu.vector_load %arg7[%swap3A_1194, %swap3A_1195] {strides = array<i32>} : memref<200x128xf32, #tpu.memory_space<vmem>>, vector<1x16xf32>,
          %swap3A_1197 = vector.shape_cast %swap3A_1196 : vector<1x16xf32> to vector<16xf32>
          %swap3A_1198 = vector.shape_cast %add3A_1193 : vector<16xf32> to vector<1x16xf32>
          tpu.vector_store %arg7[%swap3A_1194, %swap3A_1195], %swap3A_1198 {strides = array<i32>} : memref<200x128xf32, #tpu.memory_space<vmem>>, vector<1x16xf32>,
          %get3A_1199 = arith.index_cast %add3A_1142 : i32 to index
          %get3A_1200 = arith.constant 64 : index
          %get3A_1201 = tpu.vector_load %arg7[%get3A_1199, %get3A_1200] {strides = array<i32>} : memref<200x128xf32, #tpu.memory_space<vmem>>, vector<1x16xf32>,
          %get3A_1202 = vector.shape_cast %get3A_1201 : vector<1x16xf32> to vector<16xf32>
          %get3A_1203 = arith.index_cast %min3A_212 : i32 to index
          %get3A_1204 = arith.constant 64 : index
          %get3A_1205 = tpu.vector_load %arg5[%get3A_1203, %get3A_1204] {strides = array<i32>} : memref<200x128xf32, #tpu.memory_space<vmem>>, vector<1x16xf32>,
          %get3A_1206 = vector.shape_cast %get3A_1205 : vector<1x16xf32> to vector<16xf32>
          %add3A_1207 = arith.addf %get3A_1202, %get3A_1206 : vector<16xf32>
          %swap3A_1208 = arith.index_cast %add3A_1142 : i32 to index
          %swap3A_1209 = arith.constant 64 : index
          %swap3A_1210 = tpu.vector_load %arg7[%swap3A_1208, %swap3A_1209] {strides = array<i32>} : memref<200x128xf32, #tpu.memory_space<vmem>>, vector<1x16xf32>,
          %swap3A_1211 = vector.shape_cast %swap3A_1210 : vector<1x16xf32> to vector<16xf32>
          %swap3A_1212 = vector.shape_cast %add3A_1207 : vector<16xf32> to vector<1x16xf32>
          tpu.vector_store %arg7[%swap3A_1208, %swap3A_1209], %swap3A_1212 {strides = array<i32>} : memref<200x128xf32, #tpu.memory_space<vmem>>, vector<1x16xf32>,
          %get3A_1213 = arith.index_cast %add3A_1142 : i32 to index
          %get3A_1214 = arith.constant 80 : index
          %get3A_1215 = tpu.vector_load %arg7[%get3A_1213, %get3A_1214] {strides = array<i32>} : memref<200x128xf32, #tpu.memory_space<vmem>>, vector<1x16xf32>,
          %get3A_1216 = vector.shape_cast %get3A_1215 : vector<1x16xf32> to vector<16xf32>
          %get3A_1217 = arith.index_cast %min3A_212 : i32 to index
          %get3A_1218 = arith.constant 80 : index
          %get3A_1219 = tpu.vector_load %arg5[%get3A_1217, %get3A_1218] {strides = array<i32>} : memref<200x128xf32, #tpu.memory_space<vmem>>, vector<1x16xf32>,
          %get3A_1220 = vector.shape_cast %get3A_1219 : vector<1x16xf32> to vector<16xf32>
          %add3A_1221 = arith.addf %get3A_1216, %get3A_1220 : vector<16xf32>
          %swap3A_1222 = arith.index_cast %add3A_1142 : i32 to index
          %swap3A_1223 = arith.constant 80 : index
          %swap3A_1224 = tpu.vector_load %arg7[%swap3A_1222, %swap3A_1223] {strides = array<i32>} : memref<200x128xf32, #tpu.memory_space<vmem>>, vector<1x16xf32>,
          %swap3A_1225 = vector.shape_cast %swap3A_1224 : vector<1x16xf32> to vector<16xf32>
          %swap3A_1226 = vector.shape_cast %add3A_1221 : vector<16xf32> to vector<1x16xf32>
          tpu.vector_store %arg7[%swap3A_1222, %swap3A_1223], %swap3A_1226 {strides = array<i32>} : memref<200x128xf32, #tpu.memory_space<vmem>>, vector<1x16xf32>,
          %get3A_1227 = arith.index_cast %add3A_1142 : i32 to index
          %get3A_1228 = arith.constant 96 : index
          %get3A_1229 = tpu.vector_load %arg7[%get3A_1227, %get3A_1228] {strides = array<i32>} : memref<200x128xf32, #tpu.memory_space<vmem>>, vector<1x16xf32>,
          %get3A_1230 = vector.shape_cast %get3A_1229 : vector<1x16xf32> to vector<16xf32>
          %get3A_1231 = arith.index_cast %min3A_212 : i32 to index
          %get3A_1232 = arith.constant 96 : index
          %get3A_1233 = tpu.vector_load %arg5[%get3A_1231, %get3A_1232] {strides = array<i32>} : memref<200x128xf32, #tpu.memory_space<vmem>>, vector<1x16xf32>,
          %get3A_1234 = vector.shape_cast %get3A_1233 : vector<1x16xf32> to vector<16xf32>
          %add3A_1235 = arith.addf %get3A_1230, %get3A_1234 : vector<16xf32>
          %swap3A_1236 = arith.index_cast %add3A_1142 : i32 to index
          %swap3A_1237 = arith.constant 96 : index
          %swap3A_1238 = tpu.vector_load %arg7[%swap3A_1236, %swap3A_1237] {strides = array<i32>} : memref<200x128xf32, #tpu.memory_space<vmem>>, vector<1x16xf32>,
          %swap3A_1239 = vector.shape_cast %swap3A_1238 : vector<1x16xf32> to vector<16xf32>
          %swap3A_1240 = vector.shape_cast %add3A_1235 : vector<16xf32> to vector<1x16xf32>
          tpu.vector_store %arg7[%swap3A_1236, %swap3A_1237], %swap3A_1240 {strides = array<i32>} : memref<200x128xf32, #tpu.memory_space<vmem>>, vector<1x16xf32>,
          %get3A_1241 = arith.index_cast %add3A_1142 : i32 to index
          %get3A_1242 = arith.constant 112 : index
          %get3A_1243 = tpu.vector_load %arg7[%get3A_1241, %get3A_1242] {strides = array<i32>} : memref<200x128xf32, #tpu.memory_space<vmem>>, vector<1x16xf32>,
          %get3A_1244 = vector.shape_cast %get3A_1243 : vector<1x16xf32> to vector<16xf32>
          %get3A_1245 = arith.index_cast %min3A_212 : i32 to index
          %get3A_1246 = arith.constant 112 : index
          %get3A_1247 = tpu.vector_load %arg5[%get3A_1245, %get3A_1246] {strides = array<i32>} : memref<200x128xf32, #tpu.memory_space<vmem>>, vector<1x16xf32>,
          %get3A_1248 = vector.shape_cast %get3A_1247 : vector<1x16xf32> to vector<16xf32>
          %add3A_1249 = arith.addf %get3A_1244, %get3A_1248 : vector<16xf32>
          %swap3A_1250 = arith.index_cast %add3A_1142 : i32 to index
          %swap3A_1251 = arith.constant 112 : index
          %swap3A_1252 = tpu.vector_load %arg7[%swap3A_1250, %swap3A_1251] {strides = array<i32>} : memref<200x128xf32, #tpu.memory_space<vmem>>, vector<1x16xf32>,
          %swap3A_1253 = vector.shape_cast %swap3A_1252 : vector<1x16xf32> to vector<16xf32>
          %swap3A_1254 = vector.shape_cast %add3A_1249 : vector<16xf32> to vector<1x16xf32>
          tpu.vector_store %arg7[%swap3A_1250, %swap3A_1251], %swap3A_1254 {strides = array<i32>} : memref<200x128xf32, #tpu.memory_space<vmem>>, vector<1x16xf32>,
          %mul3A_1255 = arith.constant 10 : i32
          %mul3A_1256 = arith.muli %scan3A_206, %mul3A_1255 : i32
          %add3A_1257 = arith.constant 9 : i32
          %add3A_1258 = arith.addi %mul3A_1256, %add3A_1257 : i32
          %get3A_1259 = arith.index_cast %add3A_1258 : i32 to index
          %get3A_1260 = arith.constant 0 : index
          %get3A_1261 = tpu.vector_load %arg7[%get3A_1259, %get3A_1260] {strides = array<i32>} : memref<200x128xf32, #tpu.memory_space<vmem>>, vector<1x16xf32>,
          %get3A_1262 = vector.shape_cast %get3A_1261 : vector<1x16xf32> to vector<16xf32>
          %get3A_1263 = arith.index_cast %min3A_212 : i32 to index
          %get3A_1264 = arith.constant 0 : index
          %get3A_1265 = tpu.vector_load %arg5[%get3A_1263, %get3A_1264] {strides = array<i32>} : memref<200x128xf32, #tpu.memory_space<vmem>>, vector<1x16xf32>,
          %get3A_1266 = vector.shape_cast %get3A_1265 : vector<1x16xf32> to vector<16xf32>
          %add3A_1267 = arith.addf %get3A_1262, %get3A_1266 : vector<16xf32>
          %swap3A_1268 = arith.index_cast %add3A_1258 : i32 to index
          %swap3A_1269 = arith.constant 0 : index
          %swap3A_1270 = tpu.vector_load %arg7[%swap3A_1268, %swap3A_1269] {strides = array<i32>} : memref<200x128xf32, #tpu.memory_space<vmem>>, vector<1x16xf32>,
          %swap3A_1271 = vector.shape_cast %swap3A_1270 : vector<1x16xf32> to vector<16xf32>
          %swap3A_1272 = vector.shape_cast %add3A_1267 : vector<16xf32> to vector<1x16xf32>
          tpu.vector_store %arg7[%swap3A_1268, %swap3A_1269], %swap3A_1272 {strides = array<i32>} : memref<200x128xf32, #tpu.memory_space<vmem>>, vector<1x16xf32>,
          %get3A_1273 = arith.index_cast %add3A_1258 : i32 to index
          %get3A_1274 = arith.constant 16 : index
          %get3A_1275 = tpu.vector_load %arg7[%get3A_1273, %get3A_1274] {strides = array<i32>} : memref<200x128xf32, #tpu.memory_space<vmem>>, vector<1x16xf32>,
          %get3A_1276 = vector.shape_cast %get3A_1275 : vector<1x16xf32> to vector<16xf32>
          %get3A_1277 = arith.index_cast %min3A_212 : i32 to index
          %get3A_1278 = arith.constant 16 : index
          %get3A_1279 = tpu.vector_load %arg5[%get3A_1277, %get3A_1278] {strides = array<i32>} : memref<200x128xf32, #tpu.memory_space<vmem>>, vector<1x16xf32>,
          %get3A_1280 = vector.shape_cast %get3A_1279 : vector<1x16xf32> to vector<16xf32>
          %add3A_1281 = arith.addf %get3A_1276, %get3A_1280 : vector<16xf32>
          %swap3A_1282 = arith.index_cast %add3A_1258 : i32 to index
          %swap3A_1283 = arith.constant 16 : index
          %swap3A_1284 = tpu.vector_load %arg7[%swap3A_1282, %swap3A_1283] {strides = array<i32>} : memref<200x128xf32, #tpu.memory_space<vmem>>, vector<1x16xf32>,
          %swap3A_1285 = vector.shape_cast %swap3A_1284 : vector<1x16xf32> to vector<16xf32>
          %swap3A_1286 = vector.shape_cast %add3A_1281 : vector<16xf32> to vector<1x16xf32>
          tpu.vector_store %arg7[%swap3A_1282, %swap3A_1283], %swap3A_1286 {strides = array<i32>} : memref<200x128xf32, #tpu.memory_space<vmem>>, vector<1x16xf32>,
          %get3A_1287 = arith.index_cast %add3A_1258 : i32 to index
          %get3A_1288 = arith.constant 32 : index
          %get3A_1289 = tpu.vector_load %arg7[%get3A_1287, %get3A_1288] {strides = array<i32>} : memref<200x128xf32, #tpu.memory_space<vmem>>, vector<1x16xf32>,
          %get3A_1290 = vector.shape_cast %get3A_1289 : vector<1x16xf32> to vector<16xf32>
          %get3A_1291 = arith.index_cast %min3A_212 : i32 to index
          %get3A_1292 = arith.constant 32 : index
          %get3A_1293 = tpu.vector_load %arg5[%get3A_1291, %get3A_1292] {strides = array<i32>} : memref<200x128xf32, #tpu.memory_space<vmem>>, vector<1x16xf32>,
          %get3A_1294 = vector.shape_cast %get3A_1293 : vector<1x16xf32> to vector<16xf32>
          %add3A_1295 = arith.addf %get3A_1290, %get3A_1294 : vector<16xf32>
          %swap3A_1296 = arith.index_cast %add3A_1258 : i32 to index
          %swap3A_1297 = arith.constant 32 : index
          %swap3A_1298 = tpu.vector_load %arg7[%swap3A_1296, %swap3A_1297] {strides = array<i32>} : memref<200x128xf32, #tpu.memory_space<vmem>>, vector<1x16xf32>,
          %swap3A_1299 = vector.shape_cast %swap3A_1298 : vector<1x16xf32> to vector<16xf32>
          %swap3A_1300 = vector.shape_cast %add3A_1295 : vector<16xf32> to vector<1x16xf32>
          tpu.vector_store %arg7[%swap3A_1296, %swap3A_1297], %swap3A_1300 {strides = array<i32>} : memref<200x128xf32, #tpu.memory_space<vmem>>, vector<1x16xf32>,
          %get3A_1301 = arith.index_cast %add3A_1258 : i32 to index
          %get3A_1302 = arith.constant 48 : index
          %get3A_1303 = tpu.vector_load %arg7[%get3A_1301, %get3A_1302] {strides = array<i32>} : memref<200x128xf32, #tpu.memory_space<vmem>>, vector<1x16xf32>,
          %get3A_1304 = vector.shape_cast %get3A_1303 : vector<1x16xf32> to vector<16xf32>
          %get3A_1305 = arith.index_cast %min3A_212 : i32 to index
          %get3A_1306 = arith.constant 48 : index
          %get3A_1307 = tpu.vector_load %arg5[%get3A_1305, %get3A_1306] {strides = array<i32>} : memref<200x128xf32, #tpu.memory_space<vmem>>, vector<1x16xf32>,
          %get3A_1308 = vector.shape_cast %get3A_1307 : vector<1x16xf32> to vector<16xf32>
          %add3A_1309 = arith.addf %get3A_1304, %get3A_1308 : vector<16xf32>
          %swap3A_1310 = arith.index_cast %add3A_1258 : i32 to index
          %swap3A_1311 = arith.constant 48 : index
          %swap3A_1312 = tpu.vector_load %arg7[%swap3A_1310, %swap3A_1311] {strides = array<i32>} : memref<200x128xf32, #tpu.memory_space<vmem>>, vector<1x16xf32>,
          %swap3A_1313 = vector.shape_cast %swap3A_1312 : vector<1x16xf32> to vector<16xf32>
          %swap3A_1314 = vector.shape_cast %add3A_1309 : vector<16xf32> to vector<1x16xf32>
          tpu.vector_store %arg7[%swap3A_1310, %swap3A_1311], %swap3A_1314 {strides = array<i32>} : memref<200x128xf32, #tpu.memory_space<vmem>>, vector<1x16xf32>,
          %get3A_1315 = arith.index_cast %add3A_1258 : i32 to index
          %get3A_1316 = arith.constant 64 : index
          %get3A_1317 = tpu.vector_load %arg7[%get3A_1315, %get3A_1316] {strides = array<i32>} : memref<200x128xf32, #tpu.memory_space<vmem>>, vector<1x16xf32>,
          %get3A_1318 = vector.shape_cast %get3A_1317 : vector<1x16xf32> to vector<16xf32>
          %get3A_1319 = arith.index_cast %min3A_212 : i32 to index
          %get3A_1320 = arith.constant 64 : index
          %get3A_1321 = tpu.vector_load %arg5[%get3A_1319, %get3A_1320] {strides = array<i32>} : memref<200x128xf32, #tpu.memory_space<vmem>>, vector<1x16xf32>,
          %get3A_1322 = vector.shape_cast %get3A_1321 : vector<1x16xf32> to vector<16xf32>
          %add3A_1323 = arith.addf %get3A_1318, %get3A_1322 : vector<16xf32>
          %swap3A_1324 = arith.index_cast %add3A_1258 : i32 to index
          %swap3A_1325 = arith.constant 64 : index
          %swap3A_1326 = tpu.vector_load %arg7[%swap3A_1324, %swap3A_1325] {strides = array<i32>} : memref<200x128xf32, #tpu.memory_space<vmem>>, vector<1x16xf32>,
          %swap3A_1327 = vector.shape_cast %swap3A_1326 : vector<1x16xf32> to vector<16xf32>
          %swap3A_1328 = vector.shape_cast %add3A_1323 : vector<16xf32> to vector<1x16xf32>
          tpu.vector_store %arg7[%swap3A_1324, %swap3A_1325], %swap3A_1328 {strides = array<i32>} : memref<200x128xf32, #tpu.memory_space<vmem>>, vector<1x16xf32>,
          %get3A_1329 = arith.index_cast %add3A_1258 : i32 to index
          %get3A_1330 = arith.constant 80 : index
          %get3A_1331 = tpu.vector_load %arg7[%get3A_1329, %get3A_1330] {strides = array<i32>} : memref<200x128xf32, #tpu.memory_space<vmem>>, vector<1x16xf32>,
          %get3A_1332 = vector.shape_cast %get3A_1331 : vector<1x16xf32> to vector<16xf32>
          %get3A_1333 = arith.index_cast %min3A_212 : i32 to index
          %get3A_1334 = arith.constant 80 : index
          %get3A_1335 = tpu.vector_load %arg5[%get3A_1333, %get3A_1334] {strides = array<i32>} : memref<200x128xf32, #tpu.memory_space<vmem>>, vector<1x16xf32>,
          %get3A_1336 = vector.shape_cast %get3A_1335 : vector<1x16xf32> to vector<16xf32>
          %add3A_1337 = arith.addf %get3A_1332, %get3A_1336 : vector<16xf32>
          %swap3A_1338 = arith.index_cast %add3A_1258 : i32 to index
          %swap3A_1339 = arith.constant 80 : index
          %swap3A_1340 = tpu.vector_load %arg7[%swap3A_1338, %swap3A_1339] {strides = array<i32>} : memref<200x128xf32, #tpu.memory_space<vmem>>, vector<1x16xf32>,
          %swap3A_1341 = vector.shape_cast %swap3A_1340 : vector<1x16xf32> to vector<16xf32>
          %swap3A_1342 = vector.shape_cast %add3A_1337 : vector<16xf32> to vector<1x16xf32>
          tpu.vector_store %arg7[%swap3A_1338, %swap3A_1339], %swap3A_1342 {strides = array<i32>} : memref<200x128xf32, #tpu.memory_space<vmem>>, vector<1x16xf32>,
          %get3A_1343 = arith.index_cast %add3A_1258 : i32 to index
          %get3A_1344 = arith.constant 96 : index
          %get3A_1345 = tpu.vector_load %arg7[%get3A_1343, %get3A_1344] {strides = array<i32>} : memref<200x128xf32, #tpu.memory_space<vmem>>, vector<1x16xf32>,
          %get3A_1346 = vector.shape_cast %get3A_1345 : vector<1x16xf32> to vector<16xf32>
          %get3A_1347 = arith.index_cast %min3A_212 : i32 to index
          %get3A_1348 = arith.constant 96 : index
          %get3A_1349 = tpu.vector_load %arg5[%get3A_1347, %get3A_1348] {strides = array<i32>} : memref<200x128xf32, #tpu.memory_space<vmem>>, vector<1x16xf32>,
          %get3A_1350 = vector.shape_cast %get3A_1349 : vector<1x16xf32> to vector<16xf32>
          %add3A_1351 = arith.addf %get3A_1346, %get3A_1350 : vector<16xf32>
          %swap3A_1352 = arith.index_cast %add3A_1258 : i32 to index
          %swap3A_1353 = arith.constant 96 : index
          %swap3A_1354 = tpu.vector_load %arg7[%swap3A_1352, %swap3A_1353] {strides = array<i32>} : memref<200x128xf32, #tpu.memory_space<vmem>>, vector<1x16xf32>,
          %swap3A_1355 = vector.shape_cast %swap3A_1354 : vector<1x16xf32> to vector<16xf32>
          %swap3A_1356 = vector.shape_cast %add3A_1351 : vector<16xf32> to vector<1x16xf32>
          tpu.vector_store %arg7[%swap3A_1352, %swap3A_1353], %swap3A_1356 {strides = array<i32>} : memref<200x128xf32, #tpu.memory_space<vmem>>, vector<1x16xf32>,
          %get3A_1357 = arith.index_cast %add3A_1258 : i32 to index
          %get3A_1358 = arith.constant 112 : index
          %get3A_1359 = tpu.vector_load %arg7[%get3A_1357, %get3A_1358] {strides = array<i32>} : memref<200x128xf32, #tpu.memory_space<vmem>>, vector<1x16xf32>,
          %get3A_1360 = vector.shape_cast %get3A_1359 : vector<1x16xf32> to vector<16xf32>
          %get3A_1361 = arith.index_cast %min3A_212 : i32 to index
          %get3A_1362 = arith.constant 112 : index
          %get3A_1363 = tpu.vector_load %arg5[%get3A_1361, %get3A_1362] {strides = array<i32>} : memref<200x128xf32, #tpu.memory_space<vmem>>, vector<1x16xf32>,
          %get3A_1364 = vector.shape_cast %get3A_1363 : vector<1x16xf32> to vector<16xf32>
          %add3A_1365 = arith.addf %get3A_1360, %get3A_1364 : vector<16xf32>
          %swap3A_1366 = arith.index_cast %add3A_1258 : i32 to index
          %swap3A_1367 = arith.constant 112 : index
          %swap3A_1368 = tpu.vector_load %arg7[%swap3A_1366, %swap3A_1367] {strides = array<i32>} : memref<200x128xf32, #tpu.memory_space<vmem>>, vector<1x16xf32>,
          %swap3A_1369 = vector.shape_cast %swap3A_1368 : vector<1x16xf32> to vector<16xf32>
          %swap3A_1370 = vector.shape_cast %add3A_1365 : vector<16xf32> to vector<1x16xf32>
          tpu.vector_store %arg7[%swap3A_1366, %swap3A_1367], %swap3A_1370 {strides = array<i32>} : memref<200x128xf32, #tpu.memory_space<vmem>>, vector<1x16xf32>,
        }
        %scan3A_154 = arith.constant 20 : i32
        %mul3A_155 = arith.constant 32 : i32
        %mul3A_156 = arith.muli %add3A_76, %mul3A_155 : i32
        %add3A_157 = arith.addi %add3A, %mul3A_156 : i32
        %jit3A_158 = arith.constant 10 : i32
        %div3A_159 = arith.divsi %add3A_157, %jit3A_158 : i32
        %sign3A_160 = arith.constant 0 : i32
        %sign3A_161 = arith.cmpi sgt, %add3A_157, %sign3A_160 : i32
        %sign3A_162 = arith.extui %sign3A_161 : i1 to i32
        %sign3A_163 = arith.constant 0 : i32
        %sign3A_164 = arith.cmpi slt, %add3A_157, %sign3A_163 : i32
        %sign3A_165 = arith.extui %sign3A_164 : i1 to i32
        %sign3A_166 = arith.subi %sign3A_162, %sign3A_165 : i32
        %sign3A_167 = arith.constant 0 : i32
        %sign3A_168 = arith.cmpi sgt, %jit3A_158, %sign3A_167 : i32
        %sign3A_169 = arith.extui %sign3A_168 : i1 to i32
        %sign3A_170 = arith.constant 0 : i32
        %sign3A_171 = arith.cmpi slt, %jit3A_158, %sign3A_170 : i32
        %sign3A_172 = arith.extui %sign3A_171 : i1 to i32
        %sign3A_173 = arith.subi %sign3A_169, %sign3A_172 : i32
        %ne3A_174 = arith.cmpi ne, %sign3A_166, %sign3A_173 : i32
        %rem3A_175 = arith.remsi %add3A_157, %jit3A_158 : i32
        %ne3A_176 = arith.constant 0 : i32
        %ne3A_177 = arith.cmpi ne, %rem3A_175, %ne3A_176 : i32
        %and3A_178 = arith.andi %ne3A_174, %ne3A_177 : i1
        %sub3A_179 = arith.constant 1 : i32
        %sub3A_180 = arith.subi %div3A_159, %sub3A_179 : i32
        %select_n3A_181 = arith.select %and3A_178, %sub3A_180, %div3A_159 : i32
        %jit3A_182 = arith.constant 10 : i32
        %eq3A_183 = arith.constant 0 : i32
        %eq3A_184 = arith.cmpi eq, %jit3A_182, %eq3A_183 : i32
        %jit3A_185 = arith.constant 1 : i32
        %select_n3A_186 = arith.select %eq3A_184, %jit3A_185, %jit3A_182 : i32
        %rem3A_187 = arith.remsi %add3A_157, %select_n3A_186 : i32
        %ne3A_188 = arith.constant 0 : i32
        %ne3A_189 = arith.cmpi ne, %rem3A_187, %ne3A_188 : i32
        %lt3A_190 = arith.constant 0 : i32
        %lt3A_191 = arith.cmpi slt, %rem3A_187, %lt3A_190 : i32
        %lt3A_192 = arith.constant 0 : i32
        %lt3A_193 = arith.cmpi slt, %select_n3A_186, %lt3A_192 : i32
        %ne3A_194 = arith.xori %lt3A_191, %lt3A_193 : i1
        %and3A_195 = arith.andi %ne3A_194, %ne3A_189 : i1
        %add3A_196 = arith.addi %rem3A_187, %select_n3A_186 : i32
        %select_n3A_197 = arith.select %and3A_195, %add3A_196, %rem3A_187 : i32
        %mul3A_198 = arith.constant 200 : i32
        %mul3A_199 = arith.muli %select_n3A_197, %mul3A_198 : i32
        %dma_start3A_200 = arith.constant 0 : i32
        %dma_start3A_201 = tpu.memref_slice %arg4[%select_n3A_181, %mul3A_199, %dma_start3A_200] : memref<200x2000x128xf32, #tpu.memory_space<hbm>> -> memref<1x200x128xf32, #tpu.memory_space<hbm>>
        %dma_start3A_202 = tpu.memref_squeeze %dma_start3A_201 : memref<1x200x128xf32, #tpu.memory_space<hbm>> -> memref<200x128xf32, #tpu.memory_space<hbm>>
        %dma_start3A_203 = arith.constant 0 : i32
        %dma_start3A_204 = tpu.memref_slice %arg4[%select_n3A_181, %mul3A_199, %dma_start3A_203] : memref<200x2000x128xf32, #tpu.memory_space<hbm>> -> memref<1x200x128xf32, #tpu.memory_space<hbm>>
        %dma_start3A_205 = tpu.memref_squeeze %dma_start3A_204 : memref<1x200x128xf32, #tpu.memory_space<hbm>> -> memref<200x128xf32, #tpu.memory_space<hbm>>
        tpu.enqueue_dma source(%arg7 : memref<200x128xf32, #tpu.memory_space<vmem>>) target(%dma_start3A_205 : memref<200x128xf32, #tpu.memory_space<hbm>>) target_semaphore(%arg11 : memref<!tpu.dma_semaphore, #tpu.memory_space<semaphore_mem>>)
      } else {
      }
    }
    %scan3A_44 = arith.constant 32 : i32
    %dma_wait3A = arith.constant 0 : i32
    %dma_wait3A_45 = arith.constant 0 : i32
    %dma_wait3A_46 = arith.constant 0 : i32
    %dma_wait3A_47 = tpu.memref_slice %arg4[%dma_wait3A, %dma_wait3A_45, %dma_wait3A_46] : memref<200x2000x128xf32, #tpu.memory_space<hbm>> -> memref<1x200x128xf32, #tpu.memory_space<hbm>>
    %dma_wait3A_48 = tpu.memref_squeeze %dma_wait3A_47 : memref<1x200x128xf32, #tpu.memory_space<hbm>> -> memref<200x128xf32, #tpu.memory_space<hbm>>
    %dma_wait3A_49 = arith.constant 0 : i32
    %dma_wait3A_50 = arith.constant 0 : i32
    %dma_wait3A_51 = tpu.memref_slice %arg4[%dma_wait3A, %dma_wait3A_49, %dma_wait3A_50] : memref<200x2000x128xf32, #tpu.memory_space<hbm>> -> memref<1x200x128xf32, #tpu.memory_space<hbm>>
    %dma_wait3A_52 = tpu.memref_squeeze %dma_wait3A_51 : memref<1x200x128xf32, #tpu.memory_space<hbm>> -> memref<200x128xf32, #tpu.memory_space<hbm>>
    tpu.wait_dma2 semaphore(%arg10 : memref<!tpu.dma_semaphore, #tpu.memory_space<semaphore_mem>>) src(%arg6 : memref<200x128xf32, #tpu.memory_space<vmem>>) dst(%dma_wait3A_52 : memref<200x128xf32, #tpu.memory_space<hbm>>)
    %dma_wait3A_53 = arith.constant 0 : i32
    %dma_wait3A_54 = arith.constant 0 : i32
    %dma_wait3A_55 = arith.constant 0 : i32
    %dma_wait3A_56 = tpu.memref_slice %arg4[%dma_wait3A_53, %dma_wait3A_54, %dma_wait3A_55] : memref<200x2000x128xf32, #tpu.memory_space<hbm>> -> memref<1x200x128xf32, #tpu.memory_space<hbm>>
    %dma_wait3A_57 = tpu.memref_squeeze %dma_wait3A_56 : memref<1x200x128xf32, #tpu.memory_space<hbm>> -> memref<200x128xf32, #tpu.memory_space<hbm>>
    %dma_wait3A_58 = arith.constant 0 : i32
    %dma_wait3A_59 = arith.constant 0 : i32
    %dma_wait3A_60 = tpu.memref_slice %arg4[%dma_wait3A_53, %dma_wait3A_58, %dma_wait3A_59] : memref<200x2000x128xf32, #tpu.memory_space<hbm>> -> memref<1x200x128xf32, #tpu.memory_space<hbm>>
    %dma_wait3A_61 = tpu.memref_squeeze %dma_wait3A_60 : memref<1x200x128xf32, #tpu.memory_space<hbm>> -> memref<200x128xf32, #tpu.memory_space<hbm>>
    tpu.wait_dma2 semaphore(%arg11 : memref<!tpu.dma_semaphore, #tpu.memory_space<semaphore_mem>>) src(%arg7 : memref<200x128xf32, #tpu.memory_space<vmem>>) dst(%dma_wait3A_61 : memref<200x128xf32, #tpu.memory_space<hbm>>)
    return
  }
}

</mosaic_0001>

<sc_bundles>
// kernel: kernel.3.cloned.1.call-start
scs
__scs_entry_jumppad:
0x0: {  	(pc) =	sbr.rel $0x88, $3  }
0x1: {  	(tag) =	ssettag $0x0;
	lr =	simm.s32 $0x1  }
0x2: {  	[smem:$0x3F9F] =	sst lr;
	_ =	strace $0xD0000000  }
0x3: {  	_ = 	snop  }
0x4: {  	_ = 	snop  }
0x5: {  	_ = 	snop  }
0x6: {  	_ = 	snop  }
0x7: {  	_ = 	snop  }
__scs_overlays_trampoline_lowered:
0x8: {  	[smem:$0x3FAE] =	sst s0  }
0x9: {  	[smem:$0x3FAF] =	sst s1  }
0xa: {  	[smem:$0x3FB0] =	sst s2  }
0xb: {  	[smem:$0x3FB1] =	sst s3  }
0xc: {  	[smem:$0x3FB2] =	sst s4  }
0xd: {  	[smem:$0x3FB3] =	sst s5  }
0xe: {  	[smem:$0x3FB4] =	sst s6  }
0xf: {  	[smem:$0x3FB5] =	sst s7  }
0x10: {  	[smem:$0x3FB6] =	sst s8  }
0x11: {  	[smem:$0x3FB7] =	sst s9;
	s0 =	simm.s32 @!p0 $0x0  }
0x12: {  	s1 =	sld [smem:$0x3F9D];
	s0 =	simm.s32 @p0 $0x1  }
0x13: {  	[smem:$0x3FB8] =	sst s0;
	s0 =	simm.s32 @!p1 $0x0  }
0x14: {  	s2 =	sld [smem:$0x3F9C];
	s0 =	simm.s32 @p1 $0x1  }
0x15: {  	[smem:$0x3FB9] =	sst s0;
	s0 =	simm.s32 @!p2 $0x0  }
0x16: {  	s3 =	sld [smem:$0x3FDB];
	s0 =	simm.s32 @p2 $0x1  }
0x17: {  	s4 =	simm.s32 $0x1BF5;
	[smem:$0x3FBB] =	sst s0  }
0x18: {  	s0 =	sld [smem:$0x3F9E];
	_ =	swait.ge [sflag:s4], $0x0  }
0x19: {  	s7 =	sld [smem:$0x3F9F]  }
0x1a: {  	s8 =	sadd.s32 $0xFFFFE003, lr  }
0x1b: {  	s9 =	sadd.s32 $0xFFFFFEF7, lr;
	s5 =	simm.s32 $0xFFFFFFFF;
	p2 =	slt.u32 s8, $0xFFFFF086  }
0x1c: {  	p1 =	slt.u32 s9, $0xF7A;
	s5 =	simm.s32 @!p2 $0x0  }
0x1d: {  	s5 =	simm.s32 @p1 $0x1;
	p0 =	seq.s32 s7, s2  }
0x1e: {  	s7 =	smul.u32 @!p0 $0xF7A, s2;
	p2 =	seq.s32 @!p0 s5, $0x0  }
0x1f: {  	s9 =	smul.u32 $0xF7A, s1;
	s8 =	simm.s32 @!p0 $0x1BF5;
	p2 =	por !p2, p0  }
0x20: {  	[sflag:s8] =	ssyncset.s32 @!p0 $0xFFFFF086;
	s6 =	sadd.s32 @!p0 s3, s7;
	s7 =	simm.s32 @!p0 $0x108  }
0x21: {  	s3 =	sadd.s32 s3, s9;
	s6 =	sadd.s32 @!p0 $0x88, s6;
	s7 =	simm.s32 @p2 $0x1082  }
0x22: {  	[simem:s7], [sflag:s8] =	dma.local @!p0 [hbm:s6], $0xF7A  }
0x23: {  	s9 =	sor.u32 $0xD0000000, s2;
	s6 =	simm.s32 $0x108;
	_ =	swait.ge @!p0 [sflag:s8], $0x0  }
0x24: {  	s3 =	sadd.s32 $0x88, s3;
	s6 =	simm.s32 @!p1 $0x1082;
	[sflag:s4] =	ssyncset.s32 $0xFFFFF086  }
0x25: {  	[simem:s6], [sflag:s4] =	dma.local [hbm:s3], $0xF7A  }
0x26: {  	[smem:$0x3F9F] =	sst s1;
	(tag) =	ssettag s2;
	_ =	strace s9  }
0x27: {  	s1 =	sld [smem:$0x3FAF]  }
0x28: {  	s2 =	sld [smem:$0x3FB0]  }
0x29: {  	s4 =	sld [smem:$0x3FB2]  }
0x2a: {  	p0 =	seq.s32 s5, $0x0;
	s5 =	sld [smem:$0x3FB3]  }
0x2b: {  	s6 =	sld [smem:$0x3FB4]  }
0x2c: {  	s7 =	sld [smem:$0x3FB5]  }
0x2d: {  	s3 =	simm.s32 $0x108;
	s8 =	sld [smem:$0x3FB6]  }
0x2e: {  	s3 =	simm.s32 @!p0 $0x1082;
	s9 =	sld [smem:$0x3FB7]  }
0x2f: {  	lr =	sadd.s32 s0, s3;
	s0 =	sld [smem:$0x3FAE]  }
0x30: {  	s3 =	sld [smem:$0x3FB1]  }
0x31: {  	[smem:$0x3FBA] =	sst s10  }
0x32: {  	s10 =	sld [smem:$0x3FB8];
	_ =	sdelay $0x3  }
0x33: {  	p0 =	seq.s32 s10, $0x1;
	s10 =	sld [smem:$0x3FBA];
	_ =	sdelay $0x3  }
0x34: {  	[smem:$0x3FBA] =	sst s10  }
0x35: {  	s10 =	sld [smem:$0x3FB9];
	_ =	sdelay $0x3  }
0x36: {  	p1 =	seq.s32 s10, $0x1;
	s10 =	sld [smem:$0x3FBA];
	_ =	sdelay $0x3  }
0x37: {  	[smem:$0x3FBA] =	sst s10  }
0x38: {  	s10 =	sld [smem:$0x3FBB]  }
0x39: {  	_ = 	snop;
	(pc) =	sbr.ind lr, $3  }
0x3a: {  	_ = 	snop  }
0x3b: {  	_ = 	snop  }
0x3c: {  	p2 =	seq.s32 s10, $0x1;
	s10 =	sld [smem:$0x3FBA]  }
0x3d: {  	_ =	shalt  }
0x3e: {  	_ =	shalt  }
0x3f: {  	_ =	shalt  }
0x40: {  	_ =	shalt  }
0x41: {  	_ =	shalt  }
0x42: {  	_ =	shalt  }
0x43: {  	_ =	shalt  }
0x44: {  	_ =	shalt  }
0x45: {  	_ =	shalt  }
0x46: {  	_ =	shalt  }
0x47: {  	_ =	shalt  }
0x48: {  	_ =	shalt  }
0x49: {  	_ =	shalt  }
0x4a: {  	_ =	shalt  }
0x4b: {  	_ =	shalt  }
0x4c: {  	_ =	shalt  }
0x4d: {  	_ =	shalt  }
0x4e: {  	_ =	shalt  }
0x4f: {  	_ =	shalt  }
0x50: {  	_ =	shalt  }
0x51: {  	_ =	shalt  }
0x52: {  	_ =	shalt  }
0x53: {  	_ =	shalt  }
0x54: {  	_ =	shalt  }
0x55: {  	_ =	shalt  }
0x56: {  	_ =	shalt  }
0x57: {  	_ =	shalt  }
0x58: {  	_ =	shalt  }
0x59: {  	_ =	shalt  }
0x5a: {  	_ =	shalt  }
0x5b: {  	_ =	shalt  }
0x5c: {  	_ =	shalt  }
0x5d: {  	_ =	shalt  }
0x5e: {  	_ =	shalt  }
0x5f: {  	_ =	shalt  }
0x60: {  	_ =	shalt  }
0x61: {  	_ =	shalt  }
0x62: {  	_ =	shalt  }
0x63: {  	_ =	shalt  }
0x64: {  	_ =	shalt  }
0x65: {  	_ =	shalt  }
0x66: {  	_ =	shalt  }
0x67: {  	_ =	shalt  }
0x68: {  	_ =	shalt  }
0x69: {  	_ =	shalt  }
0x6a: {  	_ =	shalt  }
0x6b: {  	_ =	shalt  }
0x6c: {  	_ =	shalt  }
0x6d: {  	_ =	shalt  }
0x6e: {  	_ =	shalt  }
0x6f: {  	_ =	shalt  }
0x70: {  	_ =	shalt  }
0x71: {  	_ =	shalt  }
0x72: {  	_ =	shalt  }
0x73: {  	_ =	shalt  }
0x74: {  	_ =	shalt  }
0x75: {  	_ =	shalt  }
0x76: {  	_ =	shalt  }
0x77: {  	_ =	shalt  }
0x78: {  	_ =	shalt  }
0x79: {  	_ =	shalt  }
0x7a: {  	_ =	shalt  }
0x7b: {  	_ =	shalt  }
0x7c: {  	_ =	shalt  }
0x7d: {  	_ =	shalt  }
0x7e: {  	_ =	shalt  }
0x7f: {  	_ =	shalt  }
0x80: {  	_ =	shalt  }
0x81: {  	_ =	shalt  }
0x82: {  	_ =	shalt  }
0x83: {  	_ =	shalt  }
0x84: {  	_ =	shalt  }
0x85: {  	_ =	shalt  }
0x86: {  	_ =	shalt  }
0x87: {  	_ =	shalt  }
.Lfunc_end0:
.L_simem_size_0:
called_computation_lowered:
.L_overlay_start_0:
0x88: {  	s2 =	sld [smem:$0x3FD9]  }
0x89: {  	s3 =	sld [smem:$0x3FFE];
	_ =	sdelay $0x1  }
0x8a: {  	s1 =	srdreg.scid  }
0x8b: {  	s0 =	sand.u32 $0x1, s1  }
0x8c: {  	s18 =	sshll.u32 s0, $0xA;
	s2 =	sadd.s32 s3, s2  }
0x8d: {  	s2 =	sadd.s32 s2, s18  }
0x8e: {  	[smem:$0x3FC6] =	sst s2  }
0x8f: {  	_ = 	snop  }
0x90: {  	s2 =	sld [smem:$0x3FC9]  }
0x91: {  	s19 =	sld [smem:$0x3FC8]  }
0x92: {  	s4 =	sld [smem:$0x3FD0];
	(tm) =	ssettm $0x1  }
0x93: {  	s5 =	sld [smem:$0x3FFB];
	_ =	sdelay $0x3  }
0x94: {  	_ =	strace s5  }
0x95: {  	s5 =	sld [smem:$0x3FFC];
	_ =	sdelay $0x3  }
0x96: {  	_ =	strace s5  }
0x97: {  	s5 =	sld [smem:$0x3FFD];
	_ =	sdelay $0x3  }
0x98: {  	_ =	strace s5  }
0x99: {  	_ =	strace $0x8FFFFFFF  }
0x9a: {  	s20 =	sld [smem:$0x3FDB];
	_ =	sdelay $0x1  }
0x9b: {  	s6 =	simm.s32 $_scs_section_size  }
0x9c: {  	s7 =	simm.s32 $_size__tile_overlayer_lowered;
	s8 =	simm.s32 $_tile_overlayer_lowered  }
0x9d: {  	s23 =	simm.s32 $0x1BFF;
	s22 =	sshll.u32 s8, $0x1;
	s5 =	sadd.s32 s6, s20  }
0x9e: {  	s9 =	simm.s32 $0x0;
	s21 =	sshll.u32 s7, $0x1;
	s7 =	sadd.s32 s22, s5  }
0x9f: {  	[timem:s9], [sflag:s23] =	dma.local [hbm:s7], s21  }
0xa0: {  	_ =	swait.ge [sflag:s23], s21  }
0xa1: {  	s6 =	ssub.s32 $0x0, s21;
	[sflag:s23] =	ssyncset.done $0x0  }
0xa2: {  	[sflag:s23] =	ssyncadd.s32 s6;
	_ =	sdelay $0x1  }
0xa3: {  	s24 =	simm.s32 $0x1B8B  }
0xa4: {  	_ =	swait.ge [sflag:s24], $0x1  }
0xa5: {  	[sflag:s24] =	ssyncset.done $0x0  }
0xa6: {  	s25 =	simm.s32 $0x1B8E;
	[sflag:s24] =	ssyncadd.s32 $0xFFFFFFFF  }
0xa7: {  	s26 =	simm.s32 $execute0_lowered;
	[smem:$0x3FD2] =	sst s25  }
0xa8: {  	s6 =	sshll.u32 s26, $0x1;
	_ =	strace $0x80000046;
	[dreg:$0x1] =	wrdreg $0xFFFFFFFF  }
0xa9: {  	s28 =	simm.s32 $_size_execute0_lowered;
	s5 =	sadd.s32 s5, s6;
	[dreg:$0x0] =	wrdreg $0x0  }
0xaa: {  	s6 =	sshll.u32 s28, $0x1;
	[dreg:$0x2] =	wrdreg s5  }
0xab: {  	[dreg:$0x3] =	wrdreg s6  }
0xac: {  	[dreg:$0x4] =	wrdreg $0xC0  }
0xad: {  	_ =	task [dreg:s9], $0x5FFFF  }
0xae: {  	[dreg:$0x1] =	wrdreg $0xFFFFFFFF  }
0xaf: {  	[dreg:$0x0] =	wrdreg $0x60  }
0xb0: {  	[dreg:$0x2] =	wrdreg s2  }
0xb1: {  	[dreg:$0x3] =	wrdreg s19  }
0xb2: {  	[dreg:$0x4] =	wrdreg s4  }
0xb3: {  	[dreg:$0x5] =	wrdreg $0x9  }
0xb4: {  	_ =	task.clear_ibuf [dreg:s9], $0x6FFFF;
	_ =	strace $0x90000046  }
0xb5: {  	s29 =	simm.s32 $0x9;
	_ =	strace $0x80000048  }
0xb6: {  	_ =	swait.ge [sflag:s29], $0x1  }
0xb7: {  	[sflag:s29] =	ssyncadd.s32 $0xFFFFFFFF  }
0xb8: {  	_ =	strace $0x90000048  }
0xb9: {  	_ =	sfence  }
0xba: {  	s30 =	sld [smem:$0x0];
	_ =	sdelay $0x2  }
0xbb: {  	s31 =	sshll.u32 s1, $0xD;
	s1 =	sshrl.u32 s1, $0x2  }
0xbc: {  	s3 =	sand.u32 $0x4000, s31;
	s1 =	sadd.s32 s1, s30  }
0xbd: {  	s0 =	sor.u32 s3, s0;
	s1 =	sshll.u32 s1, $0x11  }
0xbe: {  	s0 =	sor.u32 s1, s0  }
0xbf: {  	s0 =	sadd.s32 $0x8F2B, s0  }
0xc0: {  	[sflag:s0] =	ssyncadd.remote.s32 $0x1  }
0xc1: {  	_ =	sfence.sel $0xFFFF  }
0xc2: {  	[dreg:$0x0] =	wrdreg $0xFFFFFFFF;
	(pc) =	sbr.abs _section_cstart, $3  }
0xc3: {  	[dreg:$0x1] =	wrdreg $0xFFFFFFFF  }
0xc4: {  	_ =	task.clear_ibuf [dreg:s9], $0x2FFFF;
	_ =	strace $0x9FFFFFFF  }
0xc5: {  	(tm) =	ssettm $0x7FFFFFFF  }
tec
execute0_lowered:
.L_overlay_start_1:
0x0: {  	(tag) =	ssettag $0x1  }
0x1: {  	s0 =	srdreg.scid  }
0x2: {  	s0 =	sand.u32 $0x1, s0  }
0x3: {  	s2 =	stileid.u32;
	s1 =	sshll.u32 s0, $0x4  }
0x4: {  	s1 =	sor.u32 s2, s1  }
0x5: {  	s2 =	smul.u32 $0x1A, s1;
	_ =	sdelay $0x1  }
0x6: {  	s5 =	rddreg [dreg:$0x2];
	s6 =	simm.s32 $0x0;
	s3 =	sshrl.u32 s2, $0x8  }
0x7: {  	s13 =	simm.s32 $0x5;
	s14 =	simm.s32 $0x6400;
	s4 =	smul.u32 $0xA, s3  }
0x8: {  	s15 =	simm.s32 $0x1;
	s16 =	simm.s32 $0x2;
	s17 =	simm.s32 $0xC800  }
0x9: {  	s18 =	simm.s32 $0x3;
	s19 =	simm.s32 $0x4;
	s4 =	ssub.s32 s1, s4  }
0xa: {  	s0 =	ssub.s32 $0x2, s0;
	s3 =	smul.u32 $0x3E800, s3;
	s4 =	sand.u32 $0xFF, s4  }
0xb: {  	s20 =	simm.s32 $0x0;
	s31 =	sshrl.u32 s0, $0x1;
	s4 =	smul.u32 $0x6400, s4  }
.Ltmp0:
0xc: {  	[smem:$0x7FF] =	sst s6;
	s0 =	ssub.s32 s0, s31;
	(pc) =	sbr.rel .LBB2_1-.Ltmp0, $4  }
0xd: {  	s10 =	smul.u32 $0x14, s1;
	s11 =	sor.u32 $0x20, s1;
	s3 =	sadd.s32 s4, s3  }
0xe: {  	s0 =	smax.u32 s0, $0x1;
	s2 =	rddreg [dreg:$0x0];
	s3 =	sshrl.u32 s3, $0x3  }
0xf: {  	_ =	strace $0x80000047;
	[dreg:$0x5] =	wrdreg s0;
	s3 =	sadd.s32 s2, s3  }
0x10: {  	s8 =	sor.u32 $0x40, s1;
	s12 =	smul.u32 $0x14, s11;
	[dreg:$0x4] =	wrdreg s3  }
.LBB2_10:
0x11: {  	_ =	swait.ge [sflag:s18], $0x6400  }
0x12: {  	[sflag:s18] =	ssyncset.done $0x0  }
0x13: {  	[sflag:s18] =	ssyncadd.s32 $0xFFFF9C00  }
0x14: {  	_ =	swait.ge [sflag:s19], $0x6400  }
0x15: {  	s20 =	sadd.s32 $0x1, s20;
	s0 =	rddreg [dreg:$0x5]  }
0x16: {  	p0 =	sne.s32 s20, s0  }
.Ltmp1:
0x17: {  	_ = 	snop;
	(pc) =	sbr.rel @!p0 .LBB2_11-.Ltmp1, $3  }
0x18: {  	_ =	sdelay $0x1  }
0x19: {  	[sflag:s19] =	ssyncset.done $0x0  }
0x1a: {  	[sflag:s19] =	ssyncadd.s32 $0xFFFF9C00  }
.LBB2_1:
0x1b: {  	s0 =	rddreg [dreg:$0x1]  }
0x1c: {  	[tilespmem:s6], [sflag:$0x5] =	stream.linear.gather [hbm4b:s0+s6], $0x6400, $0x38;
	[tilespmem:$0x12C00] =	vst v63  }
.Ltmp2:
0x1d: {  	_ = 	snop;
	(pc) =	sbr.rel .LBB2_2-.Ltmp2, $4  }
0x1e: {  	s21 =	smov.u32 s11;
	s23 =	smov.u32 s1;
	_ =	swait.ge [sflag:s13], $0x6400  }
0x1f: {  	s24 =	smov.u32 s10;
	s25 =	simm.s32 $0x0;
	[sflag:s13] =	ssyncset.done $0x0  }
0x20: {  	s22 =	smov.u32 s12;
	s31 =	rddreg [dreg:$0x4];
	[sflag:s13] =	ssyncadd.s32 $0xFFFF9C00  }
0x21: {  	[tilespmem:s14], [sflag:$0x1] =	stream.linear.gather [hbm4b:s31+s6], $0x6400, $0x38;
	[tilespmem:$0x12C00] =	vst v63  }
.LBB2_9:
0x22: {  	s25 =	sadd.s32 $0x1, s25  }
0x23: {  	p0 =	sne.s32 s25, $0x20  }
.Ltmp3:
0x24: {  	_ = 	snop;
	(pc) =	sbr.rel @!p0 .LBB2_10-.Ltmp3, $3  }
0x25: {  	_ =	sdelay $0x1  }
0x26: {  	s24 =	sadd.s32 $0x500, s24  }
0x27: {  	s23 =	sadd.s32 $0x40, s23;
	s22 =	sadd.s32 $0x500, s22;
	s21 =	sadd.s32 $0x40, s21  }
.LBB2_2:
0x28: {  	s29 =	sshll.u32 s25, $0x6  }
0x29: {  	s0 =	sor.u32 s1, s29  }
0x2a: {  	p0 =	sgt.u32 s0, $0x7CF  }
.Ltmp4:
0x2b: {  	_ = 	snop;
	(pc) =	sbr.rel @p0 .LBB2_9-.Ltmp4, $1  }
0x2c: {  	_ =	sdelay $0x3  }
0x2d: {  	s28 =	sor.u32 $0x20, s0  }
0x2e: {  	p0 =	sgt.u32 s28, $0x7CF  }
0x2f: {  	s3 =	smul.u32 @!p0 $0xCCCD, s28;
	_ =	sdelay $0x1  }
0x30: {  	s7 =	smulhi.u32 $0xCCCCCCCD, s23;
	s3 =	sshrl.u32 @!p0 s3, $0x13  }
0x31: {  	s4 =	smul.u32 @!p0 $0xA, s3  }
0x32: {  	s7 =	sshrl.u32 s7, $0x3  }
0x33: {  	s7 =	smul.u32 $0xC9, s7;
	s4 =	ssub.s32 @!p0 s28, s4  }
0x34: {  	p1 =	seq.s32 @!p0 s25, $0x0;
	s3 =	smul.u32 @!p0 $0x3E800, s3;
	s4 =	sand.u32 @!p0 $0xFFFF, s4  }
0x35: {  	p1 =	por p1, p0;
	s4 =	smul.u32 @!p0 $0x6400, s4  }
0x36: {  	s9 =	simm.s32 @!p1 $0x4  }
0x37: {  	_ =	swait.ge @!p1 [sflag:s9], $0x6400;
	s30 =	ssub.s32 s24, s7;
	s3 =	sadd.s32 @!p0 s4, s3  }
0x38: {  	s7 =	simm.s32 @!p0 $0xC800;
	[sflag:s9] =	ssyncset.done @!p1 $0x0;
	s3 =	sshrl.u32 @!p0 s3, $0x3  }
0x39: {  	[sflag:s9] =	ssyncadd.s32 @!p1 $0xFFFF9C00;
	s4 =	simm.s32 @!p0 $0x0;
	s3 =	sadd.s32 @!p0 s2, s3  }
0x3a: {  	[tilespmem:s7], [sflag:$0x2] =	stream.linear.gather @!p0 [hbm4b:s3+s4], $0x6400, $0x38;
	[tilespmem:$0x12C00] =	vst v63  }
0x3b: {  	s4 =	sadd.s32 $0x0, s30  }
0x3c: {  	p1 =	sgt.s32 s4, $0xFFFFFF9C  }
0x3d: {  	s4 =	simm.s32 @!p1 $0xFFFFFF9C  }
0x3e: {  	_ =	swait.ge [sflag:s15], $0x6400;
	p1 =	slt.s32 s4, $0x63  }
0x3f: {  	[sflag:s15] =	ssyncset.done $0x0;
	s4 =	simm.s32 @!p1 $0x63  }
0x40: {  	s3 =	simm.s32 $0x6680;
	[sflag:s15] =	ssyncadd.s32 $0xFFFF9C00;
	s4 =	sshll.u32 s4, $0x9  }
0x41: {  	v0 =	vld [tilespmem:s3+$0xFFFFFD80];
	s4 =	sshra.s32 s4, $0x2  }
0x42: {  	v1 =	vld [tilespmem:s4+$0x3200];
	_ =	sdelay $0x4  }
0x43: {  	v0 =	vadd.f32 v1, v0;
	_ =	sdelay $0x1  }
0x44: {  	[tilespmem:s3+$0xFFFFFD80] =	vst v0;
	v0 =	vld [tilespmem:s3+$0xFFFFFD90]  }
0x45: {  	v1 =	vld [tilespmem:s4+$0x3210];
	_ =	sdelay $0x4  }
0x46: {  	v0 =	vadd.f32 v1, v0;
	_ =	sdelay $0x1  }
0x47: {  	[tilespmem:s3+$0xFFFFFD90] =	vst v0;
	v0 =	vld [tilespmem:s3+$0xFFFFFDA0]  }
0x48: {  	v1 =	vld [tilespmem:s4+$0x3220];
	_ =	sdelay $0x4  }
0x49: {  	v0 =	vadd.f32 v1, v0;
	_ =	sdelay $0x1  }
0x4a: {  	[tilespmem:s3+$0xFFFFFDA0] =	vst v0;
	v0 =	vld [tilespmem:s3+$0xFFFFFDB0]  }
0x4b: {  	v1 =	vld [tilespmem:s4+$0x3230];
	_ =	sdelay $0x4  }
0x4c: {  	v0 =	vadd.f32 v1, v0;
	_ =	sdelay $0x1  }
0x4d: {  	[tilespmem:s3+$0xFFFFFDB0] =	vst v0;
	v0 =	vld [tilespmem:s3+$0xFFFFFDC0]  }
0x4e: {  	v1 =	vld [tilespmem:s4+$0x3240];
	_ =	sdelay $0x4  }
0x4f: {  	v0 =	vadd.f32 v1, v0;
	_ =	sdelay $0x1  }
0x50: {  	[tilespmem:s3+$0xFFFFFDC0] =	vst v0;
	v0 =	vld [tilespmem:s3+$0xFFFFFDD0]  }
0x51: {  	v1 =	vld [tilespmem:s4+$0x3250];
	_ =	sdelay $0x4  }
0x52: {  	v0 =	vadd.f32 v1, v0;
	_ =	sdelay $0x1  }
0x53: {  	[tilespmem:s3+$0xFFFFFDD0] =	vst v0;
	v0 =	vld [tilespmem:s3+$0xFFFFFDE0]  }
0x54: {  	v1 =	vld [tilespmem:s4+$0x3260];
	_ =	sdelay $0x4  }
0x55: {  	v0 =	vadd.f32 v1, v0;
	_ =	sdelay $0x1  }
0x56: {  	[tilespmem:s3+$0xFFFFFDE0] =	vst v0;
	v0 =	vld [tilespmem:s3+$0xFFFFFDF0]  }
0x57: {  	v1 =	vld [tilespmem:s4+$0x3270];
	_ =	sdelay $0x4  }
0x58: {  	v0 =	vadd.f32 v1, v0;
	_ =	sdelay $0x1  }
0x59: {  	[tilespmem:s3+$0xFFFFFDF0] =	vst v0;
	v0 =	vld [tilespmem:s3+$0xFFFFFE00]  }
0x5a: {  	v1 =	vld [tilespmem:s4+$0x3200];
	_ =	sdelay $0x4  }
0x5b: {  	v0 =	vadd.f32 v1, v0;
	_ =	sdelay $0x1  }
0x5c: {  	[tilespmem:s3+$0xFFFFFE00] =	vst v0;
	v0 =	vld [tilespmem:s3+$0xFFFFFE10]  }
0x5d: {  	v1 =	vld [tilespmem:s4+$0x3210];
	_ =	sdelay $0x4  }
0x5e: {  	v0 =	vadd.f32 v1, v0;
	_ =	sdelay $0x1  }
0x5f: {  	[tilespmem:s3+$0xFFFFFE10] =	vst v0;
	v0 =	vld [tilespmem:s3+$0xFFFFFE20]  }
0x60: {  	v1 =	vld [tilespmem:s4+$0x3220];
	_ =	sdelay $0x4  }
0x61: {  	v0 =	vadd.f32 v1, v0;
	_ =	sdelay $0x1  }
0x62: {  	[tilespmem:s3+$0xFFFFFE20] =	vst v0;
	v0 =	vld [tilespmem:s3+$0xFFFFFE30]  }
0x63: {  	v1 =	vld [tilespmem:s4+$0x3230];
	_ =	sdelay $0x4  }
0x64: {  	v0 =	vadd.f32 v1, v0;
	_ =	sdelay $0x1  }
0x65: {  	[tilespmem:s3+$0xFFFFFE30] =	vst v0;
	v0 =	vld [tilespmem:s3+$0xFFFFFE40]  }
0x66: {  	v1 =	vld [tilespmem:s4+$0x3240];
	_ =	sdelay $0x4  }
0x67: {  	v0 =	vadd.f32 v1, v0;
	_ =	sdelay $0x1  }
0x68: {  	[tilespmem:s3+$0xFFFFFE40] =	vst v0;
	v0 =	vld [tilespmem:s3+$0xFFFFFE50]  }
0x69: {  	v1 =	vld [tilespmem:s4+$0x3250];
	_ =	sdelay $0x4  }
0x6a: {  	v0 =	vadd.f32 v1, v0;
	_ =	sdelay $0x1  }
0x6b: {  	[tilespmem:s3+$0xFFFFFE50] =	vst v0;
	v0 =	vld [tilespmem:s3+$0xFFFFFE60]  }
0x6c: {  	v1 =	vld [tilespmem:s4+$0x3260];
	_ =	sdelay $0x4  }
0x6d: {  	v0 =	vadd.f32 v1, v0;
	_ =	sdelay $0x1  }
0x6e: {  	[tilespmem:s3+$0xFFFFFE60] =	vst v0;
	v0 =	vld [tilespmem:s3+$0xFFFFFE70]  }
0x6f: {  	v1 =	vld [tilespmem:s4+$0x3270];
	_ =	sdelay $0x4  }
0x70: {  	v0 =	vadd.f32 v1, v0;
	_ =	sdelay $0x1  }
0x71: {  	[tilespmem:s3+$0xFFFFFE70] =	vst v0;
	v0 =	vld [tilespmem:s3+$0xFFFFFE80]  }
0x72: {  	v1 =	vld [tilespmem:s4+$0x3200];
	_ =	sdelay $0x4  }
0x73: {  	v0 =	vadd.f32 v1, v0;
	_ =	sdelay $0x1  }
0x74: {  	[tilespmem:s3+$0xFFFFFE80] =	vst v0;
	v0 =	vld [tilespmem:s3+$0xFFFFFE90]  }
0x75: {  	v1 =	vld [tilespmem:s4+$0x3210];
	_ =	sdelay $0x4  }
0x76: {  	v0 =	vadd.f32 v1, v0;
	_ =	sdelay $0x1  }
0x77: {  	[tilespmem:s3+$0xFFFFFE90] =	vst v0;
	v0 =	vld [tilespmem:s3+$0xFFFFFEA0]  }
0x78: {  	v1 =	vld [tilespmem:s4+$0x3220];
	_ =	sdelay $0x4  }
0x79: {  	v0 =	vadd.f32 v1, v0;
	_ =	sdelay $0x1  }
0x7a: {  	[tilespmem:s3+$0xFFFFFEA0] =	vst v0;
	v0 =	vld [tilespmem:s3+$0xFFFFFEB0]  }
0x7b: {  	v1 =	vld [tilespmem:s4+$0x3230];
	_ =	sdelay $0x4  }
0x7c: {  	v0 =	vadd.f32 v1, v0;
	_ =	sdelay $0x1  }
0x7d: {  	[tilespmem:s3+$0xFFFFFEB0] =	vst v0;
	v0 =	vld [tilespmem:s3+$0xFFFFFEC0]  }
0x7e: {  	v1 =	vld [tilespmem:s4+$0x3240];
	_ =	sdelay $0x4  }
0x7f: {  	v0 =	vadd.f32 v1, v0;
	_ =	sdelay $0x1  }
0x80: {  	[tilespmem:s3+$0xFFFFFEC0] =	vst v0;
	v0 =	vld [tilespmem:s3+$0xFFFFFED0]  }
0x81: {  	v1 =	vld [tilespmem:s4+$0x3250];
	_ =	sdelay $0x4  }
0x82: {  	v0 =	vadd.f32 v1, v0;
	_ =	sdelay $0x1  }
0x83: {  	[tilespmem:s3+$0xFFFFFED0] =	vst v0;
	v0 =	vld [tilespmem:s3+$0xFFFFFEE0]  }
0x84: {  	v1 =	vld [tilespmem:s4+$0x3260];
	_ =	sdelay $0x4  }
0x85: {  	v0 =	vadd.f32 v1, v0;
	_ =	sdelay $0x1  }
0x86: {  	[tilespmem:s3+$0xFFFFFEE0] =	vst v0;
	v0 =	vld [tilespmem:s3+$0xFFFFFEF0]  }
0x87: {  	v1 =	vld [tilespmem:s4+$0x3270];
	_ =	sdelay $0x4  }
0x88: {  	v0 =	vadd.f32 v1, v0;
	_ =	sdelay $0x1  }
0x89: {  	[tilespmem:s3+$0xFFFFFEF0] =	vst v0;
	v0 =	vld [tilespmem:s3+$0xFFFFFF00]  }
0x8a: {  	v1 =	vld [tilespmem:s4+$0x3200];
	_ =	sdelay $0x4  }
0x8b: {  	v0 =	vadd.f32 v1, v0;
	_ =	sdelay $0x1  }
0x8c: {  	[tilespmem:s3+$0xFFFFFF00] =	vst v0;
	v0 =	vld [tilespmem:s3+$0xFFFFFF10]  }
0x8d: {  	v1 =	vld [tilespmem:s4+$0x3210];
	_ =	sdelay $0x4  }
0x8e: {  	v0 =	vadd.f32 v1, v0;
	_ =	sdelay $0x1  }
0x8f: {  	[tilespmem:s3+$0xFFFFFF10] =	vst v0;
	v0 =	vld [tilespmem:s3+$0xFFFFFF20]  }
0x90: {  	v1 =	vld [tilespmem:s4+$0x3220];
	_ =	sdelay $0x4  }
0x91: {  	v0 =	vadd.f32 v1, v0;
	_ =	sdelay $0x1  }
0x92: {  	[tilespmem:s3+$0xFFFFFF20] =	vst v0;
	v0 =	vld [tilespmem:s3+$0xFFFFFF30]  }
0x93: {  	v1 =	vld [tilespmem:s4+$0x3230];
	_ =	sdelay $0x4  }
0x94: {  	v0 =	vadd.f32 v1, v0;
	_ =	sdelay $0x1  }
0x95: {  	[tilespmem:s3+$0xFFFFFF30] =	vst v0;
	v0 =	vld [tilespmem:s3+$0xFFFFFF40]  }
0x96: {  	v1 =	vld [tilespmem:s4+$0x3240];
	_ =	sdelay $0x4  }
0x97: {  	v0 =	vadd.f32 v1, v0;
	_ =	sdelay $0x1  }
0x98: {  	[tilespmem:s3+$0xFFFFFF40] =	vst v0;
	v0 =	vld [tilespmem:s3+$0xFFFFFF50]  }
0x99: {  	v1 =	vld [tilespmem:s4+$0x3250];
	_ =	sdelay $0x4  }
0x9a: {  	v0 =	vadd.f32 v1, v0;
	_ =	sdelay $0x1  }
0x9b: {  	[tilespmem:s3+$0xFFFFFF50] =	vst v0;
	v0 =	vld [tilespmem:s3+$0xFFFFFF60]  }
0x9c: {  	v1 =	vld [tilespmem:s4+$0x3260];
	_ =	sdelay $0x4  }
0x9d: {  	v0 =	vadd.f32 v1, v0;
	_ =	sdelay $0x1  }
0x9e: {  	[tilespmem:s3+$0xFFFFFF60] =	vst v0;
	v0 =	vld [tilespmem:s3+$0xFFFFFF70]  }
0x9f: {  	v1 =	vld [tilespmem:s4+$0x3270];
	_ =	sdelay $0x4  }
0xa0: {  	v0 =	vadd.f32 v1, v0;
	_ =	sdelay $0x1  }
0xa1: {  	[tilespmem:s3+$0xFFFFFF70] =	vst v0;
	v0 =	vld [tilespmem:s3+$0xFFFFFF80]  }
0xa2: {  	v1 =	vld [tilespmem:s4+$0x3200];
	_ =	sdelay $0x4  }
0xa3: {  	v0 =	vadd.f32 v1, v0;
	_ =	sdelay $0x1  }
0xa4: {  	[tilespmem:s3+$0xFFFFFF80] =	vst v0;
	v0 =	vld [tilespmem:s3+$0xFFFFFF90]  }
0xa5: {  	v1 =	vld [tilespmem:s4+$0x3210];
	_ =	sdelay $0x4  }
0xa6: {  	v0 =	vadd.f32 v1, v0;
	_ =	sdelay $0x1  }
0xa7: {  	[tilespmem:s3+$0xFFFFFF90] =	vst v0;
	v0 =	vld [tilespmem:s3+$0xFFFFFFA0]  }
0xa8: {  	v1 =	vld [tilespmem:s4+$0x3220];
	_ =	sdelay $0x4  }
0xa9: {  	v0 =	vadd.f32 v1, v0;
	_ =	sdelay $0x1  }
0xaa: {  	[tilespmem:s3+$0xFFFFFFA0] =	vst v0;
	v0 =	vld [tilespmem:s3+$0xFFFFFFB0]  }
0xab: {  	v1 =	vld [tilespmem:s4+$0x3230];
	_ =	sdelay $0x4  }
0xac: {  	v0 =	vadd.f32 v1, v0;
	_ =	sdelay $0x1  }
0xad: {  	[tilespmem:s3+$0xFFFFFFB0] =	vst v0;
	v0 =	vld [tilespmem:s3+$0xFFFFFFC0]  }
0xae: {  	v1 =	vld [tilespmem:s4+$0x3240];
	_ =	sdelay $0x4  }
0xaf: {  	v0 =	vadd.f32 v1, v0;
	_ =	sdelay $0x1  }
0xb0: {  	[tilespmem:s3+$0xFFFFFFC0] =	vst v0;
	v0 =	vld [tilespmem:s3+$0xFFFFFFD0]  }
0xb1: {  	v1 =	vld [tilespmem:s4+$0x3250];
	_ =	sdelay $0x4  }
0xb2: {  	v0 =	vadd.f32 v1, v0;
	_ =	sdelay $0x1  }
0xb3: {  	[tilespmem:s3+$0xFFFFFFD0] =	vst v0;
	v0 =	vld [tilespmem:s3+$0xFFFFFFE0]  }
0xb4: {  	v1 =	vld [tilespmem:s4+$0x3260];
	_ =	sdelay $0x4  }
0xb5: {  	v0 =	vadd.f32 v1, v0;
	_ =	sdelay $0x1  }
0xb6: {  	[tilespmem:s3+$0xFFFFFFE0] =	vst v0;
	v0 =	vld [tilespmem:s3+$0xFFFFFFF0]  }
0xb7: {  	v1 =	vld [tilespmem:s4+$0x3270];
	_ =	sdelay $0x4  }
0xb8: {  	v0 =	vadd.f32 v1, v0;
	_ =	sdelay $0x1  }
0xb9: {  	[tilespmem:s3+$0xFFFFFFF0] =	vst v0;
	v0 =	vld [tilespmem:s3+$0x0]  }
0xba: {  	v1 =	vld [tilespmem:s4+$0x3200];
	_ =	sdelay $0x4  }
0xbb: {  	v0 =	vadd.f32 v1, v0;
	_ =	sdelay $0x1  }
0xbc: {  	[tilespmem:s3+$0x0] =	vst v0;
	v0 =	vld [tilespmem:s3+$0x10]  }
0xbd: {  	v1 =	vld [tilespmem:s4+$0x3210];
	_ =	sdelay $0x4  }
0xbe: {  	v0 =	vadd.f32 v1, v0;
	_ =	sdelay $0x1  }
0xbf: {  	[tilespmem:s3+$0x10] =	vst v0;
	v0 =	vld [tilespmem:s3+$0x20]  }
0xc0: {  	v1 =	vld [tilespmem:s4+$0x3220];
	_ =	sdelay $0x4  }
0xc1: {  	v0 =	vadd.f32 v1, v0;
	_ =	sdelay $0x1  }
0xc2: {  	[tilespmem:s3+$0x20] =	vst v0;
	v0 =	vld [tilespmem:s3+$0x30]  }
0xc3: {  	v1 =	vld [tilespmem:s4+$0x3230];
	_ =	sdelay $0x4  }
0xc4: {  	v0 =	vadd.f32 v1, v0;
	_ =	sdelay $0x1  }
0xc5: {  	[tilespmem:s3+$0x30] =	vst v0;
	v0 =	vld [tilespmem:s3+$0x40]  }
0xc6: {  	v1 =	vld [tilespmem:s4+$0x3240];
	_ =	sdelay $0x4  }
0xc7: {  	v0 =	vadd.f32 v1, v0;
	_ =	sdelay $0x1  }
0xc8: {  	[tilespmem:s3+$0x40] =	vst v0;
	v0 =	vld [tilespmem:s3+$0x50]  }
0xc9: {  	v1 =	vld [tilespmem:s4+$0x3250];
	_ =	sdelay $0x4  }
0xca: {  	v0 =	vadd.f32 v1, v0;
	_ =	sdelay $0x1  }
0xcb: {  	[tilespmem:s3+$0x50] =	vst v0;
	v0 =	vld [tilespmem:s3+$0x60]  }
0xcc: {  	v1 =	vld [tilespmem:s4+$0x3260];
	_ =	sdelay $0x4  }
0xcd: {  	v0 =	vadd.f32 v1, v0;
	_ =	sdelay $0x1  }
0xce: {  	[tilespmem:s3+$0x60] =	vst v0;
	v0 =	vld [tilespmem:s3+$0x70]  }
0xcf: {  	v1 =	vld [tilespmem:s4+$0x3270];
	_ =	sdelay $0x4  }
0xd0: {  	v0 =	vadd.f32 v1, v0;
	_ =	sdelay $0x1  }
0xd1: {  	[tilespmem:s3+$0x70] =	vst v0;
	v0 =	vld [tilespmem:s3+$0x80]  }
0xd2: {  	v1 =	vld [tilespmem:s4+$0x3200];
	_ =	sdelay $0x4  }
0xd3: {  	v0 =	vadd.f32 v1, v0;
	_ =	sdelay $0x1  }
0xd4: {  	[tilespmem:s3+$0x80] =	vst v0;
	v0 =	vld [tilespmem:s3+$0x90]  }
0xd5: {  	v1 =	vld [tilespmem:s4+$0x3210];
	_ =	sdelay $0x4  }
0xd6: {  	v0 =	vadd.f32 v1, v0;
	_ =	sdelay $0x1  }
0xd7: {  	[tilespmem:s3+$0x90] =	vst v0;
	v0 =	vld [tilespmem:s3+$0xA0]  }
0xd8: {  	v1 =	vld [tilespmem:s4+$0x3220];
	_ =	sdelay $0x4  }
0xd9: {  	v0 =	vadd.f32 v1, v0;
	_ =	sdelay $0x1  }
0xda: {  	[tilespmem:s3+$0xA0] =	vst v0;
	v0 =	vld [tilespmem:s3+$0xB0]  }
0xdb: {  	v1 =	vld [tilespmem:s4+$0x3230];
	_ =	sdelay $0x4  }
0xdc: {  	v0 =	vadd.f32 v1, v0;
	_ =	sdelay $0x1  }
0xdd: {  	[tilespmem:s3+$0xB0] =	vst v0;
	v0 =	vld [tilespmem:s3+$0xC0]  }
0xde: {  	v1 =	vld [tilespmem:s4+$0x3240];
	_ =	sdelay $0x4  }
0xdf: {  	v0 =	vadd.f32 v1, v0;
	_ =	sdelay $0x1  }
0xe0: {  	[tilespmem:s3+$0xC0] =	vst v0;
	v0 =	vld [tilespmem:s3+$0xD0]  }
0xe1: {  	v1 =	vld [tilespmem:s4+$0x3250];
	_ =	sdelay $0x4  }
0xe2: {  	v0 =	vadd.f32 v1, v0;
	_ =	sdelay $0x1  }
0xe3: {  	[tilespmem:s3+$0xD0] =	vst v0;
	v0 =	vld [tilespmem:s3+$0xE0]  }
0xe4: {  	v1 =	vld [tilespmem:s4+$0x3260];
	_ =	sdelay $0x4  }
0xe5: {  	v0 =	vadd.f32 v1, v0;
	_ =	sdelay $0x1  }
0xe6: {  	[tilespmem:s3+$0xE0] =	vst v0;
	v0 =	vld [tilespmem:s3+$0xF0]  }
0xe7: {  	v1 =	vld [tilespmem:s4+$0x3270];
	_ =	sdelay $0x4  }
0xe8: {  	v0 =	vadd.f32 v1, v0;
	_ =	sdelay $0x1  }
0xe9: {  	[tilespmem:s3+$0xF0] =	vst v0;
	v0 =	vld [tilespmem:s3+$0x100]  }
0xea: {  	v1 =	vld [tilespmem:s4+$0x3200];
	_ =	sdelay $0x4  }
0xeb: {  	v0 =	vadd.f32 v1, v0;
	_ =	sdelay $0x1  }
0xec: {  	[tilespmem:s3+$0x100] =	vst v0;
	v0 =	vld [tilespmem:s3+$0x110]  }
0xed: {  	v1 =	vld [tilespmem:s4+$0x3210];
	_ =	sdelay $0x4  }
0xee: {  	v0 =	vadd.f32 v1, v0;
	_ =	sdelay $0x1  }
0xef: {  	[tilespmem:s3+$0x110] =	vst v0;
	v0 =	vld [tilespmem:s3+$0x120]  }
0xf0: {  	v1 =	vld [tilespmem:s4+$0x3220];
	_ =	sdelay $0x4  }
0xf1: {  	v0 =	vadd.f32 v1, v0;
	_ =	sdelay $0x1  }
0xf2: {  	[tilespmem:s3+$0x120] =	vst v0;
	v0 =	vld [tilespmem:s3+$0x130]  }
0xf3: {  	v1 =	vld [tilespmem:s4+$0x3230];
	_ =	sdelay $0x4  }
0xf4: {  	v0 =	vadd.f32 v1, v0;
	_ =	sdelay $0x1  }
0xf5: {  	[tilespmem:s3+$0x130] =	vst v0;
	v0 =	vld [tilespmem:s3+$0x140]  }
0xf6: {  	v1 =	vld [tilespmem:s4+$0x3240];
	_ =	sdelay $0x4  }
0xf7: {  	v0 =	vadd.f32 v1, v0;
	_ =	sdelay $0x1  }
0xf8: {  	[tilespmem:s3+$0x140] =	vst v0;
	v0 =	vld [tilespmem:s3+$0x150]  }
0xf9: {  	v1 =	vld [tilespmem:s4+$0x3250];
	_ =	sdelay $0x4  }
0xfa: {  	v0 =	vadd.f32 v1, v0;
	_ =	sdelay $0x1  }
0xfb: {  	[tilespmem:s3+$0x150] =	vst v0;
	v0 =	vld [tilespmem:s3+$0x160]  }
0xfc: {  	v1 =	vld [tilespmem:s4+$0x3260];
	_ =	sdelay $0x4  }
0xfd: {  	v0 =	vadd.f32 v1, v0;
	_ =	sdelay $0x1  }
0xfe: {  	[tilespmem:s3+$0x160] =	vst v0;
	v0 =	vld [tilespmem:s3+$0x170]  }
0xff: {  	v1 =	vld [tilespmem:s4+$0x3270];
	_ =	sdelay $0x4  }
0x100: {  	v0 =	vadd.f32 v1, v0;
	_ =	sdelay $0x1  }
0x101: {  	[tilespmem:s3+$0x170] =	vst v0;
	v0 =	vld [tilespmem:s3+$0x180]  }
0x102: {  	v1 =	vld [tilespmem:s4+$0x3200];
	_ =	sdelay $0x4  }
0x103: {  	v0 =	vadd.f32 v1, v0;
	_ =	sdelay $0x1  }
0x104: {  	[tilespmem:s3+$0x180] =	vst v0;
	v0 =	vld [tilespmem:s3+$0x190]  }
0x105: {  	v1 =	vld [tilespmem:s4+$0x3210];
	_ =	sdelay $0x4  }
0x106: {  	v0 =	vadd.f32 v1, v0;
	_ =	sdelay $0x1  }
0x107: {  	[tilespmem:s3+$0x190] =	vst v0;
	v0 =	vld [tilespmem:s3+$0x1A0]  }
0x108: {  	v1 =	vld [tilespmem:s4+$0x3220];
	_ =	sdelay $0x4  }
0x109: {  	v0 =	vadd.f32 v1, v0;
	_ =	sdelay $0x1  }
0x10a: {  	[tilespmem:s3+$0x1A0] =	vst v0;
	v0 =	vld [tilespmem:s3+$0x1B0]  }
0x10b: {  	v1 =	vld [tilespmem:s4+$0x3230];
	_ =	sdelay $0x4  }
0x10c: {  	v0 =	vadd.f32 v1, v0;
	_ =	sdelay $0x1  }
0x10d: {  	[tilespmem:s3+$0x1B0] =	vst v0;
	v0 =	vld [tilespmem:s3+$0x1C0]  }
0x10e: {  	v1 =	vld [tilespmem:s4+$0x3240];
	_ =	sdelay $0x4  }
0x10f: {  	v0 =	vadd.f32 v1, v0;
	_ =	sdelay $0x1  }
0x110: {  	[tilespmem:s3+$0x1C0] =	vst v0;
	v0 =	vld [tilespmem:s3+$0x1D0]  }
0x111: {  	v1 =	vld [tilespmem:s4+$0x3250];
	_ =	sdelay $0x4  }
0x112: {  	v0 =	vadd.f32 v1, v0;
	_ =	sdelay $0x1  }
0x113: {  	[tilespmem:s3+$0x1D0] =	vst v0;
	v0 =	vld [tilespmem:s3+$0x1E0]  }
0x114: {  	v1 =	vld [tilespmem:s4+$0x3260];
	_ =	sdelay $0x4  }
0x115: {  	v0 =	vadd.f32 v1, v0;
	_ =	sdelay $0x1  }
0x116: {  	[tilespmem:s3+$0x1E0] =	vst v0;
	v0 =	vld [tilespmem:s3+$0x1F0]  }
0x117: {  	v1 =	vld [tilespmem:s4+$0x3270];
	_ =	sdelay $0x4  }
0x118: {  	v0 =	vadd.f32 v1, v0;
	_ =	sdelay $0x1  }
0x119: {  	[tilespmem:s3+$0x1F0] =	vst v0;
	v0 =	vld [tilespmem:s3+$0x200]  }
0x11a: {  	v1 =	vld [tilespmem:s4+$0x3200];
	_ =	sdelay $0x4  }
0x11b: {  	v0 =	vadd.f32 v1, v0;
	_ =	sdelay $0x1  }
0x11c: {  	[tilespmem:s3+$0x200] =	vst v0;
	v0 =	vld [tilespmem:s3+$0x210]  }
0x11d: {  	v1 =	vld [tilespmem:s4+$0x3210];
	_ =	sdelay $0x4  }
0x11e: {  	v0 =	vadd.f32 v1, v0;
	_ =	sdelay $0x1  }
0x11f: {  	[tilespmem:s3+$0x210] =	vst v0;
	v0 =	vld [tilespmem:s3+$0x220]  }
0x120: {  	v1 =	vld [tilespmem:s4+$0x3220];
	_ =	sdelay $0x4  }
0x121: {  	v0 =	vadd.f32 v1, v0;
	_ =	sdelay $0x1  }
0x122: {  	[tilespmem:s3+$0x220] =	vst v0;
	v0 =	vld [tilespmem:s3+$0x230]  }
0x123: {  	v1 =	vld [tilespmem:s4+$0x3230];
	_ =	sdelay $0x4  }
0x124: {  	v0 =	vadd.f32 v1, v0;
	_ =	sdelay $0x1  }
0x125: {  	[tilespmem:s3+$0x230] =	vst v0;
	v0 =	vld [tilespmem:s3+$0x240]  }
0x126: {  	v1 =	vld [tilespmem:s4+$0x3240];
	_ =	sdelay $0x4  }
0x127: {  	v0 =	vadd.f32 v1, v0;
	_ =	sdelay $0x1  }
0x128: {  	[tilespmem:s3+$0x240] =	vst v0;
	v0 =	vld [tilespmem:s3+$0x250]  }
0x129: {  	v1 =	vld [tilespmem:s4+$0x3250];
	_ =	sdelay $0x4  }
0x12a: {  	v0 =	vadd.f32 v1, v0;
	_ =	sdelay $0x1  }
0x12b: {  	[tilespmem:s3+$0x250] =	vst v0;
	v0 =	vld [tilespmem:s3+$0x260]  }
0x12c: {  	v1 =	vld [tilespmem:s4+$0x3260];
	_ =	sdelay $0x1  }
0x12d: {  	s9 =	smul.u32 $0xCCCD, s0  }
0x12e: {  	s26 =	smulhi.u32 $0xCCCCCCCD, s21  }
0x12f: {  	s31 =	sshrl.u32 s9, $0x13  }
0x130: {  	s9 =	sshrl.u32 s26, $0x3;
	s26 =	smul.u32 $0xA, s31;
	v0 =	vadd.f32 v1, v0;
	_ =	sdelay $0x1  }
0x131: {  	s7 =	smul.u32 $0xC9, s9;
	s9 =	ssub.s32 s0, s26;
	[tilespmem:s3+$0x260] =	vst v0;
	v0 =	vld [tilespmem:s3+$0x270]  }
0x132: {  	s0 =	sand.u32 $0xFFFF, s9;
	s9 =	sadd.s32 $0x1, s30;
	v1 =	vld [tilespmem:s4+$0x3270]  }
0x133: {  	s26 =	ssub.s32 s22, s7;
	s7 =	simm.s32 $0x2;
	s4 =	simm.s32 $0x6680  }
.LBB2_4:
0x134: {  	p1 =	sne.s32 s7, $0x13;
	p2 =	sgt.s32 s9, $0xFFFFFF9C  }
0x135: {  	s9 =	simm.s32 @!p2 $0xFFFFFF9C  }
0x136: {  	p2 =	slt.s32 s9, $0x63  }
0x137: {  	s9 =	simm.s32 @!p2 $0x63;
	v0 =	vadd.f32 v1, v0  }
0x138: {  	s3 =	sadd.s32 $0x500, s3;
	s9 =	sshll.u32 s9, $0x9  }
0x139: {  	v1 =	vld [tilespmem:s3+$0xFFFFFD80];
	s9 =	sshra.s32 s9, $0x2;
	[tilespmem:s4+$0x270] =	vst v0;
	s4 =	smov.u32 s3  }
0x13a: {  	v0 =	vld [tilespmem:s9+$0x3200];
	_ =	sdelay $0x4  }
0x13b: {  	v0 =	vadd.f32 v0, v1;
	_ =	sdelay $0x1  }
0x13c: {  	[tilespmem:s3+$0xFFFFFD80] =	vst v0;
	v0 =	vld [tilespmem:s3+$0xFFFFFD90]  }
0x13d: {  	v1 =	vld [tilespmem:s9+$0x3210];
	_ =	sdelay $0x4  }
0x13e: {  	v0 =	vadd.f32 v1, v0;
	_ =	sdelay $0x1  }
0x13f: {  	[tilespmem:s3+$0xFFFFFD90] =	vst v0;
	v0 =	vld [tilespmem:s3+$0xFFFFFDA0]  }
0x140: {  	v1 =	vld [tilespmem:s9+$0x3220];
	_ =	sdelay $0x4  }
0x141: {  	v0 =	vadd.f32 v1, v0;
	_ =	sdelay $0x1  }
0x142: {  	[tilespmem:s3+$0xFFFFFDA0] =	vst v0;
	v0 =	vld [tilespmem:s3+$0xFFFFFDB0]  }
0x143: {  	v1 =	vld [tilespmem:s9+$0x3230];
	_ =	sdelay $0x4  }
0x144: {  	v0 =	vadd.f32 v1, v0;
	_ =	sdelay $0x1  }
0x145: {  	[tilespmem:s3+$0xFFFFFDB0] =	vst v0;
	v0 =	vld [tilespmem:s3+$0xFFFFFDC0]  }
0x146: {  	v1 =	vld [tilespmem:s9+$0x3240];
	_ =	sdelay $0x4  }
0x147: {  	v0 =	vadd.f32 v1, v0;
	_ =	sdelay $0x1  }
0x148: {  	[tilespmem:s3+$0xFFFFFDC0] =	vst v0;
	v0 =	vld [tilespmem:s3+$0xFFFFFDD0]  }
0x149: {  	v1 =	vld [tilespmem:s9+$0x3250];
	_ =	sdelay $0x4  }
0x14a: {  	v0 =	vadd.f32 v1, v0;
	_ =	sdelay $0x1  }
0x14b: {  	[tilespmem:s3+$0xFFFFFDD0] =	vst v0;
	v0 =	vld [tilespmem:s3+$0xFFFFFDE0]  }
0x14c: {  	v1 =	vld [tilespmem:s9+$0x3260];
	_ =	sdelay $0x4  }
0x14d: {  	v0 =	vadd.f32 v1, v0;
	_ =	sdelay $0x1  }
0x14e: {  	[tilespmem:s3+$0xFFFFFDE0] =	vst v0;
	v0 =	vld [tilespmem:s3+$0xFFFFFDF0]  }
0x14f: {  	v1 =	vld [tilespmem:s9+$0x3270];
	_ =	sdelay $0x4  }
0x150: {  	v0 =	vadd.f32 v1, v0;
	_ =	sdelay $0x1  }
0x151: {  	[tilespmem:s3+$0xFFFFFDF0] =	vst v0;
	v0 =	vld [tilespmem:s3+$0xFFFFFE00]  }
0x152: {  	v1 =	vld [tilespmem:s9+$0x3200];
	_ =	sdelay $0x4  }
0x153: {  	v0 =	vadd.f32 v1, v0;
	_ =	sdelay $0x1  }
0x154: {  	[tilespmem:s3+$0xFFFFFE00] =	vst v0;
	v0 =	vld [tilespmem:s3+$0xFFFFFE10]  }
0x155: {  	v1 =	vld [tilespmem:s9+$0x3210];
	_ =	sdelay $0x4  }
0x156: {  	v0 =	vadd.f32 v1, v0;
	_ =	sdelay $0x1  }
0x157: {  	[tilespmem:s3+$0xFFFFFE10] =	vst v0;
	v0 =	vld [tilespmem:s3+$0xFFFFFE20]  }
0x158: {  	v1 =	vld [tilespmem:s9+$0x3220];
	_ =	sdelay $0x4  }
0x159: {  	v0 =	vadd.f32 v1, v0;
	_ =	sdelay $0x1  }
0x15a: {  	[tilespmem:s3+$0xFFFFFE20] =	vst v0;
	v0 =	vld [tilespmem:s3+$0xFFFFFE30]  }
0x15b: {  	v1 =	vld [tilespmem:s9+$0x3230];
	_ =	sdelay $0x4  }
0x15c: {  	v0 =	vadd.f32 v1, v0;
	_ =	sdelay $0x1  }
0x15d: {  	[tilespmem:s3+$0xFFFFFE30] =	vst v0;
	v0 =	vld [tilespmem:s3+$0xFFFFFE40]  }
0x15e: {  	v1 =	vld [tilespmem:s9+$0x3240];
	_ =	sdelay $0x4  }
0x15f: {  	v0 =	vadd.f32 v1, v0;
	_ =	sdelay $0x1  }
0x160: {  	[tilespmem:s3+$0xFFFFFE40] =	vst v0;
	v0 =	vld [tilespmem:s3+$0xFFFFFE50]  }
0x161: {  	v1 =	vld [tilespmem:s9+$0x3250];
	_ =	sdelay $0x4  }
0x162: {  	v0 =	vadd.f32 v1, v0;
	_ =	sdelay $0x1  }
0x163: {  	[tilespmem:s3+$0xFFFFFE50] =	vst v0;
	v0 =	vld [tilespmem:s3+$0xFFFFFE60]  }
0x164: {  	v1 =	vld [tilespmem:s9+$0x3260];
	_ =	sdelay $0x4  }
0x165: {  	v0 =	vadd.f32 v1, v0;
	_ =	sdelay $0x1  }
0x166: {  	[tilespmem:s3+$0xFFFFFE60] =	vst v0;
	v0 =	vld [tilespmem:s3+$0xFFFFFE70]  }
0x167: {  	v1 =	vld [tilespmem:s9+$0x3270];
	_ =	sdelay $0x4  }
0x168: {  	v0 =	vadd.f32 v1, v0;
	_ =	sdelay $0x1  }
0x169: {  	[tilespmem:s3+$0xFFFFFE70] =	vst v0;
	v0 =	vld [tilespmem:s3+$0xFFFFFE80]  }
0x16a: {  	v1 =	vld [tilespmem:s9+$0x3200];
	_ =	sdelay $0x4  }
0x16b: {  	v0 =	vadd.f32 v1, v0;
	_ =	sdelay $0x1  }
0x16c: {  	[tilespmem:s3+$0xFFFFFE80] =	vst v0;
	v0 =	vld [tilespmem:s3+$0xFFFFFE90]  }
0x16d: {  	v1 =	vld [tilespmem:s9+$0x3210];
	_ =	sdelay $0x4  }
0x16e: {  	v0 =	vadd.f32 v1, v0;
	_ =	sdelay $0x1  }
0x16f: {  	[tilespmem:s3+$0xFFFFFE90] =	vst v0;
	v0 =	vld [tilespmem:s3+$0xFFFFFEA0]  }
0x170: {  	v1 =	vld [tilespmem:s9+$0x3220];
	_ =	sdelay $0x4  }
0x171: {  	v0 =	vadd.f32 v1, v0;
	_ =	sdelay $0x1  }
0x172: {  	[tilespmem:s3+$0xFFFFFEA0] =	vst v0;
	v0 =	vld [tilespmem:s3+$0xFFFFFEB0]  }
0x173: {  	v1 =	vld [tilespmem:s9+$0x3230];
	_ =	sdelay $0x4  }
0x174: {  	v0 =	vadd.f32 v1, v0;
	_ =	sdelay $0x1  }
0x175: {  	[tilespmem:s3+$0xFFFFFEB0] =	vst v0;
	v0 =	vld [tilespmem:s3+$0xFFFFFEC0]  }
0x176: {  	v1 =	vld [tilespmem:s9+$0x3240];
	_ =	sdelay $0x4  }
0x177: {  	v0 =	vadd.f32 v1, v0;
	_ =	sdelay $0x1  }
0x178: {  	[tilespmem:s3+$0xFFFFFEC0] =	vst v0;
	v0 =	vld [tilespmem:s3+$0xFFFFFED0]  }
0x179: {  	v1 =	vld [tilespmem:s9+$0x3250];
	_ =	sdelay $0x4  }
0x17a: {  	v0 =	vadd.f32 v1, v0;
	_ =	sdelay $0x1  }
0x17b: {  	[tilespmem:s3+$0xFFFFFED0] =	vst v0;
	v0 =	vld [tilespmem:s3+$0xFFFFFEE0]  }
0x17c: {  	v1 =	vld [tilespmem:s9+$0x3260];
	_ =	sdelay $0x4  }
0x17d: {  	v0 =	vadd.f32 v1, v0;
	_ =	sdelay $0x1  }
0x17e: {  	[tilespmem:s3+$0xFFFFFEE0] =	vst v0;
	v0 =	vld [tilespmem:s3+$0xFFFFFEF0]  }
0x17f: {  	v1 =	vld [tilespmem:s9+$0x3270];
	_ =	sdelay $0x4  }
0x180: {  	v0 =	vadd.f32 v1, v0;
	_ =	sdelay $0x1  }
0x181: {  	[tilespmem:s3+$0xFFFFFEF0] =	vst v0;
	v0 =	vld [tilespmem:s3+$0xFFFFFF00]  }
0x182: {  	v1 =	vld [tilespmem:s9+$0x3200];
	_ =	sdelay $0x4  }
0x183: {  	v0 =	vadd.f32 v1, v0;
	_ =	sdelay $0x1  }
0x184: {  	[tilespmem:s3+$0xFFFFFF00] =	vst v0;
	v0 =	vld [tilespmem:s3+$0xFFFFFF10]  }
0x185: {  	v1 =	vld [tilespmem:s9+$0x3210];
	_ =	sdelay $0x4  }
0x186: {  	v0 =	vadd.f32 v1, v0;
	_ =	sdelay $0x1  }
0x187: {  	[tilespmem:s3+$0xFFFFFF10] =	vst v0;
	v0 =	vld [tilespmem:s3+$0xFFFFFF20]  }
0x188: {  	v1 =	vld [tilespmem:s9+$0x3220];
	_ =	sdelay $0x4  }
0x189: {  	v0 =	vadd.f32 v1, v0;
	_ =	sdelay $0x1  }
0x18a: {  	[tilespmem:s3+$0xFFFFFF20] =	vst v0;
	v0 =	vld [tilespmem:s3+$0xFFFFFF30]  }
0x18b: {  	v1 =	vld [tilespmem:s9+$0x3230];
	_ =	sdelay $0x4  }
0x18c: {  	v0 =	vadd.f32 v1, v0;
	_ =	sdelay $0x1  }
0x18d: {  	[tilespmem:s3+$0xFFFFFF30] =	vst v0;
	v0 =	vld [tilespmem:s3+$0xFFFFFF40]  }
0x18e: {  	v1 =	vld [tilespmem:s9+$0x3240];
	_ =	sdelay $0x4  }
0x18f: {  	v0 =	vadd.f32 v1, v0;
	_ =	sdelay $0x1  }
0x190: {  	[tilespmem:s3+$0xFFFFFF40] =	vst v0;
	v0 =	vld [tilespmem:s3+$0xFFFFFF50]  }
0x191: {  	v1 =	vld [tilespmem:s9+$0x3250];
	_ =	sdelay $0x4  }
0x192: {  	v0 =	vadd.f32 v1, v0;
	_ =	sdelay $0x1  }
0x193: {  	[tilespmem:s3+$0xFFFFFF50] =	vst v0;
	v0 =	vld [tilespmem:s3+$0xFFFFFF60]  }
0x194: {  	v1 =	vld [tilespmem:s9+$0x3260];
	_ =	sdelay $0x4  }
0x195: {  	v0 =	vadd.f32 v1, v0;
	_ =	sdelay $0x1  }
0x196: {  	[tilespmem:s3+$0xFFFFFF60] =	vst v0;
	v0 =	vld [tilespmem:s3+$0xFFFFFF70]  }
0x197: {  	v1 =	vld [tilespmem:s9+$0x3270];
	_ =	sdelay $0x4  }
0x198: {  	v0 =	vadd.f32 v1, v0;
	_ =	sdelay $0x1  }
0x199: {  	[tilespmem:s3+$0xFFFFFF70] =	vst v0;
	v0 =	vld [tilespmem:s3+$0xFFFFFF80]  }
0x19a: {  	v1 =	vld [tilespmem:s9+$0x3200];
	_ =	sdelay $0x4  }
0x19b: {  	v0 =	vadd.f32 v1, v0;
	_ =	sdelay $0x1  }
0x19c: {  	[tilespmem:s3+$0xFFFFFF80] =	vst v0;
	v0 =	vld [tilespmem:s3+$0xFFFFFF90]  }
0x19d: {  	v1 =	vld [tilespmem:s9+$0x3210];
	_ =	sdelay $0x4  }
0x19e: {  	v0 =	vadd.f32 v1, v0;
	_ =	sdelay $0x1  }
0x19f: {  	[tilespmem:s3+$0xFFFFFF90] =	vst v0;
	v0 =	vld [tilespmem:s3+$0xFFFFFFA0]  }
0x1a0: {  	v1 =	vld [tilespmem:s9+$0x3220];
	_ =	sdelay $0x4  }
0x1a1: {  	v0 =	vadd.f32 v1, v0;
	_ =	sdelay $0x1  }
0x1a2: {  	[tilespmem:s3+$0xFFFFFFA0] =	vst v0;
	v0 =	vld [tilespmem:s3+$0xFFFFFFB0]  }
0x1a3: {  	v1 =	vld [tilespmem:s9+$0x3230];
	_ =	sdelay $0x4  }
0x1a4: {  	v0 =	vadd.f32 v1, v0;
	_ =	sdelay $0x1  }
0x1a5: {  	[tilespmem:s3+$0xFFFFFFB0] =	vst v0;
	v0 =	vld [tilespmem:s3+$0xFFFFFFC0]  }
0x1a6: {  	v1 =	vld [tilespmem:s9+$0x3240];
	_ =	sdelay $0x4  }
0x1a7: {  	v0 =	vadd.f32 v1, v0;
	_ =	sdelay $0x1  }
0x1a8: {  	[tilespmem:s3+$0xFFFFFFC0] =	vst v0;
	v0 =	vld [tilespmem:s3+$0xFFFFFFD0]  }
0x1a9: {  	v1 =	vld [tilespmem:s9+$0x3250];
	_ =	sdelay $0x4  }
0x1aa: {  	v0 =	vadd.f32 v1, v0;
	_ =	sdelay $0x1  }
0x1ab: {  	[tilespmem:s3+$0xFFFFFFD0] =	vst v0;
	v0 =	vld [tilespmem:s3+$0xFFFFFFE0]  }
0x1ac: {  	v1 =	vld [tilespmem:s9+$0x3260];
	_ =	sdelay $0x4  }
0x1ad: {  	v0 =	vadd.f32 v1, v0;
	_ =	sdelay $0x1  }
0x1ae: {  	[tilespmem:s3+$0xFFFFFFE0] =	vst v0;
	v0 =	vld [tilespmem:s3+$0xFFFFFFF0]  }
0x1af: {  	v1 =	vld [tilespmem:s9+$0x3270];
	_ =	sdelay $0x4  }
0x1b0: {  	v0 =	vadd.f32 v1, v0;
	_ =	sdelay $0x1  }
0x1b1: {  	[tilespmem:s3+$0xFFFFFFF0] =	vst v0;
	v0 =	vld [tilespmem:s3+$0x0]  }
0x1b2: {  	v1 =	vld [tilespmem:s9+$0x3200];
	_ =	sdelay $0x4  }
0x1b3: {  	v0 =	vadd.f32 v1, v0;
	_ =	sdelay $0x1  }
0x1b4: {  	[tilespmem:s3+$0x0] =	vst v0;
	v0 =	vld [tilespmem:s3+$0x10]  }
0x1b5: {  	v1 =	vld [tilespmem:s9+$0x3210];
	_ =	sdelay $0x4  }
0x1b6: {  	v0 =	vadd.f32 v1, v0;
	_ =	sdelay $0x1  }
0x1b7: {  	[tilespmem:s3+$0x10] =	vst v0;
	v0 =	vld [tilespmem:s3+$0x20]  }
0x1b8: {  	v1 =	vld [tilespmem:s9+$0x3220];
	_ =	sdelay $0x4  }
0x1b9: {  	v0 =	vadd.f32 v1, v0;
	_ =	sdelay $0x1  }
0x1ba: {  	[tilespmem:s3+$0x20] =	vst v0;
	v0 =	vld [tilespmem:s3+$0x30]  }
0x1bb: {  	v1 =	vld [tilespmem:s9+$0x3230];
	_ =	sdelay $0x4  }
0x1bc: {  	v0 =	vadd.f32 v1, v0;
	_ =	sdelay $0x1  }
0x1bd: {  	[tilespmem:s3+$0x30] =	vst v0;
	v0 =	vld [tilespmem:s3+$0x40]  }
0x1be: {  	v1 =	vld [tilespmem:s9+$0x3240];
	_ =	sdelay $0x4  }
0x1bf: {  	v0 =	vadd.f32 v1, v0;
	_ =	sdelay $0x1  }
0x1c0: {  	[tilespmem:s3+$0x40] =	vst v0;
	v0 =	vld [tilespmem:s3+$0x50]  }
0x1c1: {  	v1 =	vld [tilespmem:s9+$0x3250];
	_ =	sdelay $0x4  }
0x1c2: {  	v0 =	vadd.f32 v1, v0;
	_ =	sdelay $0x1  }
0x1c3: {  	[tilespmem:s3+$0x50] =	vst v0;
	v0 =	vld [tilespmem:s3+$0x60]  }
0x1c4: {  	v1 =	vld [tilespmem:s9+$0x3260];
	_ =	sdelay $0x4  }
0x1c5: {  	v0 =	vadd.f32 v1, v0;
	_ =	sdelay $0x1  }
0x1c6: {  	[tilespmem:s3+$0x60] =	vst v0;
	v0 =	vld [tilespmem:s3+$0x70]  }
0x1c7: {  	v1 =	vld [tilespmem:s9+$0x3270];
	_ =	sdelay $0x4  }
0x1c8: {  	v0 =	vadd.f32 v1, v0;
	_ =	sdelay $0x1  }
0x1c9: {  	[tilespmem:s3+$0x70] =	vst v0;
	v0 =	vld [tilespmem:s3+$0x80]  }
0x1ca: {  	v1 =	vld [tilespmem:s9+$0x3200];
	_ =	sdelay $0x4  }
0x1cb: {  	v0 =	vadd.f32 v1, v0;
	_ =	sdelay $0x1  }
0x1cc: {  	[tilespmem:s3+$0x80] =	vst v0;
	v0 =	vld [tilespmem:s3+$0x90]  }
0x1cd: {  	v1 =	vld [tilespmem:s9+$0x3210];
	_ =	sdelay $0x4  }
0x1ce: {  	v0 =	vadd.f32 v1, v0;
	_ =	sdelay $0x1  }
0x1cf: {  	[tilespmem:s3+$0x90] =	vst v0;
	v0 =	vld [tilespmem:s3+$0xA0]  }
0x1d0: {  	v1 =	vld [tilespmem:s9+$0x3220];
	_ =	sdelay $0x4  }
0x1d1: {  	v0 =	vadd.f32 v1, v0;
	_ =	sdelay $0x1  }
0x1d2: {  	[tilespmem:s3+$0xA0] =	vst v0;
	v0 =	vld [tilespmem:s3+$0xB0]  }
0x1d3: {  	v1 =	vld [tilespmem:s9+$0x3230];
	_ =	sdelay $0x4  }
0x1d4: {  	v0 =	vadd.f32 v1, v0;
	_ =	sdelay $0x1  }
0x1d5: {  	[tilespmem:s3+$0xB0] =	vst v0;
	v0 =	vld [tilespmem:s3+$0xC0]  }
0x1d6: {  	v1 =	vld [tilespmem:s9+$0x3240];
	_ =	sdelay $0x4  }
0x1d7: {  	v0 =	vadd.f32 v1, v0;
	_ =	sdelay $0x1  }
0x1d8: {  	[tilespmem:s3+$0xC0] =	vst v0;
	v0 =	vld [tilespmem:s3+$0xD0]  }
0x1d9: {  	v1 =	vld [tilespmem:s9+$0x3250];
	_ =	sdelay $0x4  }
0x1da: {  	v0 =	vadd.f32 v1, v0;
	_ =	sdelay $0x1  }
0x1db: {  	[tilespmem:s3+$0xD0] =	vst v0;
	v0 =	vld [tilespmem:s3+$0xE0]  }
0x1dc: {  	v1 =	vld [tilespmem:s9+$0x3260];
	_ =	sdelay $0x4  }
0x1dd: {  	v0 =	vadd.f32 v1, v0;
	_ =	sdelay $0x1  }
0x1de: {  	[tilespmem:s3+$0xE0] =	vst v0;
	v0 =	vld [tilespmem:s3+$0xF0]  }
0x1df: {  	v1 =	vld [tilespmem:s9+$0x3270];
	_ =	sdelay $0x4  }
0x1e0: {  	v0 =	vadd.f32 v1, v0;
	_ =	sdelay $0x1  }
0x1e1: {  	[tilespmem:s3+$0xF0] =	vst v0;
	v0 =	vld [tilespmem:s3+$0x100]  }
0x1e2: {  	v1 =	vld [tilespmem:s9+$0x3200];
	_ =	sdelay $0x4  }
0x1e3: {  	v0 =	vadd.f32 v1, v0;
	_ =	sdelay $0x1  }
0x1e4: {  	[tilespmem:s3+$0x100] =	vst v0;
	v0 =	vld [tilespmem:s3+$0x110]  }
0x1e5: {  	v1 =	vld [tilespmem:s9+$0x3210];
	_ =	sdelay $0x4  }
0x1e6: {  	v0 =	vadd.f32 v1, v0;
	_ =	sdelay $0x1  }
0x1e7: {  	[tilespmem:s3+$0x110] =	vst v0;
	v0 =	vld [tilespmem:s3+$0x120]  }
0x1e8: {  	v1 =	vld [tilespmem:s9+$0x3220];
	_ =	sdelay $0x4  }
0x1e9: {  	v0 =	vadd.f32 v1, v0;
	_ =	sdelay $0x1  }
0x1ea: {  	[tilespmem:s3+$0x120] =	vst v0;
	v0 =	vld [tilespmem:s3+$0x130]  }
0x1eb: {  	v1 =	vld [tilespmem:s9+$0x3230];
	_ =	sdelay $0x4  }
0x1ec: {  	v0 =	vadd.f32 v1, v0;
	_ =	sdelay $0x1  }
0x1ed: {  	[tilespmem:s3+$0x130] =	vst v0;
	v0 =	vld [tilespmem:s3+$0x140]  }
0x1ee: {  	v1 =	vld [tilespmem:s9+$0x3240];
	_ =	sdelay $0x4  }
0x1ef: {  	v0 =	vadd.f32 v1, v0;
	_ =	sdelay $0x1  }
0x1f0: {  	[tilespmem:s3+$0x140] =	vst v0;
	v0 =	vld [tilespmem:s3+$0x150]  }
0x1f1: {  	v1 =	vld [tilespmem:s9+$0x3250];
	_ =	sdelay $0x4  }
0x1f2: {  	v0 =	vadd.f32 v1, v0;
	_ =	sdelay $0x1  }
0x1f3: {  	[tilespmem:s3+$0x150] =	vst v0;
	v0 =	vld [tilespmem:s3+$0x160]  }
0x1f4: {  	v1 =	vld [tilespmem:s9+$0x3260];
	_ =	sdelay $0x4  }
0x1f5: {  	v0 =	vadd.f32 v1, v0;
	_ =	sdelay $0x1  }
0x1f6: {  	[tilespmem:s3+$0x160] =	vst v0;
	v0 =	vld [tilespmem:s3+$0x170]  }
0x1f7: {  	v1 =	vld [tilespmem:s9+$0x3270];
	_ =	sdelay $0x4  }
0x1f8: {  	v0 =	vadd.f32 v1, v0;
	_ =	sdelay $0x1  }
0x1f9: {  	[tilespmem:s3+$0x170] =	vst v0;
	v0 =	vld [tilespmem:s3+$0x180]  }
0x1fa: {  	v1 =	vld [tilespmem:s9+$0x3200];
	_ =	sdelay $0x4  }
0x1fb: {  	v0 =	vadd.f32 v1, v0;
	_ =	sdelay $0x1  }
0x1fc: {  	[tilespmem:s3+$0x180] =	vst v0;
	v0 =	vld [tilespmem:s3+$0x190]  }
0x1fd: {  	v1 =	vld [tilespmem:s9+$0x3210];
	_ =	sdelay $0x4  }
0x1fe: {  	v0 =	vadd.f32 v1, v0;
	_ =	sdelay $0x1  }
0x1ff: {  	[tilespmem:s3+$0x190] =	vst v0;
	v0 =	vld [tilespmem:s3+$0x1A0]  }
0x200: {  	v1 =	vld [tilespmem:s9+$0x3220];
	_ =	sdelay $0x4  }
0x201: {  	v0 =	vadd.f32 v1, v0;
	_ =	sdelay $0x1  }
0x202: {  	[tilespmem:s3+$0x1A0] =	vst v0;
	v0 =	vld [tilespmem:s3+$0x1B0]  }
0x203: {  	v1 =	vld [tilespmem:s9+$0x3230];
	_ =	sdelay $0x4  }
0x204: {  	v0 =	vadd.f32 v1, v0;
	_ =	sdelay $0x1  }
0x205: {  	[tilespmem:s3+$0x1B0] =	vst v0;
	v0 =	vld [tilespmem:s3+$0x1C0]  }
0x206: {  	v1 =	vld [tilespmem:s9+$0x3240];
	_ =	sdelay $0x4  }
0x207: {  	v0 =	vadd.f32 v1, v0;
	_ =	sdelay $0x1  }
0x208: {  	[tilespmem:s3+$0x1C0] =	vst v0;
	v0 =	vld [tilespmem:s3+$0x1D0]  }
0x209: {  	v1 =	vld [tilespmem:s9+$0x3250];
	_ =	sdelay $0x4  }
0x20a: {  	v0 =	vadd.f32 v1, v0;
	_ =	sdelay $0x1  }
0x20b: {  	[tilespmem:s3+$0x1D0] =	vst v0;
	v0 =	vld [tilespmem:s3+$0x1E0]  }
0x20c: {  	v1 =	vld [tilespmem:s9+$0x3260];
	_ =	sdelay $0x4  }
0x20d: {  	v0 =	vadd.f32 v1, v0;
	_ =	sdelay $0x1  }
0x20e: {  	[tilespmem:s3+$0x1E0] =	vst v0;
	v0 =	vld [tilespmem:s3+$0x1F0]  }
0x20f: {  	v1 =	vld [tilespmem:s9+$0x3270];
	_ =	sdelay $0x4  }
0x210: {  	v0 =	vadd.f32 v1, v0;
	_ =	sdelay $0x1  }
0x211: {  	[tilespmem:s3+$0x1F0] =	vst v0;
	v0 =	vld [tilespmem:s3+$0x200]  }
0x212: {  	v1 =	vld [tilespmem:s9+$0x3200];
	_ =	sdelay $0x4  }
0x213: {  	v0 =	vadd.f32 v1, v0;
	_ =	sdelay $0x1  }
0x214: {  	[tilespmem:s3+$0x200] =	vst v0;
	v0 =	vld [tilespmem:s3+$0x210]  }
0x215: {  	v1 =	vld [tilespmem:s9+$0x3210];
	_ =	sdelay $0x4  }
0x216: {  	v0 =	vadd.f32 v1, v0;
	_ =	sdelay $0x1  }
0x217: {  	[tilespmem:s3+$0x210] =	vst v0;
	v0 =	vld [tilespmem:s3+$0x220]  }
0x218: {  	v1 =	vld [tilespmem:s9+$0x3220];
	_ =	sdelay $0x4  }
0x219: {  	v0 =	vadd.f32 v1, v0;
	_ =	sdelay $0x1  }
0x21a: {  	[tilespmem:s3+$0x220] =	vst v0;
	v0 =	vld [tilespmem:s3+$0x230]  }
0x21b: {  	v1 =	vld [tilespmem:s9+$0x3230];
	_ =	sdelay $0x4  }
0x21c: {  	v0 =	vadd.f32 v1, v0;
	_ =	sdelay $0x1  }
0x21d: {  	[tilespmem:s3+$0x230] =	vst v0;
	v0 =	vld [tilespmem:s3+$0x240]  }
0x21e: {  	v1 =	vld [tilespmem:s9+$0x3240];
	_ =	sdelay $0x4  }
0x21f: {  	v0 =	vadd.f32 v1, v0;
	_ =	sdelay $0x1  }
0x220: {  	[tilespmem:s3+$0x240] =	vst v0;
	v0 =	vld [tilespmem:s3+$0x250]  }
0x221: {  	v1 =	vld [tilespmem:s9+$0x3250];
	_ =	sdelay $0x4  }
0x222: {  	v0 =	vadd.f32 v1, v0;
	_ =	sdelay $0x1  }
0x223: {  	[tilespmem:s3+$0x250] =	vst v0;
	v0 =	vld [tilespmem:s3+$0x260]  }
0x224: {  	v1 =	vld [tilespmem:s9+$0x3260];
	_ =	sdelay $0x4  }
.Ltmp5:
0x225: {  	v0 =	vadd.f32 v1, v0;
	(pc) =	sbr.rel @p1 .LBB2_4-.Ltmp5, $4  }
0x226: {  	_ = 	snop  }
0x227: {  	[tilespmem:s3+$0x260] =	vst v0;
	v0 =	vld [tilespmem:s3+$0x270]  }
0x228: {  	v1 =	vld [tilespmem:s9+$0x3270]  }
0x229: {  	s9 =	sadd.s32 s7, s30;
	s7 =	sadd.s32 $0x1, s7  }
0x22a: {  	p1 =	sgt.s32 s9, $0xFFFFFF9C  }
0x22b: {  	s9 =	simm.s32 @!p1 $0xFFFFFF9C  }
0x22c: {  	p1 =	slt.s32 s9, $0x63  }
0x22d: {  	s9 =	simm.s32 @!p1 $0x63;
	v0 =	vadd.f32 v1, v0  }
0x22e: {  	s3 =	sadd.s32 $0x500, s3;
	s7 =	sshll.u32 s9, $0x9  }
0x22f: {  	v25 =	vld [tilespmem:s3+$0xFFFFFD80];
	s7 =	sshra.s32 s7, $0x2;
	[tilespmem:s4+$0x270] =	vst v0  }
0x230: {  	v0 =	vld [tilespmem:s7+$0x3200];
	_ =	sdelay $0x4  }
0x231: {  	v0 =	vadd.f32 v0, v25;
	_ =	sdelay $0x1  }
0x232: {  	v26 =	vld [tilespmem:s3+$0xFFFFFD90];
	[tilespmem:s3+$0xFFFFFD80] =	vst v0  }
0x233: {  	v27 =	vld [tilespmem:s7+$0x3210];
	_ =	sdelay $0x4  }
0x234: {  	v0 =	vadd.f32 v27, v26;
	_ =	sdelay $0x1  }
0x235: {  	v28 =	vld [tilespmem:s3+$0xFFFFFDA0];
	[tilespmem:s3+$0xFFFFFD90] =	vst v0  }
0x236: {  	v29 =	vld [tilespmem:s7+$0x3220];
	_ =	sdelay $0x4  }
0x237: {  	v0 =	vadd.f32 v29, v28;
	_ =	sdelay $0x1  }
0x238: {  	v30 =	vld [tilespmem:s3+$0xFFFFFDB0];
	[tilespmem:s3+$0xFFFFFDA0] =	vst v0  }
0x239: {  	v31 =	vld [tilespmem:s7+$0x3230];
	_ =	sdelay $0x4  }
0x23a: {  	v0 =	vadd.f32 v31, v30;
	_ =	sdelay $0x1  }
0x23b: {  	v32 =	vld [tilespmem:s3+$0xFFFFFDC0];
	[tilespmem:s3+$0xFFFFFDB0] =	vst v0  }
0x23c: {  	v33 =	vld [tilespmem:s7+$0x3240];
	_ =	sdelay $0x4  }
0x23d: {  	v0 =	vadd.f32 v33, v32;
	_ =	sdelay $0x1  }
0x23e: {  	v34 =	vld [tilespmem:s3+$0xFFFFFDD0];
	[tilespmem:s3+$0xFFFFFDC0] =	vst v0  }
0x23f: {  	v35 =	vld [tilespmem:s7+$0x3250];
	_ =	sdelay $0x4  }
0x240: {  	v0 =	vadd.f32 v35, v34;
	_ =	sdelay $0x1  }
0x241: {  	v36 =	vld [tilespmem:s3+$0xFFFFFDE0];
	[tilespmem:s3+$0xFFFFFDD0] =	vst v0  }
0x242: {  	v37 =	vld [tilespmem:s7+$0x3260];
	_ =	sdelay $0x4  }
0x243: {  	v0 =	vadd.f32 v37, v36;
	_ =	sdelay $0x1  }
0x244: {  	v38 =	vld [tilespmem:s3+$0xFFFFFDF0];
	[tilespmem:s3+$0xFFFFFDE0] =	vst v0  }
0x245: {  	v39 =	vld [tilespmem:s7+$0x3270];
	_ =	sdelay $0x4  }
0x246: {  	v0 =	vadd.f32 v39, v38;
	_ =	sdelay $0x1  }
0x247: {  	v40 =	vld [tilespmem:s3+$0xFFFFFE00];
	[tilespmem:s3+$0xFFFFFDF0] =	vst v0  }
0x248: {  	v41 =	vld [tilespmem:s7+$0x3200];
	_ =	sdelay $0x4  }
0x249: {  	v0 =	vadd.f32 v41, v40;
	_ =	sdelay $0x1  }
0x24a: {  	v42 =	vld [tilespmem:s3+$0xFFFFFE10];
	[tilespmem:s3+$0xFFFFFE00] =	vst v0  }
0x24b: {  	v43 =	vld [tilespmem:s7+$0x3210];
	_ =	sdelay $0x4  }
0x24c: {  	v0 =	vadd.f32 v43, v42;
	_ =	sdelay $0x1  }
0x24d: {  	v44 =	vld [tilespmem:s3+$0xFFFFFE20];
	[tilespmem:s3+$0xFFFFFE10] =	vst v0  }
0x24e: {  	v45 =	vld [tilespmem:s7+$0x3220];
	_ =	sdelay $0x4  }
0x24f: {  	v0 =	vadd.f32 v45, v44;
	_ =	sdelay $0x1  }
0x250: {  	v46 =	vld [tilespmem:s3+$0xFFFFFE30];
	[tilespmem:s3+$0xFFFFFE20] =	vst v0  }
0x251: {  	v47 =	vld [tilespmem:s7+$0x3230];
	_ =	sdelay $0x4  }
0x252: {  	v0 =	vadd.f32 v47, v46;
	_ =	sdelay $0x1  }
0x253: {  	v48 =	vld [tilespmem:s3+$0xFFFFFE40];
	[tilespmem:s3+$0xFFFFFE30] =	vst v0  }
0x254: {  	v49 =	vld [tilespmem:s7+$0x3240];
	_ =	sdelay $0x4  }
0x255: {  	v0 =	vadd.f32 v49, v48;
	_ =	sdelay $0x1  }
0x256: {  	v50 =	vld [tilespmem:s3+$0xFFFFFE50];
	[tilespmem:s3+$0xFFFFFE40] =	vst v0  }
0x257: {  	v51 =	vld [tilespmem:s7+$0x3250];
	_ =	sdelay $0x4  }
0x258: {  	v0 =	vadd.f32 v51, v50;
	_ =	sdelay $0x1  }
0x259: {  	v52 =	vld [tilespmem:s3+$0xFFFFFE60];
	[tilespmem:s3+$0xFFFFFE50] =	vst v0  }
0x25a: {  	v53 =	vld [tilespmem:s7+$0x3260];
	_ =	sdelay $0x4  }
0x25b: {  	v0 =	vadd.f32 v53, v52;
	_ =	sdelay $0x1  }
0x25c: {  	v54 =	vld [tilespmem:s3+$0xFFFFFE70];
	[tilespmem:s3+$0xFFFFFE60] =	vst v0  }
0x25d: {  	v55 =	vld [tilespmem:s7+$0x3270];
	_ =	sdelay $0x4  }
0x25e: {  	v0 =	vadd.f32 v55, v54;
	_ =	sdelay $0x1  }
0x25f: {  	v56 =	vld [tilespmem:s3+$0xFFFFFE80];
	[tilespmem:s3+$0xFFFFFE70] =	vst v0  }
0x260: {  	v57 =	vld [tilespmem:s7+$0x3200];
	_ =	sdelay $0x4  }
0x261: {  	v0 =	vadd.f32 v57, v56;
	_ =	sdelay $0x1  }
0x262: {  	v58 =	vld [tilespmem:s3+$0xFFFFFE90];
	[tilespmem:s3+$0xFFFFFE80] =	vst v0  }
0x263: {  	v59 =	vld [tilespmem:s7+$0x3210];
	_ =	sdelay $0x4  }
0x264: {  	v0 =	vadd.f32 v59, v58;
	_ =	sdelay $0x1  }
0x265: {  	v60 =	vld [tilespmem:s3+$0xFFFFFEA0];
	[tilespmem:s3+$0xFFFFFE90] =	vst v0  }
0x266: {  	v61 =	vld [tilespmem:s7+$0x3220];
	_ =	sdelay $0x4  }
0x267: {  	v0 =	vadd.f32 v61, v60;
	_ =	sdelay $0x1  }
0x268: {  	v62 =	vld [tilespmem:s3+$0xFFFFFEB0];
	[tilespmem:s3+$0xFFFFFEA0] =	vst v0  }
0x269: {  	v63 =	vld [tilespmem:s7+$0x3230];
	_ =	sdelay $0x4  }
0x26a: {  	v0 =	vadd.f32 v63, v62;
	_ =	sdelay $0x1  }
0x26b: {  	v4 =	vld [tilespmem:s3+$0xFFFFFEC0];
	[tilespmem:s3+$0xFFFFFEB0] =	vst v0  }
0x26c: {  	v5 =	vld [tilespmem:s7+$0x3240];
	_ =	sdelay $0x4  }
0x26d: {  	v0 =	vadd.f32 v5, v4;
	_ =	sdelay $0x1  }
0x26e: {  	v6 =	vld [tilespmem:s3+$0xFFFFFED0];
	[tilespmem:s3+$0xFFFFFEC0] =	vst v0  }
0x26f: {  	v7 =	vld [tilespmem:s7+$0x3250];
	_ =	sdelay $0x4  }
0x270: {  	v0 =	vadd.f32 v7, v6;
	_ =	sdelay $0x1  }
0x271: {  	v8 =	vld [tilespmem:s3+$0xFFFFFEE0];
	[tilespmem:s3+$0xFFFFFED0] =	vst v0  }
0x272: {  	v9 =	vld [tilespmem:s7+$0x3260];
	_ =	sdelay $0x4  }
0x273: {  	v0 =	vadd.f32 v9, v8;
	_ =	sdelay $0x1  }
0x274: {  	v10 =	vld [tilespmem:s3+$0xFFFFFEF0];
	[tilespmem:s3+$0xFFFFFEE0] =	vst v0  }
0x275: {  	v11 =	vld [tilespmem:s7+$0x3270];
	_ =	sdelay $0x4  }
0x276: {  	v0 =	vadd.f32 v11, v10;
	_ =	sdelay $0x1  }
0x277: {  	v12 =	vld [tilespmem:s3+$0xFFFFFF00];
	[tilespmem:s3+$0xFFFFFEF0] =	vst v0  }
0x278: {  	v13 =	vld [tilespmem:s7+$0x3200];
	_ =	sdelay $0x4  }
0x279: {  	v0 =	vadd.f32 v13, v12;
	_ =	sdelay $0x1  }
0x27a: {  	v14 =	vld [tilespmem:s3+$0xFFFFFF10];
	[tilespmem:s3+$0xFFFFFF00] =	vst v0  }
0x27b: {  	v15 =	vld [tilespmem:s7+$0x3210];
	_ =	sdelay $0x4  }
0x27c: {  	v0 =	vadd.f32 v15, v14;
	_ =	sdelay $0x1  }
0x27d: {  	v16 =	vld [tilespmem:s3+$0xFFFFFF20];
	[tilespmem:s3+$0xFFFFFF10] =	vst v0  }
0x27e: {  	v17 =	vld [tilespmem:s7+$0x3220];
	_ =	sdelay $0x4  }
0x27f: {  	v0 =	vadd.f32 v17, v16;
	_ =	sdelay $0x1  }
0x280: {  	v18 =	vld [tilespmem:s3+$0xFFFFFF30];
	[tilespmem:s3+$0xFFFFFF20] =	vst v0  }
0x281: {  	v19 =	vld [tilespmem:s7+$0x3230];
	_ =	sdelay $0x4  }
0x282: {  	v0 =	vadd.f32 v19, v18;
	_ =	sdelay $0x1  }
0x283: {  	v20 =	vld [tilespmem:s3+$0xFFFFFF40];
	[tilespmem:s3+$0xFFFFFF30] =	vst v0  }
0x284: {  	v21 =	vld [tilespmem:s7+$0x3240];
	_ =	sdelay $0x4  }
0x285: {  	v0 =	vadd.f32 v21, v20;
	_ =	sdelay $0x1  }
0x286: {  	v22 =	vld [tilespmem:s3+$0xFFFFFF50];
	[tilespmem:s3+$0xFFFFFF40] =	vst v0  }
0x287: {  	v23 =	vld [tilespmem:s7+$0x3250];
	_ =	sdelay $0x4  }
0x288: {  	v0 =	vadd.f32 v23, v22;
	_ =	sdelay $0x1  }
0x289: {  	v24 =	vld [tilespmem:s3+$0xFFFFFF60];
	[tilespmem:s3+$0xFFFFFF50] =	vst v0  }
0x28a: {  	v25 =	vld [tilespmem:s7+$0x3260];
	_ =	sdelay $0x4  }
0x28b: {  	v0 =	vadd.f32 v25, v24;
	_ =	sdelay $0x1  }
0x28c: {  	v26 =	vld [tilespmem:s3+$0xFFFFFF70];
	[tilespmem:s3+$0xFFFFFF60] =	vst v0  }
0x28d: {  	v27 =	vld [tilespmem:s7+$0x3270];
	_ =	sdelay $0x4  }
0x28e: {  	v0 =	vadd.f32 v27, v26;
	_ =	sdelay $0x1  }
0x28f: {  	v28 =	vld [tilespmem:s3+$0xFFFFFF80];
	[tilespmem:s3+$0xFFFFFF70] =	vst v0  }
0x290: {  	v29 =	vld [tilespmem:s7+$0x3200];
	_ =	sdelay $0x4  }
0x291: {  	v0 =	vadd.f32 v29, v28;
	_ =	sdelay $0x1  }
0x292: {  	v30 =	vld [tilespmem:s3+$0xFFFFFF90];
	[tilespmem:s3+$0xFFFFFF80] =	vst v0  }
0x293: {  	v31 =	vld [tilespmem:s7+$0x3210];
	_ =	sdelay $0x4  }
0x294: {  	v0 =	vadd.f32 v31, v30;
	_ =	sdelay $0x1  }
0x295: {  	v32 =	vld [tilespmem:s3+$0xFFFFFFA0];
	[tilespmem:s3+$0xFFFFFF90] =	vst v0  }
0x296: {  	v33 =	vld [tilespmem:s7+$0x3220];
	_ =	sdelay $0x4  }
0x297: {  	v0 =	vadd.f32 v33, v32;
	_ =	sdelay $0x1  }
0x298: {  	v34 =	vld [tilespmem:s3+$0xFFFFFFB0];
	[tilespmem:s3+$0xFFFFFFA0] =	vst v0  }
0x299: {  	v35 =	vld [tilespmem:s7+$0x3230];
	_ =	sdelay $0x4  }
0x29a: {  	v0 =	vadd.f32 v35, v34;
	_ =	sdelay $0x1  }
0x29b: {  	v36 =	vld [tilespmem:s3+$0xFFFFFFC0];
	[tilespmem:s3+$0xFFFFFFB0] =	vst v0  }
0x29c: {  	v37 =	vld [tilespmem:s7+$0x3240];
	_ =	sdelay $0x4  }
0x29d: {  	v0 =	vadd.f32 v37, v36;
	_ =	sdelay $0x1  }
0x29e: {  	v38 =	vld [tilespmem:s3+$0xFFFFFFD0];
	[tilespmem:s3+$0xFFFFFFC0] =	vst v0  }
0x29f: {  	v39 =	vld [tilespmem:s7+$0x3250];
	_ =	sdelay $0x4  }
0x2a0: {  	v0 =	vadd.f32 v39, v38;
	_ =	sdelay $0x1  }
0x2a1: {  	v40 =	vld [tilespmem:s3+$0xFFFFFFE0];
	[tilespmem:s3+$0xFFFFFFD0] =	vst v0  }
0x2a2: {  	v41 =	vld [tilespmem:s7+$0x3260];
	_ =	sdelay $0x4  }
0x2a3: {  	v0 =	vadd.f32 v41, v40;
	_ =	sdelay $0x1  }
0x2a4: {  	v42 =	vld [tilespmem:s3+$0xFFFFFFF0];
	[tilespmem:s3+$0xFFFFFFE0] =	vst v0  }
0x2a5: {  	v43 =	vld [tilespmem:s7+$0x3270];
	_ =	sdelay $0x4  }
0x2a6: {  	v0 =	vadd.f32 v43, v42;
	_ =	sdelay $0x1  }
0x2a7: {  	v44 =	vld [tilespmem:s3+$0x0];
	[tilespmem:s3+$0xFFFFFFF0] =	vst v0  }
0x2a8: {  	v45 =	vld [tilespmem:s7+$0x3200];
	_ =	sdelay $0x4  }
0x2a9: {  	v0 =	vadd.f32 v45, v44;
	_ =	sdelay $0x1  }
0x2aa: {  	v46 =	vld [tilespmem:s3+$0x10];
	[tilespmem:s3+$0x0] =	vst v0  }
0x2ab: {  	v47 =	vld [tilespmem:s7+$0x3210];
	_ =	sdelay $0x4  }
0x2ac: {  	v0 =	vadd.f32 v47, v46;
	_ =	sdelay $0x1  }
0x2ad: {  	v48 =	vld [tilespmem:s3+$0x20];
	[tilespmem:s3+$0x10] =	vst v0  }
0x2ae: {  	v49 =	vld [tilespmem:s7+$0x3220];
	_ =	sdelay $0x4  }
0x2af: {  	v0 =	vadd.f32 v49, v48;
	_ =	sdelay $0x1  }
0x2b0: {  	v50 =	vld [tilespmem:s3+$0x30];
	[tilespmem:s3+$0x20] =	vst v0  }
0x2b1: {  	v51 =	vld [tilespmem:s7+$0x3230];
	_ =	sdelay $0x4  }
0x2b2: {  	v0 =	vadd.f32 v51, v50;
	_ =	sdelay $0x1  }
0x2b3: {  	v52 =	vld [tilespmem:s3+$0x40];
	[tilespmem:s3+$0x30] =	vst v0  }
0x2b4: {  	v53 =	vld [tilespmem:s7+$0x3240];
	_ =	sdelay $0x4  }
0x2b5: {  	v0 =	vadd.f32 v53, v52;
	_ =	sdelay $0x1  }
0x2b6: {  	v54 =	vld [tilespmem:s3+$0x50];
	[tilespmem:s3+$0x40] =	vst v0  }
0x2b7: {  	v55 =	vld [tilespmem:s7+$0x3250];
	_ =	sdelay $0x4  }
0x2b8: {  	v0 =	vadd.f32 v55, v54;
	_ =	sdelay $0x1  }
0x2b9: {  	v56 =	vld [tilespmem:s3+$0x60];
	[tilespmem:s3+$0x50] =	vst v0  }
0x2ba: {  	v57 =	vld [tilespmem:s7+$0x3260];
	_ =	sdelay $0x4  }
0x2bb: {  	v0 =	vadd.f32 v57, v56;
	_ =	sdelay $0x1  }
0x2bc: {  	v58 =	vld [tilespmem:s3+$0x70];
	[tilespmem:s3+$0x60] =	vst v0  }
0x2bd: {  	v59 =	vld [tilespmem:s7+$0x3270];
	_ =	sdelay $0x4  }
0x2be: {  	v0 =	vadd.f32 v59, v58;
	_ =	sdelay $0x1  }
0x2bf: {  	v60 =	vld [tilespmem:s3+$0x80];
	[tilespmem:s3+$0x70] =	vst v0  }
0x2c0: {  	v61 =	vld [tilespmem:s7+$0x3200];
	_ =	sdelay $0x4  }
0x2c1: {  	v0 =	vadd.f32 v61, v60;
	_ =	sdelay $0x1  }
0x2c2: {  	v62 =	vld [tilespmem:s3+$0x90];
	[tilespmem:s3+$0x80] =	vst v0  }
0x2c3: {  	v63 =	vld [tilespmem:s7+$0x3210];
	_ =	sdelay $0x4  }
0x2c4: {  	v0 =	vadd.f32 v63, v62;
	_ =	sdelay $0x1  }
0x2c5: {  	v4 =	vld [tilespmem:s3+$0xA0];
	[tilespmem:s3+$0x90] =	vst v0  }
0x2c6: {  	v5 =	vld [tilespmem:s7+$0x3220];
	_ =	sdelay $0x4  }
0x2c7: {  	v0 =	vadd.f32 v5, v4;
	_ =	sdelay $0x1  }
0x2c8: {  	v6 =	vld [tilespmem:s3+$0xB0];
	[tilespmem:s3+$0xA0] =	vst v0  }
0x2c9: {  	v7 =	vld [tilespmem:s7+$0x3230];
	_ =	sdelay $0x4  }
0x2ca: {  	v0 =	vadd.f32 v7, v6;
	_ =	sdelay $0x1  }
0x2cb: {  	v8 =	vld [tilespmem:s3+$0xC0];
	[tilespmem:s3+$0xB0] =	vst v0  }
0x2cc: {  	v9 =	vld [tilespmem:s7+$0x3240];
	_ =	sdelay $0x4  }
0x2cd: {  	v0 =	vadd.f32 v9, v8;
	_ =	sdelay $0x1  }
0x2ce: {  	v10 =	vld [tilespmem:s3+$0xD0];
	[tilespmem:s3+$0xC0] =	vst v0  }
0x2cf: {  	v11 =	vld [tilespmem:s7+$0x3250];
	_ =	sdelay $0x4  }
0x2d0: {  	v0 =	vadd.f32 v11, v10;
	_ =	sdelay $0x1  }
0x2d1: {  	v12 =	vld [tilespmem:s3+$0xE0];
	[tilespmem:s3+$0xD0] =	vst v0  }
0x2d2: {  	v13 =	vld [tilespmem:s7+$0x3260];
	_ =	sdelay $0x4  }
0x2d3: {  	v0 =	vadd.f32 v13, v12;
	_ =	sdelay $0x1  }
0x2d4: {  	v14 =	vld [tilespmem:s3+$0xF0];
	[tilespmem:s3+$0xE0] =	vst v0  }
0x2d5: {  	v15 =	vld [tilespmem:s7+$0x3270];
	_ =	sdelay $0x4  }
0x2d6: {  	v0 =	vadd.f32 v15, v14;
	_ =	sdelay $0x1  }
0x2d7: {  	v16 =	vld [tilespmem:s3+$0x100];
	[tilespmem:s3+$0xF0] =	vst v0  }
0x2d8: {  	v17 =	vld [tilespmem:s7+$0x3200];
	_ =	sdelay $0x4  }
0x2d9: {  	v0 =	vadd.f32 v17, v16;
	_ =	sdelay $0x1  }
0x2da: {  	v18 =	vld [tilespmem:s3+$0x110];
	[tilespmem:s3+$0x100] =	vst v0  }
0x2db: {  	v19 =	vld [tilespmem:s7+$0x3210];
	_ =	sdelay $0x4  }
0x2dc: {  	v0 =	vadd.f32 v19, v18;
	_ =	sdelay $0x1  }
0x2dd: {  	v20 =	vld [tilespmem:s3+$0x120];
	[tilespmem:s3+$0x110] =	vst v0  }
0x2de: {  	v21 =	vld [tilespmem:s7+$0x3220];
	_ =	sdelay $0x4  }
0x2df: {  	v0 =	vadd.f32 v21, v20;
	_ =	sdelay $0x1  }
0x2e0: {  	v22 =	vld [tilespmem:s3+$0x130];
	[tilespmem:s3+$0x120] =	vst v0  }
0x2e1: {  	v23 =	vld [tilespmem:s7+$0x3230];
	_ =	sdelay $0x4  }
0x2e2: {  	v0 =	vadd.f32 v23, v22;
	_ =	sdelay $0x1  }
0x2e3: {  	v24 =	vld [tilespmem:s3+$0x140];
	[tilespmem:s3+$0x130] =	vst v0  }
0x2e4: {  	v25 =	vld [tilespmem:s7+$0x3240];
	_ =	sdelay $0x4  }
0x2e5: {  	v0 =	vadd.f32 v25, v24;
	_ =	sdelay $0x1  }
0x2e6: {  	v26 =	vld [tilespmem:s3+$0x150];
	[tilespmem:s3+$0x140] =	vst v0  }
0x2e7: {  	v27 =	vld [tilespmem:s7+$0x3250];
	_ =	sdelay $0x4  }
0x2e8: {  	v0 =	vadd.f32 v27, v26;
	_ =	sdelay $0x1  }
0x2e9: {  	v28 =	vld [tilespmem:s3+$0x160];
	[tilespmem:s3+$0x150] =	vst v0  }
0x2ea: {  	v29 =	vld [tilespmem:s7+$0x3260];
	_ =	sdelay $0x4  }
0x2eb: {  	v0 =	vadd.f32 v29, v28;
	_ =	sdelay $0x1  }
0x2ec: {  	v30 =	vld [tilespmem:s3+$0x170];
	[tilespmem:s3+$0x160] =	vst v0  }
0x2ed: {  	v31 =	vld [tilespmem:s7+$0x3270];
	_ =	sdelay $0x4  }
0x2ee: {  	v0 =	vadd.f32 v31, v30;
	_ =	sdelay $0x1  }
0x2ef: {  	v32 =	vld [tilespmem:s3+$0x180];
	[tilespmem:s3+$0x170] =	vst v0  }
0x2f0: {  	v33 =	vld [tilespmem:s7+$0x3200];
	_ =	sdelay $0x4  }
0x2f1: {  	v0 =	vadd.f32 v33, v32;
	_ =	sdelay $0x1  }
0x2f2: {  	v34 =	vld [tilespmem:s3+$0x190];
	[tilespmem:s3+$0x180] =	vst v0  }
0x2f3: {  	v35 =	vld [tilespmem:s7+$0x3210];
	_ =	sdelay $0x4  }
0x2f4: {  	v0 =	vadd.f32 v35, v34;
	_ =	sdelay $0x1  }
0x2f5: {  	v36 =	vld [tilespmem:s3+$0x1A0];
	[tilespmem:s3+$0x190] =	vst v0  }
0x2f6: {  	v37 =	vld [tilespmem:s7+$0x3220];
	_ =	sdelay $0x4  }
0x2f7: {  	v0 =	vadd.f32 v37, v36;
	_ =	sdelay $0x1  }
0x2f8: {  	v38 =	vld [tilespmem:s3+$0x1B0];
	[tilespmem:s3+$0x1A0] =	vst v0  }
0x2f9: {  	v39 =	vld [tilespmem:s7+$0x3230];
	_ =	sdelay $0x4  }
0x2fa: {  	v0 =	vadd.f32 v39, v38;
	_ =	sdelay $0x1  }
0x2fb: {  	v40 =	vld [tilespmem:s3+$0x1C0];
	[tilespmem:s3+$0x1B0] =	vst v0  }
0x2fc: {  	v41 =	vld [tilespmem:s7+$0x3240];
	_ =	sdelay $0x4  }
0x2fd: {  	v0 =	vadd.f32 v41, v40;
	_ =	sdelay $0x1  }
0x2fe: {  	v42 =	vld [tilespmem:s3+$0x1D0];
	[tilespmem:s3+$0x1C0] =	vst v0  }
0x2ff: {  	v43 =	vld [tilespmem:s7+$0x3250];
	_ =	sdelay $0x4  }
0x300: {  	v0 =	vadd.f32 v43, v42;
	_ =	sdelay $0x1  }
0x301: {  	v44 =	vld [tilespmem:s3+$0x1E0];
	[tilespmem:s3+$0x1D0] =	vst v0  }
0x302: {  	v45 =	vld [tilespmem:s7+$0x3260];
	_ =	sdelay $0x4  }
0x303: {  	v0 =	vadd.f32 v45, v44;
	_ =	sdelay $0x1  }
0x304: {  	v46 =	vld [tilespmem:s3+$0x1F0];
	[tilespmem:s3+$0x1E0] =	vst v0  }
0x305: {  	v47 =	vld [tilespmem:s7+$0x3270];
	_ =	sdelay $0x4  }
0x306: {  	v0 =	vadd.f32 v47, v46;
	_ =	sdelay $0x1  }
0x307: {  	v48 =	vld [tilespmem:s3+$0x200];
	[tilespmem:s3+$0x1F0] =	vst v0  }
0x308: {  	v49 =	vld [tilespmem:s7+$0x3200];
	_ =	sdelay $0x4  }
0x309: {  	v0 =	vadd.f32 v49, v48;
	_ =	sdelay $0x1  }
0x30a: {  	v50 =	vld [tilespmem:s3+$0x210];
	[tilespmem:s3+$0x200] =	vst v0  }
0x30b: {  	v51 =	vld [tilespmem:s7+$0x3210];
	_ =	sdelay $0x4  }
0x30c: {  	v0 =	vadd.f32 v51, v50;
	_ =	sdelay $0x1  }
0x30d: {  	v52 =	vld [tilespmem:s3+$0x220];
	[tilespmem:s3+$0x210] =	vst v0  }
0x30e: {  	v53 =	vld [tilespmem:s7+$0x3220];
	_ =	sdelay $0x4  }
0x30f: {  	v0 =	vadd.f32 v53, v52;
	_ =	sdelay $0x1  }
0x310: {  	v54 =	vld [tilespmem:s3+$0x230];
	[tilespmem:s3+$0x220] =	vst v0  }
0x311: {  	v55 =	vld [tilespmem:s7+$0x3230];
	_ =	sdelay $0x4  }
0x312: {  	v0 =	vadd.f32 v55, v54;
	_ =	sdelay $0x1  }
0x313: {  	v56 =	vld [tilespmem:s3+$0x240];
	[tilespmem:s3+$0x230] =	vst v0  }
0x314: {  	v57 =	vld [tilespmem:s7+$0x3240];
	_ =	sdelay $0x4  }
0x315: {  	v0 =	vadd.f32 v57, v56;
	_ =	sdelay $0x1  }
0x316: {  	v58 =	vld [tilespmem:s3+$0x250];
	[tilespmem:s3+$0x240] =	vst v0  }
0x317: {  	v59 =	vld [tilespmem:s7+$0x3250];
	_ =	sdelay $0x4  }
0x318: {  	v0 =	vadd.f32 v59, v58;
	_ =	sdelay $0x1  }
0x319: {  	v60 =	vld [tilespmem:s3+$0x260];
	[tilespmem:s3+$0x250] =	vst v0  }
0x31a: {  	v61 =	vld [tilespmem:s7+$0x3260];
	_ =	sdelay $0x4  }
0x31b: {  	v0 =	vadd.f32 v61, v60;
	_ =	sdelay $0x1  }
0x31c: {  	v62 =	vld [tilespmem:s3+$0x270];
	[tilespmem:s3+$0x260] =	vst v0  }
0x31d: {  	v63 =	vld [tilespmem:s7+$0x3270];
	_ =	sdelay $0x1  }
0x31e: {  	s31 =	smul.u32 $0x3E800, s31  }
0x31f: {  	s0 =	smul.u32 $0x6400, s0  }
.Ltmp6:
0x320: {  	_ = 	snop;
	(pc) =	sbr.rel @p0 .LBB2_9-.Ltmp6, $4  }
0x321: {  	s0 =	sadd.s32 s0, s31;
	v0 =	vadd.f32 v63, v62  }
0x322: {  	s0 =	sshrl.u32 s0, $0x3  }
0x323: {  	s0 =	sadd.s32 s5, s0;
	[tilespmem:s3+$0x270] =	vst v0  }
0x324: {  	[hbm4b:s0+s6] =	stream.linear.scatter [tilespmem:s14], [sflag:$0x3], $0x6400, $0x38;
	[tilespmem:$0x12C00] =	vst v63  }
0x325: {  	s0 =	sadd.s32 s8, s29  }
0x326: {  	p0 =	sgt.u32 s0, $0x7CF  }
0x327: {  	s3 =	smul.u32 @!p0 $0xCCCD, s0;
	_ =	sdelay $0x1  }
0x328: {  	s3 =	sshrl.u32 @!p0 s3, $0x13  }
0x329: {  	s4 =	smul.u32 @!p0 $0xA, s3;
	_ =	sdelay $0x1  }
0x32a: {  	s0 =	ssub.s32 @!p0 s0, s4  }
0x32b: {  	s3 =	smul.u32 @!p0 $0x3E800, s3;
	s0 =	sand.u32 @!p0 $0xFFFF, s0  }
0x32c: {  	s4 =	simm.s32 @!p0 $0x3;
	s0 =	smul.u32 @!p0 $0x6400, s0  }
0x32d: {  	_ =	swait.ge @!p0 [sflag:s4], $0x6400  }
0x32e: {  	[sflag:s4] =	ssyncset.done @!p0 $0x0;
	s0 =	sadd.s32 @!p0 s0, s3  }
0x32f: {  	[sflag:s4] =	ssyncadd.s32 @!p0 $0xFFFF9C00;
	s0 =	sshrl.u32 @!p0 s0, $0x3  }
0x330: {  	s4 =	simm.s32 @!p0 $0x6400;
	s3 =	simm.s32 @!p0 $0x0;
	s0 =	sadd.s32 @!p0 s2, s0  }
0x331: {  	[tilespmem:s4], [sflag:$0x1] =	stream.linear.gather @!p0 [hbm4b:s0+s3], $0x6400, $0x38;
	[tilespmem:$0x12C00] =	vst v63  }
0x332: {  	s0 =	sadd.s32 $0x0, s26  }
0x333: {  	p0 =	sgt.s32 s0, $0xFFFFFF9C  }
0x334: {  	s0 =	simm.s32 @!p0 $0xFFFFFF9C  }
0x335: {  	_ =	swait.ge [sflag:s16], $0x6400;
	p0 =	slt.s32 s0, $0x63  }
0x336: {  	[sflag:s16] =	ssyncset.done $0x0;
	s0 =	simm.s32 @!p0 $0x63  }
0x337: {  	s29 =	simm.s32 $0xCA80;
	[sflag:s16] =	ssyncadd.s32 $0xFFFF9C00;
	s0 =	sshll.u32 s0, $0x9  }
0x338: {  	v0 =	vld [tilespmem:s29+$0xFFFFFD80];
	s30 =	sshra.s32 s0, $0x2  }
0x339: {  	v1 =	vld [tilespmem:s30+$0x3200];
	_ =	sdelay $0x4  }
0x33a: {  	v0 =	vadd.f32 v1, v0;
	_ =	sdelay $0x1  }
0x33b: {  	[tilespmem:s29+$0xFFFFFD80] =	vst v0;
	v0 =	vld [tilespmem:s29+$0xFFFFFD90]  }
0x33c: {  	v1 =	vld [tilespmem:s30+$0x3210];
	_ =	sdelay $0x4  }
0x33d: {  	v0 =	vadd.f32 v1, v0;
	_ =	sdelay $0x1  }
0x33e: {  	[tilespmem:s29+$0xFFFFFD90] =	vst v0;
	v0 =	vld [tilespmem:s29+$0xFFFFFDA0]  }
0x33f: {  	v1 =	vld [tilespmem:s30+$0x3220];
	_ =	sdelay $0x4  }
0x340: {  	v0 =	vadd.f32 v1, v0;
	_ =	sdelay $0x1  }
0x341: {  	[tilespmem:s29+$0xFFFFFDA0] =	vst v0;
	v0 =	vld [tilespmem:s29+$0xFFFFFDB0]  }
0x342: {  	v1 =	vld [tilespmem:s30+$0x3230];
	_ =	sdelay $0x4  }
0x343: {  	v0 =	vadd.f32 v1, v0;
	_ =	sdelay $0x1  }
0x344: {  	[tilespmem:s29+$0xFFFFFDB0] =	vst v0;
	v0 =	vld [tilespmem:s29+$0xFFFFFDC0]  }
0x345: {  	v1 =	vld [tilespmem:s30+$0x3240];
	_ =	sdelay $0x4  }
0x346: {  	v0 =	vadd.f32 v1, v0;
	_ =	sdelay $0x1  }
0x347: {  	[tilespmem:s29+$0xFFFFFDC0] =	vst v0;
	v0 =	vld [tilespmem:s29+$0xFFFFFDD0]  }
0x348: {  	v1 =	vld [tilespmem:s30+$0x3250];
	_ =	sdelay $0x4  }
0x349: {  	v0 =	vadd.f32 v1, v0;
	_ =	sdelay $0x1  }
0x34a: {  	[tilespmem:s29+$0xFFFFFDD0] =	vst v0;
	v0 =	vld [tilespmem:s29+$0xFFFFFDE0]  }
0x34b: {  	v1 =	vld [tilespmem:s30+$0x3260];
	_ =	sdelay $0x4  }
0x34c: {  	v0 =	vadd.f32 v1, v0;
	_ =	sdelay $0x1  }
0x34d: {  	[tilespmem:s29+$0xFFFFFDE0] =	vst v0;
	v0 =	vld [tilespmem:s29+$0xFFFFFDF0]  }
0x34e: {  	v1 =	vld [tilespmem:s30+$0x3270];
	_ =	sdelay $0x4  }
0x34f: {  	v0 =	vadd.f32 v1, v0;
	_ =	sdelay $0x1  }
0x350: {  	[tilespmem:s29+$0xFFFFFDF0] =	vst v0;
	v0 =	vld [tilespmem:s29+$0xFFFFFE00]  }
0x351: {  	v1 =	vld [tilespmem:s30+$0x3200];
	_ =	sdelay $0x4  }
0x352: {  	v0 =	vadd.f32 v1, v0;
	_ =	sdelay $0x1  }
0x353: {  	[tilespmem:s29+$0xFFFFFE00] =	vst v0;
	v0 =	vld [tilespmem:s29+$0xFFFFFE10]  }
0x354: {  	v1 =	vld [tilespmem:s30+$0x3210];
	_ =	sdelay $0x4  }
0x355: {  	v0 =	vadd.f32 v1, v0;
	_ =	sdelay $0x1  }
0x356: {  	[tilespmem:s29+$0xFFFFFE10] =	vst v0;
	v0 =	vld [tilespmem:s29+$0xFFFFFE20]  }
0x357: {  	v1 =	vld [tilespmem:s30+$0x3220];
	_ =	sdelay $0x4  }
0x358: {  	v0 =	vadd.f32 v1, v0;
	_ =	sdelay $0x1  }
0x359: {  	[tilespmem:s29+$0xFFFFFE20] =	vst v0;
	v0 =	vld [tilespmem:s29+$0xFFFFFE30]  }
0x35a: {  	v1 =	vld [tilespmem:s30+$0x3230];
	_ =	sdelay $0x4  }
0x35b: {  	v0 =	vadd.f32 v1, v0;
	_ =	sdelay $0x1  }
0x35c: {  	[tilespmem:s29+$0xFFFFFE30] =	vst v0;
	v0 =	vld [tilespmem:s29+$0xFFFFFE40]  }
0x35d: {  	v1 =	vld [tilespmem:s30+$0x3240];
	_ =	sdelay $0x4  }
0x35e: {  	v0 =	vadd.f32 v1, v0;
	_ =	sdelay $0x1  }
0x35f: {  	[tilespmem:s29+$0xFFFFFE40] =	vst v0;
	v0 =	vld [tilespmem:s29+$0xFFFFFE50]  }
0x360: {  	v1 =	vld [tilespmem:s30+$0x3250];
	_ =	sdelay $0x4  }
0x361: {  	v0 =	vadd.f32 v1, v0;
	_ =	sdelay $0x1  }
0x362: {  	[tilespmem:s29+$0xFFFFFE50] =	vst v0;
	v0 =	vld [tilespmem:s29+$0xFFFFFE60]  }
0x363: {  	v1 =	vld [tilespmem:s30+$0x3260];
	_ =	sdelay $0x4  }
0x364: {  	v0 =	vadd.f32 v1, v0;
	_ =	sdelay $0x1  }
0x365: {  	[tilespmem:s29+$0xFFFFFE60] =	vst v0;
	v0 =	vld [tilespmem:s29+$0xFFFFFE70]  }
0x366: {  	v1 =	vld [tilespmem:s30+$0x3270];
	_ =	sdelay $0x4  }
0x367: {  	v0 =	vadd.f32 v1, v0;
	_ =	sdelay $0x1  }
0x368: {  	[tilespmem:s29+$0xFFFFFE70] =	vst v0;
	v0 =	vld [tilespmem:s29+$0xFFFFFE80]  }
0x369: {  	v1 =	vld [tilespmem:s30+$0x3200];
	_ =	sdelay $0x4  }
0x36a: {  	v0 =	vadd.f32 v1, v0;
	_ =	sdelay $0x1  }
0x36b: {  	[tilespmem:s29+$0xFFFFFE80] =	vst v0;
	v0 =	vld [tilespmem:s29+$0xFFFFFE90]  }
0x36c: {  	v1 =	vld [tilespmem:s30+$0x3210];
	_ =	sdelay $0x4  }
0x36d: {  	v0 =	vadd.f32 v1, v0;
	_ =	sdelay $0x1  }
0x36e: {  	[tilespmem:s29+$0xFFFFFE90] =	vst v0;
	v0 =	vld [tilespmem:s29+$0xFFFFFEA0]  }
0x36f: {  	v1 =	vld [tilespmem:s30+$0x3220];
	_ =	sdelay $0x4  }
0x370: {  	v0 =	vadd.f32 v1, v0;
	_ =	sdelay $0x1  }
0x371: {  	[tilespmem:s29+$0xFFFFFEA0] =	vst v0;
	v0 =	vld [tilespmem:s29+$0xFFFFFEB0]  }
0x372: {  	v1 =	vld [tilespmem:s30+$0x3230];
	_ =	sdelay $0x4  }
0x373: {  	v0 =	vadd.f32 v1, v0;
	_ =	sdelay $0x1  }
0x374: {  	[tilespmem:s29+$0xFFFFFEB0] =	vst v0;
	v0 =	vld [tilespmem:s29+$0xFFFFFEC0]  }
0x375: {  	v1 =	vld [tilespmem:s30+$0x3240];
	_ =	sdelay $0x4  }
0x376: {  	v0 =	vadd.f32 v1, v0;
	_ =	sdelay $0x1  }
0x377: {  	[tilespmem:s29+$0xFFFFFEC0] =	vst v0;
	v0 =	vld [tilespmem:s29+$0xFFFFFED0]  }
0x378: {  	v1 =	vld [tilespmem:s30+$0x3250];
	_ =	sdelay $0x4  }
0x379: {  	v0 =	vadd.f32 v1, v0;
	_ =	sdelay $0x1  }
0x37a: {  	[tilespmem:s29+$0xFFFFFED0] =	vst v0;
	v0 =	vld [tilespmem:s29+$0xFFFFFEE0]  }
0x37b: {  	v1 =	vld [tilespmem:s30+$0x3260];
	_ =	sdelay $0x4  }
0x37c: {  	v0 =	vadd.f32 v1, v0;
	_ =	sdelay $0x1  }
0x37d: {  	[tilespmem:s29+$0xFFFFFEE0] =	vst v0;
	v0 =	vld [tilespmem:s29+$0xFFFFFEF0]  }
0x37e: {  	v1 =	vld [tilespmem:s30+$0x3270];
	_ =	sdelay $0x4  }
0x37f: {  	v0 =	vadd.f32 v1, v0;
	_ =	sdelay $0x1  }
0x380: {  	[tilespmem:s29+$0xFFFFFEF0] =	vst v0;
	v0 =	vld [tilespmem:s29+$0xFFFFFF00]  }
0x381: {  	v1 =	vld [tilespmem:s30+$0x3200];
	_ =	sdelay $0x4  }
0x382: {  	v0 =	vadd.f32 v1, v0;
	_ =	sdelay $0x1  }
0x383: {  	[tilespmem:s29+$0xFFFFFF00] =	vst v0;
	v0 =	vld [tilespmem:s29+$0xFFFFFF10]  }
0x384: {  	v1 =	vld [tilespmem:s30+$0x3210];
	_ =	sdelay $0x4  }
0x385: {  	v0 =	vadd.f32 v1, v0;
	_ =	sdelay $0x1  }
0x386: {  	[tilespmem:s29+$0xFFFFFF10] =	vst v0;
	v0 =	vld [tilespmem:s29+$0xFFFFFF20]  }
0x387: {  	v1 =	vld [tilespmem:s30+$0x3220];
	_ =	sdelay $0x4  }
0x388: {  	v0 =	vadd.f32 v1, v0;
	_ =	sdelay $0x1  }
0x389: {  	[tilespmem:s29+$0xFFFFFF20] =	vst v0;
	v0 =	vld [tilespmem:s29+$0xFFFFFF30]  }
0x38a: {  	v1 =	vld [tilespmem:s30+$0x3230];
	_ =	sdelay $0x4  }
0x38b: {  	v0 =	vadd.f32 v1, v0;
	_ =	sdelay $0x1  }
0x38c: {  	[tilespmem:s29+$0xFFFFFF30] =	vst v0;
	v0 =	vld [tilespmem:s29+$0xFFFFFF40]  }
0x38d: {  	v1 =	vld [tilespmem:s30+$0x3240];
	_ =	sdelay $0x4  }
0x38e: {  	v0 =	vadd.f32 v1, v0;
	_ =	sdelay $0x1  }
0x38f: {  	[tilespmem:s29+$0xFFFFFF40] =	vst v0;
	v0 =	vld [tilespmem:s29+$0xFFFFFF50]  }
0x390: {  	v1 =	vld [tilespmem:s30+$0x3250];
	_ =	sdelay $0x4  }
0x391: {  	v0 =	vadd.f32 v1, v0;
	_ =	sdelay $0x1  }
0x392: {  	[tilespmem:s29+$0xFFFFFF50] =	vst v0;
	v0 =	vld [tilespmem:s29+$0xFFFFFF60]  }
0x393: {  	v1 =	vld [tilespmem:s30+$0x3260];
	_ =	sdelay $0x4  }
0x394: {  	v0 =	vadd.f32 v1, v0;
	_ =	sdelay $0x1  }
0x395: {  	[tilespmem:s29+$0xFFFFFF60] =	vst v0;
	v0 =	vld [tilespmem:s29+$0xFFFFFF70]  }
0x396: {  	v1 =	vld [tilespmem:s30+$0x3270];
	_ =	sdelay $0x4  }
0x397: {  	v0 =	vadd.f32 v1, v0;
	_ =	sdelay $0x1  }
0x398: {  	[tilespmem:s29+$0xFFFFFF70] =	vst v0;
	v0 =	vld [tilespmem:s29+$0xFFFFFF80]  }
0x399: {  	v1 =	vld [tilespmem:s30+$0x3200];
	_ =	sdelay $0x4  }
0x39a: {  	v0 =	vadd.f32 v1, v0;
	_ =	sdelay $0x1  }
0x39b: {  	[tilespmem:s29+$0xFFFFFF80] =	vst v0;
	v0 =	vld [tilespmem:s29+$0xFFFFFF90]  }
0x39c: {  	v1 =	vld [tilespmem:s30+$0x3210];
	_ =	sdelay $0x4  }
0x39d: {  	v0 =	vadd.f32 v1, v0;
	_ =	sdelay $0x1  }
0x39e: {  	[tilespmem:s29+$0xFFFFFF90] =	vst v0;
	v0 =	vld [tilespmem:s29+$0xFFFFFFA0]  }
0x39f: {  	v1 =	vld [tilespmem:s30+$0x3220];
	_ =	sdelay $0x4  }
0x3a0: {  	v0 =	vadd.f32 v1, v0;
	_ =	sdelay $0x1  }
0x3a1: {  	[tilespmem:s29+$0xFFFFFFA0] =	vst v0;
	v0 =	vld [tilespmem:s29+$0xFFFFFFB0]  }
0x3a2: {  	v1 =	vld [tilespmem:s30+$0x3230];
	_ =	sdelay $0x4  }
0x3a3: {  	v0 =	vadd.f32 v1, v0;
	_ =	sdelay $0x1  }
0x3a4: {  	[tilespmem:s29+$0xFFFFFFB0] =	vst v0;
	v0 =	vld [tilespmem:s29+$0xFFFFFFC0]  }
0x3a5: {  	v1 =	vld [tilespmem:s30+$0x3240];
	_ =	sdelay $0x4  }
0x3a6: {  	v0 =	vadd.f32 v1, v0;
	_ =	sdelay $0x1  }
0x3a7: {  	[tilespmem:s29+$0xFFFFFFC0] =	vst v0;
	v0 =	vld [tilespmem:s29+$0xFFFFFFD0]  }
0x3a8: {  	v1 =	vld [tilespmem:s30+$0x3250];
	_ =	sdelay $0x4  }
0x3a9: {  	v0 =	vadd.f32 v1, v0;
	_ =	sdelay $0x1  }
0x3aa: {  	[tilespmem:s29+$0xFFFFFFD0] =	vst v0;
	v0 =	vld [tilespmem:s29+$0xFFFFFFE0]  }
0x3ab: {  	v1 =	vld [tilespmem:s30+$0x3260];
	_ =	sdelay $0x4  }
0x3ac: {  	v0 =	vadd.f32 v1, v0;
	_ =	sdelay $0x1  }
0x3ad: {  	[tilespmem:s29+$0xFFFFFFE0] =	vst v0;
	v0 =	vld [tilespmem:s29+$0xFFFFFFF0]  }
0x3ae: {  	v1 =	vld [tilespmem:s30+$0x3270];
	_ =	sdelay $0x4  }
0x3af: {  	v0 =	vadd.f32 v1, v0;
	_ =	sdelay $0x1  }
0x3b0: {  	[tilespmem:s29+$0xFFFFFFF0] =	vst v0;
	v0 =	vld [tilespmem:s29+$0x0]  }
0x3b1: {  	v1 =	vld [tilespmem:s30+$0x3200];
	_ =	sdelay $0x4  }
0x3b2: {  	v0 =	vadd.f32 v1, v0;
	_ =	sdelay $0x1  }
0x3b3: {  	[tilespmem:s29+$0x0] =	vst v0;
	v0 =	vld [tilespmem:s29+$0x10]  }
0x3b4: {  	v1 =	vld [tilespmem:s30+$0x3210];
	_ =	sdelay $0x4  }
0x3b5: {  	v0 =	vadd.f32 v1, v0;
	_ =	sdelay $0x1  }
0x3b6: {  	[tilespmem:s29+$0x10] =	vst v0;
	v0 =	vld [tilespmem:s29+$0x20]  }
0x3b7: {  	v1 =	vld [tilespmem:s30+$0x3220];
	_ =	sdelay $0x4  }
0x3b8: {  	v0 =	vadd.f32 v1, v0;
	_ =	sdelay $0x1  }
0x3b9: {  	[tilespmem:s29+$0x20] =	vst v0;
	v0 =	vld [tilespmem:s29+$0x30]  }
0x3ba: {  	v1 =	vld [tilespmem:s30+$0x3230];
	_ =	sdelay $0x4  }
0x3bb: {  	v0 =	vadd.f32 v1, v0;
	_ =	sdelay $0x1  }
0x3bc: {  	[tilespmem:s29+$0x30] =	vst v0;
	v0 =	vld [tilespmem:s29+$0x40]  }
0x3bd: {  	v1 =	vld [tilespmem:s30+$0x3240];
	_ =	sdelay $0x4  }
0x3be: {  	v0 =	vadd.f32 v1, v0;
	_ =	sdelay $0x1  }
0x3bf: {  	[tilespmem:s29+$0x40] =	vst v0;
	v0 =	vld [tilespmem:s29+$0x50]  }
0x3c0: {  	v1 =	vld [tilespmem:s30+$0x3250];
	_ =	sdelay $0x4  }
0x3c1: {  	v0 =	vadd.f32 v1, v0;
	_ =	sdelay $0x1  }
0x3c2: {  	[tilespmem:s29+$0x50] =	vst v0;
	v0 =	vld [tilespmem:s29+$0x60]  }
0x3c3: {  	v1 =	vld [tilespmem:s30+$0x3260];
	_ =	sdelay $0x4  }
0x3c4: {  	v0 =	vadd.f32 v1, v0;
	_ =	sdelay $0x1  }
0x3c5: {  	[tilespmem:s29+$0x60] =	vst v0;
	v0 =	vld [tilespmem:s29+$0x70]  }
0x3c6: {  	v1 =	vld [tilespmem:s30+$0x3270];
	_ =	sdelay $0x4  }
0x3c7: {  	v0 =	vadd.f32 v1, v0;
	_ =	sdelay $0x1  }
0x3c8: {  	[tilespmem:s29+$0x70] =	vst v0;
	v0 =	vld [tilespmem:s29+$0x80]  }
0x3c9: {  	v1 =	vld [tilespmem:s30+$0x3200];
	_ =	sdelay $0x4  }
0x3ca: {  	v0 =	vadd.f32 v1, v0;
	_ =	sdelay $0x1  }
0x3cb: {  	[tilespmem:s29+$0x80] =	vst v0;
	v0 =	vld [tilespmem:s29+$0x90]  }
0x3cc: {  	v1 =	vld [tilespmem:s30+$0x3210];
	_ =	sdelay $0x4  }
0x3cd: {  	v0 =	vadd.f32 v1, v0;
	_ =	sdelay $0x1  }
0x3ce: {  	[tilespmem:s29+$0x90] =	vst v0;
	v0 =	vld [tilespmem:s29+$0xA0]  }
0x3cf: {  	v1 =	vld [tilespmem:s30+$0x3220];
	_ =	sdelay $0x4  }
0x3d0: {  	v0 =	vadd.f32 v1, v0;
	_ =	sdelay $0x1  }
0x3d1: {  	[tilespmem:s29+$0xA0] =	vst v0;
	v0 =	vld [tilespmem:s29+$0xB0]  }
0x3d2: {  	v1 =	vld [tilespmem:s30+$0x3230];
	_ =	sdelay $0x4  }
0x3d3: {  	v0 =	vadd.f32 v1, v0;
	_ =	sdelay $0x1  }
0x3d4: {  	[tilespmem:s29+$0xB0] =	vst v0;
	v0 =	vld [tilespmem:s29+$0xC0]  }
0x3d5: {  	v1 =	vld [tilespmem:s30+$0x3240];
	_ =	sdelay $0x4  }
0x3d6: {  	v0 =	vadd.f32 v1, v0;
	_ =	sdelay $0x1  }
0x3d7: {  	[tilespmem:s29+$0xC0] =	vst v0;
	v0 =	vld [tilespmem:s29+$0xD0]  }
0x3d8: {  	v1 =	vld [tilespmem:s30+$0x3250];
	_ =	sdelay $0x4  }
0x3d9: {  	v0 =	vadd.f32 v1, v0;
	_ =	sdelay $0x1  }
0x3da: {  	[tilespmem:s29+$0xD0] =	vst v0;
	v0 =	vld [tilespmem:s29+$0xE0]  }
0x3db: {  	v1 =	vld [tilespmem:s30+$0x3260];
	_ =	sdelay $0x4  }
0x3dc: {  	v0 =	vadd.f32 v1, v0;
	_ =	sdelay $0x1  }
0x3dd: {  	[tilespmem:s29+$0xE0] =	vst v0;
	v0 =	vld [tilespmem:s29+$0xF0]  }
0x3de: {  	v1 =	vld [tilespmem:s30+$0x3270];
	_ =	sdelay $0x4  }
0x3df: {  	v0 =	vadd.f32 v1, v0;
	_ =	sdelay $0x1  }
0x3e0: {  	[tilespmem:s29+$0xF0] =	vst v0;
	v0 =	vld [tilespmem:s29+$0x100]  }
0x3e1: {  	v1 =	vld [tilespmem:s30+$0x3200];
	_ =	sdelay $0x4  }
0x3e2: {  	v0 =	vadd.f32 v1, v0;
	_ =	sdelay $0x1  }
0x3e3: {  	[tilespmem:s29+$0x100] =	vst v0;
	v0 =	vld [tilespmem:s29+$0x110]  }
0x3e4: {  	v1 =	vld [tilespmem:s30+$0x3210];
	_ =	sdelay $0x4  }
0x3e5: {  	v0 =	vadd.f32 v1, v0;
	_ =	sdelay $0x1  }
0x3e6: {  	[tilespmem:s29+$0x110] =	vst v0;
	v0 =	vld [tilespmem:s29+$0x120]  }
0x3e7: {  	v1 =	vld [tilespmem:s30+$0x3220];
	_ =	sdelay $0x4  }
0x3e8: {  	v0 =	vadd.f32 v1, v0;
	_ =	sdelay $0x1  }
0x3e9: {  	[tilespmem:s29+$0x120] =	vst v0;
	v0 =	vld [tilespmem:s29+$0x130]  }
0x3ea: {  	v1 =	vld [tilespmem:s30+$0x3230];
	_ =	sdelay $0x4  }
0x3eb: {  	v0 =	vadd.f32 v1, v0;
	_ =	sdelay $0x1  }
0x3ec: {  	[tilespmem:s29+$0x130] =	vst v0;
	v0 =	vld [tilespmem:s29+$0x140]  }
0x3ed: {  	v1 =	vld [tilespmem:s30+$0x3240];
	_ =	sdelay $0x4  }
0x3ee: {  	v0 =	vadd.f32 v1, v0;
	_ =	sdelay $0x1  }
0x3ef: {  	[tilespmem:s29+$0x140] =	vst v0;
	v0 =	vld [tilespmem:s29+$0x150]  }
0x3f0: {  	v1 =	vld [tilespmem:s30+$0x3250];
	_ =	sdelay $0x4  }
0x3f1: {  	v0 =	vadd.f32 v1, v0;
	_ =	sdelay $0x1  }
0x3f2: {  	[tilespmem:s29+$0x150] =	vst v0;
	v0 =	vld [tilespmem:s29+$0x160]  }
0x3f3: {  	v1 =	vld [tilespmem:s30+$0x3260];
	_ =	sdelay $0x4  }
0x3f4: {  	v0 =	vadd.f32 v1, v0;
	_ =	sdelay $0x1  }
0x3f5: {  	[tilespmem:s29+$0x160] =	vst v0;
	v0 =	vld [tilespmem:s29+$0x170]  }
0x3f6: {  	v1 =	vld [tilespmem:s30+$0x3270];
	_ =	sdelay $0x4  }
0x3f7: {  	v0 =	vadd.f32 v1, v0;
	_ =	sdelay $0x1  }
0x3f8: {  	[tilespmem:s29+$0x170] =	vst v0;
	v0 =	vld [tilespmem:s29+$0x180]  }
0x3f9: {  	v1 =	vld [tilespmem:s30+$0x3200];
	_ =	sdelay $0x4  }
0x3fa: {  	v0 =	vadd.f32 v1, v0;
	_ =	sdelay $0x1  }
0x3fb: {  	[tilespmem:s29+$0x180] =	vst v0;
	v0 =	vld [tilespmem:s29+$0x190]  }
0x3fc: {  	v1 =	vld [tilespmem:s30+$0x3210];
	_ =	sdelay $0x4  }
0x3fd: {  	v0 =	vadd.f32 v1, v0;
	_ =	sdelay $0x1  }
0x3fe: {  	[tilespmem:s29+$0x190] =	vst v0;
	v0 =	vld [tilespmem:s29+$0x1A0]  }
0x3ff: {  	v1 =	vld [tilespmem:s30+$0x3220];
	_ =	sdelay $0x4  }
0x400: {  	v0 =	vadd.f32 v1, v0;
	_ =	sdelay $0x1  }
0x401: {  	[tilespmem:s29+$0x1A0] =	vst v0;
	v0 =	vld [tilespmem:s29+$0x1B0]  }
0x402: {  	v1 =	vld [tilespmem:s30+$0x3230];
	_ =	sdelay $0x4  }
0x403: {  	v0 =	vadd.f32 v1, v0;
	_ =	sdelay $0x1  }
0x404: {  	[tilespmem:s29+$0x1B0] =	vst v0;
	v0 =	vld [tilespmem:s29+$0x1C0]  }
0x405: {  	v1 =	vld [tilespmem:s30+$0x3240];
	_ =	sdelay $0x4  }
0x406: {  	v0 =	vadd.f32 v1, v0;
	_ =	sdelay $0x1  }
0x407: {  	[tilespmem:s29+$0x1C0] =	vst v0;
	v0 =	vld [tilespmem:s29+$0x1D0]  }
0x408: {  	v1 =	vld [tilespmem:s30+$0x3250];
	_ =	sdelay $0x4  }
0x409: {  	v0 =	vadd.f32 v1, v0;
	_ =	sdelay $0x1  }
0x40a: {  	[tilespmem:s29+$0x1D0] =	vst v0;
	v0 =	vld [tilespmem:s29+$0x1E0]  }
0x40b: {  	v1 =	vld [tilespmem:s30+$0x3260];
	_ =	sdelay $0x4  }
0x40c: {  	v0 =	vadd.f32 v1, v0;
	_ =	sdelay $0x1  }
0x40d: {  	[tilespmem:s29+$0x1E0] =	vst v0;
	v0 =	vld [tilespmem:s29+$0x1F0]  }
0x40e: {  	v1 =	vld [tilespmem:s30+$0x3270];
	_ =	sdelay $0x4  }
0x40f: {  	v0 =	vadd.f32 v1, v0;
	_ =	sdelay $0x1  }
0x410: {  	[tilespmem:s29+$0x1F0] =	vst v0;
	v0 =	vld [tilespmem:s29+$0x200]  }
0x411: {  	v1 =	vld [tilespmem:s30+$0x3200];
	_ =	sdelay $0x4  }
0x412: {  	v0 =	vadd.f32 v1, v0;
	_ =	sdelay $0x1  }
0x413: {  	[tilespmem:s29+$0x200] =	vst v0;
	v0 =	vld [tilespmem:s29+$0x210]  }
0x414: {  	v1 =	vld [tilespmem:s30+$0x3210];
	_ =	sdelay $0x4  }
0x415: {  	v0 =	vadd.f32 v1, v0;
	_ =	sdelay $0x1  }
0x416: {  	[tilespmem:s29+$0x210] =	vst v0;
	v0 =	vld [tilespmem:s29+$0x220]  }
0x417: {  	v1 =	vld [tilespmem:s30+$0x3220];
	_ =	sdelay $0x4  }
0x418: {  	v0 =	vadd.f32 v1, v0;
	_ =	sdelay $0x1  }
0x419: {  	[tilespmem:s29+$0x220] =	vst v0;
	v0 =	vld [tilespmem:s29+$0x230]  }
0x41a: {  	v1 =	vld [tilespmem:s30+$0x3230];
	_ =	sdelay $0x4  }
0x41b: {  	v0 =	vadd.f32 v1, v0;
	_ =	sdelay $0x1  }
0x41c: {  	[tilespmem:s29+$0x230] =	vst v0;
	v0 =	vld [tilespmem:s29+$0x240]  }
0x41d: {  	v1 =	vld [tilespmem:s30+$0x3240];
	_ =	sdelay $0x4  }
0x41e: {  	v0 =	vadd.f32 v1, v0;
	_ =	sdelay $0x1  }
0x41f: {  	[tilespmem:s29+$0x240] =	vst v0;
	v0 =	vld [tilespmem:s29+$0x250]  }
0x420: {  	v1 =	vld [tilespmem:s30+$0x3250];
	_ =	sdelay $0x4  }
0x421: {  	v0 =	vadd.f32 v1, v0;
	_ =	sdelay $0x1  }
0x422: {  	[tilespmem:s29+$0x250] =	vst v0;
	v0 =	vld [tilespmem:s29+$0x260]  }
0x423: {  	v1 =	vld [tilespmem:s30+$0x3260];
	_ =	sdelay $0x2  }
0x424: {  	s31 =	smul.u32 $0xCCCD, s28;
	_ =	sdelay $0x1  }
0x425: {  	s3 =	sshrl.u32 s31, $0x13;
	v0 =	vadd.f32 v1, v0  }
0x426: {  	s0 =	smul.u32 $0xA, s3  }
0x427: {  	[tilespmem:s29+$0x260] =	vst v0;
	v0 =	vld [tilespmem:s29+$0x270]  }
0x428: {  	s9 =	sadd.s32 $0x1, s26;
	s0 =	ssub.s32 s28, s0;
	v1 =	vld [tilespmem:s30+$0x3270]  }
0x429: {  	s7 =	simm.s32 $0x2;
	s4 =	simm.s32 $0xCA80;
	s0 =	sand.u32 $0xFFFF, s0  }
.LBB2_7:
0x42a: {  	p0 =	sne.s32 s7, $0x13;
	p1 =	sgt.s32 s9, $0xFFFFFF9C  }
0x42b: {  	s9 =	simm.s32 @!p1 $0xFFFFFF9C  }
0x42c: {  	p1 =	slt.s32 s9, $0x63  }
0x42d: {  	s9 =	simm.s32 @!p1 $0x63;
	v0 =	vadd.f32 v1, v0  }
0x42e: {  	s29 =	sadd.s32 $0x500, s29;
	s9 =	sshll.u32 s9, $0x9  }
0x42f: {  	v1 =	vld [tilespmem:s29+$0xFFFFFD80];
	s9 =	sshra.s32 s9, $0x2;
	[tilespmem:s4+$0x270] =	vst v0;
	s4 =	smov.u32 s29  }
0x430: {  	v0 =	vld [tilespmem:s9+$0x3200];
	_ =	sdelay $0x4  }
0x431: {  	v0 =	vadd.f32 v0, v1;
	_ =	sdelay $0x1  }
0x432: {  	[tilespmem:s29+$0xFFFFFD80] =	vst v0;
	v0 =	vld [tilespmem:s29+$0xFFFFFD90]  }
0x433: {  	v1 =	vld [tilespmem:s9+$0x3210];
	_ =	sdelay $0x4  }
0x434: {  	v0 =	vadd.f32 v1, v0;
	_ =	sdelay $0x1  }
0x435: {  	[tilespmem:s29+$0xFFFFFD90] =	vst v0;
	v0 =	vld [tilespmem:s29+$0xFFFFFDA0]  }
0x436: {  	v1 =	vld [tilespmem:s9+$0x3220];
	_ =	sdelay $0x4  }
0x437: {  	v0 =	vadd.f32 v1, v0;
	_ =	sdelay $0x1  }
0x438: {  	[tilespmem:s29+$0xFFFFFDA0] =	vst v0;
	v0 =	vld [tilespmem:s29+$0xFFFFFDB0]  }
0x439: {  	v1 =	vld [tilespmem:s9+$0x3230];
	_ =	sdelay $0x4  }
0x43a: {  	v0 =	vadd.f32 v1, v0;
	_ =	sdelay $0x1  }
0x43b: {  	[tilespmem:s29+$0xFFFFFDB0] =	vst v0;
	v0 =	vld [tilespmem:s29+$0xFFFFFDC0]  }
0x43c: {  	v1 =	vld [tilespmem:s9+$0x3240];
	_ =	sdelay $0x4  }
0x43d: {  	v0 =	vadd.f32 v1, v0;
	_ =	sdelay $0x1  }
0x43e: {  	[tilespmem:s29+$0xFFFFFDC0] =	vst v0;
	v0 =	vld [tilespmem:s29+$0xFFFFFDD0]  }
0x43f: {  	v1 =	vld [tilespmem:s9+$0x3250];
	_ =	sdelay $0x4  }
0x440: {  	v0 =	vadd.f32 v1, v0;
	_ =	sdelay $0x1  }
0x441: {  	[tilespmem:s29+$0xFFFFFDD0] =	vst v0;
	v0 =	vld [tilespmem:s29+$0xFFFFFDE0]  }
0x442: {  	v1 =	vld [tilespmem:s9+$0x3260];
	_ =	sdelay $0x4  }
0x443: {  	v0 =	vadd.f32 v1, v0;
	_ =	sdelay $0x1  }
0x444: {  	[tilespmem:s29+$0xFFFFFDE0] =	vst v0;
	v0 =	vld [tilespmem:s29+$0xFFFFFDF0]  }
0x445: {  	v1 =	vld [tilespmem:s9+$0x3270];
	_ =	sdelay $0x4  }
0x446: {  	v0 =	vadd.f32 v1, v0;
	_ =	sdelay $0x1  }
0x447: {  	[tilespmem:s29+$0xFFFFFDF0] =	vst v0;
	v0 =	vld [tilespmem:s29+$0xFFFFFE00]  }
0x448: {  	v1 =	vld [tilespmem:s9+$0x3200];
	_ =	sdelay $0x4  }
0x449: {  	v0 =	vadd.f32 v1, v0;
	_ =	sdelay $0x1  }
0x44a: {  	[tilespmem:s29+$0xFFFFFE00] =	vst v0;
	v0 =	vld [tilespmem:s29+$0xFFFFFE10]  }
0x44b: {  	v1 =	vld [tilespmem:s9+$0x3210];
	_ =	sdelay $0x4  }
0x44c: {  	v0 =	vadd.f32 v1, v0;
	_ =	sdelay $0x1  }
0x44d: {  	[tilespmem:s29+$0xFFFFFE10] =	vst v0;
	v0 =	vld [tilespmem:s29+$0xFFFFFE20]  }
0x44e: {  	v1 =	vld [tilespmem:s9+$0x3220];
	_ =	sdelay $0x4  }
0x44f: {  	v0 =	vadd.f32 v1, v0;
	_ =	sdelay $0x1  }
0x450: {  	[tilespmem:s29+$0xFFFFFE20] =	vst v0;
	v0 =	vld [tilespmem:s29+$0xFFFFFE30]  }
0x451: {  	v1 =	vld [tilespmem:s9+$0x3230];
	_ =	sdelay $0x4  }
0x452: {  	v0 =	vadd.f32 v1, v0;
	_ =	sdelay $0x1  }
0x453: {  	[tilespmem:s29+$0xFFFFFE30] =	vst v0;
	v0 =	vld [tilespmem:s29+$0xFFFFFE40]  }
0x454: {  	v1 =	vld [tilespmem:s9+$0x3240];
	_ =	sdelay $0x4  }
0x455: {  	v0 =	vadd.f32 v1, v0;
	_ =	sdelay $0x1  }
0x456: {  	[tilespmem:s29+$0xFFFFFE40] =	vst v0;
	v0 =	vld [tilespmem:s29+$0xFFFFFE50]  }
0x457: {  	v1 =	vld [tilespmem:s9+$0x3250];
	_ =	sdelay $0x4  }
0x458: {  	v0 =	vadd.f32 v1, v0;
	_ =	sdelay $0x1  }
0x459: {  	[tilespmem:s29+$0xFFFFFE50] =	vst v0;
	v0 =	vld [tilespmem:s29+$0xFFFFFE60]  }
0x45a: {  	v1 =	vld [tilespmem:s9+$0x3260];
	_ =	sdelay $0x4  }
0x45b: {  	v0 =	vadd.f32 v1, v0;
	_ =	sdelay $0x1  }
0x45c: {  	[tilespmem:s29+$0xFFFFFE60] =	vst v0;
	v0 =	vld [tilespmem:s29+$0xFFFFFE70]  }
0x45d: {  	v1 =	vld [tilespmem:s9+$0x3270];
	_ =	sdelay $0x4  }
0x45e: {  	v0 =	vadd.f32 v1, v0;
	_ =	sdelay $0x1  }
0x45f: {  	[tilespmem:s29+$0xFFFFFE70] =	vst v0;
	v0 =	vld [tilespmem:s29+$0xFFFFFE80]  }
0x460: {  	v1 =	vld [tilespmem:s9+$0x3200];
	_ =	sdelay $0x4  }
0x461: {  	v0 =	vadd.f32 v1, v0;
	_ =	sdelay $0x1  }
0x462: {  	[tilespmem:s29+$0xFFFFFE80] =	vst v0;
	v0 =	vld [tilespmem:s29+$0xFFFFFE90]  }
0x463: {  	v1 =	vld [tilespmem:s9+$0x3210];
	_ =	sdelay $0x4  }
0x464: {  	v0 =	vadd.f32 v1, v0;
	_ =	sdelay $0x1  }
0x465: {  	[tilespmem:s29+$0xFFFFFE90] =	vst v0;
	v0 =	vld [tilespmem:s29+$0xFFFFFEA0]  }
0x466: {  	v1 =	vld [tilespmem:s9+$0x3220];
	_ =	sdelay $0x4  }
0x467: {  	v0 =	vadd.f32 v1, v0;
	_ =	sdelay $0x1  }
0x468: {  	[tilespmem:s29+$0xFFFFFEA0] =	vst v0;
	v0 =	vld [tilespmem:s29+$0xFFFFFEB0]  }
0x469: {  	v1 =	vld [tilespmem:s9+$0x3230];
	_ =	sdelay $0x4  }
0x46a: {  	v0 =	vadd.f32 v1, v0;
	_ =	sdelay $0x1  }
0x46b: {  	[tilespmem:s29+$0xFFFFFEB0] =	vst v0;
	v0 =	vld [tilespmem:s29+$0xFFFFFEC0]  }
0x46c: {  	v1 =	vld [tilespmem:s9+$0x3240];
	_ =	sdelay $0x4  }
0x46d: {  	v0 =	vadd.f32 v1, v0;
	_ =	sdelay $0x1  }
0x46e: {  	[tilespmem:s29+$0xFFFFFEC0] =	vst v0;
	v0 =	vld [tilespmem:s29+$0xFFFFFED0]  }
0x46f: {  	v1 =	vld [tilespmem:s9+$0x3250];
	_ =	sdelay $0x4  }
0x470: {  	v0 =	vadd.f32 v1, v0;
	_ =	sdelay $0x1  }
0x471: {  	[tilespmem:s29+$0xFFFFFED0] =	vst v0;
	v0 =	vld [tilespmem:s29+$0xFFFFFEE0]  }
0x472: {  	v1 =	vld [tilespmem:s9+$0x3260];
	_ =	sdelay $0x4  }
0x473: {  	v0 =	vadd.f32 v1, v0;
	_ =	sdelay $0x1  }
0x474: {  	[tilespmem:s29+$0xFFFFFEE0] =	vst v0;
	v0 =	vld [tilespmem:s29+$0xFFFFFEF0]  }
0x475: {  	v1 =	vld [tilespmem:s9+$0x3270];
	_ =	sdelay $0x4  }
0x476: {  	v0 =	vadd.f32 v1, v0;
	_ =	sdelay $0x1  }
0x477: {  	[tilespmem:s29+$0xFFFFFEF0] =	vst v0;
	v0 =	vld [tilespmem:s29+$0xFFFFFF00]  }
0x478: {  	v1 =	vld [tilespmem:s9+$0x3200];
	_ =	sdelay $0x4  }
0x479: {  	v0 =	vadd.f32 v1, v0;
	_ =	sdelay $0x1  }
0x47a: {  	[tilespmem:s29+$0xFFFFFF00] =	vst v0;
	v0 =	vld [tilespmem:s29+$0xFFFFFF10]  }
0x47b: {  	v1 =	vld [tilespmem:s9+$0x3210];
	_ =	sdelay $0x4  }
0x47c: {  	v0 =	vadd.f32 v1, v0;
	_ =	sdelay $0x1  }
0x47d: {  	[tilespmem:s29+$0xFFFFFF10] =	vst v0;
	v0 =	vld [tilespmem:s29+$0xFFFFFF20]  }
0x47e: {  	v1 =	vld [tilespmem:s9+$0x3220];
	_ =	sdelay $0x4  }
0x47f: {  	v0 =	vadd.f32 v1, v0;
	_ =	sdelay $0x1  }
0x480: {  	[tilespmem:s29+$0xFFFFFF20] =	vst v0;
	v0 =	vld [tilespmem:s29+$0xFFFFFF30]  }
0x481: {  	v1 =	vld [tilespmem:s9+$0x3230];
	_ =	sdelay $0x4  }
0x482: {  	v0 =	vadd.f32 v1, v0;
	_ =	sdelay $0x1  }
0x483: {  	[tilespmem:s29+$0xFFFFFF30] =	vst v0;
	v0 =	vld [tilespmem:s29+$0xFFFFFF40]  }
0x484: {  	v1 =	vld [tilespmem:s9+$0x3240];
	_ =	sdelay $0x4  }
0x485: {  	v0 =	vadd.f32 v1, v0;
	_ =	sdelay $0x1  }
0x486: {  	[tilespmem:s29+$0xFFFFFF40] =	vst v0;
	v0 =	vld [tilespmem:s29+$0xFFFFFF50]  }
0x487: {  	v1 =	vld [tilespmem:s9+$0x3250];
	_ =	sdelay $0x4  }
0x488: {  	v0 =	vadd.f32 v1, v0;
	_ =	sdelay $0x1  }
0x489: {  	[tilespmem:s29+$0xFFFFFF50] =	vst v0;
	v0 =	vld [tilespmem:s29+$0xFFFFFF60]  }
0x48a: {  	v1 =	vld [tilespmem:s9+$0x3260];
	_ =	sdelay $0x4  }
0x48b: {  	v0 =	vadd.f32 v1, v0;
	_ =	sdelay $0x1  }
0x48c: {  	[tilespmem:s29+$0xFFFFFF60] =	vst v0;
	v0 =	vld [tilespmem:s29+$0xFFFFFF70]  }
0x48d: {  	v1 =	vld [tilespmem:s9+$0x3270];
	_ =	sdelay $0x4  }
0x48e: {  	v0 =	vadd.f32 v1, v0;
	_ =	sdelay $0x1  }
0x48f: {  	[tilespmem:s29+$0xFFFFFF70] =	vst v0;
	v0 =	vld [tilespmem:s29+$0xFFFFFF80]  }
0x490: {  	v1 =	vld [tilespmem:s9+$0x3200];
	_ =	sdelay $0x4  }
0x491: {  	v0 =	vadd.f32 v1, v0;
	_ =	sdelay $0x1  }
0x492: {  	[tilespmem:s29+$0xFFFFFF80] =	vst v0;
	v0 =	vld [tilespmem:s29+$0xFFFFFF90]  }
0x493: {  	v1 =	vld [tilespmem:s9+$0x3210];
	_ =	sdelay $0x4  }
0x494: {  	v0 =	vadd.f32 v1, v0;
	_ =	sdelay $0x1  }
0x495: {  	[tilespmem:s29+$0xFFFFFF90] =	vst v0;
	v0 =	vld [tilespmem:s29+$0xFFFFFFA0]  }
0x496: {  	v1 =	vld [tilespmem:s9+$0x3220];
	_ =	sdelay $0x4  }
0x497: {  	v0 =	vadd.f32 v1, v0;
	_ =	sdelay $0x1  }
0x498: {  	[tilespmem:s29+$0xFFFFFFA0] =	vst v0;
	v0 =	vld [tilespmem:s29+$0xFFFFFFB0]  }
0x499: {  	v1 =	vld [tilespmem:s9+$0x3230];
	_ =	sdelay $0x4  }
0x49a: {  	v0 =	vadd.f32 v1, v0;
	_ =	sdelay $0x1  }
0x49b: {  	[tilespmem:s29+$0xFFFFFFB0] =	vst v0;
	v0 =	vld [tilespmem:s29+$0xFFFFFFC0]  }
0x49c: {  	v1 =	vld [tilespmem:s9+$0x3240];
	_ =	sdelay $0x4  }
0x49d: {  	v0 =	vadd.f32 v1, v0;
	_ =	sdelay $0x1  }
0x49e: {  	[tilespmem:s29+$0xFFFFFFC0] =	vst v0;
	v0 =	vld [tilespmem:s29+$0xFFFFFFD0]  }
0x49f: {  	v1 =	vld [tilespmem:s9+$0x3250];
	_ =	sdelay $0x4  }
0x4a0: {  	v0 =	vadd.f32 v1, v0;
	_ =	sdelay $0x1  }
0x4a1: {  	[tilespmem:s29+$0xFFFFFFD0] =	vst v0;
	v0 =	vld [tilespmem:s29+$0xFFFFFFE0]  }
0x4a2: {  	v1 =	vld [tilespmem:s9+$0x3260];
	_ =	sdelay $0x4  }
0x4a3: {  	v0 =	vadd.f32 v1, v0;
	_ =	sdelay $0x1  }
0x4a4: {  	[tilespmem:s29+$0xFFFFFFE0] =	vst v0;
	v0 =	vld [tilespmem:s29+$0xFFFFFFF0]  }
0x4a5: {  	v1 =	vld [tilespmem:s9+$0x3270];
	_ =	sdelay $0x4  }
0x4a6: {  	v0 =	vadd.f32 v1, v0;
	_ =	sdelay $0x1  }
0x4a7: {  	[tilespmem:s29+$0xFFFFFFF0] =	vst v0;
	v0 =	vld [tilespmem:s29+$0x0]  }
0x4a8: {  	v1 =	vld [tilespmem:s9+$0x3200];
	_ =	sdelay $0x4  }
0x4a9: {  	v0 =	vadd.f32 v1, v0;
	_ =	sdelay $0x1  }
0x4aa: {  	[tilespmem:s29+$0x0] =	vst v0;
	v0 =	vld [tilespmem:s29+$0x10]  }
0x4ab: {  	v1 =	vld [tilespmem:s9+$0x3210];
	_ =	sdelay $0x4  }
0x4ac: {  	v0 =	vadd.f32 v1, v0;
	_ =	sdelay $0x1  }
0x4ad: {  	[tilespmem:s29+$0x10] =	vst v0;
	v0 =	vld [tilespmem:s29+$0x20]  }
0x4ae: {  	v1 =	vld [tilespmem:s9+$0x3220];
	_ =	sdelay $0x4  }
0x4af: {  	v0 =	vadd.f32 v1, v0;
	_ =	sdelay $0x1  }
0x4b0: {  	[tilespmem:s29+$0x20] =	vst v0;
	v0 =	vld [tilespmem:s29+$0x30]  }
0x4b1: {  	v1 =	vld [tilespmem:s9+$0x3230];
	_ =	sdelay $0x4  }
0x4b2: {  	v0 =	vadd.f32 v1, v0;
	_ =	sdelay $0x1  }
0x4b3: {  	[tilespmem:s29+$0x30] =	vst v0;
	v0 =	vld [tilespmem:s29+$0x40]  }
0x4b4: {  	v1 =	vld [tilespmem:s9+$0x3240];
	_ =	sdelay $0x4  }
0x4b5: {  	v0 =	vadd.f32 v1, v0;
	_ =	sdelay $0x1  }
0x4b6: {  	[tilespmem:s29+$0x40] =	vst v0;
	v0 =	vld [tilespmem:s29+$0x50]  }
0x4b7: {  	v1 =	vld [tilespmem:s9+$0x3250];
	_ =	sdelay $0x4  }
0x4b8: {  	v0 =	vadd.f32 v1, v0;
	_ =	sdelay $0x1  }
0x4b9: {  	[tilespmem:s29+$0x50] =	vst v0;
	v0 =	vld [tilespmem:s29+$0x60]  }
0x4ba: {  	v1 =	vld [tilespmem:s9+$0x3260];
	_ =	sdelay $0x4  }
0x4bb: {  	v0 =	vadd.f32 v1, v0;
	_ =	sdelay $0x1  }
0x4bc: {  	[tilespmem:s29+$0x60] =	vst v0;
	v0 =	vld [tilespmem:s29+$0x70]  }
0x4bd: {  	v1 =	vld [tilespmem:s9+$0x3270];
	_ =	sdelay $0x4  }
0x4be: {  	v0 =	vadd.f32 v1, v0;
	_ =	sdelay $0x1  }
0x4bf: {  	[tilespmem:s29+$0x70] =	vst v0;
	v0 =	vld [tilespmem:s29+$0x80]  }
0x4c0: {  	v1 =	vld [tilespmem:s9+$0x3200];
	_ =	sdelay $0x4  }
0x4c1: {  	v0 =	vadd.f32 v1, v0;
	_ =	sdelay $0x1  }
0x4c2: {  	[tilespmem:s29+$0x80] =	vst v0;
	v0 =	vld [tilespmem:s29+$0x90]  }
0x4c3: {  	v1 =	vld [tilespmem:s9+$0x3210];
	_ =	sdelay $0x4  }
0x4c4: {  	v0 =	vadd.f32 v1, v0;
	_ =	sdelay $0x1  }
0x4c5: {  	[tilespmem:s29+$0x90] =	vst v0;
	v0 =	vld [tilespmem:s29+$0xA0]  }
0x4c6: {  	v1 =	vld [tilespmem:s9+$0x3220];
	_ =	sdelay $0x4  }
0x4c7: {  	v0 =	vadd.f32 v1, v0;
	_ =	sdelay $0x1  }
0x4c8: {  	[tilespmem:s29+$0xA0] =	vst v0;
	v0 =	vld [tilespmem:s29+$0xB0]  }
0x4c9: {  	v1 =	vld [tilespmem:s9+$0x3230];
	_ =	sdelay $0x4  }
0x4ca: {  	v0 =	vadd.f32 v1, v0;
	_ =	sdelay $0x1  }
0x4cb: {  	[tilespmem:s29+$0xB0] =	vst v0;
	v0 =	vld [tilespmem:s29+$0xC0]  }
0x4cc: {  	v1 =	vld [tilespmem:s9+$0x3240];
	_ =	sdelay $0x4  }
0x4cd: {  	v0 =	vadd.f32 v1, v0;
	_ =	sdelay $0x1  }
0x4ce: {  	[tilespmem:s29+$0xC0] =	vst v0;
	v0 =	vld [tilespmem:s29+$0xD0]  }
0x4cf: {  	v1 =	vld [tilespmem:s9+$0x3250];
	_ =	sdelay $0x4  }
0x4d0: {  	v0 =	vadd.f32 v1, v0;
	_ =	sdelay $0x1  }
0x4d1: {  	[tilespmem:s29+$0xD0] =	vst v0;
	v0 =	vld [tilespmem:s29+$0xE0]  }
0x4d2: {  	v1 =	vld [tilespmem:s9+$0x3260];
	_ =	sdelay $0x4  }
0x4d3: {  	v0 =	vadd.f32 v1, v0;
	_ =	sdelay $0x1  }
0x4d4: {  	[tilespmem:s29+$0xE0] =	vst v0;
	v0 =	vld [tilespmem:s29+$0xF0]  }
0x4d5: {  	v1 =	vld [tilespmem:s9+$0x3270];
	_ =	sdelay $0x4  }
0x4d6: {  	v0 =	vadd.f32 v1, v0;
	_ =	sdelay $0x1  }
0x4d7: {  	[tilespmem:s29+$0xF0] =	vst v0;
	v0 =	vld [tilespmem:s29+$0x100]  }
0x4d8: {  	v1 =	vld [tilespmem:s9+$0x3200];
	_ =	sdelay $0x4  }
0x4d9: {  	v0 =	vadd.f32 v1, v0;
	_ =	sdelay $0x1  }
0x4da: {  	[tilespmem:s29+$0x100] =	vst v0;
	v0 =	vld [tilespmem:s29+$0x110]  }
0x4db: {  	v1 =	vld [tilespmem:s9+$0x3210];
	_ =	sdelay $0x4  }
0x4dc: {  	v0 =	vadd.f32 v1, v0;
	_ =	sdelay $0x1  }
0x4dd: {  	[tilespmem:s29+$0x110] =	vst v0;
	v0 =	vld [tilespmem:s29+$0x120]  }
0x4de: {  	v1 =	vld [tilespmem:s9+$0x3220];
	_ =	sdelay $0x4  }
0x4df: {  	v0 =	vadd.f32 v1, v0;
	_ =	sdelay $0x1  }
0x4e0: {  	[tilespmem:s29+$0x120] =	vst v0;
	v0 =	vld [tilespmem:s29+$0x130]  }
0x4e1: {  	v1 =	vld [tilespmem:s9+$0x3230];
	_ =	sdelay $0x4  }
0x4e2: {  	v0 =	vadd.f32 v1, v0;
	_ =	sdelay $0x1  }
0x4e3: {  	[tilespmem:s29+$0x130] =	vst v0;
	v0 =	vld [tilespmem:s29+$0x140]  }
0x4e4: {  	v1 =	vld [tilespmem:s9+$0x3240];
	_ =	sdelay $0x4  }
0x4e5: {  	v0 =	vadd.f32 v1, v0;
	_ =	sdelay $0x1  }
0x4e6: {  	[tilespmem:s29+$0x140] =	vst v0;
	v0 =	vld [tilespmem:s29+$0x150]  }
0x4e7: {  	v1 =	vld [tilespmem:s9+$0x3250];
	_ =	sdelay $0x4  }
0x4e8: {  	v0 =	vadd.f32 v1, v0;
	_ =	sdelay $0x1  }
0x4e9: {  	[tilespmem:s29+$0x150] =	vst v0;
	v0 =	vld [tilespmem:s29+$0x160]  }
0x4ea: {  	v1 =	vld [tilespmem:s9+$0x3260];
	_ =	sdelay $0x4  }
0x4eb: {  	v0 =	vadd.f32 v1, v0;
	_ =	sdelay $0x1  }
0x4ec: {  	[tilespmem:s29+$0x160] =	vst v0;
	v0 =	vld [tilespmem:s29+$0x170]  }
0x4ed: {  	v1 =	vld [tilespmem:s9+$0x3270];
	_ =	sdelay $0x4  }
0x4ee: {  	v0 =	vadd.f32 v1, v0;
	_ =	sdelay $0x1  }
0x4ef: {  	[tilespmem:s29+$0x170] =	vst v0;
	v0 =	vld [tilespmem:s29+$0x180]  }
0x4f0: {  	v1 =	vld [tilespmem:s9+$0x3200];
	_ =	sdelay $0x4  }
0x4f1: {  	v0 =	vadd.f32 v1, v0;
	_ =	sdelay $0x1  }
0x4f2: {  	[tilespmem:s29+$0x180] =	vst v0;
	v0 =	vld [tilespmem:s29+$0x190]  }
0x4f3: {  	v1 =	vld [tilespmem:s9+$0x3210];
	_ =	sdelay $0x4  }
0x4f4: {  	v0 =	vadd.f32 v1, v0;
	_ =	sdelay $0x1  }
0x4f5: {  	[tilespmem:s29+$0x190] =	vst v0;
	v0 =	vld [tilespmem:s29+$0x1A0]  }
0x4f6: {  	v1 =	vld [tilespmem:s9+$0x3220];
	_ =	sdelay $0x4  }
0x4f7: {  	v0 =	vadd.f32 v1, v0;
	_ =	sdelay $0x1  }
0x4f8: {  	[tilespmem:s29+$0x1A0] =	vst v0;
	v0 =	vld [tilespmem:s29+$0x1B0]  }
0x4f9: {  	v1 =	vld [tilespmem:s9+$0x3230];
	_ =	sdelay $0x4  }
0x4fa: {  	v0 =	vadd.f32 v1, v0;
	_ =	sdelay $0x1  }
0x4fb: {  	[tilespmem:s29+$0x1B0] =	vst v0;
	v0 =	vld [tilespmem:s29+$0x1C0]  }
0x4fc: {  	v1 =	vld [tilespmem:s9+$0x3240];
	_ =	sdelay $0x4  }
0x4fd: {  	v0 =	vadd.f32 v1, v0;
	_ =	sdelay $0x1  }
0x4fe: {  	[tilespmem:s29+$0x1C0] =	vst v0;
	v0 =	vld [tilespmem:s29+$0x1D0]  }
0x4ff: {  	v1 =	vld [tilespmem:s9+$0x3250];
	_ =	sdelay $0x4  }
0x500: {  	v0 =	vadd.f32 v1, v0;
	_ =	sdelay $0x1  }
0x501: {  	[tilespmem:s29+$0x1D0] =	vst v0;
	v0 =	vld [tilespmem:s29+$0x1E0]  }
0x502: {  	v1 =	vld [tilespmem:s9+$0x3260];
	_ =	sdelay $0x4  }
0x503: {  	v0 =	vadd.f32 v1, v0;
	_ =	sdelay $0x1  }
0x504: {  	[tilespmem:s29+$0x1E0] =	vst v0;
	v0 =	vld [tilespmem:s29+$0x1F0]  }
0x505: {  	v1 =	vld [tilespmem:s9+$0x3270];
	_ =	sdelay $0x4  }
0x506: {  	v0 =	vadd.f32 v1, v0;
	_ =	sdelay $0x1  }
0x507: {  	[tilespmem:s29+$0x1F0] =	vst v0;
	v0 =	vld [tilespmem:s29+$0x200]  }
0x508: {  	v1 =	vld [tilespmem:s9+$0x3200];
	_ =	sdelay $0x4  }
0x509: {  	v0 =	vadd.f32 v1, v0;
	_ =	sdelay $0x1  }
0x50a: {  	[tilespmem:s29+$0x200] =	vst v0;
	v0 =	vld [tilespmem:s29+$0x210]  }
0x50b: {  	v1 =	vld [tilespmem:s9+$0x3210];
	_ =	sdelay $0x4  }
0x50c: {  	v0 =	vadd.f32 v1, v0;
	_ =	sdelay $0x1  }
0x50d: {  	[tilespmem:s29+$0x210] =	vst v0;
	v0 =	vld [tilespmem:s29+$0x220]  }
0x50e: {  	v1 =	vld [tilespmem:s9+$0x3220];
	_ =	sdelay $0x4  }
0x50f: {  	v0 =	vadd.f32 v1, v0;
	_ =	sdelay $0x1  }
0x510: {  	[tilespmem:s29+$0x220] =	vst v0;
	v0 =	vld [tilespmem:s29+$0x230]  }
0x511: {  	v1 =	vld [tilespmem:s9+$0x3230];
	_ =	sdelay $0x4  }
0x512: {  	v0 =	vadd.f32 v1, v0;
	_ =	sdelay $0x1  }
0x513: {  	[tilespmem:s29+$0x230] =	vst v0;
	v0 =	vld [tilespmem:s29+$0x240]  }
0x514: {  	v1 =	vld [tilespmem:s9+$0x3240];
	_ =	sdelay $0x4  }
0x515: {  	v0 =	vadd.f32 v1, v0;
	_ =	sdelay $0x1  }
0x516: {  	[tilespmem:s29+$0x240] =	vst v0;
	v0 =	vld [tilespmem:s29+$0x250]  }
0x517: {  	v1 =	vld [tilespmem:s9+$0x3250];
	_ =	sdelay $0x4  }
0x518: {  	v0 =	vadd.f32 v1, v0;
	_ =	sdelay $0x1  }
0x519: {  	[tilespmem:s29+$0x250] =	vst v0;
	v0 =	vld [tilespmem:s29+$0x260]  }
0x51a: {  	v1 =	vld [tilespmem:s9+$0x3260];
	_ =	sdelay $0x4  }
.Ltmp7:
0x51b: {  	v0 =	vadd.f32 v1, v0;
	(pc) =	sbr.rel @p0 .LBB2_7-.Ltmp7, $4  }
0x51c: {  	_ = 	snop  }
0x51d: {  	[tilespmem:s29+$0x260] =	vst v0;
	v0 =	vld [tilespmem:s29+$0x270]  }
0x51e: {  	v1 =	vld [tilespmem:s9+$0x3270]  }
0x51f: {  	s9 =	sadd.s32 s7, s26;
	s7 =	sadd.s32 $0x1, s7  }
0x520: {  	p0 =	sgt.s32 s9, $0xFFFFFF9C  }
0x521: {  	s9 =	simm.s32 @!p0 $0xFFFFFF9C  }
0x522: {  	p0 =	slt.s32 s9, $0x63  }
0x523: {  	s9 =	simm.s32 @!p0 $0x63;
	v0 =	vadd.f32 v1, v0  }
0x524: {  	s7 =	sadd.s32 $0x500, s29;
	s9 =	sshll.u32 s9, $0x9  }
0x525: {  	v25 =	vld [tilespmem:s7+$0xFFFFFD80];
	s9 =	sshra.s32 s9, $0x2;
	[tilespmem:s4+$0x270] =	vst v0  }
0x526: {  	v0 =	vld [tilespmem:s9+$0x3200];
	_ =	sdelay $0x4  }
0x527: {  	v0 =	vadd.f32 v0, v25;
	_ =	sdelay $0x1  }
0x528: {  	v26 =	vld [tilespmem:s7+$0xFFFFFD90];
	[tilespmem:s7+$0xFFFFFD80] =	vst v0  }
0x529: {  	v27 =	vld [tilespmem:s9+$0x3210];
	_ =	sdelay $0x4  }
0x52a: {  	v0 =	vadd.f32 v27, v26;
	_ =	sdelay $0x1  }
0x52b: {  	v28 =	vld [tilespmem:s7+$0xFFFFFDA0];
	[tilespmem:s7+$0xFFFFFD90] =	vst v0  }
0x52c: {  	v29 =	vld [tilespmem:s9+$0x3220];
	_ =	sdelay $0x4  }
0x52d: {  	v0 =	vadd.f32 v29, v28;
	_ =	sdelay $0x1  }
0x52e: {  	v30 =	vld [tilespmem:s7+$0xFFFFFDB0];
	[tilespmem:s7+$0xFFFFFDA0] =	vst v0  }
0x52f: {  	v31 =	vld [tilespmem:s9+$0x3230];
	_ =	sdelay $0x4  }
0x530: {  	v0 =	vadd.f32 v31, v30;
	_ =	sdelay $0x1  }
0x531: {  	v32 =	vld [tilespmem:s7+$0xFFFFFDC0];
	[tilespmem:s7+$0xFFFFFDB0] =	vst v0  }
0x532: {  	v33 =	vld [tilespmem:s9+$0x3240];
	_ =	sdelay $0x4  }
0x533: {  	v0 =	vadd.f32 v33, v32;
	_ =	sdelay $0x1  }
0x534: {  	v34 =	vld [tilespmem:s7+$0xFFFFFDD0];
	[tilespmem:s7+$0xFFFFFDC0] =	vst v0  }
0x535: {  	v35 =	vld [tilespmem:s9+$0x3250];
	_ =	sdelay $0x4  }
0x536: {  	v0 =	vadd.f32 v35, v34;
	_ =	sdelay $0x1  }
0x537: {  	v36 =	vld [tilespmem:s7+$0xFFFFFDE0];
	[tilespmem:s7+$0xFFFFFDD0] =	vst v0  }
0x538: {  	v37 =	vld [tilespmem:s9+$0x3260];
	_ =	sdelay $0x4  }
0x539: {  	v0 =	vadd.f32 v37, v36;
	_ =	sdelay $0x1  }
0x53a: {  	v38 =	vld [tilespmem:s7+$0xFFFFFDF0];
	[tilespmem:s7+$0xFFFFFDE0] =	vst v0  }
0x53b: {  	v39 =	vld [tilespmem:s9+$0x3270];
	_ =	sdelay $0x4  }
0x53c: {  	v0 =	vadd.f32 v39, v38;
	_ =	sdelay $0x1  }
0x53d: {  	v40 =	vld [tilespmem:s7+$0xFFFFFE00];
	[tilespmem:s7+$0xFFFFFDF0] =	vst v0  }
0x53e: {  	v41 =	vld [tilespmem:s9+$0x3200];
	_ =	sdelay $0x4  }
0x53f: {  	v0 =	vadd.f32 v41, v40;
	_ =	sdelay $0x1  }
0x540: {  	v42 =	vld [tilespmem:s7+$0xFFFFFE10];
	[tilespmem:s7+$0xFFFFFE00] =	vst v0  }
0x541: {  	v43 =	vld [tilespmem:s9+$0x3210];
	_ =	sdelay $0x4  }
0x542: {  	v0 =	vadd.f32 v43, v42;
	_ =	sdelay $0x1  }
0x543: {  	v44 =	vld [tilespmem:s7+$0xFFFFFE20];
	[tilespmem:s7+$0xFFFFFE10] =	vst v0  }
0x544: {  	v45 =	vld [tilespmem:s9+$0x3220];
	_ =	sdelay $0x4  }
0x545: {  	v0 =	vadd.f32 v45, v44;
	_ =	sdelay $0x1  }
0x546: {  	v46 =	vld [tilespmem:s7+$0xFFFFFE30];
	[tilespmem:s7+$0xFFFFFE20] =	vst v0  }
0x547: {  	v47 =	vld [tilespmem:s9+$0x3230];
	_ =	sdelay $0x4  }
0x548: {  	v0 =	vadd.f32 v47, v46;
	_ =	sdelay $0x1  }
0x549: {  	v48 =	vld [tilespmem:s7+$0xFFFFFE40];
	[tilespmem:s7+$0xFFFFFE30] =	vst v0  }
0x54a: {  	v49 =	vld [tilespmem:s9+$0x3240];
	_ =	sdelay $0x4  }
0x54b: {  	v0 =	vadd.f32 v49, v48;
	_ =	sdelay $0x1  }
0x54c: {  	v50 =	vld [tilespmem:s7+$0xFFFFFE50];
	[tilespmem:s7+$0xFFFFFE40] =	vst v0  }
0x54d: {  	v51 =	vld [tilespmem:s9+$0x3250];
	_ =	sdelay $0x4  }
0x54e: {  	v0 =	vadd.f32 v51, v50;
	_ =	sdelay $0x1  }
0x54f: {  	v52 =	vld [tilespmem:s7+$0xFFFFFE60];
	[tilespmem:s7+$0xFFFFFE50] =	vst v0  }
0x550: {  	v53 =	vld [tilespmem:s9+$0x3260];
	_ =	sdelay $0x4  }
0x551: {  	v0 =	vadd.f32 v53, v52;
	_ =	sdelay $0x1  }
0x552: {  	v54 =	vld [tilespmem:s7+$0xFFFFFE70];
	[tilespmem:s7+$0xFFFFFE60] =	vst v0  }
0x553: {  	v55 =	vld [tilespmem:s9+$0x3270];
	_ =	sdelay $0x4  }
0x554: {  	v0 =	vadd.f32 v55, v54;
	_ =	sdelay $0x1  }
0x555: {  	v56 =	vld [tilespmem:s7+$0xFFFFFE80];
	[tilespmem:s7+$0xFFFFFE70] =	vst v0  }
0x556: {  	v57 =	vld [tilespmem:s9+$0x3200];
	_ =	sdelay $0x4  }
0x557: {  	v0 =	vadd.f32 v57, v56;
	_ =	sdelay $0x1  }
0x558: {  	v58 =	vld [tilespmem:s7+$0xFFFFFE90];
	[tilespmem:s7+$0xFFFFFE80] =	vst v0  }
0x559: {  	v59 =	vld [tilespmem:s9+$0x3210];
	_ =	sdelay $0x4  }
0x55a: {  	v0 =	vadd.f32 v59, v58;
	_ =	sdelay $0x1  }
0x55b: {  	v60 =	vld [tilespmem:s7+$0xFFFFFEA0];
	[tilespmem:s7+$0xFFFFFE90] =	vst v0  }
0x55c: {  	v61 =	vld [tilespmem:s9+$0x3220];
	_ =	sdelay $0x4  }
0x55d: {  	v0 =	vadd.f32 v61, v60;
	_ =	sdelay $0x1  }
0x55e: {  	v62 =	vld [tilespmem:s7+$0xFFFFFEB0];
	[tilespmem:s7+$0xFFFFFEA0] =	vst v0  }
0x55f: {  	v63 =	vld [tilespmem:s9+$0x3230];
	_ =	sdelay $0x4  }
0x560: {  	v0 =	vadd.f32 v63, v62;
	_ =	sdelay $0x1  }
0x561: {  	v4 =	vld [tilespmem:s7+$0xFFFFFEC0];
	[tilespmem:s7+$0xFFFFFEB0] =	vst v0  }
0x562: {  	v5 =	vld [tilespmem:s9+$0x3240];
	_ =	sdelay $0x4  }
0x563: {  	v0 =	vadd.f32 v5, v4;
	_ =	sdelay $0x1  }
0x564: {  	v6 =	vld [tilespmem:s7+$0xFFFFFED0];
	[tilespmem:s7+$0xFFFFFEC0] =	vst v0  }
0x565: {  	v7 =	vld [tilespmem:s9+$0x3250];
	_ =	sdelay $0x4  }
0x566: {  	v0 =	vadd.f32 v7, v6;
	_ =	sdelay $0x1  }
0x567: {  	v8 =	vld [tilespmem:s7+$0xFFFFFEE0];
	[tilespmem:s7+$0xFFFFFED0] =	vst v0  }
0x568: {  	v9 =	vld [tilespmem:s9+$0x3260];
	_ =	sdelay $0x4  }
0x569: {  	v0 =	vadd.f32 v9, v8;
	_ =	sdelay $0x1  }
0x56a: {  	v10 =	vld [tilespmem:s7+$0xFFFFFEF0];
	[tilespmem:s7+$0xFFFFFEE0] =	vst v0  }
0x56b: {  	v11 =	vld [tilespmem:s9+$0x3270];
	_ =	sdelay $0x4  }
0x56c: {  	v0 =	vadd.f32 v11, v10;
	_ =	sdelay $0x1  }
0x56d: {  	v12 =	vld [tilespmem:s7+$0xFFFFFF00];
	[tilespmem:s7+$0xFFFFFEF0] =	vst v0  }
0x56e: {  	v13 =	vld [tilespmem:s9+$0x3200];
	_ =	sdelay $0x4  }
0x56f: {  	v0 =	vadd.f32 v13, v12;
	_ =	sdelay $0x1  }
0x570: {  	v14 =	vld [tilespmem:s7+$0xFFFFFF10];
	[tilespmem:s7+$0xFFFFFF00] =	vst v0  }
0x571: {  	v15 =	vld [tilespmem:s9+$0x3210];
	_ =	sdelay $0x4  }
0x572: {  	v0 =	vadd.f32 v15, v14;
	_ =	sdelay $0x1  }
0x573: {  	v16 =	vld [tilespmem:s7+$0xFFFFFF20];
	[tilespmem:s7+$0xFFFFFF10] =	vst v0  }
0x574: {  	v17 =	vld [tilespmem:s9+$0x3220];
	_ =	sdelay $0x4  }
0x575: {  	v0 =	vadd.f32 v17, v16;
	_ =	sdelay $0x1  }
0x576: {  	v18 =	vld [tilespmem:s7+$0xFFFFFF30];
	[tilespmem:s7+$0xFFFFFF20] =	vst v0  }
0x577: {  	v19 =	vld [tilespmem:s9+$0x3230];
	_ =	sdelay $0x4  }
0x578: {  	v0 =	vadd.f32 v19, v18;
	_ =	sdelay $0x1  }
0x579: {  	v20 =	vld [tilespmem:s7+$0xFFFFFF40];
	[tilespmem:s7+$0xFFFFFF30] =	vst v0  }
0x57a: {  	v21 =	vld [tilespmem:s9+$0x3240];
	_ =	sdelay $0x4  }
0x57b: {  	v0 =	vadd.f32 v21, v20;
	_ =	sdelay $0x1  }
0x57c: {  	v22 =	vld [tilespmem:s7+$0xFFFFFF50];
	[tilespmem:s7+$0xFFFFFF40] =	vst v0  }
0x57d: {  	v23 =	vld [tilespmem:s9+$0x3250];
	_ =	sdelay $0x4  }
0x57e: {  	v0 =	vadd.f32 v23, v22;
	_ =	sdelay $0x1  }
0x57f: {  	v24 =	vld [tilespmem:s7+$0xFFFFFF60];
	[tilespmem:s7+$0xFFFFFF50] =	vst v0  }
0x580: {  	v25 =	vld [tilespmem:s9+$0x3260];
	_ =	sdelay $0x4  }
0x581: {  	v0 =	vadd.f32 v25, v24;
	_ =	sdelay $0x1  }
0x582: {  	v26 =	vld [tilespmem:s7+$0xFFFFFF70];
	[tilespmem:s7+$0xFFFFFF60] =	vst v0  }
0x583: {  	v27 =	vld [tilespmem:s9+$0x3270];
	_ =	sdelay $0x4  }
0x584: {  	v0 =	vadd.f32 v27, v26;
	_ =	sdelay $0x1  }
0x585: {  	v28 =	vld [tilespmem:s7+$0xFFFFFF80];
	[tilespmem:s7+$0xFFFFFF70] =	vst v0  }
0x586: {  	v29 =	vld [tilespmem:s9+$0x3200];
	_ =	sdelay $0x4  }
0x587: {  	v0 =	vadd.f32 v29, v28;
	_ =	sdelay $0x1  }
0x588: {  	v30 =	vld [tilespmem:s7+$0xFFFFFF90];
	[tilespmem:s7+$0xFFFFFF80] =	vst v0  }
0x589: {  	v31 =	vld [tilespmem:s9+$0x3210];
	_ =	sdelay $0x4  }
0x58a: {  	v0 =	vadd.f32 v31, v30;
	_ =	sdelay $0x1  }
0x58b: {  	v32 =	vld [tilespmem:s7+$0xFFFFFFA0];
	[tilespmem:s7+$0xFFFFFF90] =	vst v0  }
0x58c: {  	v33 =	vld [tilespmem:s9+$0x3220];
	_ =	sdelay $0x4  }
0x58d: {  	v0 =	vadd.f32 v33, v32;
	_ =	sdelay $0x1  }
0x58e: {  	v34 =	vld [tilespmem:s7+$0xFFFFFFB0];
	[tilespmem:s7+$0xFFFFFFA0] =	vst v0  }
0x58f: {  	v35 =	vld [tilespmem:s9+$0x3230];
	_ =	sdelay $0x4  }
0x590: {  	v0 =	vadd.f32 v35, v34;
	_ =	sdelay $0x1  }
0x591: {  	v36 =	vld [tilespmem:s7+$0xFFFFFFC0];
	[tilespmem:s7+$0xFFFFFFB0] =	vst v0  }
0x592: {  	v37 =	vld [tilespmem:s9+$0x3240];
	_ =	sdelay $0x4  }
0x593: {  	v0 =	vadd.f32 v37, v36;
	_ =	sdelay $0x1  }
0x594: {  	v38 =	vld [tilespmem:s7+$0xFFFFFFD0];
	[tilespmem:s7+$0xFFFFFFC0] =	vst v0  }
0x595: {  	v39 =	vld [tilespmem:s9+$0x3250];
	_ =	sdelay $0x4  }
0x596: {  	v0 =	vadd.f32 v39, v38;
	_ =	sdelay $0x1  }
0x597: {  	v40 =	vld [tilespmem:s7+$0xFFFFFFE0];
	[tilespmem:s7+$0xFFFFFFD0] =	vst v0  }
0x598: {  	v41 =	vld [tilespmem:s9+$0x3260];
	_ =	sdelay $0x4  }
0x599: {  	v0 =	vadd.f32 v41, v40;
	_ =	sdelay $0x1  }
0x59a: {  	v42 =	vld [tilespmem:s7+$0xFFFFFFF0];
	[tilespmem:s7+$0xFFFFFFE0] =	vst v0  }
0x59b: {  	v43 =	vld [tilespmem:s9+$0x3270];
	_ =	sdelay $0x4  }
0x59c: {  	v0 =	vadd.f32 v43, v42;
	_ =	sdelay $0x1  }
0x59d: {  	v44 =	vld [tilespmem:s7+$0x0];
	[tilespmem:s7+$0xFFFFFFF0] =	vst v0  }
0x59e: {  	v45 =	vld [tilespmem:s9+$0x3200];
	_ =	sdelay $0x4  }
0x59f: {  	v0 =	vadd.f32 v45, v44;
	_ =	sdelay $0x1  }
0x5a0: {  	v46 =	vld [tilespmem:s7+$0x10];
	[tilespmem:s7+$0x0] =	vst v0  }
0x5a1: {  	v47 =	vld [tilespmem:s9+$0x3210];
	_ =	sdelay $0x4  }
0x5a2: {  	v0 =	vadd.f32 v47, v46;
	_ =	sdelay $0x1  }
0x5a3: {  	v48 =	vld [tilespmem:s7+$0x20];
	[tilespmem:s7+$0x10] =	vst v0  }
0x5a4: {  	v49 =	vld [tilespmem:s9+$0x3220];
	_ =	sdelay $0x4  }
0x5a5: {  	v0 =	vadd.f32 v49, v48;
	_ =	sdelay $0x1  }
0x5a6: {  	v50 =	vld [tilespmem:s7+$0x30];
	[tilespmem:s7+$0x20] =	vst v0  }
0x5a7: {  	v51 =	vld [tilespmem:s9+$0x3230];
	_ =	sdelay $0x4  }
0x5a8: {  	v0 =	vadd.f32 v51, v50;
	_ =	sdelay $0x1  }
0x5a9: {  	v52 =	vld [tilespmem:s7+$0x40];
	[tilespmem:s7+$0x30] =	vst v0  }
0x5aa: {  	v53 =	vld [tilespmem:s9+$0x3240];
	_ =	sdelay $0x4  }
0x5ab: {  	v0 =	vadd.f32 v53, v52;
	_ =	sdelay $0x1  }
0x5ac: {  	v54 =	vld [tilespmem:s7+$0x50];
	[tilespmem:s7+$0x40] =	vst v0  }
0x5ad: {  	v55 =	vld [tilespmem:s9+$0x3250];
	_ =	sdelay $0x4  }
0x5ae: {  	v0 =	vadd.f32 v55, v54;
	_ =	sdelay $0x1  }
0x5af: {  	v56 =	vld [tilespmem:s7+$0x60];
	[tilespmem:s7+$0x50] =	vst v0  }
0x5b0: {  	v57 =	vld [tilespmem:s9+$0x3260];
	_ =	sdelay $0x4  }
0x5b1: {  	v0 =	vadd.f32 v57, v56;
	_ =	sdelay $0x1  }
0x5b2: {  	v58 =	vld [tilespmem:s7+$0x70];
	[tilespmem:s7+$0x60] =	vst v0  }
0x5b3: {  	v59 =	vld [tilespmem:s9+$0x3270];
	_ =	sdelay $0x4  }
0x5b4: {  	v0 =	vadd.f32 v59, v58;
	_ =	sdelay $0x1  }
0x5b5: {  	v60 =	vld [tilespmem:s7+$0x80];
	[tilespmem:s7+$0x70] =	vst v0  }
0x5b6: {  	v61 =	vld [tilespmem:s9+$0x3200];
	_ =	sdelay $0x4  }
0x5b7: {  	v0 =	vadd.f32 v61, v60;
	_ =	sdelay $0x1  }
0x5b8: {  	v62 =	vld [tilespmem:s7+$0x90];
	[tilespmem:s7+$0x80] =	vst v0  }
0x5b9: {  	v63 =	vld [tilespmem:s9+$0x3210];
	_ =	sdelay $0x4  }
0x5ba: {  	v0 =	vadd.f32 v63, v62;
	_ =	sdelay $0x1  }
0x5bb: {  	v4 =	vld [tilespmem:s7+$0xA0];
	[tilespmem:s7+$0x90] =	vst v0  }
0x5bc: {  	v5 =	vld [tilespmem:s9+$0x3220];
	_ =	sdelay $0x4  }
0x5bd: {  	v0 =	vadd.f32 v5, v4;
	_ =	sdelay $0x1  }
0x5be: {  	v6 =	vld [tilespmem:s7+$0xB0];
	[tilespmem:s7+$0xA0] =	vst v0  }
0x5bf: {  	v7 =	vld [tilespmem:s9+$0x3230];
	_ =	sdelay $0x4  }
0x5c0: {  	v0 =	vadd.f32 v7, v6;
	_ =	sdelay $0x1  }
0x5c1: {  	v8 =	vld [tilespmem:s7+$0xC0];
	[tilespmem:s7+$0xB0] =	vst v0  }
0x5c2: {  	v9 =	vld [tilespmem:s9+$0x3240];
	_ =	sdelay $0x4  }
0x5c3: {  	v0 =	vadd.f32 v9, v8;
	_ =	sdelay $0x1  }
0x5c4: {  	v10 =	vld [tilespmem:s7+$0xD0];
	[tilespmem:s7+$0xC0] =	vst v0  }
0x5c5: {  	v11 =	vld [tilespmem:s9+$0x3250];
	_ =	sdelay $0x4  }
0x5c6: {  	v0 =	vadd.f32 v11, v10;
	_ =	sdelay $0x1  }
0x5c7: {  	v12 =	vld [tilespmem:s7+$0xE0];
	[tilespmem:s7+$0xD0] =	vst v0  }
0x5c8: {  	v13 =	vld [tilespmem:s9+$0x3260];
	_ =	sdelay $0x4  }
0x5c9: {  	v0 =	vadd.f32 v13, v12;
	_ =	sdelay $0x1  }
0x5ca: {  	v14 =	vld [tilespmem:s7+$0xF0];
	[tilespmem:s7+$0xE0] =	vst v0  }
0x5cb: {  	v15 =	vld [tilespmem:s9+$0x3270];
	_ =	sdelay $0x4  }
0x5cc: {  	v0 =	vadd.f32 v15, v14;
	_ =	sdelay $0x1  }
0x5cd: {  	v16 =	vld [tilespmem:s7+$0x100];
	[tilespmem:s7+$0xF0] =	vst v0  }
0x5ce: {  	v17 =	vld [tilespmem:s9+$0x3200];
	_ =	sdelay $0x4  }
0x5cf: {  	v0 =	vadd.f32 v17, v16;
	_ =	sdelay $0x1  }
0x5d0: {  	v18 =	vld [tilespmem:s7+$0x110];
	[tilespmem:s7+$0x100] =	vst v0  }
0x5d1: {  	v19 =	vld [tilespmem:s9+$0x3210];
	_ =	sdelay $0x4  }
0x5d2: {  	v0 =	vadd.f32 v19, v18;
	_ =	sdelay $0x1  }
0x5d3: {  	v20 =	vld [tilespmem:s7+$0x120];
	[tilespmem:s7+$0x110] =	vst v0  }
0x5d4: {  	v21 =	vld [tilespmem:s9+$0x3220];
	_ =	sdelay $0x4  }
0x5d5: {  	v0 =	vadd.f32 v21, v20;
	_ =	sdelay $0x1  }
0x5d6: {  	v22 =	vld [tilespmem:s7+$0x130];
	[tilespmem:s7+$0x120] =	vst v0  }
0x5d7: {  	v23 =	vld [tilespmem:s9+$0x3230];
	_ =	sdelay $0x4  }
0x5d8: {  	v0 =	vadd.f32 v23, v22;
	_ =	sdelay $0x1  }
0x5d9: {  	v24 =	vld [tilespmem:s7+$0x140];
	[tilespmem:s7+$0x130] =	vst v0  }
0x5da: {  	v25 =	vld [tilespmem:s9+$0x3240];
	_ =	sdelay $0x4  }
0x5db: {  	v0 =	vadd.f32 v25, v24;
	_ =	sdelay $0x1  }
0x5dc: {  	v26 =	vld [tilespmem:s7+$0x150];
	[tilespmem:s7+$0x140] =	vst v0  }
0x5dd: {  	v27 =	vld [tilespmem:s9+$0x3250];
	_ =	sdelay $0x4  }
0x5de: {  	v0 =	vadd.f32 v27, v26;
	_ =	sdelay $0x1  }
0x5df: {  	v28 =	vld [tilespmem:s7+$0x160];
	[tilespmem:s7+$0x150] =	vst v0  }
0x5e0: {  	v29 =	vld [tilespmem:s9+$0x3260];
	_ =	sdelay $0x4  }
0x5e1: {  	v0 =	vadd.f32 v29, v28;
	_ =	sdelay $0x1  }
0x5e2: {  	v30 =	vld [tilespmem:s7+$0x170];
	[tilespmem:s7+$0x160] =	vst v0  }
0x5e3: {  	v31 =	vld [tilespmem:s9+$0x3270];
	_ =	sdelay $0x4  }
0x5e4: {  	v0 =	vadd.f32 v31, v30;
	_ =	sdelay $0x1  }
0x5e5: {  	v32 =	vld [tilespmem:s7+$0x180];
	[tilespmem:s7+$0x170] =	vst v0  }
0x5e6: {  	v33 =	vld [tilespmem:s9+$0x3200];
	_ =	sdelay $0x4  }
0x5e7: {  	v0 =	vadd.f32 v33, v32;
	_ =	sdelay $0x1  }
0x5e8: {  	v34 =	vld [tilespmem:s7+$0x190];
	[tilespmem:s7+$0x180] =	vst v0  }
0x5e9: {  	v35 =	vld [tilespmem:s9+$0x3210];
	_ =	sdelay $0x4  }
0x5ea: {  	v0 =	vadd.f32 v35, v34;
	_ =	sdelay $0x1  }
0x5eb: {  	v36 =	vld [tilespmem:s7+$0x1A0];
	[tilespmem:s7+$0x190] =	vst v0  }
0x5ec: {  	v37 =	vld [tilespmem:s9+$0x3220];
	_ =	sdelay $0x4  }
0x5ed: {  	v0 =	vadd.f32 v37, v36;
	_ =	sdelay $0x1  }
0x5ee: {  	v38 =	vld [tilespmem:s7+$0x1B0];
	[tilespmem:s7+$0x1A0] =	vst v0  }
0x5ef: {  	v39 =	vld [tilespmem:s9+$0x3230];
	_ =	sdelay $0x4  }
0x5f0: {  	v0 =	vadd.f32 v39, v38;
	_ =	sdelay $0x1  }
0x5f1: {  	v40 =	vld [tilespmem:s7+$0x1C0];
	[tilespmem:s7+$0x1B0] =	vst v0  }
0x5f2: {  	v41 =	vld [tilespmem:s9+$0x3240];
	_ =	sdelay $0x4  }
0x5f3: {  	v0 =	vadd.f32 v41, v40;
	_ =	sdelay $0x1  }
0x5f4: {  	v42 =	vld [tilespmem:s7+$0x1D0];
	[tilespmem:s7+$0x1C0] =	vst v0  }
0x5f5: {  	v43 =	vld [tilespmem:s9+$0x3250];
	_ =	sdelay $0x4  }
0x5f6: {  	v0 =	vadd.f32 v43, v42;
	_ =	sdelay $0x1  }
0x5f7: {  	v44 =	vld [tilespmem:s7+$0x1E0];
	[tilespmem:s7+$0x1D0] =	vst v0  }
0x5f8: {  	v45 =	vld [tilespmem:s9+$0x3260];
	_ =	sdelay $0x4  }
0x5f9: {  	v0 =	vadd.f32 v45, v44;
	_ =	sdelay $0x1  }
0x5fa: {  	v46 =	vld [tilespmem:s7+$0x1F0];
	[tilespmem:s7+$0x1E0] =	vst v0  }
0x5fb: {  	v47 =	vld [tilespmem:s9+$0x3270];
	_ =	sdelay $0x4  }
0x5fc: {  	v0 =	vadd.f32 v47, v46;
	_ =	sdelay $0x1  }
0x5fd: {  	v48 =	vld [tilespmem:s7+$0x200];
	[tilespmem:s7+$0x1F0] =	vst v0  }
0x5fe: {  	v49 =	vld [tilespmem:s9+$0x3200];
	_ =	sdelay $0x4  }
0x5ff: {  	v0 =	vadd.f32 v49, v48;
	_ =	sdelay $0x1  }
0x600: {  	v50 =	vld [tilespmem:s7+$0x210];
	[tilespmem:s7+$0x200] =	vst v0  }
0x601: {  	v51 =	vld [tilespmem:s9+$0x3210];
	_ =	sdelay $0x4  }
0x602: {  	v0 =	vadd.f32 v51, v50;
	_ =	sdelay $0x1  }
0x603: {  	v52 =	vld [tilespmem:s7+$0x220];
	[tilespmem:s7+$0x210] =	vst v0  }
0x604: {  	v53 =	vld [tilespmem:s9+$0x3220];
	_ =	sdelay $0x4  }
0x605: {  	v0 =	vadd.f32 v53, v52;
	_ =	sdelay $0x1  }
0x606: {  	v54 =	vld [tilespmem:s7+$0x230];
	[tilespmem:s7+$0x220] =	vst v0  }
0x607: {  	v55 =	vld [tilespmem:s9+$0x3230];
	_ =	sdelay $0x4  }
0x608: {  	v0 =	vadd.f32 v55, v54;
	_ =	sdelay $0x1  }
0x609: {  	v56 =	vld [tilespmem:s7+$0x240];
	[tilespmem:s7+$0x230] =	vst v0  }
0x60a: {  	v57 =	vld [tilespmem:s9+$0x3240];
	_ =	sdelay $0x4  }
0x60b: {  	v0 =	vadd.f32 v57, v56;
	_ =	sdelay $0x1  }
0x60c: {  	v58 =	vld [tilespmem:s7+$0x250];
	[tilespmem:s7+$0x240] =	vst v0  }
0x60d: {  	v59 =	vld [tilespmem:s9+$0x3250];
	_ =	sdelay $0x4  }
0x60e: {  	v0 =	vadd.f32 v59, v58;
	_ =	sdelay $0x1  }
0x60f: {  	v60 =	vld [tilespmem:s7+$0x260];
	[tilespmem:s7+$0x250] =	vst v0  }
0x610: {  	v61 =	vld [tilespmem:s9+$0x3260];
	_ =	sdelay $0x4  }
0x611: {  	v0 =	vadd.f32 v61, v60;
	_ =	sdelay $0x1  }
0x612: {  	v62 =	vld [tilespmem:s7+$0x270];
	[tilespmem:s7+$0x260] =	vst v0  }
0x613: {  	v63 =	vld [tilespmem:s9+$0x3270];
	_ =	sdelay $0x1  }
0x614: {  	s3 =	smul.u32 $0x3E800, s3  }
0x615: {  	s0 =	smul.u32 $0x6400, s0  }
.Ltmp8:
0x616: {  	_ = 	snop;
	(pc) =	sbr.rel .LBB2_9-.Ltmp8, $4  }
0x617: {  	s0 =	sadd.s32 s0, s3;
	v0 =	vadd.f32 v63, v62  }
0x618: {  	s0 =	sshrl.u32 s0, $0x3  }
0x619: {  	s0 =	sadd.s32 s5, s0;
	[tilespmem:s7+$0x270] =	vst v0  }
0x61a: {  	[hbm4b:s0+s6] =	stream.linear.scatter [tilespmem:s17], [sflag:$0x4], $0x6400, $0x38;
	[tilespmem:$0x12C00] =	vst v63  }
.LBB2_11:
0x61b: {  	_ =	sfence.sel $0x180000  }
0x61c: {  	[bflag:$0x0] =	sbarrier.arrive $0xFFFF  }
0x61d: {  	_ =	strace $0x90000047  }
0x61e: {  	s0 =	stileid.u32;
	[bflag:$0x2] =	sbarrier.arrive $0xFFFF  }
0x61f: {  	p0 =	sne.s32 s0, $0x0;
	s0 =	rddreg [dreg:$0x3]  }
0x620: {  	s0 =	sadd.s32 @!p0 $0x100000, s0  }
0x621: {  	[sflag:s0] =	ssyncadd.tile.s32 @!p0 $0x1;
	_ =	shalt  }
.Lfunc_end2:
_tile_overlayer_lowered:
.L_overlay_start_2:
0x622: {  	(tag) =	ssettag $0x2  }
0x623: {  	s0 =	rddreg [dreg:$0x0];
	s2 =	stileid.u32  }
0x624: {  	s1 =	rddreg [dreg:$0x1];
	p0 =	sne.s32 s2, $0x0  }
0x625: {  	s3 =	rddreg [dreg:$0x2];
	[bflag:$0x3] =	sbarrier.arrive $0xFFFF;
	s2 =	simm.s32 @!p0 $0x1C05  }
0x626: {  	[timem:s3], [sflag:s2] =	dma.local @!p0 [hbm:s0], s1  }
0x627: {  	s0 =	simm.s32 @!p0 $0x5  }
0x628: {  	_ =	swait.ge @!p0 [sflag:s0], s1  }
0x629: {  	s1 =	ssub.s32 @!p0 $0x0, s1;
	[sflag:s0] =	ssyncset.done @!p0 $0x0  }
0x62a: {  	[sflag:s0] =	ssyncadd.s32 @!p0 s1  }
0x62b: {  	[bflag:$0x3] =	sbarrier.arrive $0xFFFF  }
0x62c: {  	_ =	shalt  }

</sc_bundles>
